<compile_context>
chip_gen: v7x
topology: tpu7x:2x2x1
jax: 0.10.2.dev20260603
libtpu: 0.0.44.dev20260713+nightly
codegen_flags: <defaults>
</compile_context>

<pallas_src>
import dataclasses

import jax
import jax.numpy as jnp
from jax import lax
from jax.experimental import pallas as pl
from jax.experimental.pallas import tpu as pltpu
from jax.experimental.pallas import tpu_sc as plsc

_NC, _NS = 2, 16
_NW = _NC * _NS


def kernel(indices, embed_table):
    batch, seq = indices.shape
    vocab, embed_dim = embed_table.shape
    pack = 128 // embed_dim
    table128 = embed_table.reshape(vocab // pack, 128)
    idx = indices.reshape(batch * seq).astype(jnp.int32)

    bpw = batch // _NW
    nst = bpw
    nch = -(-seq // 16)
    spad = nch * 16
    splits = [(o, min(128, seq - o)) for o in range(0, seq, 128)]

    mesh = plsc.VectorSubcoreMesh(core_axis_name="c", subcore_axis_name="s")
    cp = pltpu.CompilerParams()
    if "needs_layout_passes" in pltpu.CompilerParams.__dataclass_fields__:
        cp = dataclasses.replace(cp, needs_layout_passes=False)

    @pl.kernel(
        out_type=jax.ShapeDtypeStruct((batch, seq, embed_dim),
                                      embed_table.dtype),
        mesh=mesh,
        compiler_params=cp,
        scratch_types=(
            [pltpu.VMEM((spad,), jnp.int32)] * 2
            + [pltpu.VMEM((spad,), jnp.int32)] * 2
            + [pltpu.VMEM((spad,), jnp.int32)] * 2
            + [pltpu.VMEM((spad, 128), jnp.float32)] * 2
            + [pltpu.VMEM((spad, embed_dim), jnp.float32)] * 2
            + [pltpu.SemaphoreType.DMA] * 6
        ),
    )
    def gather_kernel(table_hbm, idx_hbm, out_hbm,
                      idx_v0, idx_v1, hi_v0, hi_v1, off_v0, off_v1,
                      rows_v0, rows_v1, out_v0, out_v1,
                      isem0, isem1, gsem0, gsem1, wsem0, wsem1):
        idx_v = (idx_v0, idx_v1)
        hi_v = (hi_v0, hi_v1)
        off_v = (off_v0, off_v1)
        rows_v = (rows_v0, rows_v1)
        out_v = (out_v0, out_v1)
        isem = (isem0, isem1)
        gsem = (gsem0, gsem1)
        wsem = (wsem0, wsem1)
        wid = lax.axis_index("s") * _NC + lax.axis_index("c")
        b0 = wid * bpw
        iota16 = lax.iota(jnp.int32, 16)

        def fire_idx(s, j):
            pltpu.async_copy(idx_hbm.at[pl.ds((b0 + s) * seq, seq)],
                             idx_v[j].at[pl.ds(0, seq)], isem[j])

        def wait_idx(j):
            pltpu.make_async_copy(idx_hbm.at[pl.ds(0, seq)],
                                  idx_v[j].at[pl.ds(0, seq)],
                                  isem[j]).wait()

        def comp(j):
            for k in range(nch):
                sl = pl.ds(k * 16, 16)
                v = idx_v[j][sl]
                hi_v[j][sl] = jax.lax.shift_right_logical(v, 2)
                off_v[j][sl] = (v & (pack - 1)) * embed_dim

        def fire_gather(j):
            for o, n in splits:
                pltpu.async_copy(table_hbm.at[hi_v[j].at[pl.ds(o, n)]],
                                 rows_v[j].at[pl.ds(o, n)], gsem[j])

        def wait_gather(j):
            pltpu.make_async_copy(table_hbm.at[pl.ds(0, seq)],
                                  rows_v[j].at[pl.ds(0, seq)],
                                  gsem[j]).wait()

        def extract(j):
            @pl.loop(0, nch)
            def _(c):
                rows16 = iota16 + c * 16
                offv = off_v[j][pl.ds(c * 16, 16)]
                for l in range(embed_dim):
                    vals = plsc.load_gather(rows_v[j], [rows16, offv + l])
                    plsc.store_scatter(out_v[j],
                                       [rows16, jnp.full((16,), l, jnp.int32)],
                                       vals)

        def fire_wb(s, j):
            pltpu.async_copy(out_v[j].at[pl.ds(0, seq)],
                             out_hbm.at[b0 + s], wsem[j])

        def wait_wb(j):
            pltpu.make_async_copy(out_v[j].at[pl.ds(0, seq)],
                                  out_hbm.at[0], wsem[j]).wait()

        fire_idx(0, 0)
        fire_idx(1, 1)
        wait_idx(0)
        comp(0)
        fire_gather(0)

        wait_idx(1)
        comp(1)
        fire_gather(1)
        fire_idx(2, 0)
        wait_gather(0)
        extract(0)
        fire_wb(0, 0)
        wait_idx(0)
        comp(0)
        fire_gather(0)
        fire_idx(3, 1)
        wait_gather(1)
        extract(1)
        fire_wb(1, 1)

        @pl.loop(1, nst // 2 - 1)
        def _(k):
            s = k * 2
            wait_idx(1)
            comp(1)
            fire_gather(1)
            fire_idx(s + 2, 0)
            wait_gather(0)
            wait_wb(0)
            extract(0)
            fire_wb(s, 0)
            wait_idx(0)
            comp(0)
            fire_gather(0)
            fire_idx(s + 3, 1)
            wait_gather(1)
            wait_wb(1)
            extract(1)
            fire_wb(s + 1, 1)

        wait_idx(1)
        comp(1)
        fire_gather(1)
        wait_gather(0)
        wait_wb(0)
        extract(0)
        fire_wb(nst - 2, 0)
        wait_gather(1)
        wait_wb(1)
        extract(1)
        fire_wb(nst - 1, 1)
        wait_wb(0)
        wait_wb(1)

    out = gather_kernel(table128, idx)
    return out

# --- scband reference (transcript-rebuilt; emitter-appended) ---
"""Pipeline reference for scband-torch-deep-embed-89421219103278 (READ-ONLY COPY).

The authoritative reference and input builder live on the scoring server;
editing this copy changes nothing except your own understanding.
"""

import jax, jax.numpy as jnp
import numpy as np

VOCAB = 1000000
EMBED_DIM = 32
BATCH = 4096
SEQ = 200

def setup_inputs(seed: int = 0) -> dict:
    key = jax.random.key(seed)
    k_idx, k_tab = jax.random.split(key)
    indices = jax.random.randint(k_idx, (BATCH, SEQ), 0, VOCAB, dtype=jnp.int64 if jax.config.jax_enable_x64 else jnp.int32)
    # nn.Embedding default init: N(0, 1)
    embed_table = jax.random.normal(k_tab, (VOCAB, EMBED_DIM), dtype=jnp.float32)
    return {"indices": indices, "embed_table": embed_table}

def reference(indices, embed_table):
    # TorchDeepEmbed.forward: self.embed(indices) -> gather rows of embedding table
    return jnp.take(embed_table, indices, axis=0)

if __name__ == "__main__":
    import jax
    _d = setup_inputs()
    print(jax.jit(kernel)(*tuple(_d.values())))

</pallas_src>

<mosaic_0001>
#map = affine_map<(d0, d1) -> (0, 0)>
#map1 = affine_map<(d0, d1) -> (0)>
#map2 = affine_map<(d0, d1) -> (0, 0, 0)>
module attributes {stable_mosaic.version = 14 : i64} {
  func.func @gather_kernel(%arg0: i32, %arg1: i32, %arg2: memref<250000x128xf32, #tpu.memory_space<hbm>>, %arg3: memref<819200xi32, #tpu.memory_space<hbm>>, %arg4: memref<4096x200x32xf32, #tpu.memory_space<hbm>>, %arg5: memref<208xi32, #tpu.memory_space<vmem>>, %arg6: memref<208xi32, #tpu.memory_space<vmem>>, %arg7: memref<208xi32, #tpu.memory_space<vmem>>, %arg8: memref<208xi32, #tpu.memory_space<vmem>>, %arg9: memref<208xi32, #tpu.memory_space<vmem>>, %arg10: memref<208xi32, #tpu.memory_space<vmem>>, %arg11: memref<208x128xf32, #tpu.memory_space<vmem>>, %arg12: memref<208x128xf32, #tpu.memory_space<vmem>>, %arg13: memref<208x32xf32, #tpu.memory_space<vmem>>, %arg14: memref<208x32xf32, #tpu.memory_space<vmem>>, %arg15: memref<!tpu.dma_semaphore, #tpu.memory_space<semaphore_mem>>, %arg16: memref<!tpu.dma_semaphore, #tpu.memory_space<semaphore_mem>>, %arg17: memref<!tpu.dma_semaphore, #tpu.memory_space<semaphore_mem>>, %arg18: memref<!tpu.dma_semaphore, #tpu.memory_space<semaphore_mem>>, %arg19: memref<!tpu.dma_semaphore, #tpu.memory_space<semaphore_mem>>, %arg20: memref<!tpu.dma_semaphore, #tpu.memory_space<semaphore_mem>>) attributes {dimension_semantics = [#tpu.dimension_semantics<core_parallel>, #tpu.dimension_semantics<subcore_parallel>], iteration_bounds = array<i64: 2, 16>, scalar_prefetch = 0 : i64, scratch_operands = 16 : i64, tpu.core_type = #tpu.core_type<sc_vector_subcore>, window_params = [{transform_indices = #map}, {transform_indices = #map1}, {transform_indices = #map2}]} {
    %mul3A = arith.constant 2 : i32
    %mul3A_0 = arith.muli %arg1, %mul3A : i32
    %add3A = arith.addi %mul3A_0, %arg0 : i32
    %mul3A_1 = arith.constant 128 : i32
    %mul3A_2 = arith.muli %add3A, %mul3A_1 : i32
    %iota3A = tpu.iota {dimensions = array<i32: 0>} : vector<16xi32>
    %add3A_3 = arith.constant 0 : i32
    %add3A_4 = arith.addi %mul3A_2, %add3A_3 : i32
    %mul3A_5 = arith.constant 200 : i32
    %mul3A_6 = arith.muli %add3A_4, %mul3A_5 : i32
    %dma_start3A = arith.constant 0 : i32
    %dma_start3A_7 = tpu.memref_slice %arg5[%dma_start3A] : memref<208xi32, #tpu.memory_space<vmem>> -> memref<200xi32, #tpu.memory_space<vmem>>
    %dma_start3A_8 = tpu.memref_slice %arg3[%mul3A_6] : memref<819200xi32, #tpu.memory_space<hbm>> -> memref<200xi32, #tpu.memory_space<hbm>>
    %dma_start3A_9 = arith.constant 0 : i32
    %dma_start3A_10 = tpu.memref_slice %arg5[%dma_start3A_9] : memref<208xi32, #tpu.memory_space<vmem>> -> memref<200xi32, #tpu.memory_space<vmem>>
    %dma_start3A_11 = tpu.memref_slice %arg3[%mul3A_6] : memref<819200xi32, #tpu.memory_space<hbm>> -> memref<200xi32, #tpu.memory_space<hbm>>
    tpu.enqueue_dma source(%dma_start3A_11 : memref<200xi32, #tpu.memory_space<hbm>>) target(%dma_start3A_10 : memref<200xi32, #tpu.memory_space<vmem>>) target_semaphore(%arg15 : memref<!tpu.dma_semaphore, #tpu.memory_space<semaphore_mem>>)
    %add3A_12 = arith.constant 1 : i32
    %add3A_13 = arith.addi %mul3A_2, %add3A_12 : i32
    %mul3A_14 = arith.constant 200 : i32
    %mul3A_15 = arith.muli %add3A_13, %mul3A_14 : i32
    %dma_start3A_16 = arith.constant 0 : i32
    %dma_start3A_17 = tpu.memref_slice %arg6[%dma_start3A_16] : memref<208xi32, #tpu.memory_space<vmem>> -> memref<200xi32, #tpu.memory_space<vmem>>
    %dma_start3A_18 = tpu.memref_slice %arg3[%mul3A_15] : memref<819200xi32, #tpu.memory_space<hbm>> -> memref<200xi32, #tpu.memory_space<hbm>>
    %dma_start3A_19 = arith.constant 0 : i32
    %dma_start3A_20 = tpu.memref_slice %arg6[%dma_start3A_19] : memref<208xi32, #tpu.memory_space<vmem>> -> memref<200xi32, #tpu.memory_space<vmem>>
    %dma_start3A_21 = tpu.memref_slice %arg3[%mul3A_15] : memref<819200xi32, #tpu.memory_space<hbm>> -> memref<200xi32, #tpu.memory_space<hbm>>
    tpu.enqueue_dma source(%dma_start3A_21 : memref<200xi32, #tpu.memory_space<hbm>>) target(%dma_start3A_20 : memref<200xi32, #tpu.memory_space<vmem>>) target_semaphore(%arg16 : memref<!tpu.dma_semaphore, #tpu.memory_space<semaphore_mem>>)
    %dma_wait3A = arith.constant 0 : i32
    %dma_wait3A_22 = tpu.memref_slice %arg5[%dma_wait3A] : memref<208xi32, #tpu.memory_space<vmem>> -> memref<200xi32, #tpu.memory_space<vmem>>
    %dma_wait3A_23 = arith.constant 0 : i32
    %dma_wait3A_24 = tpu.memref_slice %arg3[%dma_wait3A_23] : memref<819200xi32, #tpu.memory_space<hbm>> -> memref<200xi32, #tpu.memory_space<hbm>>
    %dma_wait3A_25 = arith.constant 0 : i32
    %dma_wait3A_26 = tpu.memref_slice %arg5[%dma_wait3A_25] : memref<208xi32, #tpu.memory_space<vmem>> -> memref<200xi32, #tpu.memory_space<vmem>>
    %dma_wait3A_27 = arith.constant 0 : i32
    %dma_wait3A_28 = tpu.memref_slice %arg3[%dma_wait3A_27] : memref<819200xi32, #tpu.memory_space<hbm>> -> memref<200xi32, #tpu.memory_space<hbm>>
    tpu.wait_dma2 semaphore(%arg15 : memref<!tpu.dma_semaphore, #tpu.memory_space<semaphore_mem>>) src(%dma_wait3A_28 : memref<200xi32, #tpu.memory_space<hbm>>) dst(%dma_wait3A_26 : memref<200xi32, #tpu.memory_space<vmem>>)
    %get3A = arith.constant 0 : index
    %get3A_29 = tpu.vector_load %arg5[%get3A] {strides = array<i32>} : memref<208xi32, #tpu.memory_space<vmem>>, vector<16xi32>,
    %shift_right_logical3A = arith.constant 2 : i32
    %shift_right_logical3A_30 = vector.broadcast %shift_right_logical3A : i32 to vector<16xi32>
    %shift_right_logical3A_31 = arith.shrui %get3A_29, %shift_right_logical3A_30 : vector<16xi32>
    %swap3A = arith.constant 0 : index
    %swap3A_32 = tpu.vector_load %arg7[%swap3A] {strides = array<i32>} : memref<208xi32, #tpu.memory_space<vmem>>, vector<16xi32>,
    tpu.vector_store %arg7[%swap3A], %shift_right_logical3A_31 {strides = array<i32>} : memref<208xi32, #tpu.memory_space<vmem>>, vector<16xi32>,
    %and3A = arith.constant 3 : i32
    %and3A_33 = vector.broadcast %and3A : i32 to vector<16xi32>
    %and3A_34 = arith.andi %get3A_29, %and3A_33 : vector<16xi32>
    %mul3A_35 = arith.constant 32 : i32
    %mul3A_36 = vector.broadcast %mul3A_35 : i32 to vector<16xi32>
    %mul3A_37 = arith.muli %and3A_34, %mul3A_36 : vector<16xi32>
    %swap3A_38 = arith.constant 0 : index
    %swap3A_39 = tpu.vector_load %arg9[%swap3A_38] {strides = array<i32>} : memref<208xi32, #tpu.memory_space<vmem>>, vector<16xi32>,
    tpu.vector_store %arg9[%swap3A_38], %mul3A_37 {strides = array<i32>} : memref<208xi32, #tpu.memory_space<vmem>>, vector<16xi32>,
    %get3A_40 = arith.constant 16 : index
    %get3A_41 = tpu.vector_load %arg5[%get3A_40] {strides = array<i32>} : memref<208xi32, #tpu.memory_space<vmem>>, vector<16xi32>,
    %shift_right_logical3A_42 = arith.constant 2 : i32
    %shift_right_logical3A_43 = vector.broadcast %shift_right_logical3A_42 : i32 to vector<16xi32>
    %shift_right_logical3A_44 = arith.shrui %get3A_41, %shift_right_logical3A_43 : vector<16xi32>
    %swap3A_45 = arith.constant 16 : index
    %swap3A_46 = tpu.vector_load %arg7[%swap3A_45] {strides = array<i32>} : memref<208xi32, #tpu.memory_space<vmem>>, vector<16xi32>,
    tpu.vector_store %arg7[%swap3A_45], %shift_right_logical3A_44 {strides = array<i32>} : memref<208xi32, #tpu.memory_space<vmem>>, vector<16xi32>,
    %and3A_47 = arith.constant 3 : i32
    %and3A_48 = vector.broadcast %and3A_47 : i32 to vector<16xi32>
    %and3A_49 = arith.andi %get3A_41, %and3A_48 : vector<16xi32>
    %mul3A_50 = arith.constant 32 : i32
    %mul3A_51 = vector.broadcast %mul3A_50 : i32 to vector<16xi32>
    %mul3A_52 = arith.muli %and3A_49, %mul3A_51 : vector<16xi32>
    %swap3A_53 = arith.constant 16 : index
    %swap3A_54 = tpu.vector_load %arg9[%swap3A_53] {strides = array<i32>} : memref<208xi32, #tpu.memory_space<vmem>>, vector<16xi32>,
    tpu.vector_store %arg9[%swap3A_53], %mul3A_52 {strides = array<i32>} : memref<208xi32, #tpu.memory_space<vmem>>, vector<16xi32>,
    %get3A_55 = arith.constant 32 : index
    %get3A_56 = tpu.vector_load %arg5[%get3A_55] {strides = array<i32>} : memref<208xi32, #tpu.memory_space<vmem>>, vector<16xi32>,
    %shift_right_logical3A_57 = arith.constant 2 : i32
    %shift_right_logical3A_58 = vector.broadcast %shift_right_logical3A_57 : i32 to vector<16xi32>
    %shift_right_logical3A_59 = arith.shrui %get3A_56, %shift_right_logical3A_58 : vector<16xi32>
    %swap3A_60 = arith.constant 32 : index
    %swap3A_61 = tpu.vector_load %arg7[%swap3A_60] {strides = array<i32>} : memref<208xi32, #tpu.memory_space<vmem>>, vector<16xi32>,
    tpu.vector_store %arg7[%swap3A_60], %shift_right_logical3A_59 {strides = array<i32>} : memref<208xi32, #tpu.memory_space<vmem>>, vector<16xi32>,
    %and3A_62 = arith.constant 3 : i32
    %and3A_63 = vector.broadcast %and3A_62 : i32 to vector<16xi32>
    %and3A_64 = arith.andi %get3A_56, %and3A_63 : vector<16xi32>
    %mul3A_65 = arith.constant 32 : i32
    %mul3A_66 = vector.broadcast %mul3A_65 : i32 to vector<16xi32>
    %mul3A_67 = arith.muli %and3A_64, %mul3A_66 : vector<16xi32>
    %swap3A_68 = arith.constant 32 : index
    %swap3A_69 = tpu.vector_load %arg9[%swap3A_68] {strides = array<i32>} : memref<208xi32, #tpu.memory_space<vmem>>, vector<16xi32>,
    tpu.vector_store %arg9[%swap3A_68], %mul3A_67 {strides = array<i32>} : memref<208xi32, #tpu.memory_space<vmem>>, vector<16xi32>,
    %get3A_70 = arith.constant 48 : index
    %get3A_71 = tpu.vector_load %arg5[%get3A_70] {strides = array<i32>} : memref<208xi32, #tpu.memory_space<vmem>>, vector<16xi32>,
    %shift_right_logical3A_72 = arith.constant 2 : i32
    %shift_right_logical3A_73 = vector.broadcast %shift_right_logical3A_72 : i32 to vector<16xi32>
    %shift_right_logical3A_74 = arith.shrui %get3A_71, %shift_right_logical3A_73 : vector<16xi32>
    %swap3A_75 = arith.constant 48 : index
    %swap3A_76 = tpu.vector_load %arg7[%swap3A_75] {strides = array<i32>} : memref<208xi32, #tpu.memory_space<vmem>>, vector<16xi32>,
    tpu.vector_store %arg7[%swap3A_75], %shift_right_logical3A_74 {strides = array<i32>} : memref<208xi32, #tpu.memory_space<vmem>>, vector<16xi32>,
    %and3A_77 = arith.constant 3 : i32
    %and3A_78 = vector.broadcast %and3A_77 : i32 to vector<16xi32>
    %and3A_79 = arith.andi %get3A_71, %and3A_78 : vector<16xi32>
    %mul3A_80 = arith.constant 32 : i32
    %mul3A_81 = vector.broadcast %mul3A_80 : i32 to vector<16xi32>
    %mul3A_82 = arith.muli %and3A_79, %mul3A_81 : vector<16xi32>
    %swap3A_83 = arith.constant 48 : index
    %swap3A_84 = tpu.vector_load %arg9[%swap3A_83] {strides = array<i32>} : memref<208xi32, #tpu.memory_space<vmem>>, vector<16xi32>,
    tpu.vector_store %arg9[%swap3A_83], %mul3A_82 {strides = array<i32>} : memref<208xi32, #tpu.memory_space<vmem>>, vector<16xi32>,
    %get3A_85 = arith.constant 64 : index
    %get3A_86 = tpu.vector_load %arg5[%get3A_85] {strides = array<i32>} : memref<208xi32, #tpu.memory_space<vmem>>, vector<16xi32>,
    %shift_right_logical3A_87 = arith.constant 2 : i32
    %shift_right_logical3A_88 = vector.broadcast %shift_right_logical3A_87 : i32 to vector<16xi32>
    %shift_right_logical3A_89 = arith.shrui %get3A_86, %shift_right_logical3A_88 : vector<16xi32>
    %swap3A_90 = arith.constant 64 : index
    %swap3A_91 = tpu.vector_load %arg7[%swap3A_90] {strides = array<i32>} : memref<208xi32, #tpu.memory_space<vmem>>, vector<16xi32>,
    tpu.vector_store %arg7[%swap3A_90], %shift_right_logical3A_89 {strides = array<i32>} : memref<208xi32, #tpu.memory_space<vmem>>, vector<16xi32>,
    %and3A_92 = arith.constant 3 : i32
    %and3A_93 = vector.broadcast %and3A_92 : i32 to vector<16xi32>
    %and3A_94 = arith.andi %get3A_86, %and3A_93 : vector<16xi32>
    %mul3A_95 = arith.constant 32 : i32
    %mul3A_96 = vector.broadcast %mul3A_95 : i32 to vector<16xi32>
    %mul3A_97 = arith.muli %and3A_94, %mul3A_96 : vector<16xi32>
    %swap3A_98 = arith.constant 64 : index
    %swap3A_99 = tpu.vector_load %arg9[%swap3A_98] {strides = array<i32>} : memref<208xi32, #tpu.memory_space<vmem>>, vector<16xi32>,
    tpu.vector_store %arg9[%swap3A_98], %mul3A_97 {strides = array<i32>} : memref<208xi32, #tpu.memory_space<vmem>>, vector<16xi32>,
    %get3A_100 = arith.constant 80 : index
    %get3A_101 = tpu.vector_load %arg5[%get3A_100] {strides = array<i32>} : memref<208xi32, #tpu.memory_space<vmem>>, vector<16xi32>,
    %shift_right_logical3A_102 = arith.constant 2 : i32
    %shift_right_logical3A_103 = vector.broadcast %shift_right_logical3A_102 : i32 to vector<16xi32>
    %shift_right_logical3A_104 = arith.shrui %get3A_101, %shift_right_logical3A_103 : vector<16xi32>
    %swap3A_105 = arith.constant 80 : index
    %swap3A_106 = tpu.vector_load %arg7[%swap3A_105] {strides = array<i32>} : memref<208xi32, #tpu.memory_space<vmem>>, vector<16xi32>,
    tpu.vector_store %arg7[%swap3A_105], %shift_right_logical3A_104 {strides = array<i32>} : memref<208xi32, #tpu.memory_space<vmem>>, vector<16xi32>,
    %and3A_107 = arith.constant 3 : i32
    %and3A_108 = vector.broadcast %and3A_107 : i32 to vector<16xi32>
    %and3A_109 = arith.andi %get3A_101, %and3A_108 : vector<16xi32>
    %mul3A_110 = arith.constant 32 : i32
    %mul3A_111 = vector.broadcast %mul3A_110 : i32 to vector<16xi32>
    %mul3A_112 = arith.muli %and3A_109, %mul3A_111 : vector<16xi32>
    %swap3A_113 = arith.constant 80 : index
    %swap3A_114 = tpu.vector_load %arg9[%swap3A_113] {strides = array<i32>} : memref<208xi32, #tpu.memory_space<vmem>>, vector<16xi32>,
    tpu.vector_store %arg9[%swap3A_113], %mul3A_112 {strides = array<i32>} : memref<208xi32, #tpu.memory_space<vmem>>, vector<16xi32>,
    %get3A_115 = arith.constant 96 : index
    %get3A_116 = tpu.vector_load %arg5[%get3A_115] {strides = array<i32>} : memref<208xi32, #tpu.memory_space<vmem>>, vector<16xi32>,
    %shift_right_logical3A_117 = arith.constant 2 : i32
    %shift_right_logical3A_118 = vector.broadcast %shift_right_logical3A_117 : i32 to vector<16xi32>
    %shift_right_logical3A_119 = arith.shrui %get3A_116, %shift_right_logical3A_118 : vector<16xi32>
    %swap3A_120 = arith.constant 96 : index
    %swap3A_121 = tpu.vector_load %arg7[%swap3A_120] {strides = array<i32>} : memref<208xi32, #tpu.memory_space<vmem>>, vector<16xi32>,
    tpu.vector_store %arg7[%swap3A_120], %shift_right_logical3A_119 {strides = array<i32>} : memref<208xi32, #tpu.memory_space<vmem>>, vector<16xi32>,
    %and3A_122 = arith.constant 3 : i32
    %and3A_123 = vector.broadcast %and3A_122 : i32 to vector<16xi32>
    %and3A_124 = arith.andi %get3A_116, %and3A_123 : vector<16xi32>
    %mul3A_125 = arith.constant 32 : i32
    %mul3A_126 = vector.broadcast %mul3A_125 : i32 to vector<16xi32>
    %mul3A_127 = arith.muli %and3A_124, %mul3A_126 : vector<16xi32>
    %swap3A_128 = arith.constant 96 : index
    %swap3A_129 = tpu.vector_load %arg9[%swap3A_128] {strides = array<i32>} : memref<208xi32, #tpu.memory_space<vmem>>, vector<16xi32>,
    tpu.vector_store %arg9[%swap3A_128], %mul3A_127 {strides = array<i32>} : memref<208xi32, #tpu.memory_space<vmem>>, vector<16xi32>,
    %get3A_130 = arith.constant 112 : index
    %get3A_131 = tpu.vector_load %arg5[%get3A_130] {strides = array<i32>} : memref<208xi32, #tpu.memory_space<vmem>>, vector<16xi32>,
    %shift_right_logical3A_132 = arith.constant 2 : i32
    %shift_right_logical3A_133 = vector.broadcast %shift_right_logical3A_132 : i32 to vector<16xi32>
    %shift_right_logical3A_134 = arith.shrui %get3A_131, %shift_right_logical3A_133 : vector<16xi32>
    %swap3A_135 = arith.constant 112 : index
    %swap3A_136 = tpu.vector_load %arg7[%swap3A_135] {strides = array<i32>} : memref<208xi32, #tpu.memory_space<vmem>>, vector<16xi32>,
    tpu.vector_store %arg7[%swap3A_135], %shift_right_logical3A_134 {strides = array<i32>} : memref<208xi32, #tpu.memory_space<vmem>>, vector<16xi32>,
    %and3A_137 = arith.constant 3 : i32
    %and3A_138 = vector.broadcast %and3A_137 : i32 to vector<16xi32>
    %and3A_139 = arith.andi %get3A_131, %and3A_138 : vector<16xi32>
    %mul3A_140 = arith.constant 32 : i32
    %mul3A_141 = vector.broadcast %mul3A_140 : i32 to vector<16xi32>
    %mul3A_142 = arith.muli %and3A_139, %mul3A_141 : vector<16xi32>
    %swap3A_143 = arith.constant 112 : index
    %swap3A_144 = tpu.vector_load %arg9[%swap3A_143] {strides = array<i32>} : memref<208xi32, #tpu.memory_space<vmem>>, vector<16xi32>,
    tpu.vector_store %arg9[%swap3A_143], %mul3A_142 {strides = array<i32>} : memref<208xi32, #tpu.memory_space<vmem>>, vector<16xi32>,
    %get3A_145 = arith.constant 128 : index
    %get3A_146 = tpu.vector_load %arg5[%get3A_145] {strides = array<i32>} : memref<208xi32, #tpu.memory_space<vmem>>, vector<16xi32>,
    %shift_right_logical3A_147 = arith.constant 2 : i32
    %shift_right_logical3A_148 = vector.broadcast %shift_right_logical3A_147 : i32 to vector<16xi32>
    %shift_right_logical3A_149 = arith.shrui %get3A_146, %shift_right_logical3A_148 : vector<16xi32>
    %swap3A_150 = arith.constant 128 : index
    %swap3A_151 = tpu.vector_load %arg7[%swap3A_150] {strides = array<i32>} : memref<208xi32, #tpu.memory_space<vmem>>, vector<16xi32>,
    tpu.vector_store %arg7[%swap3A_150], %shift_right_logical3A_149 {strides = array<i32>} : memref<208xi32, #tpu.memory_space<vmem>>, vector<16xi32>,
    %and3A_152 = arith.constant 3 : i32
    %and3A_153 = vector.broadcast %and3A_152 : i32 to vector<16xi32>
    %and3A_154 = arith.andi %get3A_146, %and3A_153 : vector<16xi32>
    %mul3A_155 = arith.constant 32 : i32
    %mul3A_156 = vector.broadcast %mul3A_155 : i32 to vector<16xi32>
    %mul3A_157 = arith.muli %and3A_154, %mul3A_156 : vector<16xi32>
    %swap3A_158 = arith.constant 128 : index
    %swap3A_159 = tpu.vector_load %arg9[%swap3A_158] {strides = array<i32>} : memref<208xi32, #tpu.memory_space<vmem>>, vector<16xi32>,
    tpu.vector_store %arg9[%swap3A_158], %mul3A_157 {strides = array<i32>} : memref<208xi32, #tpu.memory_space<vmem>>, vector<16xi32>,
    %get3A_160 = arith.constant 144 : index
    %get3A_161 = tpu.vector_load %arg5[%get3A_160] {strides = array<i32>} : memref<208xi32, #tpu.memory_space<vmem>>, vector<16xi32>,
    %shift_right_logical3A_162 = arith.constant 2 : i32
    %shift_right_logical3A_163 = vector.broadcast %shift_right_logical3A_162 : i32 to vector<16xi32>
    %shift_right_logical3A_164 = arith.shrui %get3A_161, %shift_right_logical3A_163 : vector<16xi32>
    %swap3A_165 = arith.constant 144 : index
    %swap3A_166 = tpu.vector_load %arg7[%swap3A_165] {strides = array<i32>} : memref<208xi32, #tpu.memory_space<vmem>>, vector<16xi32>,
    tpu.vector_store %arg7[%swap3A_165], %shift_right_logical3A_164 {strides = array<i32>} : memref<208xi32, #tpu.memory_space<vmem>>, vector<16xi32>,
    %and3A_167 = arith.constant 3 : i32
    %and3A_168 = vector.broadcast %and3A_167 : i32 to vector<16xi32>
    %and3A_169 = arith.andi %get3A_161, %and3A_168 : vector<16xi32>
    %mul3A_170 = arith.constant 32 : i32
    %mul3A_171 = vector.broadcast %mul3A_170 : i32 to vector<16xi32>
    %mul3A_172 = arith.muli %and3A_169, %mul3A_171 : vector<16xi32>
    %swap3A_173 = arith.constant 144 : index
    %swap3A_174 = tpu.vector_load %arg9[%swap3A_173] {strides = array<i32>} : memref<208xi32, #tpu.memory_space<vmem>>, vector<16xi32>,
    tpu.vector_store %arg9[%swap3A_173], %mul3A_172 {strides = array<i32>} : memref<208xi32, #tpu.memory_space<vmem>>, vector<16xi32>,
    %get3A_175 = arith.constant 160 : index
    %get3A_176 = tpu.vector_load %arg5[%get3A_175] {strides = array<i32>} : memref<208xi32, #tpu.memory_space<vmem>>, vector<16xi32>,
    %shift_right_logical3A_177 = arith.constant 2 : i32
    %shift_right_logical3A_178 = vector.broadcast %shift_right_logical3A_177 : i32 to vector<16xi32>
    %shift_right_logical3A_179 = arith.shrui %get3A_176, %shift_right_logical3A_178 : vector<16xi32>
    %swap3A_180 = arith.constant 160 : index
    %swap3A_181 = tpu.vector_load %arg7[%swap3A_180] {strides = array<i32>} : memref<208xi32, #tpu.memory_space<vmem>>, vector<16xi32>,
    tpu.vector_store %arg7[%swap3A_180], %shift_right_logical3A_179 {strides = array<i32>} : memref<208xi32, #tpu.memory_space<vmem>>, vector<16xi32>,
    %and3A_182 = arith.constant 3 : i32
    %and3A_183 = vector.broadcast %and3A_182 : i32 to vector<16xi32>
    %and3A_184 = arith.andi %get3A_176, %and3A_183 : vector<16xi32>
    %mul3A_185 = arith.constant 32 : i32
    %mul3A_186 = vector.broadcast %mul3A_185 : i32 to vector<16xi32>
    %mul3A_187 = arith.muli %and3A_184, %mul3A_186 : vector<16xi32>
    %swap3A_188 = arith.constant 160 : index
    %swap3A_189 = tpu.vector_load %arg9[%swap3A_188] {strides = array<i32>} : memref<208xi32, #tpu.memory_space<vmem>>, vector<16xi32>,
    tpu.vector_store %arg9[%swap3A_188], %mul3A_187 {strides = array<i32>} : memref<208xi32, #tpu.memory_space<vmem>>, vector<16xi32>,
    %get3A_190 = arith.constant 176 : index
    %get3A_191 = tpu.vector_load %arg5[%get3A_190] {strides = array<i32>} : memref<208xi32, #tpu.memory_space<vmem>>, vector<16xi32>,
    %shift_right_logical3A_192 = arith.constant 2 : i32
    %shift_right_logical3A_193 = vector.broadcast %shift_right_logical3A_192 : i32 to vector<16xi32>
    %shift_right_logical3A_194 = arith.shrui %get3A_191, %shift_right_logical3A_193 : vector<16xi32>
    %swap3A_195 = arith.constant 176 : index
    %swap3A_196 = tpu.vector_load %arg7[%swap3A_195] {strides = array<i32>} : memref<208xi32, #tpu.memory_space<vmem>>, vector<16xi32>,
    tpu.vector_store %arg7[%swap3A_195], %shift_right_logical3A_194 {strides = array<i32>} : memref<208xi32, #tpu.memory_space<vmem>>, vector<16xi32>,
    %and3A_197 = arith.constant 3 : i32
    %and3A_198 = vector.broadcast %and3A_197 : i32 to vector<16xi32>
    %and3A_199 = arith.andi %get3A_191, %and3A_198 : vector<16xi32>
    %mul3A_200 = arith.constant 32 : i32
    %mul3A_201 = vector.broadcast %mul3A_200 : i32 to vector<16xi32>
    %mul3A_202 = arith.muli %and3A_199, %mul3A_201 : vector<16xi32>
    %swap3A_203 = arith.constant 176 : index
    %swap3A_204 = tpu.vector_load %arg9[%swap3A_203] {strides = array<i32>} : memref<208xi32, #tpu.memory_space<vmem>>, vector<16xi32>,
    tpu.vector_store %arg9[%swap3A_203], %mul3A_202 {strides = array<i32>} : memref<208xi32, #tpu.memory_space<vmem>>, vector<16xi32>,
    %get3A_205 = arith.constant 192 : index
    %get3A_206 = tpu.vector_load %arg5[%get3A_205] {strides = array<i32>} : memref<208xi32, #tpu.memory_space<vmem>>, vector<16xi32>,
    %shift_right_logical3A_207 = arith.constant 2 : i32
    %shift_right_logical3A_208 = vector.broadcast %shift_right_logical3A_207 : i32 to vector<16xi32>
    %shift_right_logical3A_209 = arith.shrui %get3A_206, %shift_right_logical3A_208 : vector<16xi32>
    %swap3A_210 = arith.constant 192 : index
    %swap3A_211 = tpu.vector_load %arg7[%swap3A_210] {strides = array<i32>} : memref<208xi32, #tpu.memory_space<vmem>>, vector<16xi32>,
    tpu.vector_store %arg7[%swap3A_210], %shift_right_logical3A_209 {strides = array<i32>} : memref<208xi32, #tpu.memory_space<vmem>>, vector<16xi32>,
    %and3A_212 = arith.constant 3 : i32
    %and3A_213 = vector.broadcast %and3A_212 : i32 to vector<16xi32>
    %and3A_214 = arith.andi %get3A_206, %and3A_213 : vector<16xi32>
    %mul3A_215 = arith.constant 32 : i32
    %mul3A_216 = vector.broadcast %mul3A_215 : i32 to vector<16xi32>
    %mul3A_217 = arith.muli %and3A_214, %mul3A_216 : vector<16xi32>
    %swap3A_218 = arith.constant 192 : index
    %swap3A_219 = tpu.vector_load %arg9[%swap3A_218] {strides = array<i32>} : memref<208xi32, #tpu.memory_space<vmem>>, vector<16xi32>,
    tpu.vector_store %arg9[%swap3A_218], %mul3A_217 {strides = array<i32>} : memref<208xi32, #tpu.memory_space<vmem>>, vector<16xi32>,
    %dma_start3A_220 = arith.constant 0 : i32
    %dma_start3A_221 = arith.constant 0 : i32
    %dma_start3A_222 = tpu.memref_slice %arg11[%dma_start3A_220, %dma_start3A_221] : memref<208x128xf32, #tpu.memory_space<vmem>> -> memref<128x128xf32, #tpu.memory_space<vmem>>
    %dma_start3A_223 = arith.constant 0 : i32
    %dma_start3A_224 = tpu.memref_slice %arg7[%dma_start3A_223] : memref<208xi32, #tpu.memory_space<vmem>> -> memref<128xi32, #tpu.memory_space<vmem>>
    %dma_start3A_225 = arith.constant 0 : i32
    %dma_start3A_226 = arith.constant 0 : i32
    %dma_start3A_227 = tpu.memref_slice %arg2[%dma_start3A_225, %dma_start3A_226] : memref<250000x128xf32, #tpu.memory_space<hbm>> -> memref<250000x128xf32, #tpu.memory_space<hbm>>
    tpu.enqueue_indirect_dma source(%dma_start3A_227 : memref<250000x128xf32, #tpu.memory_space<hbm>>) target(%dma_start3A_222 : memref<128x128xf32, #tpu.memory_space<vmem>>) offsets(%dma_start3A_224 : memref<128xi32, #tpu.memory_space<vmem>>) semaphore(%arg17 : memref<!tpu.dma_semaphore, #tpu.memory_space<semaphore_mem>>)
    %dma_start3A_228 = arith.constant 128 : i32
    %dma_start3A_229 = arith.constant 0 : i32
    %dma_start3A_230 = tpu.memref_slice %arg11[%dma_start3A_228, %dma_start3A_229] : memref<208x128xf32, #tpu.memory_space<vmem>> -> memref<72x128xf32, #tpu.memory_space<vmem>>
    %dma_start3A_231 = arith.constant 128 : i32
    %dma_start3A_232 = tpu.memref_slice %arg7[%dma_start3A_231] : memref<208xi32, #tpu.memory_space<vmem>> -> memref<72xi32, #tpu.memory_space<vmem>>
    %dma_start3A_233 = arith.constant 0 : i32
    %dma_start3A_234 = arith.constant 0 : i32
    %dma_start3A_235 = tpu.memref_slice %arg2[%dma_start3A_233, %dma_start3A_234] : memref<250000x128xf32, #tpu.memory_space<hbm>> -> memref<250000x128xf32, #tpu.memory_space<hbm>>
    tpu.enqueue_indirect_dma source(%dma_start3A_235 : memref<250000x128xf32, #tpu.memory_space<hbm>>) target(%dma_start3A_230 : memref<72x128xf32, #tpu.memory_space<vmem>>) offsets(%dma_start3A_232 : memref<72xi32, #tpu.memory_space<vmem>>) semaphore(%arg17 : memref<!tpu.dma_semaphore, #tpu.memory_space<semaphore_mem>>)
    %dma_wait3A_236 = arith.constant 0 : i32
    %dma_wait3A_237 = tpu.memref_slice %arg6[%dma_wait3A_236] : memref<208xi32, #tpu.memory_space<vmem>> -> memref<200xi32, #tpu.memory_space<vmem>>
    %dma_wait3A_238 = arith.constant 0 : i32
    %dma_wait3A_239 = tpu.memref_slice %arg3[%dma_wait3A_238] : memref<819200xi32, #tpu.memory_space<hbm>> -> memref<200xi32, #tpu.memory_space<hbm>>
    %dma_wait3A_240 = arith.constant 0 : i32
    %dma_wait3A_241 = tpu.memref_slice %arg6[%dma_wait3A_240] : memref<208xi32, #tpu.memory_space<vmem>> -> memref<200xi32, #tpu.memory_space<vmem>>
    %dma_wait3A_242 = arith.constant 0 : i32
    %dma_wait3A_243 = tpu.memref_slice %arg3[%dma_wait3A_242] : memref<819200xi32, #tpu.memory_space<hbm>> -> memref<200xi32, #tpu.memory_space<hbm>>
    tpu.wait_dma2 semaphore(%arg16 : memref<!tpu.dma_semaphore, #tpu.memory_space<semaphore_mem>>) src(%dma_wait3A_243 : memref<200xi32, #tpu.memory_space<hbm>>) dst(%dma_wait3A_241 : memref<200xi32, #tpu.memory_space<vmem>>)
    %get3A_244 = arith.constant 0 : index
    %get3A_245 = tpu.vector_load %arg6[%get3A_244] {strides = array<i32>} : memref<208xi32, #tpu.memory_space<vmem>>, vector<16xi32>,
    %shift_right_logical3A_246 = arith.constant 2 : i32
    %shift_right_logical3A_247 = vector.broadcast %shift_right_logical3A_246 : i32 to vector<16xi32>
    %shift_right_logical3A_248 = arith.shrui %get3A_245, %shift_right_logical3A_247 : vector<16xi32>
    %swap3A_249 = arith.constant 0 : index
    %swap3A_250 = tpu.vector_load %arg8[%swap3A_249] {strides = array<i32>} : memref<208xi32, #tpu.memory_space<vmem>>, vector<16xi32>,
    tpu.vector_store %arg8[%swap3A_249], %shift_right_logical3A_248 {strides = array<i32>} : memref<208xi32, #tpu.memory_space<vmem>>, vector<16xi32>,
    %and3A_251 = arith.constant 3 : i32
    %and3A_252 = vector.broadcast %and3A_251 : i32 to vector<16xi32>
    %and3A_253 = arith.andi %get3A_245, %and3A_252 : vector<16xi32>
    %mul3A_254 = arith.constant 32 : i32
    %mul3A_255 = vector.broadcast %mul3A_254 : i32 to vector<16xi32>
    %mul3A_256 = arith.muli %and3A_253, %mul3A_255 : vector<16xi32>
    %swap3A_257 = arith.constant 0 : index
    %swap3A_258 = tpu.vector_load %arg10[%swap3A_257] {strides = array<i32>} : memref<208xi32, #tpu.memory_space<vmem>>, vector<16xi32>,
    tpu.vector_store %arg10[%swap3A_257], %mul3A_256 {strides = array<i32>} : memref<208xi32, #tpu.memory_space<vmem>>, vector<16xi32>,
    %get3A_259 = arith.constant 16 : index
    %get3A_260 = tpu.vector_load %arg6[%get3A_259] {strides = array<i32>} : memref<208xi32, #tpu.memory_space<vmem>>, vector<16xi32>,
    %shift_right_logical3A_261 = arith.constant 2 : i32
    %shift_right_logical3A_262 = vector.broadcast %shift_right_logical3A_261 : i32 to vector<16xi32>
    %shift_right_logical3A_263 = arith.shrui %get3A_260, %shift_right_logical3A_262 : vector<16xi32>
    %swap3A_264 = arith.constant 16 : index
    %swap3A_265 = tpu.vector_load %arg8[%swap3A_264] {strides = array<i32>} : memref<208xi32, #tpu.memory_space<vmem>>, vector<16xi32>,
    tpu.vector_store %arg8[%swap3A_264], %shift_right_logical3A_263 {strides = array<i32>} : memref<208xi32, #tpu.memory_space<vmem>>, vector<16xi32>,
    %and3A_266 = arith.constant 3 : i32
    %and3A_267 = vector.broadcast %and3A_266 : i32 to vector<16xi32>
    %and3A_268 = arith.andi %get3A_260, %and3A_267 : vector<16xi32>
    %mul3A_269 = arith.constant 32 : i32
    %mul3A_270 = vector.broadcast %mul3A_269 : i32 to vector<16xi32>
    %mul3A_271 = arith.muli %and3A_268, %mul3A_270 : vector<16xi32>
    %swap3A_272 = arith.constant 16 : index
    %swap3A_273 = tpu.vector_load %arg10[%swap3A_272] {strides = array<i32>} : memref<208xi32, #tpu.memory_space<vmem>>, vector<16xi32>,
    tpu.vector_store %arg10[%swap3A_272], %mul3A_271 {strides = array<i32>} : memref<208xi32, #tpu.memory_space<vmem>>, vector<16xi32>,
    %get3A_274 = arith.constant 32 : index
    %get3A_275 = tpu.vector_load %arg6[%get3A_274] {strides = array<i32>} : memref<208xi32, #tpu.memory_space<vmem>>, vector<16xi32>,
    %shift_right_logical3A_276 = arith.constant 2 : i32
    %shift_right_logical3A_277 = vector.broadcast %shift_right_logical3A_276 : i32 to vector<16xi32>
    %shift_right_logical3A_278 = arith.shrui %get3A_275, %shift_right_logical3A_277 : vector<16xi32>
    %swap3A_279 = arith.constant 32 : index
    %swap3A_280 = tpu.vector_load %arg8[%swap3A_279] {strides = array<i32>} : memref<208xi32, #tpu.memory_space<vmem>>, vector<16xi32>,
    tpu.vector_store %arg8[%swap3A_279], %shift_right_logical3A_278 {strides = array<i32>} : memref<208xi32, #tpu.memory_space<vmem>>, vector<16xi32>,
    %and3A_281 = arith.constant 3 : i32
    %and3A_282 = vector.broadcast %and3A_281 : i32 to vector<16xi32>
    %and3A_283 = arith.andi %get3A_275, %and3A_282 : vector<16xi32>
    %mul3A_284 = arith.constant 32 : i32
    %mul3A_285 = vector.broadcast %mul3A_284 : i32 to vector<16xi32>
    %mul3A_286 = arith.muli %and3A_283, %mul3A_285 : vector<16xi32>
    %swap3A_287 = arith.constant 32 : index
    %swap3A_288 = tpu.vector_load %arg10[%swap3A_287] {strides = array<i32>} : memref<208xi32, #tpu.memory_space<vmem>>, vector<16xi32>,
    tpu.vector_store %arg10[%swap3A_287], %mul3A_286 {strides = array<i32>} : memref<208xi32, #tpu.memory_space<vmem>>, vector<16xi32>,
    %get3A_289 = arith.constant 48 : index
    %get3A_290 = tpu.vector_load %arg6[%get3A_289] {strides = array<i32>} : memref<208xi32, #tpu.memory_space<vmem>>, vector<16xi32>,
    %shift_right_logical3A_291 = arith.constant 2 : i32
    %shift_right_logical3A_292 = vector.broadcast %shift_right_logical3A_291 : i32 to vector<16xi32>
    %shift_right_logical3A_293 = arith.shrui %get3A_290, %shift_right_logical3A_292 : vector<16xi32>
    %swap3A_294 = arith.constant 48 : index
    %swap3A_295 = tpu.vector_load %arg8[%swap3A_294] {strides = array<i32>} : memref<208xi32, #tpu.memory_space<vmem>>, vector<16xi32>,
    tpu.vector_store %arg8[%swap3A_294], %shift_right_logical3A_293 {strides = array<i32>} : memref<208xi32, #tpu.memory_space<vmem>>, vector<16xi32>,
    %and3A_296 = arith.constant 3 : i32
    %and3A_297 = vector.broadcast %and3A_296 : i32 to vector<16xi32>
    %and3A_298 = arith.andi %get3A_290, %and3A_297 : vector<16xi32>
    %mul3A_299 = arith.constant 32 : i32
    %mul3A_300 = vector.broadcast %mul3A_299 : i32 to vector<16xi32>
    %mul3A_301 = arith.muli %and3A_298, %mul3A_300 : vector<16xi32>
    %swap3A_302 = arith.constant 48 : index
    %swap3A_303 = tpu.vector_load %arg10[%swap3A_302] {strides = array<i32>} : memref<208xi32, #tpu.memory_space<vmem>>, vector<16xi32>,
    tpu.vector_store %arg10[%swap3A_302], %mul3A_301 {strides = array<i32>} : memref<208xi32, #tpu.memory_space<vmem>>, vector<16xi32>,
    %get3A_304 = arith.constant 64 : index
    %get3A_305 = tpu.vector_load %arg6[%get3A_304] {strides = array<i32>} : memref<208xi32, #tpu.memory_space<vmem>>, vector<16xi32>,
    %shift_right_logical3A_306 = arith.constant 2 : i32
    %shift_right_logical3A_307 = vector.broadcast %shift_right_logical3A_306 : i32 to vector<16xi32>
    %shift_right_logical3A_308 = arith.shrui %get3A_305, %shift_right_logical3A_307 : vector<16xi32>
    %swap3A_309 = arith.constant 64 : index
    %swap3A_310 = tpu.vector_load %arg8[%swap3A_309] {strides = array<i32>} : memref<208xi32, #tpu.memory_space<vmem>>, vector<16xi32>,
    tpu.vector_store %arg8[%swap3A_309], %shift_right_logical3A_308 {strides = array<i32>} : memref<208xi32, #tpu.memory_space<vmem>>, vector<16xi32>,
    %and3A_311 = arith.constant 3 : i32
    %and3A_312 = vector.broadcast %and3A_311 : i32 to vector<16xi32>
    %and3A_313 = arith.andi %get3A_305, %and3A_312 : vector<16xi32>
    %mul3A_314 = arith.constant 32 : i32
    %mul3A_315 = vector.broadcast %mul3A_314 : i32 to vector<16xi32>
    %mul3A_316 = arith.muli %and3A_313, %mul3A_315 : vector<16xi32>
    %swap3A_317 = arith.constant 64 : index
    %swap3A_318 = tpu.vector_load %arg10[%swap3A_317] {strides = array<i32>} : memref<208xi32, #tpu.memory_space<vmem>>, vector<16xi32>,
    tpu.vector_store %arg10[%swap3A_317], %mul3A_316 {strides = array<i32>} : memref<208xi32, #tpu.memory_space<vmem>>, vector<16xi32>,
    %get3A_319 = arith.constant 80 : index
    %get3A_320 = tpu.vector_load %arg6[%get3A_319] {strides = array<i32>} : memref<208xi32, #tpu.memory_space<vmem>>, vector<16xi32>,
    %shift_right_logical3A_321 = arith.constant 2 : i32
    %shift_right_logical3A_322 = vector.broadcast %shift_right_logical3A_321 : i32 to vector<16xi32>
    %shift_right_logical3A_323 = arith.shrui %get3A_320, %shift_right_logical3A_322 : vector<16xi32>
    %swap3A_324 = arith.constant 80 : index
    %swap3A_325 = tpu.vector_load %arg8[%swap3A_324] {strides = array<i32>} : memref<208xi32, #tpu.memory_space<vmem>>, vector<16xi32>,
    tpu.vector_store %arg8[%swap3A_324], %shift_right_logical3A_323 {strides = array<i32>} : memref<208xi32, #tpu.memory_space<vmem>>, vector<16xi32>,
    %and3A_326 = arith.constant 3 : i32
    %and3A_327 = vector.broadcast %and3A_326 : i32 to vector<16xi32>
    %and3A_328 = arith.andi %get3A_320, %and3A_327 : vector<16xi32>
    %mul3A_329 = arith.constant 32 : i32
    %mul3A_330 = vector.broadcast %mul3A_329 : i32 to vector<16xi32>
    %mul3A_331 = arith.muli %and3A_328, %mul3A_330 : vector<16xi32>
    %swap3A_332 = arith.constant 80 : index
    %swap3A_333 = tpu.vector_load %arg10[%swap3A_332] {strides = array<i32>} : memref<208xi32, #tpu.memory_space<vmem>>, vector<16xi32>,
    tpu.vector_store %arg10[%swap3A_332], %mul3A_331 {strides = array<i32>} : memref<208xi32, #tpu.memory_space<vmem>>, vector<16xi32>,
    %get3A_334 = arith.constant 96 : index
    %get3A_335 = tpu.vector_load %arg6[%get3A_334] {strides = array<i32>} : memref<208xi32, #tpu.memory_space<vmem>>, vector<16xi32>,
    %shift_right_logical3A_336 = arith.constant 2 : i32
    %shift_right_logical3A_337 = vector.broadcast %shift_right_logical3A_336 : i32 to vector<16xi32>
    %shift_right_logical3A_338 = arith.shrui %get3A_335, %shift_right_logical3A_337 : vector<16xi32>
    %swap3A_339 = arith.constant 96 : index
    %swap3A_340 = tpu.vector_load %arg8[%swap3A_339] {strides = array<i32>} : memref<208xi32, #tpu.memory_space<vmem>>, vector<16xi32>,
    tpu.vector_store %arg8[%swap3A_339], %shift_right_logical3A_338 {strides = array<i32>} : memref<208xi32, #tpu.memory_space<vmem>>, vector<16xi32>,
    %and3A_341 = arith.constant 3 : i32
    %and3A_342 = vector.broadcast %and3A_341 : i32 to vector<16xi32>
    %and3A_343 = arith.andi %get3A_335, %and3A_342 : vector<16xi32>
    %mul3A_344 = arith.constant 32 : i32
    %mul3A_345 = vector.broadcast %mul3A_344 : i32 to vector<16xi32>
    %mul3A_346 = arith.muli %and3A_343, %mul3A_345 : vector<16xi32>
    %swap3A_347 = arith.constant 96 : index
    %swap3A_348 = tpu.vector_load %arg10[%swap3A_347] {strides = array<i32>} : memref<208xi32, #tpu.memory_space<vmem>>, vector<16xi32>,
    tpu.vector_store %arg10[%swap3A_347], %mul3A_346 {strides = array<i32>} : memref<208xi32, #tpu.memory_space<vmem>>, vector<16xi32>,
    %get3A_349 = arith.constant 112 : index
    %get3A_350 = tpu.vector_load %arg6[%get3A_349] {strides = array<i32>} : memref<208xi32, #tpu.memory_space<vmem>>, vector<16xi32>,
    %shift_right_logical3A_351 = arith.constant 2 : i32
    %shift_right_logical3A_352 = vector.broadcast %shift_right_logical3A_351 : i32 to vector<16xi32>
    %shift_right_logical3A_353 = arith.shrui %get3A_350, %shift_right_logical3A_352 : vector<16xi32>
    %swap3A_354 = arith.constant 112 : index
    %swap3A_355 = tpu.vector_load %arg8[%swap3A_354] {strides = array<i32>} : memref<208xi32, #tpu.memory_space<vmem>>, vector<16xi32>,
    tpu.vector_store %arg8[%swap3A_354], %shift_right_logical3A_353 {strides = array<i32>} : memref<208xi32, #tpu.memory_space<vmem>>, vector<16xi32>,
    %and3A_356 = arith.constant 3 : i32
    %and3A_357 = vector.broadcast %and3A_356 : i32 to vector<16xi32>
    %and3A_358 = arith.andi %get3A_350, %and3A_357 : vector<16xi32>
    %mul3A_359 = arith.constant 32 : i32
    %mul3A_360 = vector.broadcast %mul3A_359 : i32 to vector<16xi32>
    %mul3A_361 = arith.muli %and3A_358, %mul3A_360 : vector<16xi32>
    %swap3A_362 = arith.constant 112 : index
    %swap3A_363 = tpu.vector_load %arg10[%swap3A_362] {strides = array<i32>} : memref<208xi32, #tpu.memory_space<vmem>>, vector<16xi32>,
    tpu.vector_store %arg10[%swap3A_362], %mul3A_361 {strides = array<i32>} : memref<208xi32, #tpu.memory_space<vmem>>, vector<16xi32>,
    %get3A_364 = arith.constant 128 : index
    %get3A_365 = tpu.vector_load %arg6[%get3A_364] {strides = array<i32>} : memref<208xi32, #tpu.memory_space<vmem>>, vector<16xi32>,
    %shift_right_logical3A_366 = arith.constant 2 : i32
    %shift_right_logical3A_367 = vector.broadcast %shift_right_logical3A_366 : i32 to vector<16xi32>
    %shift_right_logical3A_368 = arith.shrui %get3A_365, %shift_right_logical3A_367 : vector<16xi32>
    %swap3A_369 = arith.constant 128 : index
    %swap3A_370 = tpu.vector_load %arg8[%swap3A_369] {strides = array<i32>} : memref<208xi32, #tpu.memory_space<vmem>>, vector<16xi32>,
    tpu.vector_store %arg8[%swap3A_369], %shift_right_logical3A_368 {strides = array<i32>} : memref<208xi32, #tpu.memory_space<vmem>>, vector<16xi32>,
    %and3A_371 = arith.constant 3 : i32
    %and3A_372 = vector.broadcast %and3A_371 : i32 to vector<16xi32>
    %and3A_373 = arith.andi %get3A_365, %and3A_372 : vector<16xi32>
    %mul3A_374 = arith.constant 32 : i32
    %mul3A_375 = vector.broadcast %mul3A_374 : i32 to vector<16xi32>
    %mul3A_376 = arith.muli %and3A_373, %mul3A_375 : vector<16xi32>
    %swap3A_377 = arith.constant 128 : index
    %swap3A_378 = tpu.vector_load %arg10[%swap3A_377] {strides = array<i32>} : memref<208xi32, #tpu.memory_space<vmem>>, vector<16xi32>,
    tpu.vector_store %arg10[%swap3A_377], %mul3A_376 {strides = array<i32>} : memref<208xi32, #tpu.memory_space<vmem>>, vector<16xi32>,
    %get3A_379 = arith.constant 144 : index
    %get3A_380 = tpu.vector_load %arg6[%get3A_379] {strides = array<i32>} : memref<208xi32, #tpu.memory_space<vmem>>, vector<16xi32>,
    %shift_right_logical3A_381 = arith.constant 2 : i32
    %shift_right_logical3A_382 = vector.broadcast %shift_right_logical3A_381 : i32 to vector<16xi32>
    %shift_right_logical3A_383 = arith.shrui %get3A_380, %shift_right_logical3A_382 : vector<16xi32>
    %swap3A_384 = arith.constant 144 : index
    %swap3A_385 = tpu.vector_load %arg8[%swap3A_384] {strides = array<i32>} : memref<208xi32, #tpu.memory_space<vmem>>, vector<16xi32>,
    tpu.vector_store %arg8[%swap3A_384], %shift_right_logical3A_383 {strides = array<i32>} : memref<208xi32, #tpu.memory_space<vmem>>, vector<16xi32>,
    %and3A_386 = arith.constant 3 : i32
    %and3A_387 = vector.broadcast %and3A_386 : i32 to vector<16xi32>
    %and3A_388 = arith.andi %get3A_380, %and3A_387 : vector<16xi32>
    %mul3A_389 = arith.constant 32 : i32
    %mul3A_390 = vector.broadcast %mul3A_389 : i32 to vector<16xi32>
    %mul3A_391 = arith.muli %and3A_388, %mul3A_390 : vector<16xi32>
    %swap3A_392 = arith.constant 144 : index
    %swap3A_393 = tpu.vector_load %arg10[%swap3A_392] {strides = array<i32>} : memref<208xi32, #tpu.memory_space<vmem>>, vector<16xi32>,
    tpu.vector_store %arg10[%swap3A_392], %mul3A_391 {strides = array<i32>} : memref<208xi32, #tpu.memory_space<vmem>>, vector<16xi32>,
    %get3A_394 = arith.constant 160 : index
    %get3A_395 = tpu.vector_load %arg6[%get3A_394] {strides = array<i32>} : memref<208xi32, #tpu.memory_space<vmem>>, vector<16xi32>,
    %shift_right_logical3A_396 = arith.constant 2 : i32
    %shift_right_logical3A_397 = vector.broadcast %shift_right_logical3A_396 : i32 to vector<16xi32>
    %shift_right_logical3A_398 = arith.shrui %get3A_395, %shift_right_logical3A_397 : vector<16xi32>
    %swap3A_399 = arith.constant 160 : index
    %swap3A_400 = tpu.vector_load %arg8[%swap3A_399] {strides = array<i32>} : memref<208xi32, #tpu.memory_space<vmem>>, vector<16xi32>,
    tpu.vector_store %arg8[%swap3A_399], %shift_right_logical3A_398 {strides = array<i32>} : memref<208xi32, #tpu.memory_space<vmem>>, vector<16xi32>,
    %and3A_401 = arith.constant 3 : i32
    %and3A_402 = vector.broadcast %and3A_401 : i32 to vector<16xi32>
    %and3A_403 = arith.andi %get3A_395, %and3A_402 : vector<16xi32>
    %mul3A_404 = arith.constant 32 : i32
    %mul3A_405 = vector.broadcast %mul3A_404 : i32 to vector<16xi32>
    %mul3A_406 = arith.muli %and3A_403, %mul3A_405 : vector<16xi32>
    %swap3A_407 = arith.constant 160 : index
    %swap3A_408 = tpu.vector_load %arg10[%swap3A_407] {strides = array<i32>} : memref<208xi32, #tpu.memory_space<vmem>>, vector<16xi32>,
    tpu.vector_store %arg10[%swap3A_407], %mul3A_406 {strides = array<i32>} : memref<208xi32, #tpu.memory_space<vmem>>, vector<16xi32>,
    %get3A_409 = arith.constant 176 : index
    %get3A_410 = tpu.vector_load %arg6[%get3A_409] {strides = array<i32>} : memref<208xi32, #tpu.memory_space<vmem>>, vector<16xi32>,
    %shift_right_logical3A_411 = arith.constant 2 : i32
    %shift_right_logical3A_412 = vector.broadcast %shift_right_logical3A_411 : i32 to vector<16xi32>
    %shift_right_logical3A_413 = arith.shrui %get3A_410, %shift_right_logical3A_412 : vector<16xi32>
    %swap3A_414 = arith.constant 176 : index
    %swap3A_415 = tpu.vector_load %arg8[%swap3A_414] {strides = array<i32>} : memref<208xi32, #tpu.memory_space<vmem>>, vector<16xi32>,
    tpu.vector_store %arg8[%swap3A_414], %shift_right_logical3A_413 {strides = array<i32>} : memref<208xi32, #tpu.memory_space<vmem>>, vector<16xi32>,
    %and3A_416 = arith.constant 3 : i32
    %and3A_417 = vector.broadcast %and3A_416 : i32 to vector<16xi32>
    %and3A_418 = arith.andi %get3A_410, %and3A_417 : vector<16xi32>
    %mul3A_419 = arith.constant 32 : i32
    %mul3A_420 = vector.broadcast %mul3A_419 : i32 to vector<16xi32>
    %mul3A_421 = arith.muli %and3A_418, %mul3A_420 : vector<16xi32>
    %swap3A_422 = arith.constant 176 : index
    %swap3A_423 = tpu.vector_load %arg10[%swap3A_422] {strides = array<i32>} : memref<208xi32, #tpu.memory_space<vmem>>, vector<16xi32>,
    tpu.vector_store %arg10[%swap3A_422], %mul3A_421 {strides = array<i32>} : memref<208xi32, #tpu.memory_space<vmem>>, vector<16xi32>,
    %get3A_424 = arith.constant 192 : index
    %get3A_425 = tpu.vector_load %arg6[%get3A_424] {strides = array<i32>} : memref<208xi32, #tpu.memory_space<vmem>>, vector<16xi32>,
    %shift_right_logical3A_426 = arith.constant 2 : i32
    %shift_right_logical3A_427 = vector.broadcast %shift_right_logical3A_426 : i32 to vector<16xi32>
    %shift_right_logical3A_428 = arith.shrui %get3A_425, %shift_right_logical3A_427 : vector<16xi32>
    %swap3A_429 = arith.constant 192 : index
    %swap3A_430 = tpu.vector_load %arg8[%swap3A_429] {strides = array<i32>} : memref<208xi32, #tpu.memory_space<vmem>>, vector<16xi32>,
    tpu.vector_store %arg8[%swap3A_429], %shift_right_logical3A_428 {strides = array<i32>} : memref<208xi32, #tpu.memory_space<vmem>>, vector<16xi32>,
    %and3A_431 = arith.constant 3 : i32
    %and3A_432 = vector.broadcast %and3A_431 : i32 to vector<16xi32>
    %and3A_433 = arith.andi %get3A_425, %and3A_432 : vector<16xi32>
    %mul3A_434 = arith.constant 32 : i32
    %mul3A_435 = vector.broadcast %mul3A_434 : i32 to vector<16xi32>
    %mul3A_436 = arith.muli %and3A_433, %mul3A_435 : vector<16xi32>
    %swap3A_437 = arith.constant 192 : index
    %swap3A_438 = tpu.vector_load %arg10[%swap3A_437] {strides = array<i32>} : memref<208xi32, #tpu.memory_space<vmem>>, vector<16xi32>,
    tpu.vector_store %arg10[%swap3A_437], %mul3A_436 {strides = array<i32>} : memref<208xi32, #tpu.memory_space<vmem>>, vector<16xi32>,
    %dma_start3A_439 = arith.constant 0 : i32
    %dma_start3A_440 = arith.constant 0 : i32
    %dma_start3A_441 = tpu.memref_slice %arg12[%dma_start3A_439, %dma_start3A_440] : memref<208x128xf32, #tpu.memory_space<vmem>> -> memref<128x128xf32, #tpu.memory_space<vmem>>
    %dma_start3A_442 = arith.constant 0 : i32
    %dma_start3A_443 = tpu.memref_slice %arg8[%dma_start3A_442] : memref<208xi32, #tpu.memory_space<vmem>> -> memref<128xi32, #tpu.memory_space<vmem>>
    %dma_start3A_444 = arith.constant 0 : i32
    %dma_start3A_445 = arith.constant 0 : i32
    %dma_start3A_446 = tpu.memref_slice %arg2[%dma_start3A_444, %dma_start3A_445] : memref<250000x128xf32, #tpu.memory_space<hbm>> -> memref<250000x128xf32, #tpu.memory_space<hbm>>
    tpu.enqueue_indirect_dma source(%dma_start3A_446 : memref<250000x128xf32, #tpu.memory_space<hbm>>) target(%dma_start3A_441 : memref<128x128xf32, #tpu.memory_space<vmem>>) offsets(%dma_start3A_443 : memref<128xi32, #tpu.memory_space<vmem>>) semaphore(%arg18 : memref<!tpu.dma_semaphore, #tpu.memory_space<semaphore_mem>>)
    %dma_start3A_447 = arith.constant 128 : i32
    %dma_start3A_448 = arith.constant 0 : i32
    %dma_start3A_449 = tpu.memref_slice %arg12[%dma_start3A_447, %dma_start3A_448] : memref<208x128xf32, #tpu.memory_space<vmem>> -> memref<72x128xf32, #tpu.memory_space<vmem>>
    %dma_start3A_450 = arith.constant 128 : i32
    %dma_start3A_451 = tpu.memref_slice %arg8[%dma_start3A_450] : memref<208xi32, #tpu.memory_space<vmem>> -> memref<72xi32, #tpu.memory_space<vmem>>
    %dma_start3A_452 = arith.constant 0 : i32
    %dma_start3A_453 = arith.constant 0 : i32
    %dma_start3A_454 = tpu.memref_slice %arg2[%dma_start3A_452, %dma_start3A_453] : memref<250000x128xf32, #tpu.memory_space<hbm>> -> memref<250000x128xf32, #tpu.memory_space<hbm>>
    tpu.enqueue_indirect_dma source(%dma_start3A_454 : memref<250000x128xf32, #tpu.memory_space<hbm>>) target(%dma_start3A_449 : memref<72x128xf32, #tpu.memory_space<vmem>>) offsets(%dma_start3A_451 : memref<72xi32, #tpu.memory_space<vmem>>) semaphore(%arg18 : memref<!tpu.dma_semaphore, #tpu.memory_space<semaphore_mem>>)
    %add3A_455 = arith.constant 2 : i32
    %add3A_456 = arith.addi %mul3A_2, %add3A_455 : i32
    %mul3A_457 = arith.constant 200 : i32
    %mul3A_458 = arith.muli %add3A_456, %mul3A_457 : i32
    %dma_start3A_459 = arith.constant 0 : i32
    %dma_start3A_460 = tpu.memref_slice %arg5[%dma_start3A_459] : memref<208xi32, #tpu.memory_space<vmem>> -> memref<200xi32, #tpu.memory_space<vmem>>
    %dma_start3A_461 = tpu.memref_slice %arg3[%mul3A_458] : memref<819200xi32, #tpu.memory_space<hbm>> -> memref<200xi32, #tpu.memory_space<hbm>>
    %dma_start3A_462 = arith.constant 0 : i32
    %dma_start3A_463 = tpu.memref_slice %arg5[%dma_start3A_462] : memref<208xi32, #tpu.memory_space<vmem>> -> memref<200xi32, #tpu.memory_space<vmem>>
    %dma_start3A_464 = tpu.memref_slice %arg3[%mul3A_458] : memref<819200xi32, #tpu.memory_space<hbm>> -> memref<200xi32, #tpu.memory_space<hbm>>
    tpu.enqueue_dma source(%dma_start3A_464 : memref<200xi32, #tpu.memory_space<hbm>>) target(%dma_start3A_463 : memref<200xi32, #tpu.memory_space<vmem>>) target_semaphore(%arg15 : memref<!tpu.dma_semaphore, #tpu.memory_space<semaphore_mem>>)
    %dma_wait3A_465 = arith.constant 0 : i32
    %dma_wait3A_466 = arith.constant 0 : i32
    %dma_wait3A_467 = tpu.memref_slice %arg11[%dma_wait3A_465, %dma_wait3A_466] : memref<208x128xf32, #tpu.memory_space<vmem>> -> memref<200x128xf32, #tpu.memory_space<vmem>>
    %dma_wait3A_468 = arith.constant 0 : i32
    %dma_wait3A_469 = arith.constant 0 : i32
    %dma_wait3A_470 = tpu.memref_slice %arg2[%dma_wait3A_468, %dma_wait3A_469] : memref<250000x128xf32, #tpu.memory_space<hbm>> -> memref<200x128xf32, #tpu.memory_space<hbm>>
    %dma_wait3A_471 = arith.constant 0 : i32
    %dma_wait3A_472 = arith.constant 0 : i32
    %dma_wait3A_473 = tpu.memref_slice %arg11[%dma_wait3A_471, %dma_wait3A_472] : memref<208x128xf32, #tpu.memory_space<vmem>> -> memref<200x128xf32, #tpu.memory_space<vmem>>
    %dma_wait3A_474 = arith.constant 0 : i32
    %dma_wait3A_475 = arith.constant 0 : i32
    %dma_wait3A_476 = tpu.memref_slice %arg2[%dma_wait3A_474, %dma_wait3A_475] : memref<250000x128xf32, #tpu.memory_space<hbm>> -> memref<200x128xf32, #tpu.memory_space<hbm>>
    tpu.wait_dma2 semaphore(%arg17 : memref<!tpu.dma_semaphore, #tpu.memory_space<semaphore_mem>>) src(%dma_wait3A_476 : memref<200x128xf32, #tpu.memory_space<hbm>>) dst(%dma_wait3A_473 : memref<200x128xf32, #tpu.memory_space<vmem>>)
    %scan3A = arith.constant 0 : i32
    %scan3A_477 = arith.constant 13 : i32
    %scan3A_478 = arith.addi %scan3A, %scan3A_477 : i32
    %scan3A_479 = arith.constant 1 : i32
    scf.for %scan3A_1109 = %scan3A to %scan3A_478 step %scan3A_479  : i32 {
      %mul3A_1110 = arith.constant 1 : i32
      %mul3A_1111 = arith.muli %scan3A_1109, %mul3A_1110 : i32
      %add3A_1112 = arith.constant 0 : i32
      %add3A_1113 = arith.addi %add3A_1112, %mul3A_1111 : i32
      %mul3A_1114 = arith.constant 16 : i32
      %mul3A_1115 = arith.muli %add3A_1113, %mul3A_1114 : i32
      %add3A_1116 = vector.broadcast %mul3A_1115 : i32 to vector<16xi32>
      %add3A_1117 = arith.addi %iota3A, %add3A_1116 : vector<16xi32>
      %mul3A_1118 = arith.constant 16 : i32
      %mul3A_1119 = arith.muli %add3A_1113, %mul3A_1118 : i32
      %get3A_1120 = arith.index_cast %mul3A_1119 : i32 to index
      %get3A_1121 = tpu.vector_load %arg9[%get3A_1120] {strides = array<i32>} : memref<208xi32, #tpu.memory_space<vmem>>, vector<16xi32>,
      %add3A_1122 = arith.constant 0 : i32
      %add3A_1123 = vector.broadcast %add3A_1122 : i32 to vector<16xi32>
      %add3A_1124 = arith.addi %get3A_1121, %add3A_1123 : vector<16xi32>
      %gather3A = tpu.vector_load_idx %arg11[%add3A_1117, %add3A_1124] : memref<208x128xf32, #tpu.memory_space<vmem>>[vector<16xi32>, vector<16xi32>], vector<16xf32>,
      %broadcast_in_dim3A = arith.constant 0 : i32
      %broadcast_in_dim3A_1125 = vector.broadcast %broadcast_in_dim3A : i32 to vector<16xi32>
      tpu.vector_store_idx %arg13[%add3A_1117, %broadcast_in_dim3A_1125], %gather3A : memref<208x32xf32, #tpu.memory_space<vmem>>[vector<16xi32>, vector<16xi32>], vector<16xf32>,
      %add3A_1126 = arith.constant 1 : i32
      %add3A_1127 = vector.broadcast %add3A_1126 : i32 to vector<16xi32>
      %add3A_1128 = arith.addi %get3A_1121, %add3A_1127 : vector<16xi32>
      %gather3A_1129 = tpu.vector_load_idx %arg11[%add3A_1117, %add3A_1128] : memref<208x128xf32, #tpu.memory_space<vmem>>[vector<16xi32>, vector<16xi32>], vector<16xf32>,
      %broadcast_in_dim3A_1130 = arith.constant 1 : i32
      %broadcast_in_dim3A_1131 = vector.broadcast %broadcast_in_dim3A_1130 : i32 to vector<16xi32>
      tpu.vector_store_idx %arg13[%add3A_1117, %broadcast_in_dim3A_1131], %gather3A_1129 : memref<208x32xf32, #tpu.memory_space<vmem>>[vector<16xi32>, vector<16xi32>], vector<16xf32>,
      %add3A_1132 = arith.constant 2 : i32
      %add3A_1133 = vector.broadcast %add3A_1132 : i32 to vector<16xi32>
      %add3A_1134 = arith.addi %get3A_1121, %add3A_1133 : vector<16xi32>
      %gather3A_1135 = tpu.vector_load_idx %arg11[%add3A_1117, %add3A_1134] : memref<208x128xf32, #tpu.memory_space<vmem>>[vector<16xi32>, vector<16xi32>], vector<16xf32>,
      %broadcast_in_dim3A_1136 = arith.constant 2 : i32
      %broadcast_in_dim3A_1137 = vector.broadcast %broadcast_in_dim3A_1136 : i32 to vector<16xi32>
      tpu.vector_store_idx %arg13[%add3A_1117, %broadcast_in_dim3A_1137], %gather3A_1135 : memref<208x32xf32, #tpu.memory_space<vmem>>[vector<16xi32>, vector<16xi32>], vector<16xf32>,
      %add3A_1138 = arith.constant 3 : i32
      %add3A_1139 = vector.broadcast %add3A_1138 : i32 to vector<16xi32>
      %add3A_1140 = arith.addi %get3A_1121, %add3A_1139 : vector<16xi32>
      %gather3A_1141 = tpu.vector_load_idx %arg11[%add3A_1117, %add3A_1140] : memref<208x128xf32, #tpu.memory_space<vmem>>[vector<16xi32>, vector<16xi32>], vector<16xf32>,
      %broadcast_in_dim3A_1142 = arith.constant 3 : i32
      %broadcast_in_dim3A_1143 = vector.broadcast %broadcast_in_dim3A_1142 : i32 to vector<16xi32>
      tpu.vector_store_idx %arg13[%add3A_1117, %broadcast_in_dim3A_1143], %gather3A_1141 : memref<208x32xf32, #tpu.memory_space<vmem>>[vector<16xi32>, vector<16xi32>], vector<16xf32>,
      %add3A_1144 = arith.constant 4 : i32
      %add3A_1145 = vector.broadcast %add3A_1144 : i32 to vector<16xi32>
      %add3A_1146 = arith.addi %get3A_1121, %add3A_1145 : vector<16xi32>
      %gather3A_1147 = tpu.vector_load_idx %arg11[%add3A_1117, %add3A_1146] : memref<208x128xf32, #tpu.memory_space<vmem>>[vector<16xi32>, vector<16xi32>], vector<16xf32>,
      %broadcast_in_dim3A_1148 = arith.constant 4 : i32
      %broadcast_in_dim3A_1149 = vector.broadcast %broadcast_in_dim3A_1148 : i32 to vector<16xi32>
      tpu.vector_store_idx %arg13[%add3A_1117, %broadcast_in_dim3A_1149], %gather3A_1147 : memref<208x32xf32, #tpu.memory_space<vmem>>[vector<16xi32>, vector<16xi32>], vector<16xf32>,
      %add3A_1150 = arith.constant 5 : i32
      %add3A_1151 = vector.broadcast %add3A_1150 : i32 to vector<16xi32>
      %add3A_1152 = arith.addi %get3A_1121, %add3A_1151 : vector<16xi32>
      %gather3A_1153 = tpu.vector_load_idx %arg11[%add3A_1117, %add3A_1152] : memref<208x128xf32, #tpu.memory_space<vmem>>[vector<16xi32>, vector<16xi32>], vector<16xf32>,
      %broadcast_in_dim3A_1154 = arith.constant 5 : i32
      %broadcast_in_dim3A_1155 = vector.broadcast %broadcast_in_dim3A_1154 : i32 to vector<16xi32>
      tpu.vector_store_idx %arg13[%add3A_1117, %broadcast_in_dim3A_1155], %gather3A_1153 : memref<208x32xf32, #tpu.memory_space<vmem>>[vector<16xi32>, vector<16xi32>], vector<16xf32>,
      %add3A_1156 = arith.constant 6 : i32
      %add3A_1157 = vector.broadcast %add3A_1156 : i32 to vector<16xi32>
      %add3A_1158 = arith.addi %get3A_1121, %add3A_1157 : vector<16xi32>
      %gather3A_1159 = tpu.vector_load_idx %arg11[%add3A_1117, %add3A_1158] : memref<208x128xf32, #tpu.memory_space<vmem>>[vector<16xi32>, vector<16xi32>], vector<16xf32>,
      %broadcast_in_dim3A_1160 = arith.constant 6 : i32
      %broadcast_in_dim3A_1161 = vector.broadcast %broadcast_in_dim3A_1160 : i32 to vector<16xi32>
      tpu.vector_store_idx %arg13[%add3A_1117, %broadcast_in_dim3A_1161], %gather3A_1159 : memref<208x32xf32, #tpu.memory_space<vmem>>[vector<16xi32>, vector<16xi32>], vector<16xf32>,
      %add3A_1162 = arith.constant 7 : i32
      %add3A_1163 = vector.broadcast %add3A_1162 : i32 to vector<16xi32>
      %add3A_1164 = arith.addi %get3A_1121, %add3A_1163 : vector<16xi32>
      %gather3A_1165 = tpu.vector_load_idx %arg11[%add3A_1117, %add3A_1164] : memref<208x128xf32, #tpu.memory_space<vmem>>[vector<16xi32>, vector<16xi32>], vector<16xf32>,
      %broadcast_in_dim3A_1166 = arith.constant 7 : i32
      %broadcast_in_dim3A_1167 = vector.broadcast %broadcast_in_dim3A_1166 : i32 to vector<16xi32>
      tpu.vector_store_idx %arg13[%add3A_1117, %broadcast_in_dim3A_1167], %gather3A_1165 : memref<208x32xf32, #tpu.memory_space<vmem>>[vector<16xi32>, vector<16xi32>], vector<16xf32>,
      %add3A_1168 = arith.constant 8 : i32
      %add3A_1169 = vector.broadcast %add3A_1168 : i32 to vector<16xi32>
      %add3A_1170 = arith.addi %get3A_1121, %add3A_1169 : vector<16xi32>
      %gather3A_1171 = tpu.vector_load_idx %arg11[%add3A_1117, %add3A_1170] : memref<208x128xf32, #tpu.memory_space<vmem>>[vector<16xi32>, vector<16xi32>], vector<16xf32>,
      %broadcast_in_dim3A_1172 = arith.constant 8 : i32
      %broadcast_in_dim3A_1173 = vector.broadcast %broadcast_in_dim3A_1172 : i32 to vector<16xi32>
      tpu.vector_store_idx %arg13[%add3A_1117, %broadcast_in_dim3A_1173], %gather3A_1171 : memref<208x32xf32, #tpu.memory_space<vmem>>[vector<16xi32>, vector<16xi32>], vector<16xf32>,
      %add3A_1174 = arith.constant 9 : i32
      %add3A_1175 = vector.broadcast %add3A_1174 : i32 to vector<16xi32>
      %add3A_1176 = arith.addi %get3A_1121, %add3A_1175 : vector<16xi32>
      %gather3A_1177 = tpu.vector_load_idx %arg11[%add3A_1117, %add3A_1176] : memref<208x128xf32, #tpu.memory_space<vmem>>[vector<16xi32>, vector<16xi32>], vector<16xf32>,
      %broadcast_in_dim3A_1178 = arith.constant 9 : i32
      %broadcast_in_dim3A_1179 = vector.broadcast %broadcast_in_dim3A_1178 : i32 to vector<16xi32>
      tpu.vector_store_idx %arg13[%add3A_1117, %broadcast_in_dim3A_1179], %gather3A_1177 : memref<208x32xf32, #tpu.memory_space<vmem>>[vector<16xi32>, vector<16xi32>], vector<16xf32>,
      %add3A_1180 = arith.constant 10 : i32
      %add3A_1181 = vector.broadcast %add3A_1180 : i32 to vector<16xi32>
      %add3A_1182 = arith.addi %get3A_1121, %add3A_1181 : vector<16xi32>
      %gather3A_1183 = tpu.vector_load_idx %arg11[%add3A_1117, %add3A_1182] : memref<208x128xf32, #tpu.memory_space<vmem>>[vector<16xi32>, vector<16xi32>], vector<16xf32>,
      %broadcast_in_dim3A_1184 = arith.constant 10 : i32
      %broadcast_in_dim3A_1185 = vector.broadcast %broadcast_in_dim3A_1184 : i32 to vector<16xi32>
      tpu.vector_store_idx %arg13[%add3A_1117, %broadcast_in_dim3A_1185], %gather3A_1183 : memref<208x32xf32, #tpu.memory_space<vmem>>[vector<16xi32>, vector<16xi32>], vector<16xf32>,
      %add3A_1186 = arith.constant 11 : i32
      %add3A_1187 = vector.broadcast %add3A_1186 : i32 to vector<16xi32>
      %add3A_1188 = arith.addi %get3A_1121, %add3A_1187 : vector<16xi32>
      %gather3A_1189 = tpu.vector_load_idx %arg11[%add3A_1117, %add3A_1188] : memref<208x128xf32, #tpu.memory_space<vmem>>[vector<16xi32>, vector<16xi32>], vector<16xf32>,
      %broadcast_in_dim3A_1190 = arith.constant 11 : i32
      %broadcast_in_dim3A_1191 = vector.broadcast %broadcast_in_dim3A_1190 : i32 to vector<16xi32>
      tpu.vector_store_idx %arg13[%add3A_1117, %broadcast_in_dim3A_1191], %gather3A_1189 : memref<208x32xf32, #tpu.memory_space<vmem>>[vector<16xi32>, vector<16xi32>], vector<16xf32>,
      %add3A_1192 = arith.constant 12 : i32
      %add3A_1193 = vector.broadcast %add3A_1192 : i32 to vector<16xi32>
      %add3A_1194 = arith.addi %get3A_1121, %add3A_1193 : vector<16xi32>
      %gather3A_1195 = tpu.vector_load_idx %arg11[%add3A_1117, %add3A_1194] : memref<208x128xf32, #tpu.memory_space<vmem>>[vector<16xi32>, vector<16xi32>], vector<16xf32>,
      %broadcast_in_dim3A_1196 = arith.constant 12 : i32
      %broadcast_in_dim3A_1197 = vector.broadcast %broadcast_in_dim3A_1196 : i32 to vector<16xi32>
      tpu.vector_store_idx %arg13[%add3A_1117, %broadcast_in_dim3A_1197], %gather3A_1195 : memref<208x32xf32, #tpu.memory_space<vmem>>[vector<16xi32>, vector<16xi32>], vector<16xf32>,
      %add3A_1198 = arith.constant 13 : i32
      %add3A_1199 = vector.broadcast %add3A_1198 : i32 to vector<16xi32>
      %add3A_1200 = arith.addi %get3A_1121, %add3A_1199 : vector<16xi32>
      %gather3A_1201 = tpu.vector_load_idx %arg11[%add3A_1117, %add3A_1200] : memref<208x128xf32, #tpu.memory_space<vmem>>[vector<16xi32>, vector<16xi32>], vector<16xf32>,
      %broadcast_in_dim3A_1202 = arith.constant 13 : i32
      %broadcast_in_dim3A_1203 = vector.broadcast %broadcast_in_dim3A_1202 : i32 to vector<16xi32>
      tpu.vector_store_idx %arg13[%add3A_1117, %broadcast_in_dim3A_1203], %gather3A_1201 : memref<208x32xf32, #tpu.memory_space<vmem>>[vector<16xi32>, vector<16xi32>], vector<16xf32>,
      %add3A_1204 = arith.constant 14 : i32
      %add3A_1205 = vector.broadcast %add3A_1204 : i32 to vector<16xi32>
      %add3A_1206 = arith.addi %get3A_1121, %add3A_1205 : vector<16xi32>
      %gather3A_1207 = tpu.vector_load_idx %arg11[%add3A_1117, %add3A_1206] : memref<208x128xf32, #tpu.memory_space<vmem>>[vector<16xi32>, vector<16xi32>], vector<16xf32>,
      %broadcast_in_dim3A_1208 = arith.constant 14 : i32
      %broadcast_in_dim3A_1209 = vector.broadcast %broadcast_in_dim3A_1208 : i32 to vector<16xi32>
      tpu.vector_store_idx %arg13[%add3A_1117, %broadcast_in_dim3A_1209], %gather3A_1207 : memref<208x32xf32, #tpu.memory_space<vmem>>[vector<16xi32>, vector<16xi32>], vector<16xf32>,
      %add3A_1210 = arith.constant 15 : i32
      %add3A_1211 = vector.broadcast %add3A_1210 : i32 to vector<16xi32>
      %add3A_1212 = arith.addi %get3A_1121, %add3A_1211 : vector<16xi32>
      %gather3A_1213 = tpu.vector_load_idx %arg11[%add3A_1117, %add3A_1212] : memref<208x128xf32, #tpu.memory_space<vmem>>[vector<16xi32>, vector<16xi32>], vector<16xf32>,
      %broadcast_in_dim3A_1214 = arith.constant 15 : i32
      %broadcast_in_dim3A_1215 = vector.broadcast %broadcast_in_dim3A_1214 : i32 to vector<16xi32>
      tpu.vector_store_idx %arg13[%add3A_1117, %broadcast_in_dim3A_1215], %gather3A_1213 : memref<208x32xf32, #tpu.memory_space<vmem>>[vector<16xi32>, vector<16xi32>], vector<16xf32>,
      %add3A_1216 = arith.constant 16 : i32
      %add3A_1217 = vector.broadcast %add3A_1216 : i32 to vector<16xi32>
      %add3A_1218 = arith.addi %get3A_1121, %add3A_1217 : vector<16xi32>
      %gather3A_1219 = tpu.vector_load_idx %arg11[%add3A_1117, %add3A_1218] : memref<208x128xf32, #tpu.memory_space<vmem>>[vector<16xi32>, vector<16xi32>], vector<16xf32>,
      %broadcast_in_dim3A_1220 = arith.constant 16 : i32
      %broadcast_in_dim3A_1221 = vector.broadcast %broadcast_in_dim3A_1220 : i32 to vector<16xi32>
      tpu.vector_store_idx %arg13[%add3A_1117, %broadcast_in_dim3A_1221], %gather3A_1219 : memref<208x32xf32, #tpu.memory_space<vmem>>[vector<16xi32>, vector<16xi32>], vector<16xf32>,
      %add3A_1222 = arith.constant 17 : i32
      %add3A_1223 = vector.broadcast %add3A_1222 : i32 to vector<16xi32>
      %add3A_1224 = arith.addi %get3A_1121, %add3A_1223 : vector<16xi32>
      %gather3A_1225 = tpu.vector_load_idx %arg11[%add3A_1117, %add3A_1224] : memref<208x128xf32, #tpu.memory_space<vmem>>[vector<16xi32>, vector<16xi32>], vector<16xf32>,
      %broadcast_in_dim3A_1226 = arith.constant 17 : i32
      %broadcast_in_dim3A_1227 = vector.broadcast %broadcast_in_dim3A_1226 : i32 to vector<16xi32>
      tpu.vector_store_idx %arg13[%add3A_1117, %broadcast_in_dim3A_1227], %gather3A_1225 : memref<208x32xf32, #tpu.memory_space<vmem>>[vector<16xi32>, vector<16xi32>], vector<16xf32>,
      %add3A_1228 = arith.constant 18 : i32
      %add3A_1229 = vector.broadcast %add3A_1228 : i32 to vector<16xi32>
      %add3A_1230 = arith.addi %get3A_1121, %add3A_1229 : vector<16xi32>
      %gather3A_1231 = tpu.vector_load_idx %arg11[%add3A_1117, %add3A_1230] : memref<208x128xf32, #tpu.memory_space<vmem>>[vector<16xi32>, vector<16xi32>], vector<16xf32>,
      %broadcast_in_dim3A_1232 = arith.constant 18 : i32
      %broadcast_in_dim3A_1233 = vector.broadcast %broadcast_in_dim3A_1232 : i32 to vector<16xi32>
      tpu.vector_store_idx %arg13[%add3A_1117, %broadcast_in_dim3A_1233], %gather3A_1231 : memref<208x32xf32, #tpu.memory_space<vmem>>[vector<16xi32>, vector<16xi32>], vector<16xf32>,
      %add3A_1234 = arith.constant 19 : i32
      %add3A_1235 = vector.broadcast %add3A_1234 : i32 to vector<16xi32>
      %add3A_1236 = arith.addi %get3A_1121, %add3A_1235 : vector<16xi32>
      %gather3A_1237 = tpu.vector_load_idx %arg11[%add3A_1117, %add3A_1236] : memref<208x128xf32, #tpu.memory_space<vmem>>[vector<16xi32>, vector<16xi32>], vector<16xf32>,
      %broadcast_in_dim3A_1238 = arith.constant 19 : i32
      %broadcast_in_dim3A_1239 = vector.broadcast %broadcast_in_dim3A_1238 : i32 to vector<16xi32>
      tpu.vector_store_idx %arg13[%add3A_1117, %broadcast_in_dim3A_1239], %gather3A_1237 : memref<208x32xf32, #tpu.memory_space<vmem>>[vector<16xi32>, vector<16xi32>], vector<16xf32>,
      %add3A_1240 = arith.constant 20 : i32
      %add3A_1241 = vector.broadcast %add3A_1240 : i32 to vector<16xi32>
      %add3A_1242 = arith.addi %get3A_1121, %add3A_1241 : vector<16xi32>
      %gather3A_1243 = tpu.vector_load_idx %arg11[%add3A_1117, %add3A_1242] : memref<208x128xf32, #tpu.memory_space<vmem>>[vector<16xi32>, vector<16xi32>], vector<16xf32>,
      %broadcast_in_dim3A_1244 = arith.constant 20 : i32
      %broadcast_in_dim3A_1245 = vector.broadcast %broadcast_in_dim3A_1244 : i32 to vector<16xi32>
      tpu.vector_store_idx %arg13[%add3A_1117, %broadcast_in_dim3A_1245], %gather3A_1243 : memref<208x32xf32, #tpu.memory_space<vmem>>[vector<16xi32>, vector<16xi32>], vector<16xf32>,
      %add3A_1246 = arith.constant 21 : i32
      %add3A_1247 = vector.broadcast %add3A_1246 : i32 to vector<16xi32>
      %add3A_1248 = arith.addi %get3A_1121, %add3A_1247 : vector<16xi32>
      %gather3A_1249 = tpu.vector_load_idx %arg11[%add3A_1117, %add3A_1248] : memref<208x128xf32, #tpu.memory_space<vmem>>[vector<16xi32>, vector<16xi32>], vector<16xf32>,
      %broadcast_in_dim3A_1250 = arith.constant 21 : i32
      %broadcast_in_dim3A_1251 = vector.broadcast %broadcast_in_dim3A_1250 : i32 to vector<16xi32>
      tpu.vector_store_idx %arg13[%add3A_1117, %broadcast_in_dim3A_1251], %gather3A_1249 : memref<208x32xf32, #tpu.memory_space<vmem>>[vector<16xi32>, vector<16xi32>], vector<16xf32>,
      %add3A_1252 = arith.constant 22 : i32
      %add3A_1253 = vector.broadcast %add3A_1252 : i32 to vector<16xi32>
      %add3A_1254 = arith.addi %get3A_1121, %add3A_1253 : vector<16xi32>
      %gather3A_1255 = tpu.vector_load_idx %arg11[%add3A_1117, %add3A_1254] : memref<208x128xf32, #tpu.memory_space<vmem>>[vector<16xi32>, vector<16xi32>], vector<16xf32>,
      %broadcast_in_dim3A_1256 = arith.constant 22 : i32
      %broadcast_in_dim3A_1257 = vector.broadcast %broadcast_in_dim3A_1256 : i32 to vector<16xi32>
      tpu.vector_store_idx %arg13[%add3A_1117, %broadcast_in_dim3A_1257], %gather3A_1255 : memref<208x32xf32, #tpu.memory_space<vmem>>[vector<16xi32>, vector<16xi32>], vector<16xf32>,
      %add3A_1258 = arith.constant 23 : i32
      %add3A_1259 = vector.broadcast %add3A_1258 : i32 to vector<16xi32>
      %add3A_1260 = arith.addi %get3A_1121, %add3A_1259 : vector<16xi32>
      %gather3A_1261 = tpu.vector_load_idx %arg11[%add3A_1117, %add3A_1260] : memref<208x128xf32, #tpu.memory_space<vmem>>[vector<16xi32>, vector<16xi32>], vector<16xf32>,
      %broadcast_in_dim3A_1262 = arith.constant 23 : i32
      %broadcast_in_dim3A_1263 = vector.broadcast %broadcast_in_dim3A_1262 : i32 to vector<16xi32>
      tpu.vector_store_idx %arg13[%add3A_1117, %broadcast_in_dim3A_1263], %gather3A_1261 : memref<208x32xf32, #tpu.memory_space<vmem>>[vector<16xi32>, vector<16xi32>], vector<16xf32>,
      %add3A_1264 = arith.constant 24 : i32
      %add3A_1265 = vector.broadcast %add3A_1264 : i32 to vector<16xi32>
      %add3A_1266 = arith.addi %get3A_1121, %add3A_1265 : vector<16xi32>
      %gather3A_1267 = tpu.vector_load_idx %arg11[%add3A_1117, %add3A_1266] : memref<208x128xf32, #tpu.memory_space<vmem>>[vector<16xi32>, vector<16xi32>], vector<16xf32>,
      %broadcast_in_dim3A_1268 = arith.constant 24 : i32
      %broadcast_in_dim3A_1269 = vector.broadcast %broadcast_in_dim3A_1268 : i32 to vector<16xi32>
      tpu.vector_store_idx %arg13[%add3A_1117, %broadcast_in_dim3A_1269], %gather3A_1267 : memref<208x32xf32, #tpu.memory_space<vmem>>[vector<16xi32>, vector<16xi32>], vector<16xf32>,
      %add3A_1270 = arith.constant 25 : i32
      %add3A_1271 = vector.broadcast %add3A_1270 : i32 to vector<16xi32>
      %add3A_1272 = arith.addi %get3A_1121, %add3A_1271 : vector<16xi32>
      %gather3A_1273 = tpu.vector_load_idx %arg11[%add3A_1117, %add3A_1272] : memref<208x128xf32, #tpu.memory_space<vmem>>[vector<16xi32>, vector<16xi32>], vector<16xf32>,
      %broadcast_in_dim3A_1274 = arith.constant 25 : i32
      %broadcast_in_dim3A_1275 = vector.broadcast %broadcast_in_dim3A_1274 : i32 to vector<16xi32>
      tpu.vector_store_idx %arg13[%add3A_1117, %broadcast_in_dim3A_1275], %gather3A_1273 : memref<208x32xf32, #tpu.memory_space<vmem>>[vector<16xi32>, vector<16xi32>], vector<16xf32>,
      %add3A_1276 = arith.constant 26 : i32
      %add3A_1277 = vector.broadcast %add3A_1276 : i32 to vector<16xi32>
      %add3A_1278 = arith.addi %get3A_1121, %add3A_1277 : vector<16xi32>
      %gather3A_1279 = tpu.vector_load_idx %arg11[%add3A_1117, %add3A_1278] : memref<208x128xf32, #tpu.memory_space<vmem>>[vector<16xi32>, vector<16xi32>], vector<16xf32>,
      %broadcast_in_dim3A_1280 = arith.constant 26 : i32
      %broadcast_in_dim3A_1281 = vector.broadcast %broadcast_in_dim3A_1280 : i32 to vector<16xi32>
      tpu.vector_store_idx %arg13[%add3A_1117, %broadcast_in_dim3A_1281], %gather3A_1279 : memref<208x32xf32, #tpu.memory_space<vmem>>[vector<16xi32>, vector<16xi32>], vector<16xf32>,
      %add3A_1282 = arith.constant 27 : i32
      %add3A_1283 = vector.broadcast %add3A_1282 : i32 to vector<16xi32>
      %add3A_1284 = arith.addi %get3A_1121, %add3A_1283 : vector<16xi32>
      %gather3A_1285 = tpu.vector_load_idx %arg11[%add3A_1117, %add3A_1284] : memref<208x128xf32, #tpu.memory_space<vmem>>[vector<16xi32>, vector<16xi32>], vector<16xf32>,
      %broadcast_in_dim3A_1286 = arith.constant 27 : i32
      %broadcast_in_dim3A_1287 = vector.broadcast %broadcast_in_dim3A_1286 : i32 to vector<16xi32>
      tpu.vector_store_idx %arg13[%add3A_1117, %broadcast_in_dim3A_1287], %gather3A_1285 : memref<208x32xf32, #tpu.memory_space<vmem>>[vector<16xi32>, vector<16xi32>], vector<16xf32>,
      %add3A_1288 = arith.constant 28 : i32
      %add3A_1289 = vector.broadcast %add3A_1288 : i32 to vector<16xi32>
      %add3A_1290 = arith.addi %get3A_1121, %add3A_1289 : vector<16xi32>
      %gather3A_1291 = tpu.vector_load_idx %arg11[%add3A_1117, %add3A_1290] : memref<208x128xf32, #tpu.memory_space<vmem>>[vector<16xi32>, vector<16xi32>], vector<16xf32>,
      %broadcast_in_dim3A_1292 = arith.constant 28 : i32
      %broadcast_in_dim3A_1293 = vector.broadcast %broadcast_in_dim3A_1292 : i32 to vector<16xi32>
      tpu.vector_store_idx %arg13[%add3A_1117, %broadcast_in_dim3A_1293], %gather3A_1291 : memref<208x32xf32, #tpu.memory_space<vmem>>[vector<16xi32>, vector<16xi32>], vector<16xf32>,
      %add3A_1294 = arith.constant 29 : i32
      %add3A_1295 = vector.broadcast %add3A_1294 : i32 to vector<16xi32>
      %add3A_1296 = arith.addi %get3A_1121, %add3A_1295 : vector<16xi32>
      %gather3A_1297 = tpu.vector_load_idx %arg11[%add3A_1117, %add3A_1296] : memref<208x128xf32, #tpu.memory_space<vmem>>[vector<16xi32>, vector<16xi32>], vector<16xf32>,
      %broadcast_in_dim3A_1298 = arith.constant 29 : i32
      %broadcast_in_dim3A_1299 = vector.broadcast %broadcast_in_dim3A_1298 : i32 to vector<16xi32>
      tpu.vector_store_idx %arg13[%add3A_1117, %broadcast_in_dim3A_1299], %gather3A_1297 : memref<208x32xf32, #tpu.memory_space<vmem>>[vector<16xi32>, vector<16xi32>], vector<16xf32>,
      %add3A_1300 = arith.constant 30 : i32
      %add3A_1301 = vector.broadcast %add3A_1300 : i32 to vector<16xi32>
      %add3A_1302 = arith.addi %get3A_1121, %add3A_1301 : vector<16xi32>
      %gather3A_1303 = tpu.vector_load_idx %arg11[%add3A_1117, %add3A_1302] : memref<208x128xf32, #tpu.memory_space<vmem>>[vector<16xi32>, vector<16xi32>], vector<16xf32>,
      %broadcast_in_dim3A_1304 = arith.constant 30 : i32
      %broadcast_in_dim3A_1305 = vector.broadcast %broadcast_in_dim3A_1304 : i32 to vector<16xi32>
      tpu.vector_store_idx %arg13[%add3A_1117, %broadcast_in_dim3A_1305], %gather3A_1303 : memref<208x32xf32, #tpu.memory_space<vmem>>[vector<16xi32>, vector<16xi32>], vector<16xf32>,
      %add3A_1306 = arith.constant 31 : i32
      %add3A_1307 = vector.broadcast %add3A_1306 : i32 to vector<16xi32>
      %add3A_1308 = arith.addi %get3A_1121, %add3A_1307 : vector<16xi32>
      %gather3A_1309 = tpu.vector_load_idx %arg11[%add3A_1117, %add3A_1308] : memref<208x128xf32, #tpu.memory_space<vmem>>[vector<16xi32>, vector<16xi32>], vector<16xf32>,
      %broadcast_in_dim3A_1310 = arith.constant 31 : i32
      %broadcast_in_dim3A_1311 = vector.broadcast %broadcast_in_dim3A_1310 : i32 to vector<16xi32>
      tpu.vector_store_idx %arg13[%add3A_1117, %broadcast_in_dim3A_1311], %gather3A_1309 : memref<208x32xf32, #tpu.memory_space<vmem>>[vector<16xi32>, vector<16xi32>], vector<16xf32>,
    }
    %scan3A_480 = arith.constant 13 : i32
    %add3A_481 = arith.constant 0 : i32
    %add3A_482 = arith.addi %mul3A_2, %add3A_481 : i32
    %dma_start3A_483 = arith.constant 0 : i32
    %dma_start3A_484 = arith.constant 0 : i32
    %dma_start3A_485 = tpu.memref_slice %arg13[%dma_start3A_483, %dma_start3A_484] : memref<208x32xf32, #tpu.memory_space<vmem>> -> memref<200x32xf32, #tpu.memory_space<vmem>>
    %dma_start3A_486 = arith.constant 0 : i32
    %dma_start3A_487 = arith.constant 0 : i32
    %dma_start3A_488 = tpu.memref_slice %arg4[%add3A_482, %dma_start3A_486, %dma_start3A_487] : memref<4096x200x32xf32, #tpu.memory_space<hbm>> -> memref<1x200x32xf32, #tpu.memory_space<hbm>>
    %dma_start3A_489 = tpu.memref_squeeze %dma_start3A_488 : memref<1x200x32xf32, #tpu.memory_space<hbm>> -> memref<200x32xf32, #tpu.memory_space<hbm>>
    %dma_start3A_490 = arith.constant 0 : i32
    %dma_start3A_491 = arith.constant 0 : i32
    %dma_start3A_492 = tpu.memref_slice %arg4[%add3A_482, %dma_start3A_490, %dma_start3A_491] : memref<4096x200x32xf32, #tpu.memory_space<hbm>> -> memref<1x200x32xf32, #tpu.memory_space<hbm>>
    %dma_start3A_493 = tpu.memref_squeeze %dma_start3A_492 : memref<1x200x32xf32, #tpu.memory_space<hbm>> -> memref<200x32xf32, #tpu.memory_space<hbm>>
    %dma_start3A_494 = arith.constant 0 : i32
    %dma_start3A_495 = arith.constant 0 : i32
    %dma_start3A_496 = tpu.memref_slice %arg13[%dma_start3A_494, %dma_start3A_495] : memref<208x32xf32, #tpu.memory_space<vmem>> -> memref<200x32xf32, #tpu.memory_space<vmem>>
    tpu.enqueue_dma source(%dma_start3A_496 : memref<200x32xf32, #tpu.memory_space<vmem>>) target(%dma_start3A_493 : memref<200x32xf32, #tpu.memory_space<hbm>>) target_semaphore(%arg19 : memref<!tpu.dma_semaphore, #tpu.memory_space<semaphore_mem>>)
    %dma_wait3A_497 = arith.constant 0 : i32
    %dma_wait3A_498 = tpu.memref_slice %arg5[%dma_wait3A_497] : memref<208xi32, #tpu.memory_space<vmem>> -> memref<200xi32, #tpu.memory_space<vmem>>
    %dma_wait3A_499 = arith.constant 0 : i32
    %dma_wait3A_500 = tpu.memref_slice %arg3[%dma_wait3A_499] : memref<819200xi32, #tpu.memory_space<hbm>> -> memref<200xi32, #tpu.memory_space<hbm>>
    %dma_wait3A_501 = arith.constant 0 : i32
    %dma_wait3A_502 = tpu.memref_slice %arg5[%dma_wait3A_501] : memref<208xi32, #tpu.memory_space<vmem>> -> memref<200xi32, #tpu.memory_space<vmem>>
    %dma_wait3A_503 = arith.constant 0 : i32
    %dma_wait3A_504 = tpu.memref_slice %arg3[%dma_wait3A_503] : memref<819200xi32, #tpu.memory_space<hbm>> -> memref<200xi32, #tpu.memory_space<hbm>>
    tpu.wait_dma2 semaphore(%arg15 : memref<!tpu.dma_semaphore, #tpu.memory_space<semaphore_mem>>) src(%dma_wait3A_504 : memref<200xi32, #tpu.memory_space<hbm>>) dst(%dma_wait3A_502 : memref<200xi32, #tpu.memory_space<vmem>>)
    %get3A_505 = arith.constant 0 : index
    %get3A_506 = tpu.vector_load %arg5[%get3A_505] {strides = array<i32>} : memref<208xi32, #tpu.memory_space<vmem>>, vector<16xi32>,
    %shift_right_logical3A_507 = arith.constant 2 : i32
    %shift_right_logical3A_508 = vector.broadcast %shift_right_logical3A_507 : i32 to vector<16xi32>
    %shift_right_logical3A_509 = arith.shrui %get3A_506, %shift_right_logical3A_508 : vector<16xi32>
    %swap3A_510 = arith.constant 0 : index
    %swap3A_511 = tpu.vector_load %arg7[%swap3A_510] {strides = array<i32>} : memref<208xi32, #tpu.memory_space<vmem>>, vector<16xi32>,
    tpu.vector_store %arg7[%swap3A_510], %shift_right_logical3A_509 {strides = array<i32>} : memref<208xi32, #tpu.memory_space<vmem>>, vector<16xi32>,
    %and3A_512 = arith.constant 3 : i32
    %and3A_513 = vector.broadcast %and3A_512 : i32 to vector<16xi32>
    %and3A_514 = arith.andi %get3A_506, %and3A_513 : vector<16xi32>
    %mul3A_515 = arith.constant 32 : i32
    %mul3A_516 = vector.broadcast %mul3A_515 : i32 to vector<16xi32>
    %mul3A_517 = arith.muli %and3A_514, %mul3A_516 : vector<16xi32>
    %swap3A_518 = arith.constant 0 : index
    %swap3A_519 = tpu.vector_load %arg9[%swap3A_518] {strides = array<i32>} : memref<208xi32, #tpu.memory_space<vmem>>, vector<16xi32>,
    tpu.vector_store %arg9[%swap3A_518], %mul3A_517 {strides = array<i32>} : memref<208xi32, #tpu.memory_space<vmem>>, vector<16xi32>,
    %get3A_520 = arith.constant 16 : index
    %get3A_521 = tpu.vector_load %arg5[%get3A_520] {strides = array<i32>} : memref<208xi32, #tpu.memory_space<vmem>>, vector<16xi32>,
    %shift_right_logical3A_522 = arith.constant 2 : i32
    %shift_right_logical3A_523 = vector.broadcast %shift_right_logical3A_522 : i32 to vector<16xi32>
    %shift_right_logical3A_524 = arith.shrui %get3A_521, %shift_right_logical3A_523 : vector<16xi32>
    %swap3A_525 = arith.constant 16 : index
    %swap3A_526 = tpu.vector_load %arg7[%swap3A_525] {strides = array<i32>} : memref<208xi32, #tpu.memory_space<vmem>>, vector<16xi32>,
    tpu.vector_store %arg7[%swap3A_525], %shift_right_logical3A_524 {strides = array<i32>} : memref<208xi32, #tpu.memory_space<vmem>>, vector<16xi32>,
    %and3A_527 = arith.constant 3 : i32
    %and3A_528 = vector.broadcast %and3A_527 : i32 to vector<16xi32>
    %and3A_529 = arith.andi %get3A_521, %and3A_528 : vector<16xi32>
    %mul3A_530 = arith.constant 32 : i32
    %mul3A_531 = vector.broadcast %mul3A_530 : i32 to vector<16xi32>
    %mul3A_532 = arith.muli %and3A_529, %mul3A_531 : vector<16xi32>
    %swap3A_533 = arith.constant 16 : index
    %swap3A_534 = tpu.vector_load %arg9[%swap3A_533] {strides = array<i32>} : memref<208xi32, #tpu.memory_space<vmem>>, vector<16xi32>,
    tpu.vector_store %arg9[%swap3A_533], %mul3A_532 {strides = array<i32>} : memref<208xi32, #tpu.memory_space<vmem>>, vector<16xi32>,
    %get3A_535 = arith.constant 32 : index
    %get3A_536 = tpu.vector_load %arg5[%get3A_535] {strides = array<i32>} : memref<208xi32, #tpu.memory_space<vmem>>, vector<16xi32>,
    %shift_right_logical3A_537 = arith.constant 2 : i32
    %shift_right_logical3A_538 = vector.broadcast %shift_right_logical3A_537 : i32 to vector<16xi32>
    %shift_right_logical3A_539 = arith.shrui %get3A_536, %shift_right_logical3A_538 : vector<16xi32>
    %swap3A_540 = arith.constant 32 : index
    %swap3A_541 = tpu.vector_load %arg7[%swap3A_540] {strides = array<i32>} : memref<208xi32, #tpu.memory_space<vmem>>, vector<16xi32>,
    tpu.vector_store %arg7[%swap3A_540], %shift_right_logical3A_539 {strides = array<i32>} : memref<208xi32, #tpu.memory_space<vmem>>, vector<16xi32>,
    %and3A_542 = arith.constant 3 : i32
    %and3A_543 = vector.broadcast %and3A_542 : i32 to vector<16xi32>
    %and3A_544 = arith.andi %get3A_536, %and3A_543 : vector<16xi32>
    %mul3A_545 = arith.constant 32 : i32
    %mul3A_546 = vector.broadcast %mul3A_545 : i32 to vector<16xi32>
    %mul3A_547 = arith.muli %and3A_544, %mul3A_546 : vector<16xi32>
    %swap3A_548 = arith.constant 32 : index
    %swap3A_549 = tpu.vector_load %arg9[%swap3A_548] {strides = array<i32>} : memref<208xi32, #tpu.memory_space<vmem>>, vector<16xi32>,
    tpu.vector_store %arg9[%swap3A_548], %mul3A_547 {strides = array<i32>} : memref<208xi32, #tpu.memory_space<vmem>>, vector<16xi32>,
    %get3A_550 = arith.constant 48 : index
    %get3A_551 = tpu.vector_load %arg5[%get3A_550] {strides = array<i32>} : memref<208xi32, #tpu.memory_space<vmem>>, vector<16xi32>,
    %shift_right_logical3A_552 = arith.constant 2 : i32
    %shift_right_logical3A_553 = vector.broadcast %shift_right_logical3A_552 : i32 to vector<16xi32>
    %shift_right_logical3A_554 = arith.shrui %get3A_551, %shift_right_logical3A_553 : vector<16xi32>
    %swap3A_555 = arith.constant 48 : index
    %swap3A_556 = tpu.vector_load %arg7[%swap3A_555] {strides = array<i32>} : memref<208xi32, #tpu.memory_space<vmem>>, vector<16xi32>,
    tpu.vector_store %arg7[%swap3A_555], %shift_right_logical3A_554 {strides = array<i32>} : memref<208xi32, #tpu.memory_space<vmem>>, vector<16xi32>,
    %and3A_557 = arith.constant 3 : i32
    %and3A_558 = vector.broadcast %and3A_557 : i32 to vector<16xi32>
    %and3A_559 = arith.andi %get3A_551, %and3A_558 : vector<16xi32>
    %mul3A_560 = arith.constant 32 : i32
    %mul3A_561 = vector.broadcast %mul3A_560 : i32 to vector<16xi32>
    %mul3A_562 = arith.muli %and3A_559, %mul3A_561 : vector<16xi32>
    %swap3A_563 = arith.constant 48 : index
    %swap3A_564 = tpu.vector_load %arg9[%swap3A_563] {strides = array<i32>} : memref<208xi32, #tpu.memory_space<vmem>>, vector<16xi32>,
    tpu.vector_store %arg9[%swap3A_563], %mul3A_562 {strides = array<i32>} : memref<208xi32, #tpu.memory_space<vmem>>, vector<16xi32>,
    %get3A_565 = arith.constant 64 : index
    %get3A_566 = tpu.vector_load %arg5[%get3A_565] {strides = array<i32>} : memref<208xi32, #tpu.memory_space<vmem>>, vector<16xi32>,
    %shift_right_logical3A_567 = arith.constant 2 : i32
    %shift_right_logical3A_568 = vector.broadcast %shift_right_logical3A_567 : i32 to vector<16xi32>
    %shift_right_logical3A_569 = arith.shrui %get3A_566, %shift_right_logical3A_568 : vector<16xi32>
    %swap3A_570 = arith.constant 64 : index
    %swap3A_571 = tpu.vector_load %arg7[%swap3A_570] {strides = array<i32>} : memref<208xi32, #tpu.memory_space<vmem>>, vector<16xi32>,
    tpu.vector_store %arg7[%swap3A_570], %shift_right_logical3A_569 {strides = array<i32>} : memref<208xi32, #tpu.memory_space<vmem>>, vector<16xi32>,
    %and3A_572 = arith.constant 3 : i32
    %and3A_573 = vector.broadcast %and3A_572 : i32 to vector<16xi32>
    %and3A_574 = arith.andi %get3A_566, %and3A_573 : vector<16xi32>
    %mul3A_575 = arith.constant 32 : i32
    %mul3A_576 = vector.broadcast %mul3A_575 : i32 to vector<16xi32>
    %mul3A_577 = arith.muli %and3A_574, %mul3A_576 : vector<16xi32>
    %swap3A_578 = arith.constant 64 : index
    %swap3A_579 = tpu.vector_load %arg9[%swap3A_578] {strides = array<i32>} : memref<208xi32, #tpu.memory_space<vmem>>, vector<16xi32>,
    tpu.vector_store %arg9[%swap3A_578], %mul3A_577 {strides = array<i32>} : memref<208xi32, #tpu.memory_space<vmem>>, vector<16xi32>,
    %get3A_580 = arith.constant 80 : index
    %get3A_581 = tpu.vector_load %arg5[%get3A_580] {strides = array<i32>} : memref<208xi32, #tpu.memory_space<vmem>>, vector<16xi32>,
    %shift_right_logical3A_582 = arith.constant 2 : i32
    %shift_right_logical3A_583 = vector.broadcast %shift_right_logical3A_582 : i32 to vector<16xi32>
    %shift_right_logical3A_584 = arith.shrui %get3A_581, %shift_right_logical3A_583 : vector<16xi32>
    %swap3A_585 = arith.constant 80 : index
    %swap3A_586 = tpu.vector_load %arg7[%swap3A_585] {strides = array<i32>} : memref<208xi32, #tpu.memory_space<vmem>>, vector<16xi32>,
    tpu.vector_store %arg7[%swap3A_585], %shift_right_logical3A_584 {strides = array<i32>} : memref<208xi32, #tpu.memory_space<vmem>>, vector<16xi32>,
    %and3A_587 = arith.constant 3 : i32
    %and3A_588 = vector.broadcast %and3A_587 : i32 to vector<16xi32>
    %and3A_589 = arith.andi %get3A_581, %and3A_588 : vector<16xi32>
    %mul3A_590 = arith.constant 32 : i32
    %mul3A_591 = vector.broadcast %mul3A_590 : i32 to vector<16xi32>
    %mul3A_592 = arith.muli %and3A_589, %mul3A_591 : vector<16xi32>
    %swap3A_593 = arith.constant 80 : index
    %swap3A_594 = tpu.vector_load %arg9[%swap3A_593] {strides = array<i32>} : memref<208xi32, #tpu.memory_space<vmem>>, vector<16xi32>,
    tpu.vector_store %arg9[%swap3A_593], %mul3A_592 {strides = array<i32>} : memref<208xi32, #tpu.memory_space<vmem>>, vector<16xi32>,
    %get3A_595 = arith.constant 96 : index
    %get3A_596 = tpu.vector_load %arg5[%get3A_595] {strides = array<i32>} : memref<208xi32, #tpu.memory_space<vmem>>, vector<16xi32>,
    %shift_right_logical3A_597 = arith.constant 2 : i32
    %shift_right_logical3A_598 = vector.broadcast %shift_right_logical3A_597 : i32 to vector<16xi32>
    %shift_right_logical3A_599 = arith.shrui %get3A_596, %shift_right_logical3A_598 : vector<16xi32>
    %swap3A_600 = arith.constant 96 : index
    %swap3A_601 = tpu.vector_load %arg7[%swap3A_600] {strides = array<i32>} : memref<208xi32, #tpu.memory_space<vmem>>, vector<16xi32>,
    tpu.vector_store %arg7[%swap3A_600], %shift_right_logical3A_599 {strides = array<i32>} : memref<208xi32, #tpu.memory_space<vmem>>, vector<16xi32>,
    %and3A_602 = arith.constant 3 : i32
    %and3A_603 = vector.broadcast %and3A_602 : i32 to vector<16xi32>
    %and3A_604 = arith.andi %get3A_596, %and3A_603 : vector<16xi32>
    %mul3A_605 = arith.constant 32 : i32
    %mul3A_606 = vector.broadcast %mul3A_605 : i32 to vector<16xi32>
    %mul3A_607 = arith.muli %and3A_604, %mul3A_606 : vector<16xi32>
    %swap3A_608 = arith.constant 96 : index
    %swap3A_609 = tpu.vector_load %arg9[%swap3A_608] {strides = array<i32>} : memref<208xi32, #tpu.memory_space<vmem>>, vector<16xi32>,
    tpu.vector_store %arg9[%swap3A_608], %mul3A_607 {strides = array<i32>} : memref<208xi32, #tpu.memory_space<vmem>>, vector<16xi32>,
    %get3A_610 = arith.constant 112 : index
    %get3A_611 = tpu.vector_load %arg5[%get3A_610] {strides = array<i32>} : memref<208xi32, #tpu.memory_space<vmem>>, vector<16xi32>,
    %shift_right_logical3A_612 = arith.constant 2 : i32
    %shift_right_logical3A_613 = vector.broadcast %shift_right_logical3A_612 : i32 to vector<16xi32>
    %shift_right_logical3A_614 = arith.shrui %get3A_611, %shift_right_logical3A_613 : vector<16xi32>
    %swap3A_615 = arith.constant 112 : index
    %swap3A_616 = tpu.vector_load %arg7[%swap3A_615] {strides = array<i32>} : memref<208xi32, #tpu.memory_space<vmem>>, vector<16xi32>,
    tpu.vector_store %arg7[%swap3A_615], %shift_right_logical3A_614 {strides = array<i32>} : memref<208xi32, #tpu.memory_space<vmem>>, vector<16xi32>,
    %and3A_617 = arith.constant 3 : i32
    %and3A_618 = vector.broadcast %and3A_617 : i32 to vector<16xi32>
    %and3A_619 = arith.andi %get3A_611, %and3A_618 : vector<16xi32>
    %mul3A_620 = arith.constant 32 : i32
    %mul3A_621 = vector.broadcast %mul3A_620 : i32 to vector<16xi32>
    %mul3A_622 = arith.muli %and3A_619, %mul3A_621 : vector<16xi32>
    %swap3A_623 = arith.constant 112 : index
    %swap3A_624 = tpu.vector_load %arg9[%swap3A_623] {strides = array<i32>} : memref<208xi32, #tpu.memory_space<vmem>>, vector<16xi32>,
    tpu.vector_store %arg9[%swap3A_623], %mul3A_622 {strides = array<i32>} : memref<208xi32, #tpu.memory_space<vmem>>, vector<16xi32>,
    %get3A_625 = arith.constant 128 : index
    %get3A_626 = tpu.vector_load %arg5[%get3A_625] {strides = array<i32>} : memref<208xi32, #tpu.memory_space<vmem>>, vector<16xi32>,
    %shift_right_logical3A_627 = arith.constant 2 : i32
    %shift_right_logical3A_628 = vector.broadcast %shift_right_logical3A_627 : i32 to vector<16xi32>
    %shift_right_logical3A_629 = arith.shrui %get3A_626, %shift_right_logical3A_628 : vector<16xi32>
    %swap3A_630 = arith.constant 128 : index
    %swap3A_631 = tpu.vector_load %arg7[%swap3A_630] {strides = array<i32>} : memref<208xi32, #tpu.memory_space<vmem>>, vector<16xi32>,
    tpu.vector_store %arg7[%swap3A_630], %shift_right_logical3A_629 {strides = array<i32>} : memref<208xi32, #tpu.memory_space<vmem>>, vector<16xi32>,
    %and3A_632 = arith.constant 3 : i32
    %and3A_633 = vector.broadcast %and3A_632 : i32 to vector<16xi32>
    %and3A_634 = arith.andi %get3A_626, %and3A_633 : vector<16xi32>
    %mul3A_635 = arith.constant 32 : i32
    %mul3A_636 = vector.broadcast %mul3A_635 : i32 to vector<16xi32>
    %mul3A_637 = arith.muli %and3A_634, %mul3A_636 : vector<16xi32>
    %swap3A_638 = arith.constant 128 : index
    %swap3A_639 = tpu.vector_load %arg9[%swap3A_638] {strides = array<i32>} : memref<208xi32, #tpu.memory_space<vmem>>, vector<16xi32>,
    tpu.vector_store %arg9[%swap3A_638], %mul3A_637 {strides = array<i32>} : memref<208xi32, #tpu.memory_space<vmem>>, vector<16xi32>,
    %get3A_640 = arith.constant 144 : index
    %get3A_641 = tpu.vector_load %arg5[%get3A_640] {strides = array<i32>} : memref<208xi32, #tpu.memory_space<vmem>>, vector<16xi32>,
    %shift_right_logical3A_642 = arith.constant 2 : i32
    %shift_right_logical3A_643 = vector.broadcast %shift_right_logical3A_642 : i32 to vector<16xi32>
    %shift_right_logical3A_644 = arith.shrui %get3A_641, %shift_right_logical3A_643 : vector<16xi32>
    %swap3A_645 = arith.constant 144 : index
    %swap3A_646 = tpu.vector_load %arg7[%swap3A_645] {strides = array<i32>} : memref<208xi32, #tpu.memory_space<vmem>>, vector<16xi32>,
    tpu.vector_store %arg7[%swap3A_645], %shift_right_logical3A_644 {strides = array<i32>} : memref<208xi32, #tpu.memory_space<vmem>>, vector<16xi32>,
    %and3A_647 = arith.constant 3 : i32
    %and3A_648 = vector.broadcast %and3A_647 : i32 to vector<16xi32>
    %and3A_649 = arith.andi %get3A_641, %and3A_648 : vector<16xi32>
    %mul3A_650 = arith.constant 32 : i32
    %mul3A_651 = vector.broadcast %mul3A_650 : i32 to vector<16xi32>
    %mul3A_652 = arith.muli %and3A_649, %mul3A_651 : vector<16xi32>
    %swap3A_653 = arith.constant 144 : index
    %swap3A_654 = tpu.vector_load %arg9[%swap3A_653] {strides = array<i32>} : memref<208xi32, #tpu.memory_space<vmem>>, vector<16xi32>,
    tpu.vector_store %arg9[%swap3A_653], %mul3A_652 {strides = array<i32>} : memref<208xi32, #tpu.memory_space<vmem>>, vector<16xi32>,
    %get3A_655 = arith.constant 160 : index
    %get3A_656 = tpu.vector_load %arg5[%get3A_655] {strides = array<i32>} : memref<208xi32, #tpu.memory_space<vmem>>, vector<16xi32>,
    %shift_right_logical3A_657 = arith.constant 2 : i32
    %shift_right_logical3A_658 = vector.broadcast %shift_right_logical3A_657 : i32 to vector<16xi32>
    %shift_right_logical3A_659 = arith.shrui %get3A_656, %shift_right_logical3A_658 : vector<16xi32>
    %swap3A_660 = arith.constant 160 : index
    %swap3A_661 = tpu.vector_load %arg7[%swap3A_660] {strides = array<i32>} : memref<208xi32, #tpu.memory_space<vmem>>, vector<16xi32>,
    tpu.vector_store %arg7[%swap3A_660], %shift_right_logical3A_659 {strides = array<i32>} : memref<208xi32, #tpu.memory_space<vmem>>, vector<16xi32>,
    %and3A_662 = arith.constant 3 : i32
    %and3A_663 = vector.broadcast %and3A_662 : i32 to vector<16xi32>
    %and3A_664 = arith.andi %get3A_656, %and3A_663 : vector<16xi32>
    %mul3A_665 = arith.constant 32 : i32
    %mul3A_666 = vector.broadcast %mul3A_665 : i32 to vector<16xi32>
    %mul3A_667 = arith.muli %and3A_664, %mul3A_666 : vector<16xi32>
    %swap3A_668 = arith.constant 160 : index
    %swap3A_669 = tpu.vector_load %arg9[%swap3A_668] {strides = array<i32>} : memref<208xi32, #tpu.memory_space<vmem>>, vector<16xi32>,
    tpu.vector_store %arg9[%swap3A_668], %mul3A_667 {strides = array<i32>} : memref<208xi32, #tpu.memory_space<vmem>>, vector<16xi32>,
    %get3A_670 = arith.constant 176 : index
    %get3A_671 = tpu.vector_load %arg5[%get3A_670] {strides = array<i32>} : memref<208xi32, #tpu.memory_space<vmem>>, vector<16xi32>,
    %shift_right_logical3A_672 = arith.constant 2 : i32
    %shift_right_logical3A_673 = vector.broadcast %shift_right_logical3A_672 : i32 to vector<16xi32>
    %shift_right_logical3A_674 = arith.shrui %get3A_671, %shift_right_logical3A_673 : vector<16xi32>
    %swap3A_675 = arith.constant 176 : index
    %swap3A_676 = tpu.vector_load %arg7[%swap3A_675] {strides = array<i32>} : memref<208xi32, #tpu.memory_space<vmem>>, vector<16xi32>,
    tpu.vector_store %arg7[%swap3A_675], %shift_right_logical3A_674 {strides = array<i32>} : memref<208xi32, #tpu.memory_space<vmem>>, vector<16xi32>,
    %and3A_677 = arith.constant 3 : i32
    %and3A_678 = vector.broadcast %and3A_677 : i32 to vector<16xi32>
    %and3A_679 = arith.andi %get3A_671, %and3A_678 : vector<16xi32>
    %mul3A_680 = arith.constant 32 : i32
    %mul3A_681 = vector.broadcast %mul3A_680 : i32 to vector<16xi32>
    %mul3A_682 = arith.muli %and3A_679, %mul3A_681 : vector<16xi32>
    %swap3A_683 = arith.constant 176 : index
    %swap3A_684 = tpu.vector_load %arg9[%swap3A_683] {strides = array<i32>} : memref<208xi32, #tpu.memory_space<vmem>>, vector<16xi32>,
    tpu.vector_store %arg9[%swap3A_683], %mul3A_682 {strides = array<i32>} : memref<208xi32, #tpu.memory_space<vmem>>, vector<16xi32>,
    %get3A_685 = arith.constant 192 : index
    %get3A_686 = tpu.vector_load %arg5[%get3A_685] {strides = array<i32>} : memref<208xi32, #tpu.memory_space<vmem>>, vector<16xi32>,
    %shift_right_logical3A_687 = arith.constant 2 : i32
    %shift_right_logical3A_688 = vector.broadcast %shift_right_logical3A_687 : i32 to vector<16xi32>
    %shift_right_logical3A_689 = arith.shrui %get3A_686, %shift_right_logical3A_688 : vector<16xi32>
    %swap3A_690 = arith.constant 192 : index
    %swap3A_691 = tpu.vector_load %arg7[%swap3A_690] {strides = array<i32>} : memref<208xi32, #tpu.memory_space<vmem>>, vector<16xi32>,
    tpu.vector_store %arg7[%swap3A_690], %shift_right_logical3A_689 {strides = array<i32>} : memref<208xi32, #tpu.memory_space<vmem>>, vector<16xi32>,
    %and3A_692 = arith.constant 3 : i32
    %and3A_693 = vector.broadcast %and3A_692 : i32 to vector<16xi32>
    %and3A_694 = arith.andi %get3A_686, %and3A_693 : vector<16xi32>
    %mul3A_695 = arith.constant 32 : i32
    %mul3A_696 = vector.broadcast %mul3A_695 : i32 to vector<16xi32>
    %mul3A_697 = arith.muli %and3A_694, %mul3A_696 : vector<16xi32>
    %swap3A_698 = arith.constant 192 : index
    %swap3A_699 = tpu.vector_load %arg9[%swap3A_698] {strides = array<i32>} : memref<208xi32, #tpu.memory_space<vmem>>, vector<16xi32>,
    tpu.vector_store %arg9[%swap3A_698], %mul3A_697 {strides = array<i32>} : memref<208xi32, #tpu.memory_space<vmem>>, vector<16xi32>,
    %dma_start3A_700 = arith.constant 0 : i32
    %dma_start3A_701 = arith.constant 0 : i32
    %dma_start3A_702 = tpu.memref_slice %arg11[%dma_start3A_700, %dma_start3A_701] : memref<208x128xf32, #tpu.memory_space<vmem>> -> memref<128x128xf32, #tpu.memory_space<vmem>>
    %dma_start3A_703 = arith.constant 0 : i32
    %dma_start3A_704 = tpu.memref_slice %arg7[%dma_start3A_703] : memref<208xi32, #tpu.memory_space<vmem>> -> memref<128xi32, #tpu.memory_space<vmem>>
    %dma_start3A_705 = arith.constant 0 : i32
    %dma_start3A_706 = arith.constant 0 : i32
    %dma_start3A_707 = tpu.memref_slice %arg2[%dma_start3A_705, %dma_start3A_706] : memref<250000x128xf32, #tpu.memory_space<hbm>> -> memref<250000x128xf32, #tpu.memory_space<hbm>>
    tpu.enqueue_indirect_dma source(%dma_start3A_707 : memref<250000x128xf32, #tpu.memory_space<hbm>>) target(%dma_start3A_702 : memref<128x128xf32, #tpu.memory_space<vmem>>) offsets(%dma_start3A_704 : memref<128xi32, #tpu.memory_space<vmem>>) semaphore(%arg17 : memref<!tpu.dma_semaphore, #tpu.memory_space<semaphore_mem>>)
    %dma_start3A_708 = arith.constant 128 : i32
    %dma_start3A_709 = arith.constant 0 : i32
    %dma_start3A_710 = tpu.memref_slice %arg11[%dma_start3A_708, %dma_start3A_709] : memref<208x128xf32, #tpu.memory_space<vmem>> -> memref<72x128xf32, #tpu.memory_space<vmem>>
    %dma_start3A_711 = arith.constant 128 : i32
    %dma_start3A_712 = tpu.memref_slice %arg7[%dma_start3A_711] : memref<208xi32, #tpu.memory_space<vmem>> -> memref<72xi32, #tpu.memory_space<vmem>>
    %dma_start3A_713 = arith.constant 0 : i32
    %dma_start3A_714 = arith.constant 0 : i32
    %dma_start3A_715 = tpu.memref_slice %arg2[%dma_start3A_713, %dma_start3A_714] : memref<250000x128xf32, #tpu.memory_space<hbm>> -> memref<250000x128xf32, #tpu.memory_space<hbm>>
    tpu.enqueue_indirect_dma source(%dma_start3A_715 : memref<250000x128xf32, #tpu.memory_space<hbm>>) target(%dma_start3A_710 : memref<72x128xf32, #tpu.memory_space<vmem>>) offsets(%dma_start3A_712 : memref<72xi32, #tpu.memory_space<vmem>>) semaphore(%arg17 : memref<!tpu.dma_semaphore, #tpu.memory_space<semaphore_mem>>)
    %add3A_716 = arith.constant 3 : i32
    %add3A_717 = arith.addi %mul3A_2, %add3A_716 : i32
    %mul3A_718 = arith.constant 200 : i32
    %mul3A_719 = arith.muli %add3A_717, %mul3A_718 : i32
    %dma_start3A_720 = arith.constant 0 : i32
    %dma_start3A_721 = tpu.memref_slice %arg6[%dma_start3A_720] : memref<208xi32, #tpu.memory_space<vmem>> -> memref<200xi32, #tpu.memory_space<vmem>>
    %dma_start3A_722 = tpu.memref_slice %arg3[%mul3A_719] : memref<819200xi32, #tpu.memory_space<hbm>> -> memref<200xi32, #tpu.memory_space<hbm>>
    %dma_start3A_723 = arith.constant 0 : i32
    %dma_start3A_724 = tpu.memref_slice %arg6[%dma_start3A_723] : memref<208xi32, #tpu.memory_space<vmem>> -> memref<200xi32, #tpu.memory_space<vmem>>
    %dma_start3A_725 = tpu.memref_slice %arg3[%mul3A_719] : memref<819200xi32, #tpu.memory_space<hbm>> -> memref<200xi32, #tpu.memory_space<hbm>>
    tpu.enqueue_dma source(%dma_start3A_725 : memref<200xi32, #tpu.memory_space<hbm>>) target(%dma_start3A_724 : memref<200xi32, #tpu.memory_space<vmem>>) target_semaphore(%arg16 : memref<!tpu.dma_semaphore, #tpu.memory_space<semaphore_mem>>)
    %dma_wait3A_726 = arith.constant 0 : i32
    %dma_wait3A_727 = arith.constant 0 : i32
    %dma_wait3A_728 = tpu.memref_slice %arg12[%dma_wait3A_726, %dma_wait3A_727] : memref<208x128xf32, #tpu.memory_space<vmem>> -> memref<200x128xf32, #tpu.memory_space<vmem>>
    %dma_wait3A_729 = arith.constant 0 : i32
    %dma_wait3A_730 = arith.constant 0 : i32
    %dma_wait3A_731 = tpu.memref_slice %arg2[%dma_wait3A_729, %dma_wait3A_730] : memref<250000x128xf32, #tpu.memory_space<hbm>> -> memref<200x128xf32, #tpu.memory_space<hbm>>
    %dma_wait3A_732 = arith.constant 0 : i32
    %dma_wait3A_733 = arith.constant 0 : i32
    %dma_wait3A_734 = tpu.memref_slice %arg12[%dma_wait3A_732, %dma_wait3A_733] : memref<208x128xf32, #tpu.memory_space<vmem>> -> memref<200x128xf32, #tpu.memory_space<vmem>>
    %dma_wait3A_735 = arith.constant 0 : i32
    %dma_wait3A_736 = arith.constant 0 : i32
    %dma_wait3A_737 = tpu.memref_slice %arg2[%dma_wait3A_735, %dma_wait3A_736] : memref<250000x128xf32, #tpu.memory_space<hbm>> -> memref<200x128xf32, #tpu.memory_space<hbm>>
    tpu.wait_dma2 semaphore(%arg18 : memref<!tpu.dma_semaphore, #tpu.memory_space<semaphore_mem>>) src(%dma_wait3A_737 : memref<200x128xf32, #tpu.memory_space<hbm>>) dst(%dma_wait3A_734 : memref<200x128xf32, #tpu.memory_space<vmem>>)
    %scan3A_738 = arith.constant 0 : i32
    %scan3A_739 = arith.constant 13 : i32
    %scan3A_740 = arith.addi %scan3A_738, %scan3A_739 : i32
    %scan3A_741 = arith.constant 1 : i32
    scf.for %scan3A_1109 = %scan3A_738 to %scan3A_740 step %scan3A_741  : i32 {
      %mul3A_1110 = arith.constant 1 : i32
      %mul3A_1111 = arith.muli %scan3A_1109, %mul3A_1110 : i32
      %add3A_1112 = arith.constant 0 : i32
      %add3A_1113 = arith.addi %add3A_1112, %mul3A_1111 : i32
      %mul3A_1114 = arith.constant 16 : i32
      %mul3A_1115 = arith.muli %add3A_1113, %mul3A_1114 : i32
      %add3A_1116 = vector.broadcast %mul3A_1115 : i32 to vector<16xi32>
      %add3A_1117 = arith.addi %iota3A, %add3A_1116 : vector<16xi32>
      %mul3A_1118 = arith.constant 16 : i32
      %mul3A_1119 = arith.muli %add3A_1113, %mul3A_1118 : i32
      %get3A_1120 = arith.index_cast %mul3A_1119 : i32 to index
      %get3A_1121 = tpu.vector_load %arg10[%get3A_1120] {strides = array<i32>} : memref<208xi32, #tpu.memory_space<vmem>>, vector<16xi32>,
      %add3A_1122 = arith.constant 0 : i32
      %add3A_1123 = vector.broadcast %add3A_1122 : i32 to vector<16xi32>
      %add3A_1124 = arith.addi %get3A_1121, %add3A_1123 : vector<16xi32>
      %gather3A = tpu.vector_load_idx %arg12[%add3A_1117, %add3A_1124] : memref<208x128xf32, #tpu.memory_space<vmem>>[vector<16xi32>, vector<16xi32>], vector<16xf32>,
      %broadcast_in_dim3A = arith.constant 0 : i32
      %broadcast_in_dim3A_1125 = vector.broadcast %broadcast_in_dim3A : i32 to vector<16xi32>
      tpu.vector_store_idx %arg14[%add3A_1117, %broadcast_in_dim3A_1125], %gather3A : memref<208x32xf32, #tpu.memory_space<vmem>>[vector<16xi32>, vector<16xi32>], vector<16xf32>,
      %add3A_1126 = arith.constant 1 : i32
      %add3A_1127 = vector.broadcast %add3A_1126 : i32 to vector<16xi32>
      %add3A_1128 = arith.addi %get3A_1121, %add3A_1127 : vector<16xi32>
      %gather3A_1129 = tpu.vector_load_idx %arg12[%add3A_1117, %add3A_1128] : memref<208x128xf32, #tpu.memory_space<vmem>>[vector<16xi32>, vector<16xi32>], vector<16xf32>,
      %broadcast_in_dim3A_1130 = arith.constant 1 : i32
      %broadcast_in_dim3A_1131 = vector.broadcast %broadcast_in_dim3A_1130 : i32 to vector<16xi32>
      tpu.vector_store_idx %arg14[%add3A_1117, %broadcast_in_dim3A_1131], %gather3A_1129 : memref<208x32xf32, #tpu.memory_space<vmem>>[vector<16xi32>, vector<16xi32>], vector<16xf32>,
      %add3A_1132 = arith.constant 2 : i32
      %add3A_1133 = vector.broadcast %add3A_1132 : i32 to vector<16xi32>
      %add3A_1134 = arith.addi %get3A_1121, %add3A_1133 : vector<16xi32>
      %gather3A_1135 = tpu.vector_load_idx %arg12[%add3A_1117, %add3A_1134] : memref<208x128xf32, #tpu.memory_space<vmem>>[vector<16xi32>, vector<16xi32>], vector<16xf32>,
      %broadcast_in_dim3A_1136 = arith.constant 2 : i32
      %broadcast_in_dim3A_1137 = vector.broadcast %broadcast_in_dim3A_1136 : i32 to vector<16xi32>
      tpu.vector_store_idx %arg14[%add3A_1117, %broadcast_in_dim3A_1137], %gather3A_1135 : memref<208x32xf32, #tpu.memory_space<vmem>>[vector<16xi32>, vector<16xi32>], vector<16xf32>,
      %add3A_1138 = arith.constant 3 : i32
      %add3A_1139 = vector.broadcast %add3A_1138 : i32 to vector<16xi32>
      %add3A_1140 = arith.addi %get3A_1121, %add3A_1139 : vector<16xi32>
      %gather3A_1141 = tpu.vector_load_idx %arg12[%add3A_1117, %add3A_1140] : memref<208x128xf32, #tpu.memory_space<vmem>>[vector<16xi32>, vector<16xi32>], vector<16xf32>,
      %broadcast_in_dim3A_1142 = arith.constant 3 : i32
      %broadcast_in_dim3A_1143 = vector.broadcast %broadcast_in_dim3A_1142 : i32 to vector<16xi32>
      tpu.vector_store_idx %arg14[%add3A_1117, %broadcast_in_dim3A_1143], %gather3A_1141 : memref<208x32xf32, #tpu.memory_space<vmem>>[vector<16xi32>, vector<16xi32>], vector<16xf32>,
      %add3A_1144 = arith.constant 4 : i32
      %add3A_1145 = vector.broadcast %add3A_1144 : i32 to vector<16xi32>
      %add3A_1146 = arith.addi %get3A_1121, %add3A_1145 : vector<16xi32>
      %gather3A_1147 = tpu.vector_load_idx %arg12[%add3A_1117, %add3A_1146] : memref<208x128xf32, #tpu.memory_space<vmem>>[vector<16xi32>, vector<16xi32>], vector<16xf32>,
      %broadcast_in_dim3A_1148 = arith.constant 4 : i32
      %broadcast_in_dim3A_1149 = vector.broadcast %broadcast_in_dim3A_1148 : i32 to vector<16xi32>
      tpu.vector_store_idx %arg14[%add3A_1117, %broadcast_in_dim3A_1149], %gather3A_1147 : memref<208x32xf32, #tpu.memory_space<vmem>>[vector<16xi32>, vector<16xi32>], vector<16xf32>,
      %add3A_1150 = arith.constant 5 : i32
      %add3A_1151 = vector.broadcast %add3A_1150 : i32 to vector<16xi32>
      %add3A_1152 = arith.addi %get3A_1121, %add3A_1151 : vector<16xi32>
      %gather3A_1153 = tpu.vector_load_idx %arg12[%add3A_1117, %add3A_1152] : memref<208x128xf32, #tpu.memory_space<vmem>>[vector<16xi32>, vector<16xi32>], vector<16xf32>,
      %broadcast_in_dim3A_1154 = arith.constant 5 : i32
      %broadcast_in_dim3A_1155 = vector.broadcast %broadcast_in_dim3A_1154 : i32 to vector<16xi32>
      tpu.vector_store_idx %arg14[%add3A_1117, %broadcast_in_dim3A_1155], %gather3A_1153 : memref<208x32xf32, #tpu.memory_space<vmem>>[vector<16xi32>, vector<16xi32>], vector<16xf32>,
      %add3A_1156 = arith.constant 6 : i32
      %add3A_1157 = vector.broadcast %add3A_1156 : i32 to vector<16xi32>
      %add3A_1158 = arith.addi %get3A_1121, %add3A_1157 : vector<16xi32>
      %gather3A_1159 = tpu.vector_load_idx %arg12[%add3A_1117, %add3A_1158] : memref<208x128xf32, #tpu.memory_space<vmem>>[vector<16xi32>, vector<16xi32>], vector<16xf32>,
      %broadcast_in_dim3A_1160 = arith.constant 6 : i32
      %broadcast_in_dim3A_1161 = vector.broadcast %broadcast_in_dim3A_1160 : i32 to vector<16xi32>
      tpu.vector_store_idx %arg14[%add3A_1117, %broadcast_in_dim3A_1161], %gather3A_1159 : memref<208x32xf32, #tpu.memory_space<vmem>>[vector<16xi32>, vector<16xi32>], vector<16xf32>,
      %add3A_1162 = arith.constant 7 : i32
      %add3A_1163 = vector.broadcast %add3A_1162 : i32 to vector<16xi32>
      %add3A_1164 = arith.addi %get3A_1121, %add3A_1163 : vector<16xi32>
      %gather3A_1165 = tpu.vector_load_idx %arg12[%add3A_1117, %add3A_1164] : memref<208x128xf32, #tpu.memory_space<vmem>>[vector<16xi32>, vector<16xi32>], vector<16xf32>,
      %broadcast_in_dim3A_1166 = arith.constant 7 : i32
      %broadcast_in_dim3A_1167 = vector.broadcast %broadcast_in_dim3A_1166 : i32 to vector<16xi32>
      tpu.vector_store_idx %arg14[%add3A_1117, %broadcast_in_dim3A_1167], %gather3A_1165 : memref<208x32xf32, #tpu.memory_space<vmem>>[vector<16xi32>, vector<16xi32>], vector<16xf32>,
      %add3A_1168 = arith.constant 8 : i32
      %add3A_1169 = vector.broadcast %add3A_1168 : i32 to vector<16xi32>
      %add3A_1170 = arith.addi %get3A_1121, %add3A_1169 : vector<16xi32>
      %gather3A_1171 = tpu.vector_load_idx %arg12[%add3A_1117, %add3A_1170] : memref<208x128xf32, #tpu.memory_space<vmem>>[vector<16xi32>, vector<16xi32>], vector<16xf32>,
      %broadcast_in_dim3A_1172 = arith.constant 8 : i32
      %broadcast_in_dim3A_1173 = vector.broadcast %broadcast_in_dim3A_1172 : i32 to vector<16xi32>
      tpu.vector_store_idx %arg14[%add3A_1117, %broadcast_in_dim3A_1173], %gather3A_1171 : memref<208x32xf32, #tpu.memory_space<vmem>>[vector<16xi32>, vector<16xi32>], vector<16xf32>,
      %add3A_1174 = arith.constant 9 : i32
      %add3A_1175 = vector.broadcast %add3A_1174 : i32 to vector<16xi32>
      %add3A_1176 = arith.addi %get3A_1121, %add3A_1175 : vector<16xi32>
      %gather3A_1177 = tpu.vector_load_idx %arg12[%add3A_1117, %add3A_1176] : memref<208x128xf32, #tpu.memory_space<vmem>>[vector<16xi32>, vector<16xi32>], vector<16xf32>,
      %broadcast_in_dim3A_1178 = arith.constant 9 : i32
      %broadcast_in_dim3A_1179 = vector.broadcast %broadcast_in_dim3A_1178 : i32 to vector<16xi32>
      tpu.vector_store_idx %arg14[%add3A_1117, %broadcast_in_dim3A_1179], %gather3A_1177 : memref<208x32xf32, #tpu.memory_space<vmem>>[vector<16xi32>, vector<16xi32>], vector<16xf32>,
      %add3A_1180 = arith.constant 10 : i32
      %add3A_1181 = vector.broadcast %add3A_1180 : i32 to vector<16xi32>
      %add3A_1182 = arith.addi %get3A_1121, %add3A_1181 : vector<16xi32>
      %gather3A_1183 = tpu.vector_load_idx %arg12[%add3A_1117, %add3A_1182] : memref<208x128xf32, #tpu.memory_space<vmem>>[vector<16xi32>, vector<16xi32>], vector<16xf32>,
      %broadcast_in_dim3A_1184 = arith.constant 10 : i32
      %broadcast_in_dim3A_1185 = vector.broadcast %broadcast_in_dim3A_1184 : i32 to vector<16xi32>
      tpu.vector_store_idx %arg14[%add3A_1117, %broadcast_in_dim3A_1185], %gather3A_1183 : memref<208x32xf32, #tpu.memory_space<vmem>>[vector<16xi32>, vector<16xi32>], vector<16xf32>,
      %add3A_1186 = arith.constant 11 : i32
      %add3A_1187 = vector.broadcast %add3A_1186 : i32 to vector<16xi32>
      %add3A_1188 = arith.addi %get3A_1121, %add3A_1187 : vector<16xi32>
      %gather3A_1189 = tpu.vector_load_idx %arg12[%add3A_1117, %add3A_1188] : memref<208x128xf32, #tpu.memory_space<vmem>>[vector<16xi32>, vector<16xi32>], vector<16xf32>,
      %broadcast_in_dim3A_1190 = arith.constant 11 : i32
      %broadcast_in_dim3A_1191 = vector.broadcast %broadcast_in_dim3A_1190 : i32 to vector<16xi32>
      tpu.vector_store_idx %arg14[%add3A_1117, %broadcast_in_dim3A_1191], %gather3A_1189 : memref<208x32xf32, #tpu.memory_space<vmem>>[vector<16xi32>, vector<16xi32>], vector<16xf32>,
      %add3A_1192 = arith.constant 12 : i32
      %add3A_1193 = vector.broadcast %add3A_1192 : i32 to vector<16xi32>
      %add3A_1194 = arith.addi %get3A_1121, %add3A_1193 : vector<16xi32>
      %gather3A_1195 = tpu.vector_load_idx %arg12[%add3A_1117, %add3A_1194] : memref<208x128xf32, #tpu.memory_space<vmem>>[vector<16xi32>, vector<16xi32>], vector<16xf32>,
      %broadcast_in_dim3A_1196 = arith.constant 12 : i32
      %broadcast_in_dim3A_1197 = vector.broadcast %broadcast_in_dim3A_1196 : i32 to vector<16xi32>
      tpu.vector_store_idx %arg14[%add3A_1117, %broadcast_in_dim3A_1197], %gather3A_1195 : memref<208x32xf32, #tpu.memory_space<vmem>>[vector<16xi32>, vector<16xi32>], vector<16xf32>,
      %add3A_1198 = arith.constant 13 : i32
      %add3A_1199 = vector.broadcast %add3A_1198 : i32 to vector<16xi32>
      %add3A_1200 = arith.addi %get3A_1121, %add3A_1199 : vector<16xi32>
      %gather3A_1201 = tpu.vector_load_idx %arg12[%add3A_1117, %add3A_1200] : memref<208x128xf32, #tpu.memory_space<vmem>>[vector<16xi32>, vector<16xi32>], vector<16xf32>,
      %broadcast_in_dim3A_1202 = arith.constant 13 : i32
      %broadcast_in_dim3A_1203 = vector.broadcast %broadcast_in_dim3A_1202 : i32 to vector<16xi32>
      tpu.vector_store_idx %arg14[%add3A_1117, %broadcast_in_dim3A_1203], %gather3A_1201 : memref<208x32xf32, #tpu.memory_space<vmem>>[vector<16xi32>, vector<16xi32>], vector<16xf32>,
      %add3A_1204 = arith.constant 14 : i32
      %add3A_1205 = vector.broadcast %add3A_1204 : i32 to vector<16xi32>
      %add3A_1206 = arith.addi %get3A_1121, %add3A_1205 : vector<16xi32>
      %gather3A_1207 = tpu.vector_load_idx %arg12[%add3A_1117, %add3A_1206] : memref<208x128xf32, #tpu.memory_space<vmem>>[vector<16xi32>, vector<16xi32>], vector<16xf32>,
      %broadcast_in_dim3A_1208 = arith.constant 14 : i32
      %broadcast_in_dim3A_1209 = vector.broadcast %broadcast_in_dim3A_1208 : i32 to vector<16xi32>
      tpu.vector_store_idx %arg14[%add3A_1117, %broadcast_in_dim3A_1209], %gather3A_1207 : memref<208x32xf32, #tpu.memory_space<vmem>>[vector<16xi32>, vector<16xi32>], vector<16xf32>,
      %add3A_1210 = arith.constant 15 : i32
      %add3A_1211 = vector.broadcast %add3A_1210 : i32 to vector<16xi32>
      %add3A_1212 = arith.addi %get3A_1121, %add3A_1211 : vector<16xi32>
      %gather3A_1213 = tpu.vector_load_idx %arg12[%add3A_1117, %add3A_1212] : memref<208x128xf32, #tpu.memory_space<vmem>>[vector<16xi32>, vector<16xi32>], vector<16xf32>,
      %broadcast_in_dim3A_1214 = arith.constant 15 : i32
      %broadcast_in_dim3A_1215 = vector.broadcast %broadcast_in_dim3A_1214 : i32 to vector<16xi32>
      tpu.vector_store_idx %arg14[%add3A_1117, %broadcast_in_dim3A_1215], %gather3A_1213 : memref<208x32xf32, #tpu.memory_space<vmem>>[vector<16xi32>, vector<16xi32>], vector<16xf32>,
      %add3A_1216 = arith.constant 16 : i32
      %add3A_1217 = vector.broadcast %add3A_1216 : i32 to vector<16xi32>
      %add3A_1218 = arith.addi %get3A_1121, %add3A_1217 : vector<16xi32>
      %gather3A_1219 = tpu.vector_load_idx %arg12[%add3A_1117, %add3A_1218] : memref<208x128xf32, #tpu.memory_space<vmem>>[vector<16xi32>, vector<16xi32>], vector<16xf32>,
      %broadcast_in_dim3A_1220 = arith.constant 16 : i32
      %broadcast_in_dim3A_1221 = vector.broadcast %broadcast_in_dim3A_1220 : i32 to vector<16xi32>
      tpu.vector_store_idx %arg14[%add3A_1117, %broadcast_in_dim3A_1221], %gather3A_1219 : memref<208x32xf32, #tpu.memory_space<vmem>>[vector<16xi32>, vector<16xi32>], vector<16xf32>,
      %add3A_1222 = arith.constant 17 : i32
      %add3A_1223 = vector.broadcast %add3A_1222 : i32 to vector<16xi32>
      %add3A_1224 = arith.addi %get3A_1121, %add3A_1223 : vector<16xi32>
      %gather3A_1225 = tpu.vector_load_idx %arg12[%add3A_1117, %add3A_1224] : memref<208x128xf32, #tpu.memory_space<vmem>>[vector<16xi32>, vector<16xi32>], vector<16xf32>,
      %broadcast_in_dim3A_1226 = arith.constant 17 : i32
      %broadcast_in_dim3A_1227 = vector.broadcast %broadcast_in_dim3A_1226 : i32 to vector<16xi32>
      tpu.vector_store_idx %arg14[%add3A_1117, %broadcast_in_dim3A_1227], %gather3A_1225 : memref<208x32xf32, #tpu.memory_space<vmem>>[vector<16xi32>, vector<16xi32>], vector<16xf32>,
      %add3A_1228 = arith.constant 18 : i32
      %add3A_1229 = vector.broadcast %add3A_1228 : i32 to vector<16xi32>
      %add3A_1230 = arith.addi %get3A_1121, %add3A_1229 : vector<16xi32>
      %gather3A_1231 = tpu.vector_load_idx %arg12[%add3A_1117, %add3A_1230] : memref<208x128xf32, #tpu.memory_space<vmem>>[vector<16xi32>, vector<16xi32>], vector<16xf32>,
      %broadcast_in_dim3A_1232 = arith.constant 18 : i32
      %broadcast_in_dim3A_1233 = vector.broadcast %broadcast_in_dim3A_1232 : i32 to vector<16xi32>
      tpu.vector_store_idx %arg14[%add3A_1117, %broadcast_in_dim3A_1233], %gather3A_1231 : memref<208x32xf32, #tpu.memory_space<vmem>>[vector<16xi32>, vector<16xi32>], vector<16xf32>,
      %add3A_1234 = arith.constant 19 : i32
      %add3A_1235 = vector.broadcast %add3A_1234 : i32 to vector<16xi32>
      %add3A_1236 = arith.addi %get3A_1121, %add3A_1235 : vector<16xi32>
      %gather3A_1237 = tpu.vector_load_idx %arg12[%add3A_1117, %add3A_1236] : memref<208x128xf32, #tpu.memory_space<vmem>>[vector<16xi32>, vector<16xi32>], vector<16xf32>,
      %broadcast_in_dim3A_1238 = arith.constant 19 : i32
      %broadcast_in_dim3A_1239 = vector.broadcast %broadcast_in_dim3A_1238 : i32 to vector<16xi32>
      tpu.vector_store_idx %arg14[%add3A_1117, %broadcast_in_dim3A_1239], %gather3A_1237 : memref<208x32xf32, #tpu.memory_space<vmem>>[vector<16xi32>, vector<16xi32>], vector<16xf32>,
      %add3A_1240 = arith.constant 20 : i32
      %add3A_1241 = vector.broadcast %add3A_1240 : i32 to vector<16xi32>
      %add3A_1242 = arith.addi %get3A_1121, %add3A_1241 : vector<16xi32>
      %gather3A_1243 = tpu.vector_load_idx %arg12[%add3A_1117, %add3A_1242] : memref<208x128xf32, #tpu.memory_space<vmem>>[vector<16xi32>, vector<16xi32>], vector<16xf32>,
      %broadcast_in_dim3A_1244 = arith.constant 20 : i32
      %broadcast_in_dim3A_1245 = vector.broadcast %broadcast_in_dim3A_1244 : i32 to vector<16xi32>
      tpu.vector_store_idx %arg14[%add3A_1117, %broadcast_in_dim3A_1245], %gather3A_1243 : memref<208x32xf32, #tpu.memory_space<vmem>>[vector<16xi32>, vector<16xi32>], vector<16xf32>,
      %add3A_1246 = arith.constant 21 : i32
      %add3A_1247 = vector.broadcast %add3A_1246 : i32 to vector<16xi32>
      %add3A_1248 = arith.addi %get3A_1121, %add3A_1247 : vector<16xi32>
      %gather3A_1249 = tpu.vector_load_idx %arg12[%add3A_1117, %add3A_1248] : memref<208x128xf32, #tpu.memory_space<vmem>>[vector<16xi32>, vector<16xi32>], vector<16xf32>,
      %broadcast_in_dim3A_1250 = arith.constant 21 : i32
      %broadcast_in_dim3A_1251 = vector.broadcast %broadcast_in_dim3A_1250 : i32 to vector<16xi32>
      tpu.vector_store_idx %arg14[%add3A_1117, %broadcast_in_dim3A_1251], %gather3A_1249 : memref<208x32xf32, #tpu.memory_space<vmem>>[vector<16xi32>, vector<16xi32>], vector<16xf32>,
      %add3A_1252 = arith.constant 22 : i32
      %add3A_1253 = vector.broadcast %add3A_1252 : i32 to vector<16xi32>
      %add3A_1254 = arith.addi %get3A_1121, %add3A_1253 : vector<16xi32>
      %gather3A_1255 = tpu.vector_load_idx %arg12[%add3A_1117, %add3A_1254] : memref<208x128xf32, #tpu.memory_space<vmem>>[vector<16xi32>, vector<16xi32>], vector<16xf32>,
      %broadcast_in_dim3A_1256 = arith.constant 22 : i32
      %broadcast_in_dim3A_1257 = vector.broadcast %broadcast_in_dim3A_1256 : i32 to vector<16xi32>
      tpu.vector_store_idx %arg14[%add3A_1117, %broadcast_in_dim3A_1257], %gather3A_1255 : memref<208x32xf32, #tpu.memory_space<vmem>>[vector<16xi32>, vector<16xi32>], vector<16xf32>,
      %add3A_1258 = arith.constant 23 : i32
      %add3A_1259 = vector.broadcast %add3A_1258 : i32 to vector<16xi32>
      %add3A_1260 = arith.addi %get3A_1121, %add3A_1259 : vector<16xi32>
      %gather3A_1261 = tpu.vector_load_idx %arg12[%add3A_1117, %add3A_1260] : memref<208x128xf32, #tpu.memory_space<vmem>>[vector<16xi32>, vector<16xi32>], vector<16xf32>,
      %broadcast_in_dim3A_1262 = arith.constant 23 : i32
      %broadcast_in_dim3A_1263 = vector.broadcast %broadcast_in_dim3A_1262 : i32 to vector<16xi32>
      tpu.vector_store_idx %arg14[%add3A_1117, %broadcast_in_dim3A_1263], %gather3A_1261 : memref<208x32xf32, #tpu.memory_space<vmem>>[vector<16xi32>, vector<16xi32>], vector<16xf32>,
      %add3A_1264 = arith.constant 24 : i32
      %add3A_1265 = vector.broadcast %add3A_1264 : i32 to vector<16xi32>
      %add3A_1266 = arith.addi %get3A_1121, %add3A_1265 : vector<16xi32>
      %gather3A_1267 = tpu.vector_load_idx %arg12[%add3A_1117, %add3A_1266] : memref<208x128xf32, #tpu.memory_space<vmem>>[vector<16xi32>, vector<16xi32>], vector<16xf32>,
      %broadcast_in_dim3A_1268 = arith.constant 24 : i32
      %broadcast_in_dim3A_1269 = vector.broadcast %broadcast_in_dim3A_1268 : i32 to vector<16xi32>
      tpu.vector_store_idx %arg14[%add3A_1117, %broadcast_in_dim3A_1269], %gather3A_1267 : memref<208x32xf32, #tpu.memory_space<vmem>>[vector<16xi32>, vector<16xi32>], vector<16xf32>,
      %add3A_1270 = arith.constant 25 : i32
      %add3A_1271 = vector.broadcast %add3A_1270 : i32 to vector<16xi32>
      %add3A_1272 = arith.addi %get3A_1121, %add3A_1271 : vector<16xi32>
      %gather3A_1273 = tpu.vector_load_idx %arg12[%add3A_1117, %add3A_1272] : memref<208x128xf32, #tpu.memory_space<vmem>>[vector<16xi32>, vector<16xi32>], vector<16xf32>,
      %broadcast_in_dim3A_1274 = arith.constant 25 : i32
      %broadcast_in_dim3A_1275 = vector.broadcast %broadcast_in_dim3A_1274 : i32 to vector<16xi32>
      tpu.vector_store_idx %arg14[%add3A_1117, %broadcast_in_dim3A_1275], %gather3A_1273 : memref<208x32xf32, #tpu.memory_space<vmem>>[vector<16xi32>, vector<16xi32>], vector<16xf32>,
      %add3A_1276 = arith.constant 26 : i32
      %add3A_1277 = vector.broadcast %add3A_1276 : i32 to vector<16xi32>
      %add3A_1278 = arith.addi %get3A_1121, %add3A_1277 : vector<16xi32>
      %gather3A_1279 = tpu.vector_load_idx %arg12[%add3A_1117, %add3A_1278] : memref<208x128xf32, #tpu.memory_space<vmem>>[vector<16xi32>, vector<16xi32>], vector<16xf32>,
      %broadcast_in_dim3A_1280 = arith.constant 26 : i32
      %broadcast_in_dim3A_1281 = vector.broadcast %broadcast_in_dim3A_1280 : i32 to vector<16xi32>
      tpu.vector_store_idx %arg14[%add3A_1117, %broadcast_in_dim3A_1281], %gather3A_1279 : memref<208x32xf32, #tpu.memory_space<vmem>>[vector<16xi32>, vector<16xi32>], vector<16xf32>,
      %add3A_1282 = arith.constant 27 : i32
      %add3A_1283 = vector.broadcast %add3A_1282 : i32 to vector<16xi32>
      %add3A_1284 = arith.addi %get3A_1121, %add3A_1283 : vector<16xi32>
      %gather3A_1285 = tpu.vector_load_idx %arg12[%add3A_1117, %add3A_1284] : memref<208x128xf32, #tpu.memory_space<vmem>>[vector<16xi32>, vector<16xi32>], vector<16xf32>,
      %broadcast_in_dim3A_1286 = arith.constant 27 : i32
      %broadcast_in_dim3A_1287 = vector.broadcast %broadcast_in_dim3A_1286 : i32 to vector<16xi32>
      tpu.vector_store_idx %arg14[%add3A_1117, %broadcast_in_dim3A_1287], %gather3A_1285 : memref<208x32xf32, #tpu.memory_space<vmem>>[vector<16xi32>, vector<16xi32>], vector<16xf32>,
      %add3A_1288 = arith.constant 28 : i32
      %add3A_1289 = vector.broadcast %add3A_1288 : i32 to vector<16xi32>
      %add3A_1290 = arith.addi %get3A_1121, %add3A_1289 : vector<16xi32>
      %gather3A_1291 = tpu.vector_load_idx %arg12[%add3A_1117, %add3A_1290] : memref<208x128xf32, #tpu.memory_space<vmem>>[vector<16xi32>, vector<16xi32>], vector<16xf32>,
      %broadcast_in_dim3A_1292 = arith.constant 28 : i32
      %broadcast_in_dim3A_1293 = vector.broadcast %broadcast_in_dim3A_1292 : i32 to vector<16xi32>
      tpu.vector_store_idx %arg14[%add3A_1117, %broadcast_in_dim3A_1293], %gather3A_1291 : memref<208x32xf32, #tpu.memory_space<vmem>>[vector<16xi32>, vector<16xi32>], vector<16xf32>,
      %add3A_1294 = arith.constant 29 : i32
      %add3A_1295 = vector.broadcast %add3A_1294 : i32 to vector<16xi32>
      %add3A_1296 = arith.addi %get3A_1121, %add3A_1295 : vector<16xi32>
      %gather3A_1297 = tpu.vector_load_idx %arg12[%add3A_1117, %add3A_1296] : memref<208x128xf32, #tpu.memory_space<vmem>>[vector<16xi32>, vector<16xi32>], vector<16xf32>,
      %broadcast_in_dim3A_1298 = arith.constant 29 : i32
      %broadcast_in_dim3A_1299 = vector.broadcast %broadcast_in_dim3A_1298 : i32 to vector<16xi32>
      tpu.vector_store_idx %arg14[%add3A_1117, %broadcast_in_dim3A_1299], %gather3A_1297 : memref<208x32xf32, #tpu.memory_space<vmem>>[vector<16xi32>, vector<16xi32>], vector<16xf32>,
      %add3A_1300 = arith.constant 30 : i32
      %add3A_1301 = vector.broadcast %add3A_1300 : i32 to vector<16xi32>
      %add3A_1302 = arith.addi %get3A_1121, %add3A_1301 : vector<16xi32>
      %gather3A_1303 = tpu.vector_load_idx %arg12[%add3A_1117, %add3A_1302] : memref<208x128xf32, #tpu.memory_space<vmem>>[vector<16xi32>, vector<16xi32>], vector<16xf32>,
      %broadcast_in_dim3A_1304 = arith.constant 30 : i32
      %broadcast_in_dim3A_1305 = vector.broadcast %broadcast_in_dim3A_1304 : i32 to vector<16xi32>
      tpu.vector_store_idx %arg14[%add3A_1117, %broadcast_in_dim3A_1305], %gather3A_1303 : memref<208x32xf32, #tpu.memory_space<vmem>>[vector<16xi32>, vector<16xi32>], vector<16xf32>,
      %add3A_1306 = arith.constant 31 : i32
      %add3A_1307 = vector.broadcast %add3A_1306 : i32 to vector<16xi32>
      %add3A_1308 = arith.addi %get3A_1121, %add3A_1307 : vector<16xi32>
      %gather3A_1309 = tpu.vector_load_idx %arg12[%add3A_1117, %add3A_1308] : memref<208x128xf32, #tpu.memory_space<vmem>>[vector<16xi32>, vector<16xi32>], vector<16xf32>,
      %broadcast_in_dim3A_1310 = arith.constant 31 : i32
      %broadcast_in_dim3A_1311 = vector.broadcast %broadcast_in_dim3A_1310 : i32 to vector<16xi32>
      tpu.vector_store_idx %arg14[%add3A_1117, %broadcast_in_dim3A_1311], %gather3A_1309 : memref<208x32xf32, #tpu.memory_space<vmem>>[vector<16xi32>, vector<16xi32>], vector<16xf32>,
    }
    %scan3A_742 = arith.constant 13 : i32
    %add3A_743 = arith.constant 1 : i32
    %add3A_744 = arith.addi %mul3A_2, %add3A_743 : i32
    %dma_start3A_745 = arith.constant 0 : i32
    %dma_start3A_746 = arith.constant 0 : i32
    %dma_start3A_747 = tpu.memref_slice %arg14[%dma_start3A_745, %dma_start3A_746] : memref<208x32xf32, #tpu.memory_space<vmem>> -> memref<200x32xf32, #tpu.memory_space<vmem>>
    %dma_start3A_748 = arith.constant 0 : i32
    %dma_start3A_749 = arith.constant 0 : i32
    %dma_start3A_750 = tpu.memref_slice %arg4[%add3A_744, %dma_start3A_748, %dma_start3A_749] : memref<4096x200x32xf32, #tpu.memory_space<hbm>> -> memref<1x200x32xf32, #tpu.memory_space<hbm>>
    %dma_start3A_751 = tpu.memref_squeeze %dma_start3A_750 : memref<1x200x32xf32, #tpu.memory_space<hbm>> -> memref<200x32xf32, #tpu.memory_space<hbm>>
    %dma_start3A_752 = arith.constant 0 : i32
    %dma_start3A_753 = arith.constant 0 : i32
    %dma_start3A_754 = tpu.memref_slice %arg4[%add3A_744, %dma_start3A_752, %dma_start3A_753] : memref<4096x200x32xf32, #tpu.memory_space<hbm>> -> memref<1x200x32xf32, #tpu.memory_space<hbm>>
    %dma_start3A_755 = tpu.memref_squeeze %dma_start3A_754 : memref<1x200x32xf32, #tpu.memory_space<hbm>> -> memref<200x32xf32, #tpu.memory_space<hbm>>
    %dma_start3A_756 = arith.constant 0 : i32
    %dma_start3A_757 = arith.constant 0 : i32
    %dma_start3A_758 = tpu.memref_slice %arg14[%dma_start3A_756, %dma_start3A_757] : memref<208x32xf32, #tpu.memory_space<vmem>> -> memref<200x32xf32, #tpu.memory_space<vmem>>
    tpu.enqueue_dma source(%dma_start3A_758 : memref<200x32xf32, #tpu.memory_space<vmem>>) target(%dma_start3A_755 : memref<200x32xf32, #tpu.memory_space<hbm>>) target_semaphore(%arg20 : memref<!tpu.dma_semaphore, #tpu.memory_space<semaphore_mem>>)
    %scan3A_759 = arith.constant 0 : i32
    %scan3A_760 = arith.constant 62 : i32
    %scan3A_761 = arith.addi %scan3A_759, %scan3A_760 : i32
    %scan3A_762 = arith.constant 1 : i32
    scf.for %scan3A_1109 = %scan3A_759 to %scan3A_761 step %scan3A_762  : i32 {
      %mul3A_1110 = arith.constant 1 : i32
      %mul3A_1111 = arith.muli %scan3A_1109, %mul3A_1110 : i32
      %add3A_1112 = arith.constant 1 : i32
      %add3A_1113 = arith.addi %add3A_1112, %mul3A_1111 : i32
      %mul3A_1114 = arith.constant 2 : i32
      %mul3A_1115 = arith.muli %add3A_1113, %mul3A_1114 : i32
      %dma_wait3A_1116 = arith.constant 0 : i32
      %dma_wait3A_1117 = tpu.memref_slice %arg6[%dma_wait3A_1116] : memref<208xi32, #tpu.memory_space<vmem>> -> memref<200xi32, #tpu.memory_space<vmem>>
      %dma_wait3A_1118 = arith.constant 0 : i32
      %dma_wait3A_1119 = tpu.memref_slice %arg3[%dma_wait3A_1118] : memref<819200xi32, #tpu.memory_space<hbm>> -> memref<200xi32, #tpu.memory_space<hbm>>
      %dma_wait3A_1120 = arith.constant 0 : i32
      %dma_wait3A_1121 = tpu.memref_slice %arg6[%dma_wait3A_1120] : memref<208xi32, #tpu.memory_space<vmem>> -> memref<200xi32, #tpu.memory_space<vmem>>
      %dma_wait3A_1122 = arith.constant 0 : i32
      %dma_wait3A_1123 = tpu.memref_slice %arg3[%dma_wait3A_1122] : memref<819200xi32, #tpu.memory_space<hbm>> -> memref<200xi32, #tpu.memory_space<hbm>>
      tpu.wait_dma2 semaphore(%arg16 : memref<!tpu.dma_semaphore, #tpu.memory_space<semaphore_mem>>) src(%dma_wait3A_1123 : memref<200xi32, #tpu.memory_space<hbm>>) dst(%dma_wait3A_1121 : memref<200xi32, #tpu.memory_space<vmem>>)
      %get3A_1124 = arith.constant 0 : index
      %get3A_1125 = tpu.vector_load %arg6[%get3A_1124] {strides = array<i32>} : memref<208xi32, #tpu.memory_space<vmem>>, vector<16xi32>,
      %shift_right_logical3A_1126 = arith.constant 2 : i32
      %shift_right_logical3A_1127 = vector.broadcast %shift_right_logical3A_1126 : i32 to vector<16xi32>
      %shift_right_logical3A_1128 = arith.shrui %get3A_1125, %shift_right_logical3A_1127 : vector<16xi32>
      %swap3A_1129 = arith.constant 0 : index
      %swap3A_1130 = tpu.vector_load %arg8[%swap3A_1129] {strides = array<i32>} : memref<208xi32, #tpu.memory_space<vmem>>, vector<16xi32>,
      tpu.vector_store %arg8[%swap3A_1129], %shift_right_logical3A_1128 {strides = array<i32>} : memref<208xi32, #tpu.memory_space<vmem>>, vector<16xi32>,
      %and3A_1131 = arith.constant 3 : i32
      %and3A_1132 = vector.broadcast %and3A_1131 : i32 to vector<16xi32>
      %and3A_1133 = arith.andi %get3A_1125, %and3A_1132 : vector<16xi32>
      %mul3A_1134 = arith.constant 32 : i32
      %mul3A_1135 = vector.broadcast %mul3A_1134 : i32 to vector<16xi32>
      %mul3A_1136 = arith.muli %and3A_1133, %mul3A_1135 : vector<16xi32>
      %swap3A_1137 = arith.constant 0 : index
      %swap3A_1138 = tpu.vector_load %arg10[%swap3A_1137] {strides = array<i32>} : memref<208xi32, #tpu.memory_space<vmem>>, vector<16xi32>,
      tpu.vector_store %arg10[%swap3A_1137], %mul3A_1136 {strides = array<i32>} : memref<208xi32, #tpu.memory_space<vmem>>, vector<16xi32>,
      %get3A_1139 = arith.constant 16 : index
      %get3A_1140 = tpu.vector_load %arg6[%get3A_1139] {strides = array<i32>} : memref<208xi32, #tpu.memory_space<vmem>>, vector<16xi32>,
      %shift_right_logical3A_1141 = arith.constant 2 : i32
      %shift_right_logical3A_1142 = vector.broadcast %shift_right_logical3A_1141 : i32 to vector<16xi32>
      %shift_right_logical3A_1143 = arith.shrui %get3A_1140, %shift_right_logical3A_1142 : vector<16xi32>
      %swap3A_1144 = arith.constant 16 : index
      %swap3A_1145 = tpu.vector_load %arg8[%swap3A_1144] {strides = array<i32>} : memref<208xi32, #tpu.memory_space<vmem>>, vector<16xi32>,
      tpu.vector_store %arg8[%swap3A_1144], %shift_right_logical3A_1143 {strides = array<i32>} : memref<208xi32, #tpu.memory_space<vmem>>, vector<16xi32>,
      %and3A_1146 = arith.constant 3 : i32
      %and3A_1147 = vector.broadcast %and3A_1146 : i32 to vector<16xi32>
      %and3A_1148 = arith.andi %get3A_1140, %and3A_1147 : vector<16xi32>
      %mul3A_1149 = arith.constant 32 : i32
      %mul3A_1150 = vector.broadcast %mul3A_1149 : i32 to vector<16xi32>
      %mul3A_1151 = arith.muli %and3A_1148, %mul3A_1150 : vector<16xi32>
      %swap3A_1152 = arith.constant 16 : index
      %swap3A_1153 = tpu.vector_load %arg10[%swap3A_1152] {strides = array<i32>} : memref<208xi32, #tpu.memory_space<vmem>>, vector<16xi32>,
      tpu.vector_store %arg10[%swap3A_1152], %mul3A_1151 {strides = array<i32>} : memref<208xi32, #tpu.memory_space<vmem>>, vector<16xi32>,
      %get3A_1154 = arith.constant 32 : index
      %get3A_1155 = tpu.vector_load %arg6[%get3A_1154] {strides = array<i32>} : memref<208xi32, #tpu.memory_space<vmem>>, vector<16xi32>,
      %shift_right_logical3A_1156 = arith.constant 2 : i32
      %shift_right_logical3A_1157 = vector.broadcast %shift_right_logical3A_1156 : i32 to vector<16xi32>
      %shift_right_logical3A_1158 = arith.shrui %get3A_1155, %shift_right_logical3A_1157 : vector<16xi32>
      %swap3A_1159 = arith.constant 32 : index
      %swap3A_1160 = tpu.vector_load %arg8[%swap3A_1159] {strides = array<i32>} : memref<208xi32, #tpu.memory_space<vmem>>, vector<16xi32>,
      tpu.vector_store %arg8[%swap3A_1159], %shift_right_logical3A_1158 {strides = array<i32>} : memref<208xi32, #tpu.memory_space<vmem>>, vector<16xi32>,
      %and3A_1161 = arith.constant 3 : i32
      %and3A_1162 = vector.broadcast %and3A_1161 : i32 to vector<16xi32>
      %and3A_1163 = arith.andi %get3A_1155, %and3A_1162 : vector<16xi32>
      %mul3A_1164 = arith.constant 32 : i32
      %mul3A_1165 = vector.broadcast %mul3A_1164 : i32 to vector<16xi32>
      %mul3A_1166 = arith.muli %and3A_1163, %mul3A_1165 : vector<16xi32>
      %swap3A_1167 = arith.constant 32 : index
      %swap3A_1168 = tpu.vector_load %arg10[%swap3A_1167] {strides = array<i32>} : memref<208xi32, #tpu.memory_space<vmem>>, vector<16xi32>,
      tpu.vector_store %arg10[%swap3A_1167], %mul3A_1166 {strides = array<i32>} : memref<208xi32, #tpu.memory_space<vmem>>, vector<16xi32>,
      %get3A_1169 = arith.constant 48 : index
      %get3A_1170 = tpu.vector_load %arg6[%get3A_1169] {strides = array<i32>} : memref<208xi32, #tpu.memory_space<vmem>>, vector<16xi32>,
      %shift_right_logical3A_1171 = arith.constant 2 : i32
      %shift_right_logical3A_1172 = vector.broadcast %shift_right_logical3A_1171 : i32 to vector<16xi32>
      %shift_right_logical3A_1173 = arith.shrui %get3A_1170, %shift_right_logical3A_1172 : vector<16xi32>
      %swap3A_1174 = arith.constant 48 : index
      %swap3A_1175 = tpu.vector_load %arg8[%swap3A_1174] {strides = array<i32>} : memref<208xi32, #tpu.memory_space<vmem>>, vector<16xi32>,
      tpu.vector_store %arg8[%swap3A_1174], %shift_right_logical3A_1173 {strides = array<i32>} : memref<208xi32, #tpu.memory_space<vmem>>, vector<16xi32>,
      %and3A_1176 = arith.constant 3 : i32
      %and3A_1177 = vector.broadcast %and3A_1176 : i32 to vector<16xi32>
      %and3A_1178 = arith.andi %get3A_1170, %and3A_1177 : vector<16xi32>
      %mul3A_1179 = arith.constant 32 : i32
      %mul3A_1180 = vector.broadcast %mul3A_1179 : i32 to vector<16xi32>
      %mul3A_1181 = arith.muli %and3A_1178, %mul3A_1180 : vector<16xi32>
      %swap3A_1182 = arith.constant 48 : index
      %swap3A_1183 = tpu.vector_load %arg10[%swap3A_1182] {strides = array<i32>} : memref<208xi32, #tpu.memory_space<vmem>>, vector<16xi32>,
      tpu.vector_store %arg10[%swap3A_1182], %mul3A_1181 {strides = array<i32>} : memref<208xi32, #tpu.memory_space<vmem>>, vector<16xi32>,
      %get3A_1184 = arith.constant 64 : index
      %get3A_1185 = tpu.vector_load %arg6[%get3A_1184] {strides = array<i32>} : memref<208xi32, #tpu.memory_space<vmem>>, vector<16xi32>,
      %shift_right_logical3A_1186 = arith.constant 2 : i32
      %shift_right_logical3A_1187 = vector.broadcast %shift_right_logical3A_1186 : i32 to vector<16xi32>
      %shift_right_logical3A_1188 = arith.shrui %get3A_1185, %shift_right_logical3A_1187 : vector<16xi32>
      %swap3A_1189 = arith.constant 64 : index
      %swap3A_1190 = tpu.vector_load %arg8[%swap3A_1189] {strides = array<i32>} : memref<208xi32, #tpu.memory_space<vmem>>, vector<16xi32>,
      tpu.vector_store %arg8[%swap3A_1189], %shift_right_logical3A_1188 {strides = array<i32>} : memref<208xi32, #tpu.memory_space<vmem>>, vector<16xi32>,
      %and3A_1191 = arith.constant 3 : i32
      %and3A_1192 = vector.broadcast %and3A_1191 : i32 to vector<16xi32>
      %and3A_1193 = arith.andi %get3A_1185, %and3A_1192 : vector<16xi32>
      %mul3A_1194 = arith.constant 32 : i32
      %mul3A_1195 = vector.broadcast %mul3A_1194 : i32 to vector<16xi32>
      %mul3A_1196 = arith.muli %and3A_1193, %mul3A_1195 : vector<16xi32>
      %swap3A_1197 = arith.constant 64 : index
      %swap3A_1198 = tpu.vector_load %arg10[%swap3A_1197] {strides = array<i32>} : memref<208xi32, #tpu.memory_space<vmem>>, vector<16xi32>,
      tpu.vector_store %arg10[%swap3A_1197], %mul3A_1196 {strides = array<i32>} : memref<208xi32, #tpu.memory_space<vmem>>, vector<16xi32>,
      %get3A_1199 = arith.constant 80 : index
      %get3A_1200 = tpu.vector_load %arg6[%get3A_1199] {strides = array<i32>} : memref<208xi32, #tpu.memory_space<vmem>>, vector<16xi32>,
      %shift_right_logical3A_1201 = arith.constant 2 : i32
      %shift_right_logical3A_1202 = vector.broadcast %shift_right_logical3A_1201 : i32 to vector<16xi32>
      %shift_right_logical3A_1203 = arith.shrui %get3A_1200, %shift_right_logical3A_1202 : vector<16xi32>
      %swap3A_1204 = arith.constant 80 : index
      %swap3A_1205 = tpu.vector_load %arg8[%swap3A_1204] {strides = array<i32>} : memref<208xi32, #tpu.memory_space<vmem>>, vector<16xi32>,
      tpu.vector_store %arg8[%swap3A_1204], %shift_right_logical3A_1203 {strides = array<i32>} : memref<208xi32, #tpu.memory_space<vmem>>, vector<16xi32>,
      %and3A_1206 = arith.constant 3 : i32
      %and3A_1207 = vector.broadcast %and3A_1206 : i32 to vector<16xi32>
      %and3A_1208 = arith.andi %get3A_1200, %and3A_1207 : vector<16xi32>
      %mul3A_1209 = arith.constant 32 : i32
      %mul3A_1210 = vector.broadcast %mul3A_1209 : i32 to vector<16xi32>
      %mul3A_1211 = arith.muli %and3A_1208, %mul3A_1210 : vector<16xi32>
      %swap3A_1212 = arith.constant 80 : index
      %swap3A_1213 = tpu.vector_load %arg10[%swap3A_1212] {strides = array<i32>} : memref<208xi32, #tpu.memory_space<vmem>>, vector<16xi32>,
      tpu.vector_store %arg10[%swap3A_1212], %mul3A_1211 {strides = array<i32>} : memref<208xi32, #tpu.memory_space<vmem>>, vector<16xi32>,
      %get3A_1214 = arith.constant 96 : index
      %get3A_1215 = tpu.vector_load %arg6[%get3A_1214] {strides = array<i32>} : memref<208xi32, #tpu.memory_space<vmem>>, vector<16xi32>,
      %shift_right_logical3A_1216 = arith.constant 2 : i32
      %shift_right_logical3A_1217 = vector.broadcast %shift_right_logical3A_1216 : i32 to vector<16xi32>
      %shift_right_logical3A_1218 = arith.shrui %get3A_1215, %shift_right_logical3A_1217 : vector<16xi32>
      %swap3A_1219 = arith.constant 96 : index
      %swap3A_1220 = tpu.vector_load %arg8[%swap3A_1219] {strides = array<i32>} : memref<208xi32, #tpu.memory_space<vmem>>, vector<16xi32>,
      tpu.vector_store %arg8[%swap3A_1219], %shift_right_logical3A_1218 {strides = array<i32>} : memref<208xi32, #tpu.memory_space<vmem>>, vector<16xi32>,
      %and3A_1221 = arith.constant 3 : i32
      %and3A_1222 = vector.broadcast %and3A_1221 : i32 to vector<16xi32>
      %and3A_1223 = arith.andi %get3A_1215, %and3A_1222 : vector<16xi32>
      %mul3A_1224 = arith.constant 32 : i32
      %mul3A_1225 = vector.broadcast %mul3A_1224 : i32 to vector<16xi32>
      %mul3A_1226 = arith.muli %and3A_1223, %mul3A_1225 : vector<16xi32>
      %swap3A_1227 = arith.constant 96 : index
      %swap3A_1228 = tpu.vector_load %arg10[%swap3A_1227] {strides = array<i32>} : memref<208xi32, #tpu.memory_space<vmem>>, vector<16xi32>,
      tpu.vector_store %arg10[%swap3A_1227], %mul3A_1226 {strides = array<i32>} : memref<208xi32, #tpu.memory_space<vmem>>, vector<16xi32>,
      %get3A_1229 = arith.constant 112 : index
      %get3A_1230 = tpu.vector_load %arg6[%get3A_1229] {strides = array<i32>} : memref<208xi32, #tpu.memory_space<vmem>>, vector<16xi32>,
      %shift_right_logical3A_1231 = arith.constant 2 : i32
      %shift_right_logical3A_1232 = vector.broadcast %shift_right_logical3A_1231 : i32 to vector<16xi32>
      %shift_right_logical3A_1233 = arith.shrui %get3A_1230, %shift_right_logical3A_1232 : vector<16xi32>
      %swap3A_1234 = arith.constant 112 : index
      %swap3A_1235 = tpu.vector_load %arg8[%swap3A_1234] {strides = array<i32>} : memref<208xi32, #tpu.memory_space<vmem>>, vector<16xi32>,
      tpu.vector_store %arg8[%swap3A_1234], %shift_right_logical3A_1233 {strides = array<i32>} : memref<208xi32, #tpu.memory_space<vmem>>, vector<16xi32>,
      %and3A_1236 = arith.constant 3 : i32
      %and3A_1237 = vector.broadcast %and3A_1236 : i32 to vector<16xi32>
      %and3A_1238 = arith.andi %get3A_1230, %and3A_1237 : vector<16xi32>
      %mul3A_1239 = arith.constant 32 : i32
      %mul3A_1240 = vector.broadcast %mul3A_1239 : i32 to vector<16xi32>
      %mul3A_1241 = arith.muli %and3A_1238, %mul3A_1240 : vector<16xi32>
      %swap3A_1242 = arith.constant 112 : index
      %swap3A_1243 = tpu.vector_load %arg10[%swap3A_1242] {strides = array<i32>} : memref<208xi32, #tpu.memory_space<vmem>>, vector<16xi32>,
      tpu.vector_store %arg10[%swap3A_1242], %mul3A_1241 {strides = array<i32>} : memref<208xi32, #tpu.memory_space<vmem>>, vector<16xi32>,
      %get3A_1244 = arith.constant 128 : index
      %get3A_1245 = tpu.vector_load %arg6[%get3A_1244] {strides = array<i32>} : memref<208xi32, #tpu.memory_space<vmem>>, vector<16xi32>,
      %shift_right_logical3A_1246 = arith.constant 2 : i32
      %shift_right_logical3A_1247 = vector.broadcast %shift_right_logical3A_1246 : i32 to vector<16xi32>
      %shift_right_logical3A_1248 = arith.shrui %get3A_1245, %shift_right_logical3A_1247 : vector<16xi32>
      %swap3A_1249 = arith.constant 128 : index
      %swap3A_1250 = tpu.vector_load %arg8[%swap3A_1249] {strides = array<i32>} : memref<208xi32, #tpu.memory_space<vmem>>, vector<16xi32>,
      tpu.vector_store %arg8[%swap3A_1249], %shift_right_logical3A_1248 {strides = array<i32>} : memref<208xi32, #tpu.memory_space<vmem>>, vector<16xi32>,
      %and3A_1251 = arith.constant 3 : i32
      %and3A_1252 = vector.broadcast %and3A_1251 : i32 to vector<16xi32>
      %and3A_1253 = arith.andi %get3A_1245, %and3A_1252 : vector<16xi32>
      %mul3A_1254 = arith.constant 32 : i32
      %mul3A_1255 = vector.broadcast %mul3A_1254 : i32 to vector<16xi32>
      %mul3A_1256 = arith.muli %and3A_1253, %mul3A_1255 : vector<16xi32>
      %swap3A_1257 = arith.constant 128 : index
      %swap3A_1258 = tpu.vector_load %arg10[%swap3A_1257] {strides = array<i32>} : memref<208xi32, #tpu.memory_space<vmem>>, vector<16xi32>,
      tpu.vector_store %arg10[%swap3A_1257], %mul3A_1256 {strides = array<i32>} : memref<208xi32, #tpu.memory_space<vmem>>, vector<16xi32>,
      %get3A_1259 = arith.constant 144 : index
      %get3A_1260 = tpu.vector_load %arg6[%get3A_1259] {strides = array<i32>} : memref<208xi32, #tpu.memory_space<vmem>>, vector<16xi32>,
      %shift_right_logical3A_1261 = arith.constant 2 : i32
      %shift_right_logical3A_1262 = vector.broadcast %shift_right_logical3A_1261 : i32 to vector<16xi32>
      %shift_right_logical3A_1263 = arith.shrui %get3A_1260, %shift_right_logical3A_1262 : vector<16xi32>
      %swap3A_1264 = arith.constant 144 : index
      %swap3A_1265 = tpu.vector_load %arg8[%swap3A_1264] {strides = array<i32>} : memref<208xi32, #tpu.memory_space<vmem>>, vector<16xi32>,
      tpu.vector_store %arg8[%swap3A_1264], %shift_right_logical3A_1263 {strides = array<i32>} : memref<208xi32, #tpu.memory_space<vmem>>, vector<16xi32>,
      %and3A_1266 = arith.constant 3 : i32
      %and3A_1267 = vector.broadcast %and3A_1266 : i32 to vector<16xi32>
      %and3A_1268 = arith.andi %get3A_1260, %and3A_1267 : vector<16xi32>
      %mul3A_1269 = arith.constant 32 : i32
      %mul3A_1270 = vector.broadcast %mul3A_1269 : i32 to vector<16xi32>
      %mul3A_1271 = arith.muli %and3A_1268, %mul3A_1270 : vector<16xi32>
      %swap3A_1272 = arith.constant 144 : index
      %swap3A_1273 = tpu.vector_load %arg10[%swap3A_1272] {strides = array<i32>} : memref<208xi32, #tpu.memory_space<vmem>>, vector<16xi32>,
      tpu.vector_store %arg10[%swap3A_1272], %mul3A_1271 {strides = array<i32>} : memref<208xi32, #tpu.memory_space<vmem>>, vector<16xi32>,
      %get3A_1274 = arith.constant 160 : index
      %get3A_1275 = tpu.vector_load %arg6[%get3A_1274] {strides = array<i32>} : memref<208xi32, #tpu.memory_space<vmem>>, vector<16xi32>,
      %shift_right_logical3A_1276 = arith.constant 2 : i32
      %shift_right_logical3A_1277 = vector.broadcast %shift_right_logical3A_1276 : i32 to vector<16xi32>
      %shift_right_logical3A_1278 = arith.shrui %get3A_1275, %shift_right_logical3A_1277 : vector<16xi32>
      %swap3A_1279 = arith.constant 160 : index
      %swap3A_1280 = tpu.vector_load %arg8[%swap3A_1279] {strides = array<i32>} : memref<208xi32, #tpu.memory_space<vmem>>, vector<16xi32>,
      tpu.vector_store %arg8[%swap3A_1279], %shift_right_logical3A_1278 {strides = array<i32>} : memref<208xi32, #tpu.memory_space<vmem>>, vector<16xi32>,
      %and3A_1281 = arith.constant 3 : i32
      %and3A_1282 = vector.broadcast %and3A_1281 : i32 to vector<16xi32>
      %and3A_1283 = arith.andi %get3A_1275, %and3A_1282 : vector<16xi32>
      %mul3A_1284 = arith.constant 32 : i32
      %mul3A_1285 = vector.broadcast %mul3A_1284 : i32 to vector<16xi32>
      %mul3A_1286 = arith.muli %and3A_1283, %mul3A_1285 : vector<16xi32>
      %swap3A_1287 = arith.constant 160 : index
      %swap3A_1288 = tpu.vector_load %arg10[%swap3A_1287] {strides = array<i32>} : memref<208xi32, #tpu.memory_space<vmem>>, vector<16xi32>,
      tpu.vector_store %arg10[%swap3A_1287], %mul3A_1286 {strides = array<i32>} : memref<208xi32, #tpu.memory_space<vmem>>, vector<16xi32>,
      %get3A_1289 = arith.constant 176 : index
      %get3A_1290 = tpu.vector_load %arg6[%get3A_1289] {strides = array<i32>} : memref<208xi32, #tpu.memory_space<vmem>>, vector<16xi32>,
      %shift_right_logical3A_1291 = arith.constant 2 : i32
      %shift_right_logical3A_1292 = vector.broadcast %shift_right_logical3A_1291 : i32 to vector<16xi32>
      %shift_right_logical3A_1293 = arith.shrui %get3A_1290, %shift_right_logical3A_1292 : vector<16xi32>
      %swap3A_1294 = arith.constant 176 : index
      %swap3A_1295 = tpu.vector_load %arg8[%swap3A_1294] {strides = array<i32>} : memref<208xi32, #tpu.memory_space<vmem>>, vector<16xi32>,
      tpu.vector_store %arg8[%swap3A_1294], %shift_right_logical3A_1293 {strides = array<i32>} : memref<208xi32, #tpu.memory_space<vmem>>, vector<16xi32>,
      %and3A_1296 = arith.constant 3 : i32
      %and3A_1297 = vector.broadcast %and3A_1296 : i32 to vector<16xi32>
      %and3A_1298 = arith.andi %get3A_1290, %and3A_1297 : vector<16xi32>
      %mul3A_1299 = arith.constant 32 : i32
      %mul3A_1300 = vector.broadcast %mul3A_1299 : i32 to vector<16xi32>
      %mul3A_1301 = arith.muli %and3A_1298, %mul3A_1300 : vector<16xi32>
      %swap3A_1302 = arith.constant 176 : index
      %swap3A_1303 = tpu.vector_load %arg10[%swap3A_1302] {strides = array<i32>} : memref<208xi32, #tpu.memory_space<vmem>>, vector<16xi32>,
      tpu.vector_store %arg10[%swap3A_1302], %mul3A_1301 {strides = array<i32>} : memref<208xi32, #tpu.memory_space<vmem>>, vector<16xi32>,
      %get3A_1304 = arith.constant 192 : index
      %get3A_1305 = tpu.vector_load %arg6[%get3A_1304] {strides = array<i32>} : memref<208xi32, #tpu.memory_space<vmem>>, vector<16xi32>,
      %shift_right_logical3A_1306 = arith.constant 2 : i32
      %shift_right_logical3A_1307 = vector.broadcast %shift_right_logical3A_1306 : i32 to vector<16xi32>
      %shift_right_logical3A_1308 = arith.shrui %get3A_1305, %shift_right_logical3A_1307 : vector<16xi32>
      %swap3A_1309 = arith.constant 192 : index
      %swap3A_1310 = tpu.vector_load %arg8[%swap3A_1309] {strides = array<i32>} : memref<208xi32, #tpu.memory_space<vmem>>, vector<16xi32>,
      tpu.vector_store %arg8[%swap3A_1309], %shift_right_logical3A_1308 {strides = array<i32>} : memref<208xi32, #tpu.memory_space<vmem>>, vector<16xi32>,
      %and3A_1311 = arith.constant 3 : i32
      %and3A_1312 = vector.broadcast %and3A_1311 : i32 to vector<16xi32>
      %and3A_1313 = arith.andi %get3A_1305, %and3A_1312 : vector<16xi32>
      %mul3A_1314 = arith.constant 32 : i32
      %mul3A_1315 = vector.broadcast %mul3A_1314 : i32 to vector<16xi32>
      %mul3A_1316 = arith.muli %and3A_1313, %mul3A_1315 : vector<16xi32>
      %swap3A_1317 = arith.constant 192 : index
      %swap3A_1318 = tpu.vector_load %arg10[%swap3A_1317] {strides = array<i32>} : memref<208xi32, #tpu.memory_space<vmem>>, vector<16xi32>,
      tpu.vector_store %arg10[%swap3A_1317], %mul3A_1316 {strides = array<i32>} : memref<208xi32, #tpu.memory_space<vmem>>, vector<16xi32>,
      %dma_start3A_1319 = arith.constant 0 : i32
      %dma_start3A_1320 = arith.constant 0 : i32
      %dma_start3A_1321 = tpu.memref_slice %arg12[%dma_start3A_1319, %dma_start3A_1320] : memref<208x128xf32, #tpu.memory_space<vmem>> -> memref<128x128xf32, #tpu.memory_space<vmem>>
      %dma_start3A_1322 = arith.constant 0 : i32
      %dma_start3A_1323 = tpu.memref_slice %arg8[%dma_start3A_1322] : memref<208xi32, #tpu.memory_space<vmem>> -> memref<128xi32, #tpu.memory_space<vmem>>
      %dma_start3A_1324 = arith.constant 0 : i32
      %dma_start3A_1325 = arith.constant 0 : i32
      %dma_start3A_1326 = tpu.memref_slice %arg2[%dma_start3A_1324, %dma_start3A_1325] : memref<250000x128xf32, #tpu.memory_space<hbm>> -> memref<250000x128xf32, #tpu.memory_space<hbm>>
      tpu.enqueue_indirect_dma source(%dma_start3A_1326 : memref<250000x128xf32, #tpu.memory_space<hbm>>) target(%dma_start3A_1321 : memref<128x128xf32, #tpu.memory_space<vmem>>) offsets(%dma_start3A_1323 : memref<128xi32, #tpu.memory_space<vmem>>) semaphore(%arg18 : memref<!tpu.dma_semaphore, #tpu.memory_space<semaphore_mem>>)
      %dma_start3A_1327 = arith.constant 128 : i32
      %dma_start3A_1328 = arith.constant 0 : i32
      %dma_start3A_1329 = tpu.memref_slice %arg12[%dma_start3A_1327, %dma_start3A_1328] : memref<208x128xf32, #tpu.memory_space<vmem>> -> memref<72x128xf32, #tpu.memory_space<vmem>>
      %dma_start3A_1330 = arith.constant 128 : i32
      %dma_start3A_1331 = tpu.memref_slice %arg8[%dma_start3A_1330] : memref<208xi32, #tpu.memory_space<vmem>> -> memref<72xi32, #tpu.memory_space<vmem>>
      %dma_start3A_1332 = arith.constant 0 : i32
      %dma_start3A_1333 = arith.constant 0 : i32
      %dma_start3A_1334 = tpu.memref_slice %arg2[%dma_start3A_1332, %dma_start3A_1333] : memref<250000x128xf32, #tpu.memory_space<hbm>> -> memref<250000x128xf32, #tpu.memory_space<hbm>>
      tpu.enqueue_indirect_dma source(%dma_start3A_1334 : memref<250000x128xf32, #tpu.memory_space<hbm>>) target(%dma_start3A_1329 : memref<72x128xf32, #tpu.memory_space<vmem>>) offsets(%dma_start3A_1331 : memref<72xi32, #tpu.memory_space<vmem>>) semaphore(%arg18 : memref<!tpu.dma_semaphore, #tpu.memory_space<semaphore_mem>>)
      %add3A_1335 = arith.constant 2 : i32
      %add3A_1336 = arith.addi %mul3A_1115, %add3A_1335 : i32
      %add3A_1337 = arith.addi %mul3A_2, %add3A_1336 : i32
      %mul3A_1338 = arith.constant 200 : i32
      %mul3A_1339 = arith.muli %add3A_1337, %mul3A_1338 : i32
      %dma_start3A_1340 = arith.constant 0 : i32
      %dma_start3A_1341 = tpu.memref_slice %arg5[%dma_start3A_1340] : memref<208xi32, #tpu.memory_space<vmem>> -> memref<200xi32, #tpu.memory_space<vmem>>
      %dma_start3A_1342 = tpu.memref_slice %arg3[%mul3A_1339] : memref<819200xi32, #tpu.memory_space<hbm>> -> memref<200xi32, #tpu.memory_space<hbm>>
      %dma_start3A_1343 = arith.constant 0 : i32
      %dma_start3A_1344 = tpu.memref_slice %arg5[%dma_start3A_1343] : memref<208xi32, #tpu.memory_space<vmem>> -> memref<200xi32, #tpu.memory_space<vmem>>
      %dma_start3A_1345 = tpu.memref_slice %arg3[%mul3A_1339] : memref<819200xi32, #tpu.memory_space<hbm>> -> memref<200xi32, #tpu.memory_space<hbm>>
      tpu.enqueue_dma source(%dma_start3A_1345 : memref<200xi32, #tpu.memory_space<hbm>>) target(%dma_start3A_1344 : memref<200xi32, #tpu.memory_space<vmem>>) target_semaphore(%arg15 : memref<!tpu.dma_semaphore, #tpu.memory_space<semaphore_mem>>)
      %dma_wait3A_1346 = arith.constant 0 : i32
      %dma_wait3A_1347 = arith.constant 0 : i32
      %dma_wait3A_1348 = tpu.memref_slice %arg11[%dma_wait3A_1346, %dma_wait3A_1347] : memref<208x128xf32, #tpu.memory_space<vmem>> -> memref<200x128xf32, #tpu.memory_space<vmem>>
      %dma_wait3A_1349 = arith.constant 0 : i32
      %dma_wait3A_1350 = arith.constant 0 : i32
      %dma_wait3A_1351 = tpu.memref_slice %arg2[%dma_wait3A_1349, %dma_wait3A_1350] : memref<250000x128xf32, #tpu.memory_space<hbm>> -> memref<200x128xf32, #tpu.memory_space<hbm>>
      %dma_wait3A_1352 = arith.constant 0 : i32
      %dma_wait3A_1353 = arith.constant 0 : i32
      %dma_wait3A_1354 = tpu.memref_slice %arg11[%dma_wait3A_1352, %dma_wait3A_1353] : memref<208x128xf32, #tpu.memory_space<vmem>> -> memref<200x128xf32, #tpu.memory_space<vmem>>
      %dma_wait3A_1355 = arith.constant 0 : i32
      %dma_wait3A_1356 = arith.constant 0 : i32
      %dma_wait3A_1357 = tpu.memref_slice %arg2[%dma_wait3A_1355, %dma_wait3A_1356] : memref<250000x128xf32, #tpu.memory_space<hbm>> -> memref<200x128xf32, #tpu.memory_space<hbm>>
      tpu.wait_dma2 semaphore(%arg17 : memref<!tpu.dma_semaphore, #tpu.memory_space<semaphore_mem>>) src(%dma_wait3A_1357 : memref<200x128xf32, #tpu.memory_space<hbm>>) dst(%dma_wait3A_1354 : memref<200x128xf32, #tpu.memory_space<vmem>>)
      %dma_wait3A_1358 = arith.constant 0 : i32
      %dma_wait3A_1359 = arith.constant 0 : i32
      %dma_wait3A_1360 = arith.constant 0 : i32
      %dma_wait3A_1361 = tpu.memref_slice %arg13[%dma_wait3A_1359, %dma_wait3A_1360] : memref<208x32xf32, #tpu.memory_space<vmem>> -> memref<200x32xf32, #tpu.memory_space<vmem>>
      %dma_wait3A_1362 = arith.constant 0 : i32
      %dma_wait3A_1363 = arith.constant 0 : i32
      %dma_wait3A_1364 = tpu.memref_slice %arg4[%dma_wait3A_1358, %dma_wait3A_1362, %dma_wait3A_1363] : memref<4096x200x32xf32, #tpu.memory_space<hbm>> -> memref<1x200x32xf32, #tpu.memory_space<hbm>>
      %dma_wait3A_1365 = tpu.memref_squeeze %dma_wait3A_1364 : memref<1x200x32xf32, #tpu.memory_space<hbm>> -> memref<200x32xf32, #tpu.memory_space<hbm>>
      %dma_wait3A_1366 = arith.constant 0 : i32
      %dma_wait3A_1367 = arith.constant 0 : i32
      %dma_wait3A_1368 = tpu.memref_slice %arg4[%dma_wait3A_1358, %dma_wait3A_1366, %dma_wait3A_1367] : memref<4096x200x32xf32, #tpu.memory_space<hbm>> -> memref<1x200x32xf32, #tpu.memory_space<hbm>>
      %dma_wait3A_1369 = tpu.memref_squeeze %dma_wait3A_1368 : memref<1x200x32xf32, #tpu.memory_space<hbm>> -> memref<200x32xf32, #tpu.memory_space<hbm>>
      %dma_wait3A_1370 = arith.constant 0 : i32
      %dma_wait3A_1371 = arith.constant 0 : i32
      %dma_wait3A_1372 = tpu.memref_slice %arg13[%dma_wait3A_1370, %dma_wait3A_1371] : memref<208x32xf32, #tpu.memory_space<vmem>> -> memref<200x32xf32, #tpu.memory_space<vmem>>
      tpu.wait_dma2 semaphore(%arg19 : memref<!tpu.dma_semaphore, #tpu.memory_space<semaphore_mem>>) src(%dma_wait3A_1372 : memref<200x32xf32, #tpu.memory_space<vmem>>) dst(%dma_wait3A_1369 : memref<200x32xf32, #tpu.memory_space<hbm>>)
      %scan3A_1373 = arith.constant 0 : i32
      %scan3A_1374 = arith.constant 13 : i32
      %scan3A_1375 = arith.addi %scan3A_1373, %scan3A_1374 : i32
      %scan3A_1376 = arith.constant 1 : i32
      scf.for %scan3A_1672 = %scan3A_1373 to %scan3A_1375 step %scan3A_1376  : i32 {
        %mul3A_1673 = arith.constant 1 : i32
        %mul3A_1674 = arith.muli %scan3A_1672, %mul3A_1673 : i32
        %add3A_1675 = arith.constant 0 : i32
        %add3A_1676 = arith.addi %add3A_1675, %mul3A_1674 : i32
        %mul3A_1677 = arith.constant 16 : i32
        %mul3A_1678 = arith.muli %add3A_1676, %mul3A_1677 : i32
        %add3A_1679 = vector.broadcast %mul3A_1678 : i32 to vector<16xi32>
        %add3A_1680 = arith.addi %iota3A, %add3A_1679 : vector<16xi32>
        %mul3A_1681 = arith.constant 16 : i32
        %mul3A_1682 = arith.muli %add3A_1676, %mul3A_1681 : i32
        %get3A_1683 = arith.index_cast %mul3A_1682 : i32 to index
        %get3A_1684 = tpu.vector_load %arg9[%get3A_1683] {strides = array<i32>} : memref<208xi32, #tpu.memory_space<vmem>>, vector<16xi32>,
        %add3A_1685 = arith.constant 0 : i32
        %add3A_1686 = vector.broadcast %add3A_1685 : i32 to vector<16xi32>
        %add3A_1687 = arith.addi %get3A_1684, %add3A_1686 : vector<16xi32>
        %gather3A = tpu.vector_load_idx %arg11[%add3A_1680, %add3A_1687] : memref<208x128xf32, #tpu.memory_space<vmem>>[vector<16xi32>, vector<16xi32>], vector<16xf32>,
        %broadcast_in_dim3A = arith.constant 0 : i32
        %broadcast_in_dim3A_1688 = vector.broadcast %broadcast_in_dim3A : i32 to vector<16xi32>
        tpu.vector_store_idx %arg13[%add3A_1680, %broadcast_in_dim3A_1688], %gather3A : memref<208x32xf32, #tpu.memory_space<vmem>>[vector<16xi32>, vector<16xi32>], vector<16xf32>,
        %add3A_1689 = arith.constant 1 : i32
        %add3A_1690 = vector.broadcast %add3A_1689 : i32 to vector<16xi32>
        %add3A_1691 = arith.addi %get3A_1684, %add3A_1690 : vector<16xi32>
        %gather3A_1692 = tpu.vector_load_idx %arg11[%add3A_1680, %add3A_1691] : memref<208x128xf32, #tpu.memory_space<vmem>>[vector<16xi32>, vector<16xi32>], vector<16xf32>,
        %broadcast_in_dim3A_1693 = arith.constant 1 : i32
        %broadcast_in_dim3A_1694 = vector.broadcast %broadcast_in_dim3A_1693 : i32 to vector<16xi32>
        tpu.vector_store_idx %arg13[%add3A_1680, %broadcast_in_dim3A_1694], %gather3A_1692 : memref<208x32xf32, #tpu.memory_space<vmem>>[vector<16xi32>, vector<16xi32>], vector<16xf32>,
        %add3A_1695 = arith.constant 2 : i32
        %add3A_1696 = vector.broadcast %add3A_1695 : i32 to vector<16xi32>
        %add3A_1697 = arith.addi %get3A_1684, %add3A_1696 : vector<16xi32>
        %gather3A_1698 = tpu.vector_load_idx %arg11[%add3A_1680, %add3A_1697] : memref<208x128xf32, #tpu.memory_space<vmem>>[vector<16xi32>, vector<16xi32>], vector<16xf32>,
        %broadcast_in_dim3A_1699 = arith.constant 2 : i32
        %broadcast_in_dim3A_1700 = vector.broadcast %broadcast_in_dim3A_1699 : i32 to vector<16xi32>
        tpu.vector_store_idx %arg13[%add3A_1680, %broadcast_in_dim3A_1700], %gather3A_1698 : memref<208x32xf32, #tpu.memory_space<vmem>>[vector<16xi32>, vector<16xi32>], vector<16xf32>,
        %add3A_1701 = arith.constant 3 : i32
        %add3A_1702 = vector.broadcast %add3A_1701 : i32 to vector<16xi32>
        %add3A_1703 = arith.addi %get3A_1684, %add3A_1702 : vector<16xi32>
        %gather3A_1704 = tpu.vector_load_idx %arg11[%add3A_1680, %add3A_1703] : memref<208x128xf32, #tpu.memory_space<vmem>>[vector<16xi32>, vector<16xi32>], vector<16xf32>,
        %broadcast_in_dim3A_1705 = arith.constant 3 : i32
        %broadcast_in_dim3A_1706 = vector.broadcast %broadcast_in_dim3A_1705 : i32 to vector<16xi32>
        tpu.vector_store_idx %arg13[%add3A_1680, %broadcast_in_dim3A_1706], %gather3A_1704 : memref<208x32xf32, #tpu.memory_space<vmem>>[vector<16xi32>, vector<16xi32>], vector<16xf32>,
        %add3A_1707 = arith.constant 4 : i32
        %add3A_1708 = vector.broadcast %add3A_1707 : i32 to vector<16xi32>
        %add3A_1709 = arith.addi %get3A_1684, %add3A_1708 : vector<16xi32>
        %gather3A_1710 = tpu.vector_load_idx %arg11[%add3A_1680, %add3A_1709] : memref<208x128xf32, #tpu.memory_space<vmem>>[vector<16xi32>, vector<16xi32>], vector<16xf32>,
        %broadcast_in_dim3A_1711 = arith.constant 4 : i32
        %broadcast_in_dim3A_1712 = vector.broadcast %broadcast_in_dim3A_1711 : i32 to vector<16xi32>
        tpu.vector_store_idx %arg13[%add3A_1680, %broadcast_in_dim3A_1712], %gather3A_1710 : memref<208x32xf32, #tpu.memory_space<vmem>>[vector<16xi32>, vector<16xi32>], vector<16xf32>,
        %add3A_1713 = arith.constant 5 : i32
        %add3A_1714 = vector.broadcast %add3A_1713 : i32 to vector<16xi32>
        %add3A_1715 = arith.addi %get3A_1684, %add3A_1714 : vector<16xi32>
        %gather3A_1716 = tpu.vector_load_idx %arg11[%add3A_1680, %add3A_1715] : memref<208x128xf32, #tpu.memory_space<vmem>>[vector<16xi32>, vector<16xi32>], vector<16xf32>,
        %broadcast_in_dim3A_1717 = arith.constant 5 : i32
        %broadcast_in_dim3A_1718 = vector.broadcast %broadcast_in_dim3A_1717 : i32 to vector<16xi32>
        tpu.vector_store_idx %arg13[%add3A_1680, %broadcast_in_dim3A_1718], %gather3A_1716 : memref<208x32xf32, #tpu.memory_space<vmem>>[vector<16xi32>, vector<16xi32>], vector<16xf32>,
        %add3A_1719 = arith.constant 6 : i32
        %add3A_1720 = vector.broadcast %add3A_1719 : i32 to vector<16xi32>
        %add3A_1721 = arith.addi %get3A_1684, %add3A_1720 : vector<16xi32>
        %gather3A_1722 = tpu.vector_load_idx %arg11[%add3A_1680, %add3A_1721] : memref<208x128xf32, #tpu.memory_space<vmem>>[vector<16xi32>, vector<16xi32>], vector<16xf32>,
        %broadcast_in_dim3A_1723 = arith.constant 6 : i32
        %broadcast_in_dim3A_1724 = vector.broadcast %broadcast_in_dim3A_1723 : i32 to vector<16xi32>
        tpu.vector_store_idx %arg13[%add3A_1680, %broadcast_in_dim3A_1724], %gather3A_1722 : memref<208x32xf32, #tpu.memory_space<vmem>>[vector<16xi32>, vector<16xi32>], vector<16xf32>,
        %add3A_1725 = arith.constant 7 : i32
        %add3A_1726 = vector.broadcast %add3A_1725 : i32 to vector<16xi32>
        %add3A_1727 = arith.addi %get3A_1684, %add3A_1726 : vector<16xi32>
        %gather3A_1728 = tpu.vector_load_idx %arg11[%add3A_1680, %add3A_1727] : memref<208x128xf32, #tpu.memory_space<vmem>>[vector<16xi32>, vector<16xi32>], vector<16xf32>,
        %broadcast_in_dim3A_1729 = arith.constant 7 : i32
        %broadcast_in_dim3A_1730 = vector.broadcast %broadcast_in_dim3A_1729 : i32 to vector<16xi32>
        tpu.vector_store_idx %arg13[%add3A_1680, %broadcast_in_dim3A_1730], %gather3A_1728 : memref<208x32xf32, #tpu.memory_space<vmem>>[vector<16xi32>, vector<16xi32>], vector<16xf32>,
        %add3A_1731 = arith.constant 8 : i32
        %add3A_1732 = vector.broadcast %add3A_1731 : i32 to vector<16xi32>
        %add3A_1733 = arith.addi %get3A_1684, %add3A_1732 : vector<16xi32>
        %gather3A_1734 = tpu.vector_load_idx %arg11[%add3A_1680, %add3A_1733] : memref<208x128xf32, #tpu.memory_space<vmem>>[vector<16xi32>, vector<16xi32>], vector<16xf32>,
        %broadcast_in_dim3A_1735 = arith.constant 8 : i32
        %broadcast_in_dim3A_1736 = vector.broadcast %broadcast_in_dim3A_1735 : i32 to vector<16xi32>
        tpu.vector_store_idx %arg13[%add3A_1680, %broadcast_in_dim3A_1736], %gather3A_1734 : memref<208x32xf32, #tpu.memory_space<vmem>>[vector<16xi32>, vector<16xi32>], vector<16xf32>,
        %add3A_1737 = arith.constant 9 : i32
        %add3A_1738 = vector.broadcast %add3A_1737 : i32 to vector<16xi32>
        %add3A_1739 = arith.addi %get3A_1684, %add3A_1738 : vector<16xi32>
        %gather3A_1740 = tpu.vector_load_idx %arg11[%add3A_1680, %add3A_1739] : memref<208x128xf32, #tpu.memory_space<vmem>>[vector<16xi32>, vector<16xi32>], vector<16xf32>,
        %broadcast_in_dim3A_1741 = arith.constant 9 : i32
        %broadcast_in_dim3A_1742 = vector.broadcast %broadcast_in_dim3A_1741 : i32 to vector<16xi32>
        tpu.vector_store_idx %arg13[%add3A_1680, %broadcast_in_dim3A_1742], %gather3A_1740 : memref<208x32xf32, #tpu.memory_space<vmem>>[vector<16xi32>, vector<16xi32>], vector<16xf32>,
        %add3A_1743 = arith.constant 10 : i32
        %add3A_1744 = vector.broadcast %add3A_1743 : i32 to vector<16xi32>
        %add3A_1745 = arith.addi %get3A_1684, %add3A_1744 : vector<16xi32>
        %gather3A_1746 = tpu.vector_load_idx %arg11[%add3A_1680, %add3A_1745] : memref<208x128xf32, #tpu.memory_space<vmem>>[vector<16xi32>, vector<16xi32>], vector<16xf32>,
        %broadcast_in_dim3A_1747 = arith.constant 10 : i32
        %broadcast_in_dim3A_1748 = vector.broadcast %broadcast_in_dim3A_1747 : i32 to vector<16xi32>
        tpu.vector_store_idx %arg13[%add3A_1680, %broadcast_in_dim3A_1748], %gather3A_1746 : memref<208x32xf32, #tpu.memory_space<vmem>>[vector<16xi32>, vector<16xi32>], vector<16xf32>,
        %add3A_1749 = arith.constant 11 : i32
        %add3A_1750 = vector.broadcast %add3A_1749 : i32 to vector<16xi32>
        %add3A_1751 = arith.addi %get3A_1684, %add3A_1750 : vector<16xi32>
        %gather3A_1752 = tpu.vector_load_idx %arg11[%add3A_1680, %add3A_1751] : memref<208x128xf32, #tpu.memory_space<vmem>>[vector<16xi32>, vector<16xi32>], vector<16xf32>,
        %broadcast_in_dim3A_1753 = arith.constant 11 : i32
        %broadcast_in_dim3A_1754 = vector.broadcast %broadcast_in_dim3A_1753 : i32 to vector<16xi32>
        tpu.vector_store_idx %arg13[%add3A_1680, %broadcast_in_dim3A_1754], %gather3A_1752 : memref<208x32xf32, #tpu.memory_space<vmem>>[vector<16xi32>, vector<16xi32>], vector<16xf32>,
        %add3A_1755 = arith.constant 12 : i32
        %add3A_1756 = vector.broadcast %add3A_1755 : i32 to vector<16xi32>
        %add3A_1757 = arith.addi %get3A_1684, %add3A_1756 : vector<16xi32>
        %gather3A_1758 = tpu.vector_load_idx %arg11[%add3A_1680, %add3A_1757] : memref<208x128xf32, #tpu.memory_space<vmem>>[vector<16xi32>, vector<16xi32>], vector<16xf32>,
        %broadcast_in_dim3A_1759 = arith.constant 12 : i32
        %broadcast_in_dim3A_1760 = vector.broadcast %broadcast_in_dim3A_1759 : i32 to vector<16xi32>
        tpu.vector_store_idx %arg13[%add3A_1680, %broadcast_in_dim3A_1760], %gather3A_1758 : memref<208x32xf32, #tpu.memory_space<vmem>>[vector<16xi32>, vector<16xi32>], vector<16xf32>,
        %add3A_1761 = arith.constant 13 : i32
        %add3A_1762 = vector.broadcast %add3A_1761 : i32 to vector<16xi32>
        %add3A_1763 = arith.addi %get3A_1684, %add3A_1762 : vector<16xi32>
        %gather3A_1764 = tpu.vector_load_idx %arg11[%add3A_1680, %add3A_1763] : memref<208x128xf32, #tpu.memory_space<vmem>>[vector<16xi32>, vector<16xi32>], vector<16xf32>,
        %broadcast_in_dim3A_1765 = arith.constant 13 : i32
        %broadcast_in_dim3A_1766 = vector.broadcast %broadcast_in_dim3A_1765 : i32 to vector<16xi32>
        tpu.vector_store_idx %arg13[%add3A_1680, %broadcast_in_dim3A_1766], %gather3A_1764 : memref<208x32xf32, #tpu.memory_space<vmem>>[vector<16xi32>, vector<16xi32>], vector<16xf32>,
        %add3A_1767 = arith.constant 14 : i32
        %add3A_1768 = vector.broadcast %add3A_1767 : i32 to vector<16xi32>
        %add3A_1769 = arith.addi %get3A_1684, %add3A_1768 : vector<16xi32>
        %gather3A_1770 = tpu.vector_load_idx %arg11[%add3A_1680, %add3A_1769] : memref<208x128xf32, #tpu.memory_space<vmem>>[vector<16xi32>, vector<16xi32>], vector<16xf32>,
        %broadcast_in_dim3A_1771 = arith.constant 14 : i32
        %broadcast_in_dim3A_1772 = vector.broadcast %broadcast_in_dim3A_1771 : i32 to vector<16xi32>
        tpu.vector_store_idx %arg13[%add3A_1680, %broadcast_in_dim3A_1772], %gather3A_1770 : memref<208x32xf32, #tpu.memory_space<vmem>>[vector<16xi32>, vector<16xi32>], vector<16xf32>,
        %add3A_1773 = arith.constant 15 : i32
        %add3A_1774 = vector.broadcast %add3A_1773 : i32 to vector<16xi32>
        %add3A_1775 = arith.addi %get3A_1684, %add3A_1774 : vector<16xi32>
        %gather3A_1776 = tpu.vector_load_idx %arg11[%add3A_1680, %add3A_1775] : memref<208x128xf32, #tpu.memory_space<vmem>>[vector<16xi32>, vector<16xi32>], vector<16xf32>,
        %broadcast_in_dim3A_1777 = arith.constant 15 : i32
        %broadcast_in_dim3A_1778 = vector.broadcast %broadcast_in_dim3A_1777 : i32 to vector<16xi32>
        tpu.vector_store_idx %arg13[%add3A_1680, %broadcast_in_dim3A_1778], %gather3A_1776 : memref<208x32xf32, #tpu.memory_space<vmem>>[vector<16xi32>, vector<16xi32>], vector<16xf32>,
        %add3A_1779 = arith.constant 16 : i32
        %add3A_1780 = vector.broadcast %add3A_1779 : i32 to vector<16xi32>
        %add3A_1781 = arith.addi %get3A_1684, %add3A_1780 : vector<16xi32>
        %gather3A_1782 = tpu.vector_load_idx %arg11[%add3A_1680, %add3A_1781] : memref<208x128xf32, #tpu.memory_space<vmem>>[vector<16xi32>, vector<16xi32>], vector<16xf32>,
        %broadcast_in_dim3A_1783 = arith.constant 16 : i32
        %broadcast_in_dim3A_1784 = vector.broadcast %broadcast_in_dim3A_1783 : i32 to vector<16xi32>
        tpu.vector_store_idx %arg13[%add3A_1680, %broadcast_in_dim3A_1784], %gather3A_1782 : memref<208x32xf32, #tpu.memory_space<vmem>>[vector<16xi32>, vector<16xi32>], vector<16xf32>,
        %add3A_1785 = arith.constant 17 : i32
        %add3A_1786 = vector.broadcast %add3A_1785 : i32 to vector<16xi32>
        %add3A_1787 = arith.addi %get3A_1684, %add3A_1786 : vector<16xi32>
        %gather3A_1788 = tpu.vector_load_idx %arg11[%add3A_1680, %add3A_1787] : memref<208x128xf32, #tpu.memory_space<vmem>>[vector<16xi32>, vector<16xi32>], vector<16xf32>,
        %broadcast_in_dim3A_1789 = arith.constant 17 : i32
        %broadcast_in_dim3A_1790 = vector.broadcast %broadcast_in_dim3A_1789 : i32 to vector<16xi32>
        tpu.vector_store_idx %arg13[%add3A_1680, %broadcast_in_dim3A_1790], %gather3A_1788 : memref<208x32xf32, #tpu.memory_space<vmem>>[vector<16xi32>, vector<16xi32>], vector<16xf32>,
        %add3A_1791 = arith.constant 18 : i32
        %add3A_1792 = vector.broadcast %add3A_1791 : i32 to vector<16xi32>
        %add3A_1793 = arith.addi %get3A_1684, %add3A_1792 : vector<16xi32>
        %gather3A_1794 = tpu.vector_load_idx %arg11[%add3A_1680, %add3A_1793] : memref<208x128xf32, #tpu.memory_space<vmem>>[vector<16xi32>, vector<16xi32>], vector<16xf32>,
        %broadcast_in_dim3A_1795 = arith.constant 18 : i32
        %broadcast_in_dim3A_1796 = vector.broadcast %broadcast_in_dim3A_1795 : i32 to vector<16xi32>
        tpu.vector_store_idx %arg13[%add3A_1680, %broadcast_in_dim3A_1796], %gather3A_1794 : memref<208x32xf32, #tpu.memory_space<vmem>>[vector<16xi32>, vector<16xi32>], vector<16xf32>,
        %add3A_1797 = arith.constant 19 : i32
        %add3A_1798 = vector.broadcast %add3A_1797 : i32 to vector<16xi32>
        %add3A_1799 = arith.addi %get3A_1684, %add3A_1798 : vector<16xi32>
        %gather3A_1800 = tpu.vector_load_idx %arg11[%add3A_1680, %add3A_1799] : memref<208x128xf32, #tpu.memory_space<vmem>>[vector<16xi32>, vector<16xi32>], vector<16xf32>,
        %broadcast_in_dim3A_1801 = arith.constant 19 : i32
        %broadcast_in_dim3A_1802 = vector.broadcast %broadcast_in_dim3A_1801 : i32 to vector<16xi32>
        tpu.vector_store_idx %arg13[%add3A_1680, %broadcast_in_dim3A_1802], %gather3A_1800 : memref<208x32xf32, #tpu.memory_space<vmem>>[vector<16xi32>, vector<16xi32>], vector<16xf32>,
        %add3A_1803 = arith.constant 20 : i32
        %add3A_1804 = vector.broadcast %add3A_1803 : i32 to vector<16xi32>
        %add3A_1805 = arith.addi %get3A_1684, %add3A_1804 : vector<16xi32>
        %gather3A_1806 = tpu.vector_load_idx %arg11[%add3A_1680, %add3A_1805] : memref<208x128xf32, #tpu.memory_space<vmem>>[vector<16xi32>, vector<16xi32>], vector<16xf32>,
        %broadcast_in_dim3A_1807 = arith.constant 20 : i32
        %broadcast_in_dim3A_1808 = vector.broadcast %broadcast_in_dim3A_1807 : i32 to vector<16xi32>
        tpu.vector_store_idx %arg13[%add3A_1680, %broadcast_in_dim3A_1808], %gather3A_1806 : memref<208x32xf32, #tpu.memory_space<vmem>>[vector<16xi32>, vector<16xi32>], vector<16xf32>,
        %add3A_1809 = arith.constant 21 : i32
        %add3A_1810 = vector.broadcast %add3A_1809 : i32 to vector<16xi32>
        %add3A_1811 = arith.addi %get3A_1684, %add3A_1810 : vector<16xi32>
        %gather3A_1812 = tpu.vector_load_idx %arg11[%add3A_1680, %add3A_1811] : memref<208x128xf32, #tpu.memory_space<vmem>>[vector<16xi32>, vector<16xi32>], vector<16xf32>,
        %broadcast_in_dim3A_1813 = arith.constant 21 : i32
        %broadcast_in_dim3A_1814 = vector.broadcast %broadcast_in_dim3A_1813 : i32 to vector<16xi32>
        tpu.vector_store_idx %arg13[%add3A_1680, %broadcast_in_dim3A_1814], %gather3A_1812 : memref<208x32xf32, #tpu.memory_space<vmem>>[vector<16xi32>, vector<16xi32>], vector<16xf32>,
        %add3A_1815 = arith.constant 22 : i32
        %add3A_1816 = vector.broadcast %add3A_1815 : i32 to vector<16xi32>
        %add3A_1817 = arith.addi %get3A_1684, %add3A_1816 : vector<16xi32>
        %gather3A_1818 = tpu.vector_load_idx %arg11[%add3A_1680, %add3A_1817] : memref<208x128xf32, #tpu.memory_space<vmem>>[vector<16xi32>, vector<16xi32>], vector<16xf32>,
        %broadcast_in_dim3A_1819 = arith.constant 22 : i32
        %broadcast_in_dim3A_1820 = vector.broadcast %broadcast_in_dim3A_1819 : i32 to vector<16xi32>
        tpu.vector_store_idx %arg13[%add3A_1680, %broadcast_in_dim3A_1820], %gather3A_1818 : memref<208x32xf32, #tpu.memory_space<vmem>>[vector<16xi32>, vector<16xi32>], vector<16xf32>,
        %add3A_1821 = arith.constant 23 : i32
        %add3A_1822 = vector.broadcast %add3A_1821 : i32 to vector<16xi32>
        %add3A_1823 = arith.addi %get3A_1684, %add3A_1822 : vector<16xi32>
        %gather3A_1824 = tpu.vector_load_idx %arg11[%add3A_1680, %add3A_1823] : memref<208x128xf32, #tpu.memory_space<vmem>>[vector<16xi32>, vector<16xi32>], vector<16xf32>,
        %broadcast_in_dim3A_1825 = arith.constant 23 : i32
        %broadcast_in_dim3A_1826 = vector.broadcast %broadcast_in_dim3A_1825 : i32 to vector<16xi32>
        tpu.vector_store_idx %arg13[%add3A_1680, %broadcast_in_dim3A_1826], %gather3A_1824 : memref<208x32xf32, #tpu.memory_space<vmem>>[vector<16xi32>, vector<16xi32>], vector<16xf32>,
        %add3A_1827 = arith.constant 24 : i32
        %add3A_1828 = vector.broadcast %add3A_1827 : i32 to vector<16xi32>
        %add3A_1829 = arith.addi %get3A_1684, %add3A_1828 : vector<16xi32>
        %gather3A_1830 = tpu.vector_load_idx %arg11[%add3A_1680, %add3A_1829] : memref<208x128xf32, #tpu.memory_space<vmem>>[vector<16xi32>, vector<16xi32>], vector<16xf32>,
        %broadcast_in_dim3A_1831 = arith.constant 24 : i32
        %broadcast_in_dim3A_1832 = vector.broadcast %broadcast_in_dim3A_1831 : i32 to vector<16xi32>
        tpu.vector_store_idx %arg13[%add3A_1680, %broadcast_in_dim3A_1832], %gather3A_1830 : memref<208x32xf32, #tpu.memory_space<vmem>>[vector<16xi32>, vector<16xi32>], vector<16xf32>,
        %add3A_1833 = arith.constant 25 : i32
        %add3A_1834 = vector.broadcast %add3A_1833 : i32 to vector<16xi32>
        %add3A_1835 = arith.addi %get3A_1684, %add3A_1834 : vector<16xi32>
        %gather3A_1836 = tpu.vector_load_idx %arg11[%add3A_1680, %add3A_1835] : memref<208x128xf32, #tpu.memory_space<vmem>>[vector<16xi32>, vector<16xi32>], vector<16xf32>,
        %broadcast_in_dim3A_1837 = arith.constant 25 : i32
        %broadcast_in_dim3A_1838 = vector.broadcast %broadcast_in_dim3A_1837 : i32 to vector<16xi32>
        tpu.vector_store_idx %arg13[%add3A_1680, %broadcast_in_dim3A_1838], %gather3A_1836 : memref<208x32xf32, #tpu.memory_space<vmem>>[vector<16xi32>, vector<16xi32>], vector<16xf32>,
        %add3A_1839 = arith.constant 26 : i32
        %add3A_1840 = vector.broadcast %add3A_1839 : i32 to vector<16xi32>
        %add3A_1841 = arith.addi %get3A_1684, %add3A_1840 : vector<16xi32>
        %gather3A_1842 = tpu.vector_load_idx %arg11[%add3A_1680, %add3A_1841] : memref<208x128xf32, #tpu.memory_space<vmem>>[vector<16xi32>, vector<16xi32>], vector<16xf32>,
        %broadcast_in_dim3A_1843 = arith.constant 26 : i32
        %broadcast_in_dim3A_1844 = vector.broadcast %broadcast_in_dim3A_1843 : i32 to vector<16xi32>
        tpu.vector_store_idx %arg13[%add3A_1680, %broadcast_in_dim3A_1844], %gather3A_1842 : memref<208x32xf32, #tpu.memory_space<vmem>>[vector<16xi32>, vector<16xi32>], vector<16xf32>,
        %add3A_1845 = arith.constant 27 : i32
        %add3A_1846 = vector.broadcast %add3A_1845 : i32 to vector<16xi32>
        %add3A_1847 = arith.addi %get3A_1684, %add3A_1846 : vector<16xi32>
        %gather3A_1848 = tpu.vector_load_idx %arg11[%add3A_1680, %add3A_1847] : memref<208x128xf32, #tpu.memory_space<vmem>>[vector<16xi32>, vector<16xi32>], vector<16xf32>,
        %broadcast_in_dim3A_1849 = arith.constant 27 : i32
        %broadcast_in_dim3A_1850 = vector.broadcast %broadcast_in_dim3A_1849 : i32 to vector<16xi32>
        tpu.vector_store_idx %arg13[%add3A_1680, %broadcast_in_dim3A_1850], %gather3A_1848 : memref<208x32xf32, #tpu.memory_space<vmem>>[vector<16xi32>, vector<16xi32>], vector<16xf32>,
        %add3A_1851 = arith.constant 28 : i32
        %add3A_1852 = vector.broadcast %add3A_1851 : i32 to vector<16xi32>
        %add3A_1853 = arith.addi %get3A_1684, %add3A_1852 : vector<16xi32>
        %gather3A_1854 = tpu.vector_load_idx %arg11[%add3A_1680, %add3A_1853] : memref<208x128xf32, #tpu.memory_space<vmem>>[vector<16xi32>, vector<16xi32>], vector<16xf32>,
        %broadcast_in_dim3A_1855 = arith.constant 28 : i32
        %broadcast_in_dim3A_1856 = vector.broadcast %broadcast_in_dim3A_1855 : i32 to vector<16xi32>
        tpu.vector_store_idx %arg13[%add3A_1680, %broadcast_in_dim3A_1856], %gather3A_1854 : memref<208x32xf32, #tpu.memory_space<vmem>>[vector<16xi32>, vector<16xi32>], vector<16xf32>,
        %add3A_1857 = arith.constant 29 : i32
        %add3A_1858 = vector.broadcast %add3A_1857 : i32 to vector<16xi32>
        %add3A_1859 = arith.addi %get3A_1684, %add3A_1858 : vector<16xi32>
        %gather3A_1860 = tpu.vector_load_idx %arg11[%add3A_1680, %add3A_1859] : memref<208x128xf32, #tpu.memory_space<vmem>>[vector<16xi32>, vector<16xi32>], vector<16xf32>,
        %broadcast_in_dim3A_1861 = arith.constant 29 : i32
        %broadcast_in_dim3A_1862 = vector.broadcast %broadcast_in_dim3A_1861 : i32 to vector<16xi32>
        tpu.vector_store_idx %arg13[%add3A_1680, %broadcast_in_dim3A_1862], %gather3A_1860 : memref<208x32xf32, #tpu.memory_space<vmem>>[vector<16xi32>, vector<16xi32>], vector<16xf32>,
        %add3A_1863 = arith.constant 30 : i32
        %add3A_1864 = vector.broadcast %add3A_1863 : i32 to vector<16xi32>
        %add3A_1865 = arith.addi %get3A_1684, %add3A_1864 : vector<16xi32>
        %gather3A_1866 = tpu.vector_load_idx %arg11[%add3A_1680, %add3A_1865] : memref<208x128xf32, #tpu.memory_space<vmem>>[vector<16xi32>, vector<16xi32>], vector<16xf32>,
        %broadcast_in_dim3A_1867 = arith.constant 30 : i32
        %broadcast_in_dim3A_1868 = vector.broadcast %broadcast_in_dim3A_1867 : i32 to vector<16xi32>
        tpu.vector_store_idx %arg13[%add3A_1680, %broadcast_in_dim3A_1868], %gather3A_1866 : memref<208x32xf32, #tpu.memory_space<vmem>>[vector<16xi32>, vector<16xi32>], vector<16xf32>,
        %add3A_1869 = arith.constant 31 : i32
        %add3A_1870 = vector.broadcast %add3A_1869 : i32 to vector<16xi32>
        %add3A_1871 = arith.addi %get3A_1684, %add3A_1870 : vector<16xi32>
        %gather3A_1872 = tpu.vector_load_idx %arg11[%add3A_1680, %add3A_1871] : memref<208x128xf32, #tpu.memory_space<vmem>>[vector<16xi32>, vector<16xi32>], vector<16xf32>,
        %broadcast_in_dim3A_1873 = arith.constant 31 : i32
        %broadcast_in_dim3A_1874 = vector.broadcast %broadcast_in_dim3A_1873 : i32 to vector<16xi32>
        tpu.vector_store_idx %arg13[%add3A_1680, %broadcast_in_dim3A_1874], %gather3A_1872 : memref<208x32xf32, #tpu.memory_space<vmem>>[vector<16xi32>, vector<16xi32>], vector<16xf32>,
      }
      %scan3A_1377 = arith.constant 13 : i32
      %add3A_1378 = arith.addi %mul3A_2, %mul3A_1115 : i32
      %dma_start3A_1379 = arith.constant 0 : i32
      %dma_start3A_1380 = arith.constant 0 : i32
      %dma_start3A_1381 = tpu.memref_slice %arg13[%dma_start3A_1379, %dma_start3A_1380] : memref<208x32xf32, #tpu.memory_space<vmem>> -> memref<200x32xf32, #tpu.memory_space<vmem>>
      %dma_start3A_1382 = arith.constant 0 : i32
      %dma_start3A_1383 = arith.constant 0 : i32
      %dma_start3A_1384 = tpu.memref_slice %arg4[%add3A_1378, %dma_start3A_1382, %dma_start3A_1383] : memref<4096x200x32xf32, #tpu.memory_space<hbm>> -> memref<1x200x32xf32, #tpu.memory_space<hbm>>
      %dma_start3A_1385 = tpu.memref_squeeze %dma_start3A_1384 : memref<1x200x32xf32, #tpu.memory_space<hbm>> -> memref<200x32xf32, #tpu.memory_space<hbm>>
      %dma_start3A_1386 = arith.constant 0 : i32
      %dma_start3A_1387 = arith.constant 0 : i32
      %dma_start3A_1388 = tpu.memref_slice %arg4[%add3A_1378, %dma_start3A_1386, %dma_start3A_1387] : memref<4096x200x32xf32, #tpu.memory_space<hbm>> -> memref<1x200x32xf32, #tpu.memory_space<hbm>>
      %dma_start3A_1389 = tpu.memref_squeeze %dma_start3A_1388 : memref<1x200x32xf32, #tpu.memory_space<hbm>> -> memref<200x32xf32, #tpu.memory_space<hbm>>
      %dma_start3A_1390 = arith.constant 0 : i32
      %dma_start3A_1391 = arith.constant 0 : i32
      %dma_start3A_1392 = tpu.memref_slice %arg13[%dma_start3A_1390, %dma_start3A_1391] : memref<208x32xf32, #tpu.memory_space<vmem>> -> memref<200x32xf32, #tpu.memory_space<vmem>>
      tpu.enqueue_dma source(%dma_start3A_1392 : memref<200x32xf32, #tpu.memory_space<vmem>>) target(%dma_start3A_1389 : memref<200x32xf32, #tpu.memory_space<hbm>>) target_semaphore(%arg19 : memref<!tpu.dma_semaphore, #tpu.memory_space<semaphore_mem>>)
      %dma_wait3A_1393 = arith.constant 0 : i32
      %dma_wait3A_1394 = tpu.memref_slice %arg5[%dma_wait3A_1393] : memref<208xi32, #tpu.memory_space<vmem>> -> memref<200xi32, #tpu.memory_space<vmem>>
      %dma_wait3A_1395 = arith.constant 0 : i32
      %dma_wait3A_1396 = tpu.memref_slice %arg3[%dma_wait3A_1395] : memref<819200xi32, #tpu.memory_space<hbm>> -> memref<200xi32, #tpu.memory_space<hbm>>
      %dma_wait3A_1397 = arith.constant 0 : i32
      %dma_wait3A_1398 = tpu.memref_slice %arg5[%dma_wait3A_1397] : memref<208xi32, #tpu.memory_space<vmem>> -> memref<200xi32, #tpu.memory_space<vmem>>
      %dma_wait3A_1399 = arith.constant 0 : i32
      %dma_wait3A_1400 = tpu.memref_slice %arg3[%dma_wait3A_1399] : memref<819200xi32, #tpu.memory_space<hbm>> -> memref<200xi32, #tpu.memory_space<hbm>>
      tpu.wait_dma2 semaphore(%arg15 : memref<!tpu.dma_semaphore, #tpu.memory_space<semaphore_mem>>) src(%dma_wait3A_1400 : memref<200xi32, #tpu.memory_space<hbm>>) dst(%dma_wait3A_1398 : memref<200xi32, #tpu.memory_space<vmem>>)
      %get3A_1401 = arith.constant 0 : index
      %get3A_1402 = tpu.vector_load %arg5[%get3A_1401] {strides = array<i32>} : memref<208xi32, #tpu.memory_space<vmem>>, vector<16xi32>,
      %shift_right_logical3A_1403 = arith.constant 2 : i32
      %shift_right_logical3A_1404 = vector.broadcast %shift_right_logical3A_1403 : i32 to vector<16xi32>
      %shift_right_logical3A_1405 = arith.shrui %get3A_1402, %shift_right_logical3A_1404 : vector<16xi32>
      %swap3A_1406 = arith.constant 0 : index
      %swap3A_1407 = tpu.vector_load %arg7[%swap3A_1406] {strides = array<i32>} : memref<208xi32, #tpu.memory_space<vmem>>, vector<16xi32>,
      tpu.vector_store %arg7[%swap3A_1406], %shift_right_logical3A_1405 {strides = array<i32>} : memref<208xi32, #tpu.memory_space<vmem>>, vector<16xi32>,
      %and3A_1408 = arith.constant 3 : i32
      %and3A_1409 = vector.broadcast %and3A_1408 : i32 to vector<16xi32>
      %and3A_1410 = arith.andi %get3A_1402, %and3A_1409 : vector<16xi32>
      %mul3A_1411 = arith.constant 32 : i32
      %mul3A_1412 = vector.broadcast %mul3A_1411 : i32 to vector<16xi32>
      %mul3A_1413 = arith.muli %and3A_1410, %mul3A_1412 : vector<16xi32>
      %swap3A_1414 = arith.constant 0 : index
      %swap3A_1415 = tpu.vector_load %arg9[%swap3A_1414] {strides = array<i32>} : memref<208xi32, #tpu.memory_space<vmem>>, vector<16xi32>,
      tpu.vector_store %arg9[%swap3A_1414], %mul3A_1413 {strides = array<i32>} : memref<208xi32, #tpu.memory_space<vmem>>, vector<16xi32>,
      %get3A_1416 = arith.constant 16 : index
      %get3A_1417 = tpu.vector_load %arg5[%get3A_1416] {strides = array<i32>} : memref<208xi32, #tpu.memory_space<vmem>>, vector<16xi32>,
      %shift_right_logical3A_1418 = arith.constant 2 : i32
      %shift_right_logical3A_1419 = vector.broadcast %shift_right_logical3A_1418 : i32 to vector<16xi32>
      %shift_right_logical3A_1420 = arith.shrui %get3A_1417, %shift_right_logical3A_1419 : vector<16xi32>
      %swap3A_1421 = arith.constant 16 : index
      %swap3A_1422 = tpu.vector_load %arg7[%swap3A_1421] {strides = array<i32>} : memref<208xi32, #tpu.memory_space<vmem>>, vector<16xi32>,
      tpu.vector_store %arg7[%swap3A_1421], %shift_right_logical3A_1420 {strides = array<i32>} : memref<208xi32, #tpu.memory_space<vmem>>, vector<16xi32>,
      %and3A_1423 = arith.constant 3 : i32
      %and3A_1424 = vector.broadcast %and3A_1423 : i32 to vector<16xi32>
      %and3A_1425 = arith.andi %get3A_1417, %and3A_1424 : vector<16xi32>
      %mul3A_1426 = arith.constant 32 : i32
      %mul3A_1427 = vector.broadcast %mul3A_1426 : i32 to vector<16xi32>
      %mul3A_1428 = arith.muli %and3A_1425, %mul3A_1427 : vector<16xi32>
      %swap3A_1429 = arith.constant 16 : index
      %swap3A_1430 = tpu.vector_load %arg9[%swap3A_1429] {strides = array<i32>} : memref<208xi32, #tpu.memory_space<vmem>>, vector<16xi32>,
      tpu.vector_store %arg9[%swap3A_1429], %mul3A_1428 {strides = array<i32>} : memref<208xi32, #tpu.memory_space<vmem>>, vector<16xi32>,
      %get3A_1431 = arith.constant 32 : index
      %get3A_1432 = tpu.vector_load %arg5[%get3A_1431] {strides = array<i32>} : memref<208xi32, #tpu.memory_space<vmem>>, vector<16xi32>,
      %shift_right_logical3A_1433 = arith.constant 2 : i32
      %shift_right_logical3A_1434 = vector.broadcast %shift_right_logical3A_1433 : i32 to vector<16xi32>
      %shift_right_logical3A_1435 = arith.shrui %get3A_1432, %shift_right_logical3A_1434 : vector<16xi32>
      %swap3A_1436 = arith.constant 32 : index
      %swap3A_1437 = tpu.vector_load %arg7[%swap3A_1436] {strides = array<i32>} : memref<208xi32, #tpu.memory_space<vmem>>, vector<16xi32>,
      tpu.vector_store %arg7[%swap3A_1436], %shift_right_logical3A_1435 {strides = array<i32>} : memref<208xi32, #tpu.memory_space<vmem>>, vector<16xi32>,
      %and3A_1438 = arith.constant 3 : i32
      %and3A_1439 = vector.broadcast %and3A_1438 : i32 to vector<16xi32>
      %and3A_1440 = arith.andi %get3A_1432, %and3A_1439 : vector<16xi32>
      %mul3A_1441 = arith.constant 32 : i32
      %mul3A_1442 = vector.broadcast %mul3A_1441 : i32 to vector<16xi32>
      %mul3A_1443 = arith.muli %and3A_1440, %mul3A_1442 : vector<16xi32>
      %swap3A_1444 = arith.constant 32 : index
      %swap3A_1445 = tpu.vector_load %arg9[%swap3A_1444] {strides = array<i32>} : memref<208xi32, #tpu.memory_space<vmem>>, vector<16xi32>,
      tpu.vector_store %arg9[%swap3A_1444], %mul3A_1443 {strides = array<i32>} : memref<208xi32, #tpu.memory_space<vmem>>, vector<16xi32>,
      %get3A_1446 = arith.constant 48 : index
      %get3A_1447 = tpu.vector_load %arg5[%get3A_1446] {strides = array<i32>} : memref<208xi32, #tpu.memory_space<vmem>>, vector<16xi32>,
      %shift_right_logical3A_1448 = arith.constant 2 : i32
      %shift_right_logical3A_1449 = vector.broadcast %shift_right_logical3A_1448 : i32 to vector<16xi32>
      %shift_right_logical3A_1450 = arith.shrui %get3A_1447, %shift_right_logical3A_1449 : vector<16xi32>
      %swap3A_1451 = arith.constant 48 : index
      %swap3A_1452 = tpu.vector_load %arg7[%swap3A_1451] {strides = array<i32>} : memref<208xi32, #tpu.memory_space<vmem>>, vector<16xi32>,
      tpu.vector_store %arg7[%swap3A_1451], %shift_right_logical3A_1450 {strides = array<i32>} : memref<208xi32, #tpu.memory_space<vmem>>, vector<16xi32>,
      %and3A_1453 = arith.constant 3 : i32
      %and3A_1454 = vector.broadcast %and3A_1453 : i32 to vector<16xi32>
      %and3A_1455 = arith.andi %get3A_1447, %and3A_1454 : vector<16xi32>
      %mul3A_1456 = arith.constant 32 : i32
      %mul3A_1457 = vector.broadcast %mul3A_1456 : i32 to vector<16xi32>
      %mul3A_1458 = arith.muli %and3A_1455, %mul3A_1457 : vector<16xi32>
      %swap3A_1459 = arith.constant 48 : index
      %swap3A_1460 = tpu.vector_load %arg9[%swap3A_1459] {strides = array<i32>} : memref<208xi32, #tpu.memory_space<vmem>>, vector<16xi32>,
      tpu.vector_store %arg9[%swap3A_1459], %mul3A_1458 {strides = array<i32>} : memref<208xi32, #tpu.memory_space<vmem>>, vector<16xi32>,
      %get3A_1461 = arith.constant 64 : index
      %get3A_1462 = tpu.vector_load %arg5[%get3A_1461] {strides = array<i32>} : memref<208xi32, #tpu.memory_space<vmem>>, vector<16xi32>,
      %shift_right_logical3A_1463 = arith.constant 2 : i32
      %shift_right_logical3A_1464 = vector.broadcast %shift_right_logical3A_1463 : i32 to vector<16xi32>
      %shift_right_logical3A_1465 = arith.shrui %get3A_1462, %shift_right_logical3A_1464 : vector<16xi32>
      %swap3A_1466 = arith.constant 64 : index
      %swap3A_1467 = tpu.vector_load %arg7[%swap3A_1466] {strides = array<i32>} : memref<208xi32, #tpu.memory_space<vmem>>, vector<16xi32>,
      tpu.vector_store %arg7[%swap3A_1466], %shift_right_logical3A_1465 {strides = array<i32>} : memref<208xi32, #tpu.memory_space<vmem>>, vector<16xi32>,
      %and3A_1468 = arith.constant 3 : i32
      %and3A_1469 = vector.broadcast %and3A_1468 : i32 to vector<16xi32>
      %and3A_1470 = arith.andi %get3A_1462, %and3A_1469 : vector<16xi32>
      %mul3A_1471 = arith.constant 32 : i32
      %mul3A_1472 = vector.broadcast %mul3A_1471 : i32 to vector<16xi32>
      %mul3A_1473 = arith.muli %and3A_1470, %mul3A_1472 : vector<16xi32>
      %swap3A_1474 = arith.constant 64 : index
      %swap3A_1475 = tpu.vector_load %arg9[%swap3A_1474] {strides = array<i32>} : memref<208xi32, #tpu.memory_space<vmem>>, vector<16xi32>,
      tpu.vector_store %arg9[%swap3A_1474], %mul3A_1473 {strides = array<i32>} : memref<208xi32, #tpu.memory_space<vmem>>, vector<16xi32>,
      %get3A_1476 = arith.constant 80 : index
      %get3A_1477 = tpu.vector_load %arg5[%get3A_1476] {strides = array<i32>} : memref<208xi32, #tpu.memory_space<vmem>>, vector<16xi32>,
      %shift_right_logical3A_1478 = arith.constant 2 : i32
      %shift_right_logical3A_1479 = vector.broadcast %shift_right_logical3A_1478 : i32 to vector<16xi32>
      %shift_right_logical3A_1480 = arith.shrui %get3A_1477, %shift_right_logical3A_1479 : vector<16xi32>
      %swap3A_1481 = arith.constant 80 : index
      %swap3A_1482 = tpu.vector_load %arg7[%swap3A_1481] {strides = array<i32>} : memref<208xi32, #tpu.memory_space<vmem>>, vector<16xi32>,
      tpu.vector_store %arg7[%swap3A_1481], %shift_right_logical3A_1480 {strides = array<i32>} : memref<208xi32, #tpu.memory_space<vmem>>, vector<16xi32>,
      %and3A_1483 = arith.constant 3 : i32
      %and3A_1484 = vector.broadcast %and3A_1483 : i32 to vector<16xi32>
      %and3A_1485 = arith.andi %get3A_1477, %and3A_1484 : vector<16xi32>
      %mul3A_1486 = arith.constant 32 : i32
      %mul3A_1487 = vector.broadcast %mul3A_1486 : i32 to vector<16xi32>
      %mul3A_1488 = arith.muli %and3A_1485, %mul3A_1487 : vector<16xi32>
      %swap3A_1489 = arith.constant 80 : index
      %swap3A_1490 = tpu.vector_load %arg9[%swap3A_1489] {strides = array<i32>} : memref<208xi32, #tpu.memory_space<vmem>>, vector<16xi32>,
      tpu.vector_store %arg9[%swap3A_1489], %mul3A_1488 {strides = array<i32>} : memref<208xi32, #tpu.memory_space<vmem>>, vector<16xi32>,
      %get3A_1491 = arith.constant 96 : index
      %get3A_1492 = tpu.vector_load %arg5[%get3A_1491] {strides = array<i32>} : memref<208xi32, #tpu.memory_space<vmem>>, vector<16xi32>,
      %shift_right_logical3A_1493 = arith.constant 2 : i32
      %shift_right_logical3A_1494 = vector.broadcast %shift_right_logical3A_1493 : i32 to vector<16xi32>
      %shift_right_logical3A_1495 = arith.shrui %get3A_1492, %shift_right_logical3A_1494 : vector<16xi32>
      %swap3A_1496 = arith.constant 96 : index
      %swap3A_1497 = tpu.vector_load %arg7[%swap3A_1496] {strides = array<i32>} : memref<208xi32, #tpu.memory_space<vmem>>, vector<16xi32>,
      tpu.vector_store %arg7[%swap3A_1496], %shift_right_logical3A_1495 {strides = array<i32>} : memref<208xi32, #tpu.memory_space<vmem>>, vector<16xi32>,
      %and3A_1498 = arith.constant 3 : i32
      %and3A_1499 = vector.broadcast %and3A_1498 : i32 to vector<16xi32>
      %and3A_1500 = arith.andi %get3A_1492, %and3A_1499 : vector<16xi32>
      %mul3A_1501 = arith.constant 32 : i32
      %mul3A_1502 = vector.broadcast %mul3A_1501 : i32 to vector<16xi32>
      %mul3A_1503 = arith.muli %and3A_1500, %mul3A_1502 : vector<16xi32>
      %swap3A_1504 = arith.constant 96 : index
      %swap3A_1505 = tpu.vector_load %arg9[%swap3A_1504] {strides = array<i32>} : memref<208xi32, #tpu.memory_space<vmem>>, vector<16xi32>,
      tpu.vector_store %arg9[%swap3A_1504], %mul3A_1503 {strides = array<i32>} : memref<208xi32, #tpu.memory_space<vmem>>, vector<16xi32>,
      %get3A_1506 = arith.constant 112 : index
      %get3A_1507 = tpu.vector_load %arg5[%get3A_1506] {strides = array<i32>} : memref<208xi32, #tpu.memory_space<vmem>>, vector<16xi32>,
      %shift_right_logical3A_1508 = arith.constant 2 : i32
      %shift_right_logical3A_1509 = vector.broadcast %shift_right_logical3A_1508 : i32 to vector<16xi32>
      %shift_right_logical3A_1510 = arith.shrui %get3A_1507, %shift_right_logical3A_1509 : vector<16xi32>
      %swap3A_1511 = arith.constant 112 : index
      %swap3A_1512 = tpu.vector_load %arg7[%swap3A_1511] {strides = array<i32>} : memref<208xi32, #tpu.memory_space<vmem>>, vector<16xi32>,
      tpu.vector_store %arg7[%swap3A_1511], %shift_right_logical3A_1510 {strides = array<i32>} : memref<208xi32, #tpu.memory_space<vmem>>, vector<16xi32>,
      %and3A_1513 = arith.constant 3 : i32
      %and3A_1514 = vector.broadcast %and3A_1513 : i32 to vector<16xi32>
      %and3A_1515 = arith.andi %get3A_1507, %and3A_1514 : vector<16xi32>
      %mul3A_1516 = arith.constant 32 : i32
      %mul3A_1517 = vector.broadcast %mul3A_1516 : i32 to vector<16xi32>
      %mul3A_1518 = arith.muli %and3A_1515, %mul3A_1517 : vector<16xi32>
      %swap3A_1519 = arith.constant 112 : index
      %swap3A_1520 = tpu.vector_load %arg9[%swap3A_1519] {strides = array<i32>} : memref<208xi32, #tpu.memory_space<vmem>>, vector<16xi32>,
      tpu.vector_store %arg9[%swap3A_1519], %mul3A_1518 {strides = array<i32>} : memref<208xi32, #tpu.memory_space<vmem>>, vector<16xi32>,
      %get3A_1521 = arith.constant 128 : index
      %get3A_1522 = tpu.vector_load %arg5[%get3A_1521] {strides = array<i32>} : memref<208xi32, #tpu.memory_space<vmem>>, vector<16xi32>,
      %shift_right_logical3A_1523 = arith.constant 2 : i32
      %shift_right_logical3A_1524 = vector.broadcast %shift_right_logical3A_1523 : i32 to vector<16xi32>
      %shift_right_logical3A_1525 = arith.shrui %get3A_1522, %shift_right_logical3A_1524 : vector<16xi32>
      %swap3A_1526 = arith.constant 128 : index
      %swap3A_1527 = tpu.vector_load %arg7[%swap3A_1526] {strides = array<i32>} : memref<208xi32, #tpu.memory_space<vmem>>, vector<16xi32>,
      tpu.vector_store %arg7[%swap3A_1526], %shift_right_logical3A_1525 {strides = array<i32>} : memref<208xi32, #tpu.memory_space<vmem>>, vector<16xi32>,
      %and3A_1528 = arith.constant 3 : i32
      %and3A_1529 = vector.broadcast %and3A_1528 : i32 to vector<16xi32>
      %and3A_1530 = arith.andi %get3A_1522, %and3A_1529 : vector<16xi32>
      %mul3A_1531 = arith.constant 32 : i32
      %mul3A_1532 = vector.broadcast %mul3A_1531 : i32 to vector<16xi32>
      %mul3A_1533 = arith.muli %and3A_1530, %mul3A_1532 : vector<16xi32>
      %swap3A_1534 = arith.constant 128 : index
      %swap3A_1535 = tpu.vector_load %arg9[%swap3A_1534] {strides = array<i32>} : memref<208xi32, #tpu.memory_space<vmem>>, vector<16xi32>,
      tpu.vector_store %arg9[%swap3A_1534], %mul3A_1533 {strides = array<i32>} : memref<208xi32, #tpu.memory_space<vmem>>, vector<16xi32>,
      %get3A_1536 = arith.constant 144 : index
      %get3A_1537 = tpu.vector_load %arg5[%get3A_1536] {strides = array<i32>} : memref<208xi32, #tpu.memory_space<vmem>>, vector<16xi32>,
      %shift_right_logical3A_1538 = arith.constant 2 : i32
      %shift_right_logical3A_1539 = vector.broadcast %shift_right_logical3A_1538 : i32 to vector<16xi32>
      %shift_right_logical3A_1540 = arith.shrui %get3A_1537, %shift_right_logical3A_1539 : vector<16xi32>
      %swap3A_1541 = arith.constant 144 : index
      %swap3A_1542 = tpu.vector_load %arg7[%swap3A_1541] {strides = array<i32>} : memref<208xi32, #tpu.memory_space<vmem>>, vector<16xi32>,
      tpu.vector_store %arg7[%swap3A_1541], %shift_right_logical3A_1540 {strides = array<i32>} : memref<208xi32, #tpu.memory_space<vmem>>, vector<16xi32>,
      %and3A_1543 = arith.constant 3 : i32
      %and3A_1544 = vector.broadcast %and3A_1543 : i32 to vector<16xi32>
      %and3A_1545 = arith.andi %get3A_1537, %and3A_1544 : vector<16xi32>
      %mul3A_1546 = arith.constant 32 : i32
      %mul3A_1547 = vector.broadcast %mul3A_1546 : i32 to vector<16xi32>
      %mul3A_1548 = arith.muli %and3A_1545, %mul3A_1547 : vector<16xi32>
      %swap3A_1549 = arith.constant 144 : index
      %swap3A_1550 = tpu.vector_load %arg9[%swap3A_1549] {strides = array<i32>} : memref<208xi32, #tpu.memory_space<vmem>>, vector<16xi32>,
      tpu.vector_store %arg9[%swap3A_1549], %mul3A_1548 {strides = array<i32>} : memref<208xi32, #tpu.memory_space<vmem>>, vector<16xi32>,
      %get3A_1551 = arith.constant 160 : index
      %get3A_1552 = tpu.vector_load %arg5[%get3A_1551] {strides = array<i32>} : memref<208xi32, #tpu.memory_space<vmem>>, vector<16xi32>,
      %shift_right_logical3A_1553 = arith.constant 2 : i32
      %shift_right_logical3A_1554 = vector.broadcast %shift_right_logical3A_1553 : i32 to vector<16xi32>
      %shift_right_logical3A_1555 = arith.shrui %get3A_1552, %shift_right_logical3A_1554 : vector<16xi32>
      %swap3A_1556 = arith.constant 160 : index
      %swap3A_1557 = tpu.vector_load %arg7[%swap3A_1556] {strides = array<i32>} : memref<208xi32, #tpu.memory_space<vmem>>, vector<16xi32>,
      tpu.vector_store %arg7[%swap3A_1556], %shift_right_logical3A_1555 {strides = array<i32>} : memref<208xi32, #tpu.memory_space<vmem>>, vector<16xi32>,
      %and3A_1558 = arith.constant 3 : i32
      %and3A_1559 = vector.broadcast %and3A_1558 : i32 to vector<16xi32>
      %and3A_1560 = arith.andi %get3A_1552, %and3A_1559 : vector<16xi32>
      %mul3A_1561 = arith.constant 32 : i32
      %mul3A_1562 = vector.broadcast %mul3A_1561 : i32 to vector<16xi32>
      %mul3A_1563 = arith.muli %and3A_1560, %mul3A_1562 : vector<16xi32>
      %swap3A_1564 = arith.constant 160 : index
      %swap3A_1565 = tpu.vector_load %arg9[%swap3A_1564] {strides = array<i32>} : memref<208xi32, #tpu.memory_space<vmem>>, vector<16xi32>,
      tpu.vector_store %arg9[%swap3A_1564], %mul3A_1563 {strides = array<i32>} : memref<208xi32, #tpu.memory_space<vmem>>, vector<16xi32>,
      %get3A_1566 = arith.constant 176 : index
      %get3A_1567 = tpu.vector_load %arg5[%get3A_1566] {strides = array<i32>} : memref<208xi32, #tpu.memory_space<vmem>>, vector<16xi32>,
      %shift_right_logical3A_1568 = arith.constant 2 : i32
      %shift_right_logical3A_1569 = vector.broadcast %shift_right_logical3A_1568 : i32 to vector<16xi32>
      %shift_right_logical3A_1570 = arith.shrui %get3A_1567, %shift_right_logical3A_1569 : vector<16xi32>
      %swap3A_1571 = arith.constant 176 : index
      %swap3A_1572 = tpu.vector_load %arg7[%swap3A_1571] {strides = array<i32>} : memref<208xi32, #tpu.memory_space<vmem>>, vector<16xi32>,
      tpu.vector_store %arg7[%swap3A_1571], %shift_right_logical3A_1570 {strides = array<i32>} : memref<208xi32, #tpu.memory_space<vmem>>, vector<16xi32>,
      %and3A_1573 = arith.constant 3 : i32
      %and3A_1574 = vector.broadcast %and3A_1573 : i32 to vector<16xi32>
      %and3A_1575 = arith.andi %get3A_1567, %and3A_1574 : vector<16xi32>
      %mul3A_1576 = arith.constant 32 : i32
      %mul3A_1577 = vector.broadcast %mul3A_1576 : i32 to vector<16xi32>
      %mul3A_1578 = arith.muli %and3A_1575, %mul3A_1577 : vector<16xi32>
      %swap3A_1579 = arith.constant 176 : index
      %swap3A_1580 = tpu.vector_load %arg9[%swap3A_1579] {strides = array<i32>} : memref<208xi32, #tpu.memory_space<vmem>>, vector<16xi32>,
      tpu.vector_store %arg9[%swap3A_1579], %mul3A_1578 {strides = array<i32>} : memref<208xi32, #tpu.memory_space<vmem>>, vector<16xi32>,
      %get3A_1581 = arith.constant 192 : index
      %get3A_1582 = tpu.vector_load %arg5[%get3A_1581] {strides = array<i32>} : memref<208xi32, #tpu.memory_space<vmem>>, vector<16xi32>,
      %shift_right_logical3A_1583 = arith.constant 2 : i32
      %shift_right_logical3A_1584 = vector.broadcast %shift_right_logical3A_1583 : i32 to vector<16xi32>
      %shift_right_logical3A_1585 = arith.shrui %get3A_1582, %shift_right_logical3A_1584 : vector<16xi32>
      %swap3A_1586 = arith.constant 192 : index
      %swap3A_1587 = tpu.vector_load %arg7[%swap3A_1586] {strides = array<i32>} : memref<208xi32, #tpu.memory_space<vmem>>, vector<16xi32>,
      tpu.vector_store %arg7[%swap3A_1586], %shift_right_logical3A_1585 {strides = array<i32>} : memref<208xi32, #tpu.memory_space<vmem>>, vector<16xi32>,
      %and3A_1588 = arith.constant 3 : i32
      %and3A_1589 = vector.broadcast %and3A_1588 : i32 to vector<16xi32>
      %and3A_1590 = arith.andi %get3A_1582, %and3A_1589 : vector<16xi32>
      %mul3A_1591 = arith.constant 32 : i32
      %mul3A_1592 = vector.broadcast %mul3A_1591 : i32 to vector<16xi32>
      %mul3A_1593 = arith.muli %and3A_1590, %mul3A_1592 : vector<16xi32>
      %swap3A_1594 = arith.constant 192 : index
      %swap3A_1595 = tpu.vector_load %arg9[%swap3A_1594] {strides = array<i32>} : memref<208xi32, #tpu.memory_space<vmem>>, vector<16xi32>,
      tpu.vector_store %arg9[%swap3A_1594], %mul3A_1593 {strides = array<i32>} : memref<208xi32, #tpu.memory_space<vmem>>, vector<16xi32>,
      %dma_start3A_1596 = arith.constant 0 : i32
      %dma_start3A_1597 = arith.constant 0 : i32
      %dma_start3A_1598 = tpu.memref_slice %arg11[%dma_start3A_1596, %dma_start3A_1597] : memref<208x128xf32, #tpu.memory_space<vmem>> -> memref<128x128xf32, #tpu.memory_space<vmem>>
      %dma_start3A_1599 = arith.constant 0 : i32
      %dma_start3A_1600 = tpu.memref_slice %arg7[%dma_start3A_1599] : memref<208xi32, #tpu.memory_space<vmem>> -> memref<128xi32, #tpu.memory_space<vmem>>
      %dma_start3A_1601 = arith.constant 0 : i32
      %dma_start3A_1602 = arith.constant 0 : i32
      %dma_start3A_1603 = tpu.memref_slice %arg2[%dma_start3A_1601, %dma_start3A_1602] : memref<250000x128xf32, #tpu.memory_space<hbm>> -> memref<250000x128xf32, #tpu.memory_space<hbm>>
      tpu.enqueue_indirect_dma source(%dma_start3A_1603 : memref<250000x128xf32, #tpu.memory_space<hbm>>) target(%dma_start3A_1598 : memref<128x128xf32, #tpu.memory_space<vmem>>) offsets(%dma_start3A_1600 : memref<128xi32, #tpu.memory_space<vmem>>) semaphore(%arg17 : memref<!tpu.dma_semaphore, #tpu.memory_space<semaphore_mem>>)
      %dma_start3A_1604 = arith.constant 128 : i32
      %dma_start3A_1605 = arith.constant 0 : i32
      %dma_start3A_1606 = tpu.memref_slice %arg11[%dma_start3A_1604, %dma_start3A_1605] : memref<208x128xf32, #tpu.memory_space<vmem>> -> memref<72x128xf32, #tpu.memory_space<vmem>>
      %dma_start3A_1607 = arith.constant 128 : i32
      %dma_start3A_1608 = tpu.memref_slice %arg7[%dma_start3A_1607] : memref<208xi32, #tpu.memory_space<vmem>> -> memref<72xi32, #tpu.memory_space<vmem>>
      %dma_start3A_1609 = arith.constant 0 : i32
      %dma_start3A_1610 = arith.constant 0 : i32
      %dma_start3A_1611 = tpu.memref_slice %arg2[%dma_start3A_1609, %dma_start3A_1610] : memref<250000x128xf32, #tpu.memory_space<hbm>> -> memref<250000x128xf32, #tpu.memory_space<hbm>>
      tpu.enqueue_indirect_dma source(%dma_start3A_1611 : memref<250000x128xf32, #tpu.memory_space<hbm>>) target(%dma_start3A_1606 : memref<72x128xf32, #tpu.memory_space<vmem>>) offsets(%dma_start3A_1608 : memref<72xi32, #tpu.memory_space<vmem>>) semaphore(%arg17 : memref<!tpu.dma_semaphore, #tpu.memory_space<semaphore_mem>>)
      %add3A_1612 = arith.constant 3 : i32
      %add3A_1613 = arith.addi %mul3A_1115, %add3A_1612 : i32
      %add3A_1614 = arith.addi %mul3A_2, %add3A_1613 : i32
      %mul3A_1615 = arith.constant 200 : i32
      %mul3A_1616 = arith.muli %add3A_1614, %mul3A_1615 : i32
      %dma_start3A_1617 = arith.constant 0 : i32
      %dma_start3A_1618 = tpu.memref_slice %arg6[%dma_start3A_1617] : memref<208xi32, #tpu.memory_space<vmem>> -> memref<200xi32, #tpu.memory_space<vmem>>
      %dma_start3A_1619 = tpu.memref_slice %arg3[%mul3A_1616] : memref<819200xi32, #tpu.memory_space<hbm>> -> memref<200xi32, #tpu.memory_space<hbm>>
      %dma_start3A_1620 = arith.constant 0 : i32
      %dma_start3A_1621 = tpu.memref_slice %arg6[%dma_start3A_1620] : memref<208xi32, #tpu.memory_space<vmem>> -> memref<200xi32, #tpu.memory_space<vmem>>
      %dma_start3A_1622 = tpu.memref_slice %arg3[%mul3A_1616] : memref<819200xi32, #tpu.memory_space<hbm>> -> memref<200xi32, #tpu.memory_space<hbm>>
      tpu.enqueue_dma source(%dma_start3A_1622 : memref<200xi32, #tpu.memory_space<hbm>>) target(%dma_start3A_1621 : memref<200xi32, #tpu.memory_space<vmem>>) target_semaphore(%arg16 : memref<!tpu.dma_semaphore, #tpu.memory_space<semaphore_mem>>)
      %dma_wait3A_1623 = arith.constant 0 : i32
      %dma_wait3A_1624 = arith.constant 0 : i32
      %dma_wait3A_1625 = tpu.memref_slice %arg12[%dma_wait3A_1623, %dma_wait3A_1624] : memref<208x128xf32, #tpu.memory_space<vmem>> -> memref<200x128xf32, #tpu.memory_space<vmem>>
      %dma_wait3A_1626 = arith.constant 0 : i32
      %dma_wait3A_1627 = arith.constant 0 : i32
      %dma_wait3A_1628 = tpu.memref_slice %arg2[%dma_wait3A_1626, %dma_wait3A_1627] : memref<250000x128xf32, #tpu.memory_space<hbm>> -> memref<200x128xf32, #tpu.memory_space<hbm>>
      %dma_wait3A_1629 = arith.constant 0 : i32
      %dma_wait3A_1630 = arith.constant 0 : i32
      %dma_wait3A_1631 = tpu.memref_slice %arg12[%dma_wait3A_1629, %dma_wait3A_1630] : memref<208x128xf32, #tpu.memory_space<vmem>> -> memref<200x128xf32, #tpu.memory_space<vmem>>
      %dma_wait3A_1632 = arith.constant 0 : i32
      %dma_wait3A_1633 = arith.constant 0 : i32
      %dma_wait3A_1634 = tpu.memref_slice %arg2[%dma_wait3A_1632, %dma_wait3A_1633] : memref<250000x128xf32, #tpu.memory_space<hbm>> -> memref<200x128xf32, #tpu.memory_space<hbm>>
      tpu.wait_dma2 semaphore(%arg18 : memref<!tpu.dma_semaphore, #tpu.memory_space<semaphore_mem>>) src(%dma_wait3A_1634 : memref<200x128xf32, #tpu.memory_space<hbm>>) dst(%dma_wait3A_1631 : memref<200x128xf32, #tpu.memory_space<vmem>>)
      %dma_wait3A_1635 = arith.constant 0 : i32
      %dma_wait3A_1636 = arith.constant 0 : i32
      %dma_wait3A_1637 = arith.constant 0 : i32
      %dma_wait3A_1638 = tpu.memref_slice %arg14[%dma_wait3A_1636, %dma_wait3A_1637] : memref<208x32xf32, #tpu.memory_space<vmem>> -> memref<200x32xf32, #tpu.memory_space<vmem>>
      %dma_wait3A_1639 = arith.constant 0 : i32
      %dma_wait3A_1640 = arith.constant 0 : i32
      %dma_wait3A_1641 = tpu.memref_slice %arg4[%dma_wait3A_1635, %dma_wait3A_1639, %dma_wait3A_1640] : memref<4096x200x32xf32, #tpu.memory_space<hbm>> -> memref<1x200x32xf32, #tpu.memory_space<hbm>>
      %dma_wait3A_1642 = tpu.memref_squeeze %dma_wait3A_1641 : memref<1x200x32xf32, #tpu.memory_space<hbm>> -> memref<200x32xf32, #tpu.memory_space<hbm>>
      %dma_wait3A_1643 = arith.constant 0 : i32
      %dma_wait3A_1644 = arith.constant 0 : i32
      %dma_wait3A_1645 = tpu.memref_slice %arg4[%dma_wait3A_1635, %dma_wait3A_1643, %dma_wait3A_1644] : memref<4096x200x32xf32, #tpu.memory_space<hbm>> -> memref<1x200x32xf32, #tpu.memory_space<hbm>>
      %dma_wait3A_1646 = tpu.memref_squeeze %dma_wait3A_1645 : memref<1x200x32xf32, #tpu.memory_space<hbm>> -> memref<200x32xf32, #tpu.memory_space<hbm>>
      %dma_wait3A_1647 = arith.constant 0 : i32
      %dma_wait3A_1648 = arith.constant 0 : i32
      %dma_wait3A_1649 = tpu.memref_slice %arg14[%dma_wait3A_1647, %dma_wait3A_1648] : memref<208x32xf32, #tpu.memory_space<vmem>> -> memref<200x32xf32, #tpu.memory_space<vmem>>
      tpu.wait_dma2 semaphore(%arg20 : memref<!tpu.dma_semaphore, #tpu.memory_space<semaphore_mem>>) src(%dma_wait3A_1649 : memref<200x32xf32, #tpu.memory_space<vmem>>) dst(%dma_wait3A_1646 : memref<200x32xf32, #tpu.memory_space<hbm>>)
      %scan3A_1650 = arith.constant 0 : i32
      %scan3A_1651 = arith.constant 13 : i32
      %scan3A_1652 = arith.addi %scan3A_1650, %scan3A_1651 : i32
      %scan3A_1653 = arith.constant 1 : i32
      scf.for %scan3A_1672 = %scan3A_1650 to %scan3A_1652 step %scan3A_1653  : i32 {
        %mul3A_1673 = arith.constant 1 : i32
        %mul3A_1674 = arith.muli %scan3A_1672, %mul3A_1673 : i32
        %add3A_1675 = arith.constant 0 : i32
        %add3A_1676 = arith.addi %add3A_1675, %mul3A_1674 : i32
        %mul3A_1677 = arith.constant 16 : i32
        %mul3A_1678 = arith.muli %add3A_1676, %mul3A_1677 : i32
        %add3A_1679 = vector.broadcast %mul3A_1678 : i32 to vector<16xi32>
        %add3A_1680 = arith.addi %iota3A, %add3A_1679 : vector<16xi32>
        %mul3A_1681 = arith.constant 16 : i32
        %mul3A_1682 = arith.muli %add3A_1676, %mul3A_1681 : i32
        %get3A_1683 = arith.index_cast %mul3A_1682 : i32 to index
        %get3A_1684 = tpu.vector_load %arg10[%get3A_1683] {strides = array<i32>} : memref<208xi32, #tpu.memory_space<vmem>>, vector<16xi32>,
        %add3A_1685 = arith.constant 0 : i32
        %add3A_1686 = vector.broadcast %add3A_1685 : i32 to vector<16xi32>
        %add3A_1687 = arith.addi %get3A_1684, %add3A_1686 : vector<16xi32>
        %gather3A = tpu.vector_load_idx %arg12[%add3A_1680, %add3A_1687] : memref<208x128xf32, #tpu.memory_space<vmem>>[vector<16xi32>, vector<16xi32>], vector<16xf32>,
        %broadcast_in_dim3A = arith.constant 0 : i32
        %broadcast_in_dim3A_1688 = vector.broadcast %broadcast_in_dim3A : i32 to vector<16xi32>
        tpu.vector_store_idx %arg14[%add3A_1680, %broadcast_in_dim3A_1688], %gather3A : memref<208x32xf32, #tpu.memory_space<vmem>>[vector<16xi32>, vector<16xi32>], vector<16xf32>,
        %add3A_1689 = arith.constant 1 : i32
        %add3A_1690 = vector.broadcast %add3A_1689 : i32 to vector<16xi32>
        %add3A_1691 = arith.addi %get3A_1684, %add3A_1690 : vector<16xi32>
        %gather3A_1692 = tpu.vector_load_idx %arg12[%add3A_1680, %add3A_1691] : memref<208x128xf32, #tpu.memory_space<vmem>>[vector<16xi32>, vector<16xi32>], vector<16xf32>,
        %broadcast_in_dim3A_1693 = arith.constant 1 : i32
        %broadcast_in_dim3A_1694 = vector.broadcast %broadcast_in_dim3A_1693 : i32 to vector<16xi32>
        tpu.vector_store_idx %arg14[%add3A_1680, %broadcast_in_dim3A_1694], %gather3A_1692 : memref<208x32xf32, #tpu.memory_space<vmem>>[vector<16xi32>, vector<16xi32>], vector<16xf32>,
        %add3A_1695 = arith.constant 2 : i32
        %add3A_1696 = vector.broadcast %add3A_1695 : i32 to vector<16xi32>
        %add3A_1697 = arith.addi %get3A_1684, %add3A_1696 : vector<16xi32>
        %gather3A_1698 = tpu.vector_load_idx %arg12[%add3A_1680, %add3A_1697] : memref<208x128xf32, #tpu.memory_space<vmem>>[vector<16xi32>, vector<16xi32>], vector<16xf32>,
        %broadcast_in_dim3A_1699 = arith.constant 2 : i32
        %broadcast_in_dim3A_1700 = vector.broadcast %broadcast_in_dim3A_1699 : i32 to vector<16xi32>
        tpu.vector_store_idx %arg14[%add3A_1680, %broadcast_in_dim3A_1700], %gather3A_1698 : memref<208x32xf32, #tpu.memory_space<vmem>>[vector<16xi32>, vector<16xi32>], vector<16xf32>,
        %add3A_1701 = arith.constant 3 : i32
        %add3A_1702 = vector.broadcast %add3A_1701 : i32 to vector<16xi32>
        %add3A_1703 = arith.addi %get3A_1684, %add3A_1702 : vector<16xi32>
        %gather3A_1704 = tpu.vector_load_idx %arg12[%add3A_1680, %add3A_1703] : memref<208x128xf32, #tpu.memory_space<vmem>>[vector<16xi32>, vector<16xi32>], vector<16xf32>,
        %broadcast_in_dim3A_1705 = arith.constant 3 : i32
        %broadcast_in_dim3A_1706 = vector.broadcast %broadcast_in_dim3A_1705 : i32 to vector<16xi32>
        tpu.vector_store_idx %arg14[%add3A_1680, %broadcast_in_dim3A_1706], %gather3A_1704 : memref<208x32xf32, #tpu.memory_space<vmem>>[vector<16xi32>, vector<16xi32>], vector<16xf32>,
        %add3A_1707 = arith.constant 4 : i32
        %add3A_1708 = vector.broadcast %add3A_1707 : i32 to vector<16xi32>
        %add3A_1709 = arith.addi %get3A_1684, %add3A_1708 : vector<16xi32>
        %gather3A_1710 = tpu.vector_load_idx %arg12[%add3A_1680, %add3A_1709] : memref<208x128xf32, #tpu.memory_space<vmem>>[vector<16xi32>, vector<16xi32>], vector<16xf32>,
        %broadcast_in_dim3A_1711 = arith.constant 4 : i32
        %broadcast_in_dim3A_1712 = vector.broadcast %broadcast_in_dim3A_1711 : i32 to vector<16xi32>
        tpu.vector_store_idx %arg14[%add3A_1680, %broadcast_in_dim3A_1712], %gather3A_1710 : memref<208x32xf32, #tpu.memory_space<vmem>>[vector<16xi32>, vector<16xi32>], vector<16xf32>,
        %add3A_1713 = arith.constant 5 : i32
        %add3A_1714 = vector.broadcast %add3A_1713 : i32 to vector<16xi32>
        %add3A_1715 = arith.addi %get3A_1684, %add3A_1714 : vector<16xi32>
        %gather3A_1716 = tpu.vector_load_idx %arg12[%add3A_1680, %add3A_1715] : memref<208x128xf32, #tpu.memory_space<vmem>>[vector<16xi32>, vector<16xi32>], vector<16xf32>,
        %broadcast_in_dim3A_1717 = arith.constant 5 : i32
        %broadcast_in_dim3A_1718 = vector.broadcast %broadcast_in_dim3A_1717 : i32 to vector<16xi32>
        tpu.vector_store_idx %arg14[%add3A_1680, %broadcast_in_dim3A_1718], %gather3A_1716 : memref<208x32xf32, #tpu.memory_space<vmem>>[vector<16xi32>, vector<16xi32>], vector<16xf32>,
        %add3A_1719 = arith.constant 6 : i32
        %add3A_1720 = vector.broadcast %add3A_1719 : i32 to vector<16xi32>
        %add3A_1721 = arith.addi %get3A_1684, %add3A_1720 : vector<16xi32>
        %gather3A_1722 = tpu.vector_load_idx %arg12[%add3A_1680, %add3A_1721] : memref<208x128xf32, #tpu.memory_space<vmem>>[vector<16xi32>, vector<16xi32>], vector<16xf32>,
        %broadcast_in_dim3A_1723 = arith.constant 6 : i32
        %broadcast_in_dim3A_1724 = vector.broadcast %broadcast_in_dim3A_1723 : i32 to vector<16xi32>
        tpu.vector_store_idx %arg14[%add3A_1680, %broadcast_in_dim3A_1724], %gather3A_1722 : memref<208x32xf32, #tpu.memory_space<vmem>>[vector<16xi32>, vector<16xi32>], vector<16xf32>,
        %add3A_1725 = arith.constant 7 : i32
        %add3A_1726 = vector.broadcast %add3A_1725 : i32 to vector<16xi32>
        %add3A_1727 = arith.addi %get3A_1684, %add3A_1726 : vector<16xi32>
        %gather3A_1728 = tpu.vector_load_idx %arg12[%add3A_1680, %add3A_1727] : memref<208x128xf32, #tpu.memory_space<vmem>>[vector<16xi32>, vector<16xi32>], vector<16xf32>,
        %broadcast_in_dim3A_1729 = arith.constant 7 : i32
        %broadcast_in_dim3A_1730 = vector.broadcast %broadcast_in_dim3A_1729 : i32 to vector<16xi32>
        tpu.vector_store_idx %arg14[%add3A_1680, %broadcast_in_dim3A_1730], %gather3A_1728 : memref<208x32xf32, #tpu.memory_space<vmem>>[vector<16xi32>, vector<16xi32>], vector<16xf32>,
        %add3A_1731 = arith.constant 8 : i32
        %add3A_1732 = vector.broadcast %add3A_1731 : i32 to vector<16xi32>
        %add3A_1733 = arith.addi %get3A_1684, %add3A_1732 : vector<16xi32>
        %gather3A_1734 = tpu.vector_load_idx %arg12[%add3A_1680, %add3A_1733] : memref<208x128xf32, #tpu.memory_space<vmem>>[vector<16xi32>, vector<16xi32>], vector<16xf32>,
        %broadcast_in_dim3A_1735 = arith.constant 8 : i32
        %broadcast_in_dim3A_1736 = vector.broadcast %broadcast_in_dim3A_1735 : i32 to vector<16xi32>
        tpu.vector_store_idx %arg14[%add3A_1680, %broadcast_in_dim3A_1736], %gather3A_1734 : memref<208x32xf32, #tpu.memory_space<vmem>>[vector<16xi32>, vector<16xi32>], vector<16xf32>,
        %add3A_1737 = arith.constant 9 : i32
        %add3A_1738 = vector.broadcast %add3A_1737 : i32 to vector<16xi32>
        %add3A_1739 = arith.addi %get3A_1684, %add3A_1738 : vector<16xi32>
        %gather3A_1740 = tpu.vector_load_idx %arg12[%add3A_1680, %add3A_1739] : memref<208x128xf32, #tpu.memory_space<vmem>>[vector<16xi32>, vector<16xi32>], vector<16xf32>,
        %broadcast_in_dim3A_1741 = arith.constant 9 : i32
        %broadcast_in_dim3A_1742 = vector.broadcast %broadcast_in_dim3A_1741 : i32 to vector<16xi32>
        tpu.vector_store_idx %arg14[%add3A_1680, %broadcast_in_dim3A_1742], %gather3A_1740 : memref<208x32xf32, #tpu.memory_space<vmem>>[vector<16xi32>, vector<16xi32>], vector<16xf32>,
        %add3A_1743 = arith.constant 10 : i32
        %add3A_1744 = vector.broadcast %add3A_1743 : i32 to vector<16xi32>
        %add3A_1745 = arith.addi %get3A_1684, %add3A_1744 : vector<16xi32>
        %gather3A_1746 = tpu.vector_load_idx %arg12[%add3A_1680, %add3A_1745] : memref<208x128xf32, #tpu.memory_space<vmem>>[vector<16xi32>, vector<16xi32>], vector<16xf32>,
        %broadcast_in_dim3A_1747 = arith.constant 10 : i32
        %broadcast_in_dim3A_1748 = vector.broadcast %broadcast_in_dim3A_1747 : i32 to vector<16xi32>
        tpu.vector_store_idx %arg14[%add3A_1680, %broadcast_in_dim3A_1748], %gather3A_1746 : memref<208x32xf32, #tpu.memory_space<vmem>>[vector<16xi32>, vector<16xi32>], vector<16xf32>,
        %add3A_1749 = arith.constant 11 : i32
        %add3A_1750 = vector.broadcast %add3A_1749 : i32 to vector<16xi32>
        %add3A_1751 = arith.addi %get3A_1684, %add3A_1750 : vector<16xi32>
        %gather3A_1752 = tpu.vector_load_idx %arg12[%add3A_1680, %add3A_1751] : memref<208x128xf32, #tpu.memory_space<vmem>>[vector<16xi32>, vector<16xi32>], vector<16xf32>,
        %broadcast_in_dim3A_1753 = arith.constant 11 : i32
        %broadcast_in_dim3A_1754 = vector.broadcast %broadcast_in_dim3A_1753 : i32 to vector<16xi32>
        tpu.vector_store_idx %arg14[%add3A_1680, %broadcast_in_dim3A_1754], %gather3A_1752 : memref<208x32xf32, #tpu.memory_space<vmem>>[vector<16xi32>, vector<16xi32>], vector<16xf32>,
        %add3A_1755 = arith.constant 12 : i32
        %add3A_1756 = vector.broadcast %add3A_1755 : i32 to vector<16xi32>
        %add3A_1757 = arith.addi %get3A_1684, %add3A_1756 : vector<16xi32>
        %gather3A_1758 = tpu.vector_load_idx %arg12[%add3A_1680, %add3A_1757] : memref<208x128xf32, #tpu.memory_space<vmem>>[vector<16xi32>, vector<16xi32>], vector<16xf32>,
        %broadcast_in_dim3A_1759 = arith.constant 12 : i32
        %broadcast_in_dim3A_1760 = vector.broadcast %broadcast_in_dim3A_1759 : i32 to vector<16xi32>
        tpu.vector_store_idx %arg14[%add3A_1680, %broadcast_in_dim3A_1760], %gather3A_1758 : memref<208x32xf32, #tpu.memory_space<vmem>>[vector<16xi32>, vector<16xi32>], vector<16xf32>,
        %add3A_1761 = arith.constant 13 : i32
        %add3A_1762 = vector.broadcast %add3A_1761 : i32 to vector<16xi32>
        %add3A_1763 = arith.addi %get3A_1684, %add3A_1762 : vector<16xi32>
        %gather3A_1764 = tpu.vector_load_idx %arg12[%add3A_1680, %add3A_1763] : memref<208x128xf32, #tpu.memory_space<vmem>>[vector<16xi32>, vector<16xi32>], vector<16xf32>,
        %broadcast_in_dim3A_1765 = arith.constant 13 : i32
        %broadcast_in_dim3A_1766 = vector.broadcast %broadcast_in_dim3A_1765 : i32 to vector<16xi32>
        tpu.vector_store_idx %arg14[%add3A_1680, %broadcast_in_dim3A_1766], %gather3A_1764 : memref<208x32xf32, #tpu.memory_space<vmem>>[vector<16xi32>, vector<16xi32>], vector<16xf32>,
        %add3A_1767 = arith.constant 14 : i32
        %add3A_1768 = vector.broadcast %add3A_1767 : i32 to vector<16xi32>
        %add3A_1769 = arith.addi %get3A_1684, %add3A_1768 : vector<16xi32>
        %gather3A_1770 = tpu.vector_load_idx %arg12[%add3A_1680, %add3A_1769] : memref<208x128xf32, #tpu.memory_space<vmem>>[vector<16xi32>, vector<16xi32>], vector<16xf32>,
        %broadcast_in_dim3A_1771 = arith.constant 14 : i32
        %broadcast_in_dim3A_1772 = vector.broadcast %broadcast_in_dim3A_1771 : i32 to vector<16xi32>
        tpu.vector_store_idx %arg14[%add3A_1680, %broadcast_in_dim3A_1772], %gather3A_1770 : memref<208x32xf32, #tpu.memory_space<vmem>>[vector<16xi32>, vector<16xi32>], vector<16xf32>,
        %add3A_1773 = arith.constant 15 : i32
        %add3A_1774 = vector.broadcast %add3A_1773 : i32 to vector<16xi32>
        %add3A_1775 = arith.addi %get3A_1684, %add3A_1774 : vector<16xi32>
        %gather3A_1776 = tpu.vector_load_idx %arg12[%add3A_1680, %add3A_1775] : memref<208x128xf32, #tpu.memory_space<vmem>>[vector<16xi32>, vector<16xi32>], vector<16xf32>,
        %broadcast_in_dim3A_1777 = arith.constant 15 : i32
        %broadcast_in_dim3A_1778 = vector.broadcast %broadcast_in_dim3A_1777 : i32 to vector<16xi32>
        tpu.vector_store_idx %arg14[%add3A_1680, %broadcast_in_dim3A_1778], %gather3A_1776 : memref<208x32xf32, #tpu.memory_space<vmem>>[vector<16xi32>, vector<16xi32>], vector<16xf32>,
        %add3A_1779 = arith.constant 16 : i32
        %add3A_1780 = vector.broadcast %add3A_1779 : i32 to vector<16xi32>
        %add3A_1781 = arith.addi %get3A_1684, %add3A_1780 : vector<16xi32>
        %gather3A_1782 = tpu.vector_load_idx %arg12[%add3A_1680, %add3A_1781] : memref<208x128xf32, #tpu.memory_space<vmem>>[vector<16xi32>, vector<16xi32>], vector<16xf32>,
        %broadcast_in_dim3A_1783 = arith.constant 16 : i32
        %broadcast_in_dim3A_1784 = vector.broadcast %broadcast_in_dim3A_1783 : i32 to vector<16xi32>
        tpu.vector_store_idx %arg14[%add3A_1680, %broadcast_in_dim3A_1784], %gather3A_1782 : memref<208x32xf32, #tpu.memory_space<vmem>>[vector<16xi32>, vector<16xi32>], vector<16xf32>,
        %add3A_1785 = arith.constant 17 : i32
        %add3A_1786 = vector.broadcast %add3A_1785 : i32 to vector<16xi32>
        %add3A_1787 = arith.addi %get3A_1684, %add3A_1786 : vector<16xi32>
        %gather3A_1788 = tpu.vector_load_idx %arg12[%add3A_1680, %add3A_1787] : memref<208x128xf32, #tpu.memory_space<vmem>>[vector<16xi32>, vector<16xi32>], vector<16xf32>,
        %broadcast_in_dim3A_1789 = arith.constant 17 : i32
        %broadcast_in_dim3A_1790 = vector.broadcast %broadcast_in_dim3A_1789 : i32 to vector<16xi32>
        tpu.vector_store_idx %arg14[%add3A_1680, %broadcast_in_dim3A_1790], %gather3A_1788 : memref<208x32xf32, #tpu.memory_space<vmem>>[vector<16xi32>, vector<16xi32>], vector<16xf32>,
        %add3A_1791 = arith.constant 18 : i32
        %add3A_1792 = vector.broadcast %add3A_1791 : i32 to vector<16xi32>
        %add3A_1793 = arith.addi %get3A_1684, %add3A_1792 : vector<16xi32>
        %gather3A_1794 = tpu.vector_load_idx %arg12[%add3A_1680, %add3A_1793] : memref<208x128xf32, #tpu.memory_space<vmem>>[vector<16xi32>, vector<16xi32>], vector<16xf32>,
        %broadcast_in_dim3A_1795 = arith.constant 18 : i32
        %broadcast_in_dim3A_1796 = vector.broadcast %broadcast_in_dim3A_1795 : i32 to vector<16xi32>
        tpu.vector_store_idx %arg14[%add3A_1680, %broadcast_in_dim3A_1796], %gather3A_1794 : memref<208x32xf32, #tpu.memory_space<vmem>>[vector<16xi32>, vector<16xi32>], vector<16xf32>,
        %add3A_1797 = arith.constant 19 : i32
        %add3A_1798 = vector.broadcast %add3A_1797 : i32 to vector<16xi32>
        %add3A_1799 = arith.addi %get3A_1684, %add3A_1798 : vector<16xi32>
        %gather3A_1800 = tpu.vector_load_idx %arg12[%add3A_1680, %add3A_1799] : memref<208x128xf32, #tpu.memory_space<vmem>>[vector<16xi32>, vector<16xi32>], vector<16xf32>,
        %broadcast_in_dim3A_1801 = arith.constant 19 : i32
        %broadcast_in_dim3A_1802 = vector.broadcast %broadcast_in_dim3A_1801 : i32 to vector<16xi32>
        tpu.vector_store_idx %arg14[%add3A_1680, %broadcast_in_dim3A_1802], %gather3A_1800 : memref<208x32xf32, #tpu.memory_space<vmem>>[vector<16xi32>, vector<16xi32>], vector<16xf32>,
        %add3A_1803 = arith.constant 20 : i32
        %add3A_1804 = vector.broadcast %add3A_1803 : i32 to vector<16xi32>
        %add3A_1805 = arith.addi %get3A_1684, %add3A_1804 : vector<16xi32>
        %gather3A_1806 = tpu.vector_load_idx %arg12[%add3A_1680, %add3A_1805] : memref<208x128xf32, #tpu.memory_space<vmem>>[vector<16xi32>, vector<16xi32>], vector<16xf32>,
        %broadcast_in_dim3A_1807 = arith.constant 20 : i32
        %broadcast_in_dim3A_1808 = vector.broadcast %broadcast_in_dim3A_1807 : i32 to vector<16xi32>
        tpu.vector_store_idx %arg14[%add3A_1680, %broadcast_in_dim3A_1808], %gather3A_1806 : memref<208x32xf32, #tpu.memory_space<vmem>>[vector<16xi32>, vector<16xi32>], vector<16xf32>,
        %add3A_1809 = arith.constant 21 : i32
        %add3A_1810 = vector.broadcast %add3A_1809 : i32 to vector<16xi32>
        %add3A_1811 = arith.addi %get3A_1684, %add3A_1810 : vector<16xi32>
        %gather3A_1812 = tpu.vector_load_idx %arg12[%add3A_1680, %add3A_1811] : memref<208x128xf32, #tpu.memory_space<vmem>>[vector<16xi32>, vector<16xi32>], vector<16xf32>,
        %broadcast_in_dim3A_1813 = arith.constant 21 : i32
        %broadcast_in_dim3A_1814 = vector.broadcast %broadcast_in_dim3A_1813 : i32 to vector<16xi32>
        tpu.vector_store_idx %arg14[%add3A_1680, %broadcast_in_dim3A_1814], %gather3A_1812 : memref<208x32xf32, #tpu.memory_space<vmem>>[vector<16xi32>, vector<16xi32>], vector<16xf32>,
        %add3A_1815 = arith.constant 22 : i32
        %add3A_1816 = vector.broadcast %add3A_1815 : i32 to vector<16xi32>
        %add3A_1817 = arith.addi %get3A_1684, %add3A_1816 : vector<16xi32>
        %gather3A_1818 = tpu.vector_load_idx %arg12[%add3A_1680, %add3A_1817] : memref<208x128xf32, #tpu.memory_space<vmem>>[vector<16xi32>, vector<16xi32>], vector<16xf32>,
        %broadcast_in_dim3A_1819 = arith.constant 22 : i32
        %broadcast_in_dim3A_1820 = vector.broadcast %broadcast_in_dim3A_1819 : i32 to vector<16xi32>
        tpu.vector_store_idx %arg14[%add3A_1680, %broadcast_in_dim3A_1820], %gather3A_1818 : memref<208x32xf32, #tpu.memory_space<vmem>>[vector<16xi32>, vector<16xi32>], vector<16xf32>,
        %add3A_1821 = arith.constant 23 : i32
        %add3A_1822 = vector.broadcast %add3A_1821 : i32 to vector<16xi32>
        %add3A_1823 = arith.addi %get3A_1684, %add3A_1822 : vector<16xi32>
        %gather3A_1824 = tpu.vector_load_idx %arg12[%add3A_1680, %add3A_1823] : memref<208x128xf32, #tpu.memory_space<vmem>>[vector<16xi32>, vector<16xi32>], vector<16xf32>,
        %broadcast_in_dim3A_1825 = arith.constant 23 : i32
        %broadcast_in_dim3A_1826 = vector.broadcast %broadcast_in_dim3A_1825 : i32 to vector<16xi32>
        tpu.vector_store_idx %arg14[%add3A_1680, %broadcast_in_dim3A_1826], %gather3A_1824 : memref<208x32xf32, #tpu.memory_space<vmem>>[vector<16xi32>, vector<16xi32>], vector<16xf32>,
        %add3A_1827 = arith.constant 24 : i32
        %add3A_1828 = vector.broadcast %add3A_1827 : i32 to vector<16xi32>
        %add3A_1829 = arith.addi %get3A_1684, %add3A_1828 : vector<16xi32>
        %gather3A_1830 = tpu.vector_load_idx %arg12[%add3A_1680, %add3A_1829] : memref<208x128xf32, #tpu.memory_space<vmem>>[vector<16xi32>, vector<16xi32>], vector<16xf32>,
        %broadcast_in_dim3A_1831 = arith.constant 24 : i32
        %broadcast_in_dim3A_1832 = vector.broadcast %broadcast_in_dim3A_1831 : i32 to vector<16xi32>
        tpu.vector_store_idx %arg14[%add3A_1680, %broadcast_in_dim3A_1832], %gather3A_1830 : memref<208x32xf32, #tpu.memory_space<vmem>>[vector<16xi32>, vector<16xi32>], vector<16xf32>,
        %add3A_1833 = arith.constant 25 : i32
        %add3A_1834 = vector.broadcast %add3A_1833 : i32 to vector<16xi32>
        %add3A_1835 = arith.addi %get3A_1684, %add3A_1834 : vector<16xi32>
        %gather3A_1836 = tpu.vector_load_idx %arg12[%add3A_1680, %add3A_1835] : memref<208x128xf32, #tpu.memory_space<vmem>>[vector<16xi32>, vector<16xi32>], vector<16xf32>,
        %broadcast_in_dim3A_1837 = arith.constant 25 : i32
        %broadcast_in_dim3A_1838 = vector.broadcast %broadcast_in_dim3A_1837 : i32 to vector<16xi32>
        tpu.vector_store_idx %arg14[%add3A_1680, %broadcast_in_dim3A_1838], %gather3A_1836 : memref<208x32xf32, #tpu.memory_space<vmem>>[vector<16xi32>, vector<16xi32>], vector<16xf32>,
        %add3A_1839 = arith.constant 26 : i32
        %add3A_1840 = vector.broadcast %add3A_1839 : i32 to vector<16xi32>
        %add3A_1841 = arith.addi %get3A_1684, %add3A_1840 : vector<16xi32>
        %gather3A_1842 = tpu.vector_load_idx %arg12[%add3A_1680, %add3A_1841] : memref<208x128xf32, #tpu.memory_space<vmem>>[vector<16xi32>, vector<16xi32>], vector<16xf32>,
        %broadcast_in_dim3A_1843 = arith.constant 26 : i32
        %broadcast_in_dim3A_1844 = vector.broadcast %broadcast_in_dim3A_1843 : i32 to vector<16xi32>
        tpu.vector_store_idx %arg14[%add3A_1680, %broadcast_in_dim3A_1844], %gather3A_1842 : memref<208x32xf32, #tpu.memory_space<vmem>>[vector<16xi32>, vector<16xi32>], vector<16xf32>,
        %add3A_1845 = arith.constant 27 : i32
        %add3A_1846 = vector.broadcast %add3A_1845 : i32 to vector<16xi32>
        %add3A_1847 = arith.addi %get3A_1684, %add3A_1846 : vector<16xi32>
        %gather3A_1848 = tpu.vector_load_idx %arg12[%add3A_1680, %add3A_1847] : memref<208x128xf32, #tpu.memory_space<vmem>>[vector<16xi32>, vector<16xi32>], vector<16xf32>,
        %broadcast_in_dim3A_1849 = arith.constant 27 : i32
        %broadcast_in_dim3A_1850 = vector.broadcast %broadcast_in_dim3A_1849 : i32 to vector<16xi32>
        tpu.vector_store_idx %arg14[%add3A_1680, %broadcast_in_dim3A_1850], %gather3A_1848 : memref<208x32xf32, #tpu.memory_space<vmem>>[vector<16xi32>, vector<16xi32>], vector<16xf32>,
        %add3A_1851 = arith.constant 28 : i32
        %add3A_1852 = vector.broadcast %add3A_1851 : i32 to vector<16xi32>
        %add3A_1853 = arith.addi %get3A_1684, %add3A_1852 : vector<16xi32>
        %gather3A_1854 = tpu.vector_load_idx %arg12[%add3A_1680, %add3A_1853] : memref<208x128xf32, #tpu.memory_space<vmem>>[vector<16xi32>, vector<16xi32>], vector<16xf32>,
        %broadcast_in_dim3A_1855 = arith.constant 28 : i32
        %broadcast_in_dim3A_1856 = vector.broadcast %broadcast_in_dim3A_1855 : i32 to vector<16xi32>
        tpu.vector_store_idx %arg14[%add3A_1680, %broadcast_in_dim3A_1856], %gather3A_1854 : memref<208x32xf32, #tpu.memory_space<vmem>>[vector<16xi32>, vector<16xi32>], vector<16xf32>,
        %add3A_1857 = arith.constant 29 : i32
        %add3A_1858 = vector.broadcast %add3A_1857 : i32 to vector<16xi32>
        %add3A_1859 = arith.addi %get3A_1684, %add3A_1858 : vector<16xi32>
        %gather3A_1860 = tpu.vector_load_idx %arg12[%add3A_1680, %add3A_1859] : memref<208x128xf32, #tpu.memory_space<vmem>>[vector<16xi32>, vector<16xi32>], vector<16xf32>,
        %broadcast_in_dim3A_1861 = arith.constant 29 : i32
        %broadcast_in_dim3A_1862 = vector.broadcast %broadcast_in_dim3A_1861 : i32 to vector<16xi32>
        tpu.vector_store_idx %arg14[%add3A_1680, %broadcast_in_dim3A_1862], %gather3A_1860 : memref<208x32xf32, #tpu.memory_space<vmem>>[vector<16xi32>, vector<16xi32>], vector<16xf32>,
        %add3A_1863 = arith.constant 30 : i32
        %add3A_1864 = vector.broadcast %add3A_1863 : i32 to vector<16xi32>
        %add3A_1865 = arith.addi %get3A_1684, %add3A_1864 : vector<16xi32>
        %gather3A_1866 = tpu.vector_load_idx %arg12[%add3A_1680, %add3A_1865] : memref<208x128xf32, #tpu.memory_space<vmem>>[vector<16xi32>, vector<16xi32>], vector<16xf32>,
        %broadcast_in_dim3A_1867 = arith.constant 30 : i32
        %broadcast_in_dim3A_1868 = vector.broadcast %broadcast_in_dim3A_1867 : i32 to vector<16xi32>
        tpu.vector_store_idx %arg14[%add3A_1680, %broadcast_in_dim3A_1868], %gather3A_1866 : memref<208x32xf32, #tpu.memory_space<vmem>>[vector<16xi32>, vector<16xi32>], vector<16xf32>,
        %add3A_1869 = arith.constant 31 : i32
        %add3A_1870 = vector.broadcast %add3A_1869 : i32 to vector<16xi32>
        %add3A_1871 = arith.addi %get3A_1684, %add3A_1870 : vector<16xi32>
        %gather3A_1872 = tpu.vector_load_idx %arg12[%add3A_1680, %add3A_1871] : memref<208x128xf32, #tpu.memory_space<vmem>>[vector<16xi32>, vector<16xi32>], vector<16xf32>,
        %broadcast_in_dim3A_1873 = arith.constant 31 : i32
        %broadcast_in_dim3A_1874 = vector.broadcast %broadcast_in_dim3A_1873 : i32 to vector<16xi32>
        tpu.vector_store_idx %arg14[%add3A_1680, %broadcast_in_dim3A_1874], %gather3A_1872 : memref<208x32xf32, #tpu.memory_space<vmem>>[vector<16xi32>, vector<16xi32>], vector<16xf32>,
      }
      %scan3A_1654 = arith.constant 13 : i32
      %add3A_1655 = arith.constant 1 : i32
      %add3A_1656 = arith.addi %mul3A_1115, %add3A_1655 : i32
      %add3A_1657 = arith.addi %mul3A_2, %add3A_1656 : i32
      %dma_start3A_1658 = arith.constant 0 : i32
      %dma_start3A_1659 = arith.constant 0 : i32
      %dma_start3A_1660 = tpu.memref_slice %arg14[%dma_start3A_1658, %dma_start3A_1659] : memref<208x32xf32, #tpu.memory_space<vmem>> -> memref<200x32xf32, #tpu.memory_space<vmem>>
      %dma_start3A_1661 = arith.constant 0 : i32
      %dma_start3A_1662 = arith.constant 0 : i32
      %dma_start3A_1663 = tpu.memref_slice %arg4[%add3A_1657, %dma_start3A_1661, %dma_start3A_1662] : memref<4096x200x32xf32, #tpu.memory_space<hbm>> -> memref<1x200x32xf32, #tpu.memory_space<hbm>>
      %dma_start3A_1664 = tpu.memref_squeeze %dma_start3A_1663 : memref<1x200x32xf32, #tpu.memory_space<hbm>> -> memref<200x32xf32, #tpu.memory_space<hbm>>
      %dma_start3A_1665 = arith.constant 0 : i32
      %dma_start3A_1666 = arith.constant 0 : i32
      %dma_start3A_1667 = tpu.memref_slice %arg4[%add3A_1657, %dma_start3A_1665, %dma_start3A_1666] : memref<4096x200x32xf32, #tpu.memory_space<hbm>> -> memref<1x200x32xf32, #tpu.memory_space<hbm>>
      %dma_start3A_1668 = tpu.memref_squeeze %dma_start3A_1667 : memref<1x200x32xf32, #tpu.memory_space<hbm>> -> memref<200x32xf32, #tpu.memory_space<hbm>>
      %dma_start3A_1669 = arith.constant 0 : i32
      %dma_start3A_1670 = arith.constant 0 : i32
      %dma_start3A_1671 = tpu.memref_slice %arg14[%dma_start3A_1669, %dma_start3A_1670] : memref<208x32xf32, #tpu.memory_space<vmem>> -> memref<200x32xf32, #tpu.memory_space<vmem>>
      tpu.enqueue_dma source(%dma_start3A_1671 : memref<200x32xf32, #tpu.memory_space<vmem>>) target(%dma_start3A_1668 : memref<200x32xf32, #tpu.memory_space<hbm>>) target_semaphore(%arg20 : memref<!tpu.dma_semaphore, #tpu.memory_space<semaphore_mem>>)
    }
    %scan3A_763 = arith.constant 62 : i32
    %dma_wait3A_764 = arith.constant 0 : i32
    %dma_wait3A_765 = tpu.memref_slice %arg6[%dma_wait3A_764] : memref<208xi32, #tpu.memory_space<vmem>> -> memref<200xi32, #tpu.memory_space<vmem>>
    %dma_wait3A_766 = arith.constant 0 : i32
    %dma_wait3A_767 = tpu.memref_slice %arg3[%dma_wait3A_766] : memref<819200xi32, #tpu.memory_space<hbm>> -> memref<200xi32, #tpu.memory_space<hbm>>
    %dma_wait3A_768 = arith.constant 0 : i32
    %dma_wait3A_769 = tpu.memref_slice %arg6[%dma_wait3A_768] : memref<208xi32, #tpu.memory_space<vmem>> -> memref<200xi32, #tpu.memory_space<vmem>>
    %dma_wait3A_770 = arith.constant 0 : i32
    %dma_wait3A_771 = tpu.memref_slice %arg3[%dma_wait3A_770] : memref<819200xi32, #tpu.memory_space<hbm>> -> memref<200xi32, #tpu.memory_space<hbm>>
    tpu.wait_dma2 semaphore(%arg16 : memref<!tpu.dma_semaphore, #tpu.memory_space<semaphore_mem>>) src(%dma_wait3A_771 : memref<200xi32, #tpu.memory_space<hbm>>) dst(%dma_wait3A_769 : memref<200xi32, #tpu.memory_space<vmem>>)
    %get3A_772 = arith.constant 0 : index
    %get3A_773 = tpu.vector_load %arg6[%get3A_772] {strides = array<i32>} : memref<208xi32, #tpu.memory_space<vmem>>, vector<16xi32>,
    %shift_right_logical3A_774 = arith.constant 2 : i32
    %shift_right_logical3A_775 = vector.broadcast %shift_right_logical3A_774 : i32 to vector<16xi32>
    %shift_right_logical3A_776 = arith.shrui %get3A_773, %shift_right_logical3A_775 : vector<16xi32>
    %swap3A_777 = arith.constant 0 : index
    %swap3A_778 = tpu.vector_load %arg8[%swap3A_777] {strides = array<i32>} : memref<208xi32, #tpu.memory_space<vmem>>, vector<16xi32>,
    tpu.vector_store %arg8[%swap3A_777], %shift_right_logical3A_776 {strides = array<i32>} : memref<208xi32, #tpu.memory_space<vmem>>, vector<16xi32>,
    %and3A_779 = arith.constant 3 : i32
    %and3A_780 = vector.broadcast %and3A_779 : i32 to vector<16xi32>
    %and3A_781 = arith.andi %get3A_773, %and3A_780 : vector<16xi32>
    %mul3A_782 = arith.constant 32 : i32
    %mul3A_783 = vector.broadcast %mul3A_782 : i32 to vector<16xi32>
    %mul3A_784 = arith.muli %and3A_781, %mul3A_783 : vector<16xi32>
    %swap3A_785 = arith.constant 0 : index
    %swap3A_786 = tpu.vector_load %arg10[%swap3A_785] {strides = array<i32>} : memref<208xi32, #tpu.memory_space<vmem>>, vector<16xi32>,
    tpu.vector_store %arg10[%swap3A_785], %mul3A_784 {strides = array<i32>} : memref<208xi32, #tpu.memory_space<vmem>>, vector<16xi32>,
    %get3A_787 = arith.constant 16 : index
    %get3A_788 = tpu.vector_load %arg6[%get3A_787] {strides = array<i32>} : memref<208xi32, #tpu.memory_space<vmem>>, vector<16xi32>,
    %shift_right_logical3A_789 = arith.constant 2 : i32
    %shift_right_logical3A_790 = vector.broadcast %shift_right_logical3A_789 : i32 to vector<16xi32>
    %shift_right_logical3A_791 = arith.shrui %get3A_788, %shift_right_logical3A_790 : vector<16xi32>
    %swap3A_792 = arith.constant 16 : index
    %swap3A_793 = tpu.vector_load %arg8[%swap3A_792] {strides = array<i32>} : memref<208xi32, #tpu.memory_space<vmem>>, vector<16xi32>,
    tpu.vector_store %arg8[%swap3A_792], %shift_right_logical3A_791 {strides = array<i32>} : memref<208xi32, #tpu.memory_space<vmem>>, vector<16xi32>,
    %and3A_794 = arith.constant 3 : i32
    %and3A_795 = vector.broadcast %and3A_794 : i32 to vector<16xi32>
    %and3A_796 = arith.andi %get3A_788, %and3A_795 : vector<16xi32>
    %mul3A_797 = arith.constant 32 : i32
    %mul3A_798 = vector.broadcast %mul3A_797 : i32 to vector<16xi32>
    %mul3A_799 = arith.muli %and3A_796, %mul3A_798 : vector<16xi32>
    %swap3A_800 = arith.constant 16 : index
    %swap3A_801 = tpu.vector_load %arg10[%swap3A_800] {strides = array<i32>} : memref<208xi32, #tpu.memory_space<vmem>>, vector<16xi32>,
    tpu.vector_store %arg10[%swap3A_800], %mul3A_799 {strides = array<i32>} : memref<208xi32, #tpu.memory_space<vmem>>, vector<16xi32>,
    %get3A_802 = arith.constant 32 : index
    %get3A_803 = tpu.vector_load %arg6[%get3A_802] {strides = array<i32>} : memref<208xi32, #tpu.memory_space<vmem>>, vector<16xi32>,
    %shift_right_logical3A_804 = arith.constant 2 : i32
    %shift_right_logical3A_805 = vector.broadcast %shift_right_logical3A_804 : i32 to vector<16xi32>
    %shift_right_logical3A_806 = arith.shrui %get3A_803, %shift_right_logical3A_805 : vector<16xi32>
    %swap3A_807 = arith.constant 32 : index
    %swap3A_808 = tpu.vector_load %arg8[%swap3A_807] {strides = array<i32>} : memref<208xi32, #tpu.memory_space<vmem>>, vector<16xi32>,
    tpu.vector_store %arg8[%swap3A_807], %shift_right_logical3A_806 {strides = array<i32>} : memref<208xi32, #tpu.memory_space<vmem>>, vector<16xi32>,
    %and3A_809 = arith.constant 3 : i32
    %and3A_810 = vector.broadcast %and3A_809 : i32 to vector<16xi32>
    %and3A_811 = arith.andi %get3A_803, %and3A_810 : vector<16xi32>
    %mul3A_812 = arith.constant 32 : i32
    %mul3A_813 = vector.broadcast %mul3A_812 : i32 to vector<16xi32>
    %mul3A_814 = arith.muli %and3A_811, %mul3A_813 : vector<16xi32>
    %swap3A_815 = arith.constant 32 : index
    %swap3A_816 = tpu.vector_load %arg10[%swap3A_815] {strides = array<i32>} : memref<208xi32, #tpu.memory_space<vmem>>, vector<16xi32>,
    tpu.vector_store %arg10[%swap3A_815], %mul3A_814 {strides = array<i32>} : memref<208xi32, #tpu.memory_space<vmem>>, vector<16xi32>,
    %get3A_817 = arith.constant 48 : index
    %get3A_818 = tpu.vector_load %arg6[%get3A_817] {strides = array<i32>} : memref<208xi32, #tpu.memory_space<vmem>>, vector<16xi32>,
    %shift_right_logical3A_819 = arith.constant 2 : i32
    %shift_right_logical3A_820 = vector.broadcast %shift_right_logical3A_819 : i32 to vector<16xi32>
    %shift_right_logical3A_821 = arith.shrui %get3A_818, %shift_right_logical3A_820 : vector<16xi32>
    %swap3A_822 = arith.constant 48 : index
    %swap3A_823 = tpu.vector_load %arg8[%swap3A_822] {strides = array<i32>} : memref<208xi32, #tpu.memory_space<vmem>>, vector<16xi32>,
    tpu.vector_store %arg8[%swap3A_822], %shift_right_logical3A_821 {strides = array<i32>} : memref<208xi32, #tpu.memory_space<vmem>>, vector<16xi32>,
    %and3A_824 = arith.constant 3 : i32
    %and3A_825 = vector.broadcast %and3A_824 : i32 to vector<16xi32>
    %and3A_826 = arith.andi %get3A_818, %and3A_825 : vector<16xi32>
    %mul3A_827 = arith.constant 32 : i32
    %mul3A_828 = vector.broadcast %mul3A_827 : i32 to vector<16xi32>
    %mul3A_829 = arith.muli %and3A_826, %mul3A_828 : vector<16xi32>
    %swap3A_830 = arith.constant 48 : index
    %swap3A_831 = tpu.vector_load %arg10[%swap3A_830] {strides = array<i32>} : memref<208xi32, #tpu.memory_space<vmem>>, vector<16xi32>,
    tpu.vector_store %arg10[%swap3A_830], %mul3A_829 {strides = array<i32>} : memref<208xi32, #tpu.memory_space<vmem>>, vector<16xi32>,
    %get3A_832 = arith.constant 64 : index
    %get3A_833 = tpu.vector_load %arg6[%get3A_832] {strides = array<i32>} : memref<208xi32, #tpu.memory_space<vmem>>, vector<16xi32>,
    %shift_right_logical3A_834 = arith.constant 2 : i32
    %shift_right_logical3A_835 = vector.broadcast %shift_right_logical3A_834 : i32 to vector<16xi32>
    %shift_right_logical3A_836 = arith.shrui %get3A_833, %shift_right_logical3A_835 : vector<16xi32>
    %swap3A_837 = arith.constant 64 : index
    %swap3A_838 = tpu.vector_load %arg8[%swap3A_837] {strides = array<i32>} : memref<208xi32, #tpu.memory_space<vmem>>, vector<16xi32>,
    tpu.vector_store %arg8[%swap3A_837], %shift_right_logical3A_836 {strides = array<i32>} : memref<208xi32, #tpu.memory_space<vmem>>, vector<16xi32>,
    %and3A_839 = arith.constant 3 : i32
    %and3A_840 = vector.broadcast %and3A_839 : i32 to vector<16xi32>
    %and3A_841 = arith.andi %get3A_833, %and3A_840 : vector<16xi32>
    %mul3A_842 = arith.constant 32 : i32
    %mul3A_843 = vector.broadcast %mul3A_842 : i32 to vector<16xi32>
    %mul3A_844 = arith.muli %and3A_841, %mul3A_843 : vector<16xi32>
    %swap3A_845 = arith.constant 64 : index
    %swap3A_846 = tpu.vector_load %arg10[%swap3A_845] {strides = array<i32>} : memref<208xi32, #tpu.memory_space<vmem>>, vector<16xi32>,
    tpu.vector_store %arg10[%swap3A_845], %mul3A_844 {strides = array<i32>} : memref<208xi32, #tpu.memory_space<vmem>>, vector<16xi32>,
    %get3A_847 = arith.constant 80 : index
    %get3A_848 = tpu.vector_load %arg6[%get3A_847] {strides = array<i32>} : memref<208xi32, #tpu.memory_space<vmem>>, vector<16xi32>,
    %shift_right_logical3A_849 = arith.constant 2 : i32
    %shift_right_logical3A_850 = vector.broadcast %shift_right_logical3A_849 : i32 to vector<16xi32>
    %shift_right_logical3A_851 = arith.shrui %get3A_848, %shift_right_logical3A_850 : vector<16xi32>
    %swap3A_852 = arith.constant 80 : index
    %swap3A_853 = tpu.vector_load %arg8[%swap3A_852] {strides = array<i32>} : memref<208xi32, #tpu.memory_space<vmem>>, vector<16xi32>,
    tpu.vector_store %arg8[%swap3A_852], %shift_right_logical3A_851 {strides = array<i32>} : memref<208xi32, #tpu.memory_space<vmem>>, vector<16xi32>,
    %and3A_854 = arith.constant 3 : i32
    %and3A_855 = vector.broadcast %and3A_854 : i32 to vector<16xi32>
    %and3A_856 = arith.andi %get3A_848, %and3A_855 : vector<16xi32>
    %mul3A_857 = arith.constant 32 : i32
    %mul3A_858 = vector.broadcast %mul3A_857 : i32 to vector<16xi32>
    %mul3A_859 = arith.muli %and3A_856, %mul3A_858 : vector<16xi32>
    %swap3A_860 = arith.constant 80 : index
    %swap3A_861 = tpu.vector_load %arg10[%swap3A_860] {strides = array<i32>} : memref<208xi32, #tpu.memory_space<vmem>>, vector<16xi32>,
    tpu.vector_store %arg10[%swap3A_860], %mul3A_859 {strides = array<i32>} : memref<208xi32, #tpu.memory_space<vmem>>, vector<16xi32>,
    %get3A_862 = arith.constant 96 : index
    %get3A_863 = tpu.vector_load %arg6[%get3A_862] {strides = array<i32>} : memref<208xi32, #tpu.memory_space<vmem>>, vector<16xi32>,
    %shift_right_logical3A_864 = arith.constant 2 : i32
    %shift_right_logical3A_865 = vector.broadcast %shift_right_logical3A_864 : i32 to vector<16xi32>
    %shift_right_logical3A_866 = arith.shrui %get3A_863, %shift_right_logical3A_865 : vector<16xi32>
    %swap3A_867 = arith.constant 96 : index
    %swap3A_868 = tpu.vector_load %arg8[%swap3A_867] {strides = array<i32>} : memref<208xi32, #tpu.memory_space<vmem>>, vector<16xi32>,
    tpu.vector_store %arg8[%swap3A_867], %shift_right_logical3A_866 {strides = array<i32>} : memref<208xi32, #tpu.memory_space<vmem>>, vector<16xi32>,
    %and3A_869 = arith.constant 3 : i32
    %and3A_870 = vector.broadcast %and3A_869 : i32 to vector<16xi32>
    %and3A_871 = arith.andi %get3A_863, %and3A_870 : vector<16xi32>
    %mul3A_872 = arith.constant 32 : i32
    %mul3A_873 = vector.broadcast %mul3A_872 : i32 to vector<16xi32>
    %mul3A_874 = arith.muli %and3A_871, %mul3A_873 : vector<16xi32>
    %swap3A_875 = arith.constant 96 : index
    %swap3A_876 = tpu.vector_load %arg10[%swap3A_875] {strides = array<i32>} : memref<208xi32, #tpu.memory_space<vmem>>, vector<16xi32>,
    tpu.vector_store %arg10[%swap3A_875], %mul3A_874 {strides = array<i32>} : memref<208xi32, #tpu.memory_space<vmem>>, vector<16xi32>,
    %get3A_877 = arith.constant 112 : index
    %get3A_878 = tpu.vector_load %arg6[%get3A_877] {strides = array<i32>} : memref<208xi32, #tpu.memory_space<vmem>>, vector<16xi32>,
    %shift_right_logical3A_879 = arith.constant 2 : i32
    %shift_right_logical3A_880 = vector.broadcast %shift_right_logical3A_879 : i32 to vector<16xi32>
    %shift_right_logical3A_881 = arith.shrui %get3A_878, %shift_right_logical3A_880 : vector<16xi32>
    %swap3A_882 = arith.constant 112 : index
    %swap3A_883 = tpu.vector_load %arg8[%swap3A_882] {strides = array<i32>} : memref<208xi32, #tpu.memory_space<vmem>>, vector<16xi32>,
    tpu.vector_store %arg8[%swap3A_882], %shift_right_logical3A_881 {strides = array<i32>} : memref<208xi32, #tpu.memory_space<vmem>>, vector<16xi32>,
    %and3A_884 = arith.constant 3 : i32
    %and3A_885 = vector.broadcast %and3A_884 : i32 to vector<16xi32>
    %and3A_886 = arith.andi %get3A_878, %and3A_885 : vector<16xi32>
    %mul3A_887 = arith.constant 32 : i32
    %mul3A_888 = vector.broadcast %mul3A_887 : i32 to vector<16xi32>
    %mul3A_889 = arith.muli %and3A_886, %mul3A_888 : vector<16xi32>
    %swap3A_890 = arith.constant 112 : index
    %swap3A_891 = tpu.vector_load %arg10[%swap3A_890] {strides = array<i32>} : memref<208xi32, #tpu.memory_space<vmem>>, vector<16xi32>,
    tpu.vector_store %arg10[%swap3A_890], %mul3A_889 {strides = array<i32>} : memref<208xi32, #tpu.memory_space<vmem>>, vector<16xi32>,
    %get3A_892 = arith.constant 128 : index
    %get3A_893 = tpu.vector_load %arg6[%get3A_892] {strides = array<i32>} : memref<208xi32, #tpu.memory_space<vmem>>, vector<16xi32>,
    %shift_right_logical3A_894 = arith.constant 2 : i32
    %shift_right_logical3A_895 = vector.broadcast %shift_right_logical3A_894 : i32 to vector<16xi32>
    %shift_right_logical3A_896 = arith.shrui %get3A_893, %shift_right_logical3A_895 : vector<16xi32>
    %swap3A_897 = arith.constant 128 : index
    %swap3A_898 = tpu.vector_load %arg8[%swap3A_897] {strides = array<i32>} : memref<208xi32, #tpu.memory_space<vmem>>, vector<16xi32>,
    tpu.vector_store %arg8[%swap3A_897], %shift_right_logical3A_896 {strides = array<i32>} : memref<208xi32, #tpu.memory_space<vmem>>, vector<16xi32>,
    %and3A_899 = arith.constant 3 : i32
    %and3A_900 = vector.broadcast %and3A_899 : i32 to vector<16xi32>
    %and3A_901 = arith.andi %get3A_893, %and3A_900 : vector<16xi32>
    %mul3A_902 = arith.constant 32 : i32
    %mul3A_903 = vector.broadcast %mul3A_902 : i32 to vector<16xi32>
    %mul3A_904 = arith.muli %and3A_901, %mul3A_903 : vector<16xi32>
    %swap3A_905 = arith.constant 128 : index
    %swap3A_906 = tpu.vector_load %arg10[%swap3A_905] {strides = array<i32>} : memref<208xi32, #tpu.memory_space<vmem>>, vector<16xi32>,
    tpu.vector_store %arg10[%swap3A_905], %mul3A_904 {strides = array<i32>} : memref<208xi32, #tpu.memory_space<vmem>>, vector<16xi32>,
    %get3A_907 = arith.constant 144 : index
    %get3A_908 = tpu.vector_load %arg6[%get3A_907] {strides = array<i32>} : memref<208xi32, #tpu.memory_space<vmem>>, vector<16xi32>,
    %shift_right_logical3A_909 = arith.constant 2 : i32
    %shift_right_logical3A_910 = vector.broadcast %shift_right_logical3A_909 : i32 to vector<16xi32>
    %shift_right_logical3A_911 = arith.shrui %get3A_908, %shift_right_logical3A_910 : vector<16xi32>
    %swap3A_912 = arith.constant 144 : index
    %swap3A_913 = tpu.vector_load %arg8[%swap3A_912] {strides = array<i32>} : memref<208xi32, #tpu.memory_space<vmem>>, vector<16xi32>,
    tpu.vector_store %arg8[%swap3A_912], %shift_right_logical3A_911 {strides = array<i32>} : memref<208xi32, #tpu.memory_space<vmem>>, vector<16xi32>,
    %and3A_914 = arith.constant 3 : i32
    %and3A_915 = vector.broadcast %and3A_914 : i32 to vector<16xi32>
    %and3A_916 = arith.andi %get3A_908, %and3A_915 : vector<16xi32>
    %mul3A_917 = arith.constant 32 : i32
    %mul3A_918 = vector.broadcast %mul3A_917 : i32 to vector<16xi32>
    %mul3A_919 = arith.muli %and3A_916, %mul3A_918 : vector<16xi32>
    %swap3A_920 = arith.constant 144 : index
    %swap3A_921 = tpu.vector_load %arg10[%swap3A_920] {strides = array<i32>} : memref<208xi32, #tpu.memory_space<vmem>>, vector<16xi32>,
    tpu.vector_store %arg10[%swap3A_920], %mul3A_919 {strides = array<i32>} : memref<208xi32, #tpu.memory_space<vmem>>, vector<16xi32>,
    %get3A_922 = arith.constant 160 : index
    %get3A_923 = tpu.vector_load %arg6[%get3A_922] {strides = array<i32>} : memref<208xi32, #tpu.memory_space<vmem>>, vector<16xi32>,
    %shift_right_logical3A_924 = arith.constant 2 : i32
    %shift_right_logical3A_925 = vector.broadcast %shift_right_logical3A_924 : i32 to vector<16xi32>
    %shift_right_logical3A_926 = arith.shrui %get3A_923, %shift_right_logical3A_925 : vector<16xi32>
    %swap3A_927 = arith.constant 160 : index
    %swap3A_928 = tpu.vector_load %arg8[%swap3A_927] {strides = array<i32>} : memref<208xi32, #tpu.memory_space<vmem>>, vector<16xi32>,
    tpu.vector_store %arg8[%swap3A_927], %shift_right_logical3A_926 {strides = array<i32>} : memref<208xi32, #tpu.memory_space<vmem>>, vector<16xi32>,
    %and3A_929 = arith.constant 3 : i32
    %and3A_930 = vector.broadcast %and3A_929 : i32 to vector<16xi32>
    %and3A_931 = arith.andi %get3A_923, %and3A_930 : vector<16xi32>
    %mul3A_932 = arith.constant 32 : i32
    %mul3A_933 = vector.broadcast %mul3A_932 : i32 to vector<16xi32>
    %mul3A_934 = arith.muli %and3A_931, %mul3A_933 : vector<16xi32>
    %swap3A_935 = arith.constant 160 : index
    %swap3A_936 = tpu.vector_load %arg10[%swap3A_935] {strides = array<i32>} : memref<208xi32, #tpu.memory_space<vmem>>, vector<16xi32>,
    tpu.vector_store %arg10[%swap3A_935], %mul3A_934 {strides = array<i32>} : memref<208xi32, #tpu.memory_space<vmem>>, vector<16xi32>,
    %get3A_937 = arith.constant 176 : index
    %get3A_938 = tpu.vector_load %arg6[%get3A_937] {strides = array<i32>} : memref<208xi32, #tpu.memory_space<vmem>>, vector<16xi32>,
    %shift_right_logical3A_939 = arith.constant 2 : i32
    %shift_right_logical3A_940 = vector.broadcast %shift_right_logical3A_939 : i32 to vector<16xi32>
    %shift_right_logical3A_941 = arith.shrui %get3A_938, %shift_right_logical3A_940 : vector<16xi32>
    %swap3A_942 = arith.constant 176 : index
    %swap3A_943 = tpu.vector_load %arg8[%swap3A_942] {strides = array<i32>} : memref<208xi32, #tpu.memory_space<vmem>>, vector<16xi32>,
    tpu.vector_store %arg8[%swap3A_942], %shift_right_logical3A_941 {strides = array<i32>} : memref<208xi32, #tpu.memory_space<vmem>>, vector<16xi32>,
    %and3A_944 = arith.constant 3 : i32
    %and3A_945 = vector.broadcast %and3A_944 : i32 to vector<16xi32>
    %and3A_946 = arith.andi %get3A_938, %and3A_945 : vector<16xi32>
    %mul3A_947 = arith.constant 32 : i32
    %mul3A_948 = vector.broadcast %mul3A_947 : i32 to vector<16xi32>
    %mul3A_949 = arith.muli %and3A_946, %mul3A_948 : vector<16xi32>
    %swap3A_950 = arith.constant 176 : index
    %swap3A_951 = tpu.vector_load %arg10[%swap3A_950] {strides = array<i32>} : memref<208xi32, #tpu.memory_space<vmem>>, vector<16xi32>,
    tpu.vector_store %arg10[%swap3A_950], %mul3A_949 {strides = array<i32>} : memref<208xi32, #tpu.memory_space<vmem>>, vector<16xi32>,
    %get3A_952 = arith.constant 192 : index
    %get3A_953 = tpu.vector_load %arg6[%get3A_952] {strides = array<i32>} : memref<208xi32, #tpu.memory_space<vmem>>, vector<16xi32>,
    %shift_right_logical3A_954 = arith.constant 2 : i32
    %shift_right_logical3A_955 = vector.broadcast %shift_right_logical3A_954 : i32 to vector<16xi32>
    %shift_right_logical3A_956 = arith.shrui %get3A_953, %shift_right_logical3A_955 : vector<16xi32>
    %swap3A_957 = arith.constant 192 : index
    %swap3A_958 = tpu.vector_load %arg8[%swap3A_957] {strides = array<i32>} : memref<208xi32, #tpu.memory_space<vmem>>, vector<16xi32>,
    tpu.vector_store %arg8[%swap3A_957], %shift_right_logical3A_956 {strides = array<i32>} : memref<208xi32, #tpu.memory_space<vmem>>, vector<16xi32>,
    %and3A_959 = arith.constant 3 : i32
    %and3A_960 = vector.broadcast %and3A_959 : i32 to vector<16xi32>
    %and3A_961 = arith.andi %get3A_953, %and3A_960 : vector<16xi32>
    %mul3A_962 = arith.constant 32 : i32
    %mul3A_963 = vector.broadcast %mul3A_962 : i32 to vector<16xi32>
    %mul3A_964 = arith.muli %and3A_961, %mul3A_963 : vector<16xi32>
    %swap3A_965 = arith.constant 192 : index
    %swap3A_966 = tpu.vector_load %arg10[%swap3A_965] {strides = array<i32>} : memref<208xi32, #tpu.memory_space<vmem>>, vector<16xi32>,
    tpu.vector_store %arg10[%swap3A_965], %mul3A_964 {strides = array<i32>} : memref<208xi32, #tpu.memory_space<vmem>>, vector<16xi32>,
    %dma_start3A_967 = arith.constant 0 : i32
    %dma_start3A_968 = arith.constant 0 : i32
    %dma_start3A_969 = tpu.memref_slice %arg12[%dma_start3A_967, %dma_start3A_968] : memref<208x128xf32, #tpu.memory_space<vmem>> -> memref<128x128xf32, #tpu.memory_space<vmem>>
    %dma_start3A_970 = arith.constant 0 : i32
    %dma_start3A_971 = tpu.memref_slice %arg8[%dma_start3A_970] : memref<208xi32, #tpu.memory_space<vmem>> -> memref<128xi32, #tpu.memory_space<vmem>>
    %dma_start3A_972 = arith.constant 0 : i32
    %dma_start3A_973 = arith.constant 0 : i32
    %dma_start3A_974 = tpu.memref_slice %arg2[%dma_start3A_972, %dma_start3A_973] : memref<250000x128xf32, #tpu.memory_space<hbm>> -> memref<250000x128xf32, #tpu.memory_space<hbm>>
    tpu.enqueue_indirect_dma source(%dma_start3A_974 : memref<250000x128xf32, #tpu.memory_space<hbm>>) target(%dma_start3A_969 : memref<128x128xf32, #tpu.memory_space<vmem>>) offsets(%dma_start3A_971 : memref<128xi32, #tpu.memory_space<vmem>>) semaphore(%arg18 : memref<!tpu.dma_semaphore, #tpu.memory_space<semaphore_mem>>)
    %dma_start3A_975 = arith.constant 128 : i32
    %dma_start3A_976 = arith.constant 0 : i32
    %dma_start3A_977 = tpu.memref_slice %arg12[%dma_start3A_975, %dma_start3A_976] : memref<208x128xf32, #tpu.memory_space<vmem>> -> memref<72x128xf32, #tpu.memory_space<vmem>>
    %dma_start3A_978 = arith.constant 128 : i32
    %dma_start3A_979 = tpu.memref_slice %arg8[%dma_start3A_978] : memref<208xi32, #tpu.memory_space<vmem>> -> memref<72xi32, #tpu.memory_space<vmem>>
    %dma_start3A_980 = arith.constant 0 : i32
    %dma_start3A_981 = arith.constant 0 : i32
    %dma_start3A_982 = tpu.memref_slice %arg2[%dma_start3A_980, %dma_start3A_981] : memref<250000x128xf32, #tpu.memory_space<hbm>> -> memref<250000x128xf32, #tpu.memory_space<hbm>>
    tpu.enqueue_indirect_dma source(%dma_start3A_982 : memref<250000x128xf32, #tpu.memory_space<hbm>>) target(%dma_start3A_977 : memref<72x128xf32, #tpu.memory_space<vmem>>) offsets(%dma_start3A_979 : memref<72xi32, #tpu.memory_space<vmem>>) semaphore(%arg18 : memref<!tpu.dma_semaphore, #tpu.memory_space<semaphore_mem>>)
    %dma_wait3A_983 = arith.constant 0 : i32
    %dma_wait3A_984 = arith.constant 0 : i32
    %dma_wait3A_985 = tpu.memref_slice %arg11[%dma_wait3A_983, %dma_wait3A_984] : memref<208x128xf32, #tpu.memory_space<vmem>> -> memref<200x128xf32, #tpu.memory_space<vmem>>
    %dma_wait3A_986 = arith.constant 0 : i32
    %dma_wait3A_987 = arith.constant 0 : i32
    %dma_wait3A_988 = tpu.memref_slice %arg2[%dma_wait3A_986, %dma_wait3A_987] : memref<250000x128xf32, #tpu.memory_space<hbm>> -> memref<200x128xf32, #tpu.memory_space<hbm>>
    %dma_wait3A_989 = arith.constant 0 : i32
    %dma_wait3A_990 = arith.constant 0 : i32
    %dma_wait3A_991 = tpu.memref_slice %arg11[%dma_wait3A_989, %dma_wait3A_990] : memref<208x128xf32, #tpu.memory_space<vmem>> -> memref<200x128xf32, #tpu.memory_space<vmem>>
    %dma_wait3A_992 = arith.constant 0 : i32
    %dma_wait3A_993 = arith.constant 0 : i32
    %dma_wait3A_994 = tpu.memref_slice %arg2[%dma_wait3A_992, %dma_wait3A_993] : memref<250000x128xf32, #tpu.memory_space<hbm>> -> memref<200x128xf32, #tpu.memory_space<hbm>>
    tpu.wait_dma2 semaphore(%arg17 : memref<!tpu.dma_semaphore, #tpu.memory_space<semaphore_mem>>) src(%dma_wait3A_994 : memref<200x128xf32, #tpu.memory_space<hbm>>) dst(%dma_wait3A_991 : memref<200x128xf32, #tpu.memory_space<vmem>>)
    %dma_wait3A_995 = arith.constant 0 : i32
    %dma_wait3A_996 = arith.constant 0 : i32
    %dma_wait3A_997 = arith.constant 0 : i32
    %dma_wait3A_998 = tpu.memref_slice %arg13[%dma_wait3A_996, %dma_wait3A_997] : memref<208x32xf32, #tpu.memory_space<vmem>> -> memref<200x32xf32, #tpu.memory_space<vmem>>
    %dma_wait3A_999 = arith.constant 0 : i32
    %dma_wait3A_1000 = arith.constant 0 : i32
    %dma_wait3A_1001 = tpu.memref_slice %arg4[%dma_wait3A_995, %dma_wait3A_999, %dma_wait3A_1000] : memref<4096x200x32xf32, #tpu.memory_space<hbm>> -> memref<1x200x32xf32, #tpu.memory_space<hbm>>
    %dma_wait3A_1002 = tpu.memref_squeeze %dma_wait3A_1001 : memref<1x200x32xf32, #tpu.memory_space<hbm>> -> memref<200x32xf32, #tpu.memory_space<hbm>>
    %dma_wait3A_1003 = arith.constant 0 : i32
    %dma_wait3A_1004 = arith.constant 0 : i32
    %dma_wait3A_1005 = tpu.memref_slice %arg4[%dma_wait3A_995, %dma_wait3A_1003, %dma_wait3A_1004] : memref<4096x200x32xf32, #tpu.memory_space<hbm>> -> memref<1x200x32xf32, #tpu.memory_space<hbm>>
    %dma_wait3A_1006 = tpu.memref_squeeze %dma_wait3A_1005 : memref<1x200x32xf32, #tpu.memory_space<hbm>> -> memref<200x32xf32, #tpu.memory_space<hbm>>
    %dma_wait3A_1007 = arith.constant 0 : i32
    %dma_wait3A_1008 = arith.constant 0 : i32
    %dma_wait3A_1009 = tpu.memref_slice %arg13[%dma_wait3A_1007, %dma_wait3A_1008] : memref<208x32xf32, #tpu.memory_space<vmem>> -> memref<200x32xf32, #tpu.memory_space<vmem>>
    tpu.wait_dma2 semaphore(%arg19 : memref<!tpu.dma_semaphore, #tpu.memory_space<semaphore_mem>>) src(%dma_wait3A_1009 : memref<200x32xf32, #tpu.memory_space<vmem>>) dst(%dma_wait3A_1006 : memref<200x32xf32, #tpu.memory_space<hbm>>)
    %scan3A_1010 = arith.constant 0 : i32
    %scan3A_1011 = arith.constant 13 : i32
    %scan3A_1012 = arith.addi %scan3A_1010, %scan3A_1011 : i32
    %scan3A_1013 = arith.constant 1 : i32
    scf.for %scan3A_1109 = %scan3A_1010 to %scan3A_1012 step %scan3A_1013  : i32 {
      %mul3A_1110 = arith.constant 1 : i32
      %mul3A_1111 = arith.muli %scan3A_1109, %mul3A_1110 : i32
      %add3A_1112 = arith.constant 0 : i32
      %add3A_1113 = arith.addi %add3A_1112, %mul3A_1111 : i32
      %mul3A_1114 = arith.constant 16 : i32
      %mul3A_1115 = arith.muli %add3A_1113, %mul3A_1114 : i32
      %add3A_1116 = vector.broadcast %mul3A_1115 : i32 to vector<16xi32>
      %add3A_1117 = arith.addi %iota3A, %add3A_1116 : vector<16xi32>
      %mul3A_1118 = arith.constant 16 : i32
      %mul3A_1119 = arith.muli %add3A_1113, %mul3A_1118 : i32
      %get3A_1120 = arith.index_cast %mul3A_1119 : i32 to index
      %get3A_1121 = tpu.vector_load %arg9[%get3A_1120] {strides = array<i32>} : memref<208xi32, #tpu.memory_space<vmem>>, vector<16xi32>,
      %add3A_1122 = arith.constant 0 : i32
      %add3A_1123 = vector.broadcast %add3A_1122 : i32 to vector<16xi32>
      %add3A_1124 = arith.addi %get3A_1121, %add3A_1123 : vector<16xi32>
      %gather3A = tpu.vector_load_idx %arg11[%add3A_1117, %add3A_1124] : memref<208x128xf32, #tpu.memory_space<vmem>>[vector<16xi32>, vector<16xi32>], vector<16xf32>,
      %broadcast_in_dim3A = arith.constant 0 : i32
      %broadcast_in_dim3A_1125 = vector.broadcast %broadcast_in_dim3A : i32 to vector<16xi32>
      tpu.vector_store_idx %arg13[%add3A_1117, %broadcast_in_dim3A_1125], %gather3A : memref<208x32xf32, #tpu.memory_space<vmem>>[vector<16xi32>, vector<16xi32>], vector<16xf32>,
      %add3A_1126 = arith.constant 1 : i32
      %add3A_1127 = vector.broadcast %add3A_1126 : i32 to vector<16xi32>
      %add3A_1128 = arith.addi %get3A_1121, %add3A_1127 : vector<16xi32>
      %gather3A_1129 = tpu.vector_load_idx %arg11[%add3A_1117, %add3A_1128] : memref<208x128xf32, #tpu.memory_space<vmem>>[vector<16xi32>, vector<16xi32>], vector<16xf32>,
      %broadcast_in_dim3A_1130 = arith.constant 1 : i32
      %broadcast_in_dim3A_1131 = vector.broadcast %broadcast_in_dim3A_1130 : i32 to vector<16xi32>
      tpu.vector_store_idx %arg13[%add3A_1117, %broadcast_in_dim3A_1131], %gather3A_1129 : memref<208x32xf32, #tpu.memory_space<vmem>>[vector<16xi32>, vector<16xi32>], vector<16xf32>,
      %add3A_1132 = arith.constant 2 : i32
      %add3A_1133 = vector.broadcast %add3A_1132 : i32 to vector<16xi32>
      %add3A_1134 = arith.addi %get3A_1121, %add3A_1133 : vector<16xi32>
      %gather3A_1135 = tpu.vector_load_idx %arg11[%add3A_1117, %add3A_1134] : memref<208x128xf32, #tpu.memory_space<vmem>>[vector<16xi32>, vector<16xi32>], vector<16xf32>,
      %broadcast_in_dim3A_1136 = arith.constant 2 : i32
      %broadcast_in_dim3A_1137 = vector.broadcast %broadcast_in_dim3A_1136 : i32 to vector<16xi32>
      tpu.vector_store_idx %arg13[%add3A_1117, %broadcast_in_dim3A_1137], %gather3A_1135 : memref<208x32xf32, #tpu.memory_space<vmem>>[vector<16xi32>, vector<16xi32>], vector<16xf32>,
      %add3A_1138 = arith.constant 3 : i32
      %add3A_1139 = vector.broadcast %add3A_1138 : i32 to vector<16xi32>
      %add3A_1140 = arith.addi %get3A_1121, %add3A_1139 : vector<16xi32>
      %gather3A_1141 = tpu.vector_load_idx %arg11[%add3A_1117, %add3A_1140] : memref<208x128xf32, #tpu.memory_space<vmem>>[vector<16xi32>, vector<16xi32>], vector<16xf32>,
      %broadcast_in_dim3A_1142 = arith.constant 3 : i32
      %broadcast_in_dim3A_1143 = vector.broadcast %broadcast_in_dim3A_1142 : i32 to vector<16xi32>
      tpu.vector_store_idx %arg13[%add3A_1117, %broadcast_in_dim3A_1143], %gather3A_1141 : memref<208x32xf32, #tpu.memory_space<vmem>>[vector<16xi32>, vector<16xi32>], vector<16xf32>,
      %add3A_1144 = arith.constant 4 : i32
      %add3A_1145 = vector.broadcast %add3A_1144 : i32 to vector<16xi32>
      %add3A_1146 = arith.addi %get3A_1121, %add3A_1145 : vector<16xi32>
      %gather3A_1147 = tpu.vector_load_idx %arg11[%add3A_1117, %add3A_1146] : memref<208x128xf32, #tpu.memory_space<vmem>>[vector<16xi32>, vector<16xi32>], vector<16xf32>,
      %broadcast_in_dim3A_1148 = arith.constant 4 : i32
      %broadcast_in_dim3A_1149 = vector.broadcast %broadcast_in_dim3A_1148 : i32 to vector<16xi32>
      tpu.vector_store_idx %arg13[%add3A_1117, %broadcast_in_dim3A_1149], %gather3A_1147 : memref<208x32xf32, #tpu.memory_space<vmem>>[vector<16xi32>, vector<16xi32>], vector<16xf32>,
      %add3A_1150 = arith.constant 5 : i32
      %add3A_1151 = vector.broadcast %add3A_1150 : i32 to vector<16xi32>
      %add3A_1152 = arith.addi %get3A_1121, %add3A_1151 : vector<16xi32>
      %gather3A_1153 = tpu.vector_load_idx %arg11[%add3A_1117, %add3A_1152] : memref<208x128xf32, #tpu.memory_space<vmem>>[vector<16xi32>, vector<16xi32>], vector<16xf32>,
      %broadcast_in_dim3A_1154 = arith.constant 5 : i32
      %broadcast_in_dim3A_1155 = vector.broadcast %broadcast_in_dim3A_1154 : i32 to vector<16xi32>
      tpu.vector_store_idx %arg13[%add3A_1117, %broadcast_in_dim3A_1155], %gather3A_1153 : memref<208x32xf32, #tpu.memory_space<vmem>>[vector<16xi32>, vector<16xi32>], vector<16xf32>,
      %add3A_1156 = arith.constant 6 : i32
      %add3A_1157 = vector.broadcast %add3A_1156 : i32 to vector<16xi32>
      %add3A_1158 = arith.addi %get3A_1121, %add3A_1157 : vector<16xi32>
      %gather3A_1159 = tpu.vector_load_idx %arg11[%add3A_1117, %add3A_1158] : memref<208x128xf32, #tpu.memory_space<vmem>>[vector<16xi32>, vector<16xi32>], vector<16xf32>,
      %broadcast_in_dim3A_1160 = arith.constant 6 : i32
      %broadcast_in_dim3A_1161 = vector.broadcast %broadcast_in_dim3A_1160 : i32 to vector<16xi32>
      tpu.vector_store_idx %arg13[%add3A_1117, %broadcast_in_dim3A_1161], %gather3A_1159 : memref<208x32xf32, #tpu.memory_space<vmem>>[vector<16xi32>, vector<16xi32>], vector<16xf32>,
      %add3A_1162 = arith.constant 7 : i32
      %add3A_1163 = vector.broadcast %add3A_1162 : i32 to vector<16xi32>
      %add3A_1164 = arith.addi %get3A_1121, %add3A_1163 : vector<16xi32>
      %gather3A_1165 = tpu.vector_load_idx %arg11[%add3A_1117, %add3A_1164] : memref<208x128xf32, #tpu.memory_space<vmem>>[vector<16xi32>, vector<16xi32>], vector<16xf32>,
      %broadcast_in_dim3A_1166 = arith.constant 7 : i32
      %broadcast_in_dim3A_1167 = vector.broadcast %broadcast_in_dim3A_1166 : i32 to vector<16xi32>
      tpu.vector_store_idx %arg13[%add3A_1117, %broadcast_in_dim3A_1167], %gather3A_1165 : memref<208x32xf32, #tpu.memory_space<vmem>>[vector<16xi32>, vector<16xi32>], vector<16xf32>,
      %add3A_1168 = arith.constant 8 : i32
      %add3A_1169 = vector.broadcast %add3A_1168 : i32 to vector<16xi32>
      %add3A_1170 = arith.addi %get3A_1121, %add3A_1169 : vector<16xi32>
      %gather3A_1171 = tpu.vector_load_idx %arg11[%add3A_1117, %add3A_1170] : memref<208x128xf32, #tpu.memory_space<vmem>>[vector<16xi32>, vector<16xi32>], vector<16xf32>,
      %broadcast_in_dim3A_1172 = arith.constant 8 : i32
      %broadcast_in_dim3A_1173 = vector.broadcast %broadcast_in_dim3A_1172 : i32 to vector<16xi32>
      tpu.vector_store_idx %arg13[%add3A_1117, %broadcast_in_dim3A_1173], %gather3A_1171 : memref<208x32xf32, #tpu.memory_space<vmem>>[vector<16xi32>, vector<16xi32>], vector<16xf32>,
      %add3A_1174 = arith.constant 9 : i32
      %add3A_1175 = vector.broadcast %add3A_1174 : i32 to vector<16xi32>
      %add3A_1176 = arith.addi %get3A_1121, %add3A_1175 : vector<16xi32>
      %gather3A_1177 = tpu.vector_load_idx %arg11[%add3A_1117, %add3A_1176] : memref<208x128xf32, #tpu.memory_space<vmem>>[vector<16xi32>, vector<16xi32>], vector<16xf32>,
      %broadcast_in_dim3A_1178 = arith.constant 9 : i32
      %broadcast_in_dim3A_1179 = vector.broadcast %broadcast_in_dim3A_1178 : i32 to vector<16xi32>
      tpu.vector_store_idx %arg13[%add3A_1117, %broadcast_in_dim3A_1179], %gather3A_1177 : memref<208x32xf32, #tpu.memory_space<vmem>>[vector<16xi32>, vector<16xi32>], vector<16xf32>,
      %add3A_1180 = arith.constant 10 : i32
      %add3A_1181 = vector.broadcast %add3A_1180 : i32 to vector<16xi32>
      %add3A_1182 = arith.addi %get3A_1121, %add3A_1181 : vector<16xi32>
      %gather3A_1183 = tpu.vector_load_idx %arg11[%add3A_1117, %add3A_1182] : memref<208x128xf32, #tpu.memory_space<vmem>>[vector<16xi32>, vector<16xi32>], vector<16xf32>,
      %broadcast_in_dim3A_1184 = arith.constant 10 : i32
      %broadcast_in_dim3A_1185 = vector.broadcast %broadcast_in_dim3A_1184 : i32 to vector<16xi32>
      tpu.vector_store_idx %arg13[%add3A_1117, %broadcast_in_dim3A_1185], %gather3A_1183 : memref<208x32xf32, #tpu.memory_space<vmem>>[vector<16xi32>, vector<16xi32>], vector<16xf32>,
      %add3A_1186 = arith.constant 11 : i32
      %add3A_1187 = vector.broadcast %add3A_1186 : i32 to vector<16xi32>
      %add3A_1188 = arith.addi %get3A_1121, %add3A_1187 : vector<16xi32>
      %gather3A_1189 = tpu.vector_load_idx %arg11[%add3A_1117, %add3A_1188] : memref<208x128xf32, #tpu.memory_space<vmem>>[vector<16xi32>, vector<16xi32>], vector<16xf32>,
      %broadcast_in_dim3A_1190 = arith.constant 11 : i32
      %broadcast_in_dim3A_1191 = vector.broadcast %broadcast_in_dim3A_1190 : i32 to vector<16xi32>
      tpu.vector_store_idx %arg13[%add3A_1117, %broadcast_in_dim3A_1191], %gather3A_1189 : memref<208x32xf32, #tpu.memory_space<vmem>>[vector<16xi32>, vector<16xi32>], vector<16xf32>,
      %add3A_1192 = arith.constant 12 : i32
      %add3A_1193 = vector.broadcast %add3A_1192 : i32 to vector<16xi32>
      %add3A_1194 = arith.addi %get3A_1121, %add3A_1193 : vector<16xi32>
      %gather3A_1195 = tpu.vector_load_idx %arg11[%add3A_1117, %add3A_1194] : memref<208x128xf32, #tpu.memory_space<vmem>>[vector<16xi32>, vector<16xi32>], vector<16xf32>,
      %broadcast_in_dim3A_1196 = arith.constant 12 : i32
      %broadcast_in_dim3A_1197 = vector.broadcast %broadcast_in_dim3A_1196 : i32 to vector<16xi32>
      tpu.vector_store_idx %arg13[%add3A_1117, %broadcast_in_dim3A_1197], %gather3A_1195 : memref<208x32xf32, #tpu.memory_space<vmem>>[vector<16xi32>, vector<16xi32>], vector<16xf32>,
      %add3A_1198 = arith.constant 13 : i32
      %add3A_1199 = vector.broadcast %add3A_1198 : i32 to vector<16xi32>
      %add3A_1200 = arith.addi %get3A_1121, %add3A_1199 : vector<16xi32>
      %gather3A_1201 = tpu.vector_load_idx %arg11[%add3A_1117, %add3A_1200] : memref<208x128xf32, #tpu.memory_space<vmem>>[vector<16xi32>, vector<16xi32>], vector<16xf32>,
      %broadcast_in_dim3A_1202 = arith.constant 13 : i32
      %broadcast_in_dim3A_1203 = vector.broadcast %broadcast_in_dim3A_1202 : i32 to vector<16xi32>
      tpu.vector_store_idx %arg13[%add3A_1117, %broadcast_in_dim3A_1203], %gather3A_1201 : memref<208x32xf32, #tpu.memory_space<vmem>>[vector<16xi32>, vector<16xi32>], vector<16xf32>,
      %add3A_1204 = arith.constant 14 : i32
      %add3A_1205 = vector.broadcast %add3A_1204 : i32 to vector<16xi32>
      %add3A_1206 = arith.addi %get3A_1121, %add3A_1205 : vector<16xi32>
      %gather3A_1207 = tpu.vector_load_idx %arg11[%add3A_1117, %add3A_1206] : memref<208x128xf32, #tpu.memory_space<vmem>>[vector<16xi32>, vector<16xi32>], vector<16xf32>,
      %broadcast_in_dim3A_1208 = arith.constant 14 : i32
      %broadcast_in_dim3A_1209 = vector.broadcast %broadcast_in_dim3A_1208 : i32 to vector<16xi32>
      tpu.vector_store_idx %arg13[%add3A_1117, %broadcast_in_dim3A_1209], %gather3A_1207 : memref<208x32xf32, #tpu.memory_space<vmem>>[vector<16xi32>, vector<16xi32>], vector<16xf32>,
      %add3A_1210 = arith.constant 15 : i32
      %add3A_1211 = vector.broadcast %add3A_1210 : i32 to vector<16xi32>
      %add3A_1212 = arith.addi %get3A_1121, %add3A_1211 : vector<16xi32>
      %gather3A_1213 = tpu.vector_load_idx %arg11[%add3A_1117, %add3A_1212] : memref<208x128xf32, #tpu.memory_space<vmem>>[vector<16xi32>, vector<16xi32>], vector<16xf32>,
      %broadcast_in_dim3A_1214 = arith.constant 15 : i32
      %broadcast_in_dim3A_1215 = vector.broadcast %broadcast_in_dim3A_1214 : i32 to vector<16xi32>
      tpu.vector_store_idx %arg13[%add3A_1117, %broadcast_in_dim3A_1215], %gather3A_1213 : memref<208x32xf32, #tpu.memory_space<vmem>>[vector<16xi32>, vector<16xi32>], vector<16xf32>,
      %add3A_1216 = arith.constant 16 : i32
      %add3A_1217 = vector.broadcast %add3A_1216 : i32 to vector<16xi32>
      %add3A_1218 = arith.addi %get3A_1121, %add3A_1217 : vector<16xi32>
      %gather3A_1219 = tpu.vector_load_idx %arg11[%add3A_1117, %add3A_1218] : memref<208x128xf32, #tpu.memory_space<vmem>>[vector<16xi32>, vector<16xi32>], vector<16xf32>,
      %broadcast_in_dim3A_1220 = arith.constant 16 : i32
      %broadcast_in_dim3A_1221 = vector.broadcast %broadcast_in_dim3A_1220 : i32 to vector<16xi32>
      tpu.vector_store_idx %arg13[%add3A_1117, %broadcast_in_dim3A_1221], %gather3A_1219 : memref<208x32xf32, #tpu.memory_space<vmem>>[vector<16xi32>, vector<16xi32>], vector<16xf32>,
      %add3A_1222 = arith.constant 17 : i32
      %add3A_1223 = vector.broadcast %add3A_1222 : i32 to vector<16xi32>
      %add3A_1224 = arith.addi %get3A_1121, %add3A_1223 : vector<16xi32>
      %gather3A_1225 = tpu.vector_load_idx %arg11[%add3A_1117, %add3A_1224] : memref<208x128xf32, #tpu.memory_space<vmem>>[vector<16xi32>, vector<16xi32>], vector<16xf32>,
      %broadcast_in_dim3A_1226 = arith.constant 17 : i32
      %broadcast_in_dim3A_1227 = vector.broadcast %broadcast_in_dim3A_1226 : i32 to vector<16xi32>
      tpu.vector_store_idx %arg13[%add3A_1117, %broadcast_in_dim3A_1227], %gather3A_1225 : memref<208x32xf32, #tpu.memory_space<vmem>>[vector<16xi32>, vector<16xi32>], vector<16xf32>,
      %add3A_1228 = arith.constant 18 : i32
      %add3A_1229 = vector.broadcast %add3A_1228 : i32 to vector<16xi32>
      %add3A_1230 = arith.addi %get3A_1121, %add3A_1229 : vector<16xi32>
      %gather3A_1231 = tpu.vector_load_idx %arg11[%add3A_1117, %add3A_1230] : memref<208x128xf32, #tpu.memory_space<vmem>>[vector<16xi32>, vector<16xi32>], vector<16xf32>,
      %broadcast_in_dim3A_1232 = arith.constant 18 : i32
      %broadcast_in_dim3A_1233 = vector.broadcast %broadcast_in_dim3A_1232 : i32 to vector<16xi32>
      tpu.vector_store_idx %arg13[%add3A_1117, %broadcast_in_dim3A_1233], %gather3A_1231 : memref<208x32xf32, #tpu.memory_space<vmem>>[vector<16xi32>, vector<16xi32>], vector<16xf32>,
      %add3A_1234 = arith.constant 19 : i32
      %add3A_1235 = vector.broadcast %add3A_1234 : i32 to vector<16xi32>
      %add3A_1236 = arith.addi %get3A_1121, %add3A_1235 : vector<16xi32>
      %gather3A_1237 = tpu.vector_load_idx %arg11[%add3A_1117, %add3A_1236] : memref<208x128xf32, #tpu.memory_space<vmem>>[vector<16xi32>, vector<16xi32>], vector<16xf32>,
      %broadcast_in_dim3A_1238 = arith.constant 19 : i32
      %broadcast_in_dim3A_1239 = vector.broadcast %broadcast_in_dim3A_1238 : i32 to vector<16xi32>
      tpu.vector_store_idx %arg13[%add3A_1117, %broadcast_in_dim3A_1239], %gather3A_1237 : memref<208x32xf32, #tpu.memory_space<vmem>>[vector<16xi32>, vector<16xi32>], vector<16xf32>,
      %add3A_1240 = arith.constant 20 : i32
      %add3A_1241 = vector.broadcast %add3A_1240 : i32 to vector<16xi32>
      %add3A_1242 = arith.addi %get3A_1121, %add3A_1241 : vector<16xi32>
      %gather3A_1243 = tpu.vector_load_idx %arg11[%add3A_1117, %add3A_1242] : memref<208x128xf32, #tpu.memory_space<vmem>>[vector<16xi32>, vector<16xi32>], vector<16xf32>,
      %broadcast_in_dim3A_1244 = arith.constant 20 : i32
      %broadcast_in_dim3A_1245 = vector.broadcast %broadcast_in_dim3A_1244 : i32 to vector<16xi32>
      tpu.vector_store_idx %arg13[%add3A_1117, %broadcast_in_dim3A_1245], %gather3A_1243 : memref<208x32xf32, #tpu.memory_space<vmem>>[vector<16xi32>, vector<16xi32>], vector<16xf32>,
      %add3A_1246 = arith.constant 21 : i32
      %add3A_1247 = vector.broadcast %add3A_1246 : i32 to vector<16xi32>
      %add3A_1248 = arith.addi %get3A_1121, %add3A_1247 : vector<16xi32>
      %gather3A_1249 = tpu.vector_load_idx %arg11[%add3A_1117, %add3A_1248] : memref<208x128xf32, #tpu.memory_space<vmem>>[vector<16xi32>, vector<16xi32>], vector<16xf32>,
      %broadcast_in_dim3A_1250 = arith.constant 21 : i32
      %broadcast_in_dim3A_1251 = vector.broadcast %broadcast_in_dim3A_1250 : i32 to vector<16xi32>
      tpu.vector_store_idx %arg13[%add3A_1117, %broadcast_in_dim3A_1251], %gather3A_1249 : memref<208x32xf32, #tpu.memory_space<vmem>>[vector<16xi32>, vector<16xi32>], vector<16xf32>,
      %add3A_1252 = arith.constant 22 : i32
      %add3A_1253 = vector.broadcast %add3A_1252 : i32 to vector<16xi32>
      %add3A_1254 = arith.addi %get3A_1121, %add3A_1253 : vector<16xi32>
      %gather3A_1255 = tpu.vector_load_idx %arg11[%add3A_1117, %add3A_1254] : memref<208x128xf32, #tpu.memory_space<vmem>>[vector<16xi32>, vector<16xi32>], vector<16xf32>,
      %broadcast_in_dim3A_1256 = arith.constant 22 : i32
      %broadcast_in_dim3A_1257 = vector.broadcast %broadcast_in_dim3A_1256 : i32 to vector<16xi32>
      tpu.vector_store_idx %arg13[%add3A_1117, %broadcast_in_dim3A_1257], %gather3A_1255 : memref<208x32xf32, #tpu.memory_space<vmem>>[vector<16xi32>, vector<16xi32>], vector<16xf32>,
      %add3A_1258 = arith.constant 23 : i32
      %add3A_1259 = vector.broadcast %add3A_1258 : i32 to vector<16xi32>
      %add3A_1260 = arith.addi %get3A_1121, %add3A_1259 : vector<16xi32>
      %gather3A_1261 = tpu.vector_load_idx %arg11[%add3A_1117, %add3A_1260] : memref<208x128xf32, #tpu.memory_space<vmem>>[vector<16xi32>, vector<16xi32>], vector<16xf32>,
      %broadcast_in_dim3A_1262 = arith.constant 23 : i32
      %broadcast_in_dim3A_1263 = vector.broadcast %broadcast_in_dim3A_1262 : i32 to vector<16xi32>
      tpu.vector_store_idx %arg13[%add3A_1117, %broadcast_in_dim3A_1263], %gather3A_1261 : memref<208x32xf32, #tpu.memory_space<vmem>>[vector<16xi32>, vector<16xi32>], vector<16xf32>,
      %add3A_1264 = arith.constant 24 : i32
      %add3A_1265 = vector.broadcast %add3A_1264 : i32 to vector<16xi32>
      %add3A_1266 = arith.addi %get3A_1121, %add3A_1265 : vector<16xi32>
      %gather3A_1267 = tpu.vector_load_idx %arg11[%add3A_1117, %add3A_1266] : memref<208x128xf32, #tpu.memory_space<vmem>>[vector<16xi32>, vector<16xi32>], vector<16xf32>,
      %broadcast_in_dim3A_1268 = arith.constant 24 : i32
      %broadcast_in_dim3A_1269 = vector.broadcast %broadcast_in_dim3A_1268 : i32 to vector<16xi32>
      tpu.vector_store_idx %arg13[%add3A_1117, %broadcast_in_dim3A_1269], %gather3A_1267 : memref<208x32xf32, #tpu.memory_space<vmem>>[vector<16xi32>, vector<16xi32>], vector<16xf32>,
      %add3A_1270 = arith.constant 25 : i32
      %add3A_1271 = vector.broadcast %add3A_1270 : i32 to vector<16xi32>
      %add3A_1272 = arith.addi %get3A_1121, %add3A_1271 : vector<16xi32>
      %gather3A_1273 = tpu.vector_load_idx %arg11[%add3A_1117, %add3A_1272] : memref<208x128xf32, #tpu.memory_space<vmem>>[vector<16xi32>, vector<16xi32>], vector<16xf32>,
      %broadcast_in_dim3A_1274 = arith.constant 25 : i32
      %broadcast_in_dim3A_1275 = vector.broadcast %broadcast_in_dim3A_1274 : i32 to vector<16xi32>
      tpu.vector_store_idx %arg13[%add3A_1117, %broadcast_in_dim3A_1275], %gather3A_1273 : memref<208x32xf32, #tpu.memory_space<vmem>>[vector<16xi32>, vector<16xi32>], vector<16xf32>,
      %add3A_1276 = arith.constant 26 : i32
      %add3A_1277 = vector.broadcast %add3A_1276 : i32 to vector<16xi32>
      %add3A_1278 = arith.addi %get3A_1121, %add3A_1277 : vector<16xi32>
      %gather3A_1279 = tpu.vector_load_idx %arg11[%add3A_1117, %add3A_1278] : memref<208x128xf32, #tpu.memory_space<vmem>>[vector<16xi32>, vector<16xi32>], vector<16xf32>,
      %broadcast_in_dim3A_1280 = arith.constant 26 : i32
      %broadcast_in_dim3A_1281 = vector.broadcast %broadcast_in_dim3A_1280 : i32 to vector<16xi32>
      tpu.vector_store_idx %arg13[%add3A_1117, %broadcast_in_dim3A_1281], %gather3A_1279 : memref<208x32xf32, #tpu.memory_space<vmem>>[vector<16xi32>, vector<16xi32>], vector<16xf32>,
      %add3A_1282 = arith.constant 27 : i32
      %add3A_1283 = vector.broadcast %add3A_1282 : i32 to vector<16xi32>
      %add3A_1284 = arith.addi %get3A_1121, %add3A_1283 : vector<16xi32>
      %gather3A_1285 = tpu.vector_load_idx %arg11[%add3A_1117, %add3A_1284] : memref<208x128xf32, #tpu.memory_space<vmem>>[vector<16xi32>, vector<16xi32>], vector<16xf32>,
      %broadcast_in_dim3A_1286 = arith.constant 27 : i32
      %broadcast_in_dim3A_1287 = vector.broadcast %broadcast_in_dim3A_1286 : i32 to vector<16xi32>
      tpu.vector_store_idx %arg13[%add3A_1117, %broadcast_in_dim3A_1287], %gather3A_1285 : memref<208x32xf32, #tpu.memory_space<vmem>>[vector<16xi32>, vector<16xi32>], vector<16xf32>,
      %add3A_1288 = arith.constant 28 : i32
      %add3A_1289 = vector.broadcast %add3A_1288 : i32 to vector<16xi32>
      %add3A_1290 = arith.addi %get3A_1121, %add3A_1289 : vector<16xi32>
      %gather3A_1291 = tpu.vector_load_idx %arg11[%add3A_1117, %add3A_1290] : memref<208x128xf32, #tpu.memory_space<vmem>>[vector<16xi32>, vector<16xi32>], vector<16xf32>,
      %broadcast_in_dim3A_1292 = arith.constant 28 : i32
      %broadcast_in_dim3A_1293 = vector.broadcast %broadcast_in_dim3A_1292 : i32 to vector<16xi32>
      tpu.vector_store_idx %arg13[%add3A_1117, %broadcast_in_dim3A_1293], %gather3A_1291 : memref<208x32xf32, #tpu.memory_space<vmem>>[vector<16xi32>, vector<16xi32>], vector<16xf32>,
      %add3A_1294 = arith.constant 29 : i32
      %add3A_1295 = vector.broadcast %add3A_1294 : i32 to vector<16xi32>
      %add3A_1296 = arith.addi %get3A_1121, %add3A_1295 : vector<16xi32>
      %gather3A_1297 = tpu.vector_load_idx %arg11[%add3A_1117, %add3A_1296] : memref<208x128xf32, #tpu.memory_space<vmem>>[vector<16xi32>, vector<16xi32>], vector<16xf32>,
      %broadcast_in_dim3A_1298 = arith.constant 29 : i32
      %broadcast_in_dim3A_1299 = vector.broadcast %broadcast_in_dim3A_1298 : i32 to vector<16xi32>
      tpu.vector_store_idx %arg13[%add3A_1117, %broadcast_in_dim3A_1299], %gather3A_1297 : memref<208x32xf32, #tpu.memory_space<vmem>>[vector<16xi32>, vector<16xi32>], vector<16xf32>,
      %add3A_1300 = arith.constant 30 : i32
      %add3A_1301 = vector.broadcast %add3A_1300 : i32 to vector<16xi32>
      %add3A_1302 = arith.addi %get3A_1121, %add3A_1301 : vector<16xi32>
      %gather3A_1303 = tpu.vector_load_idx %arg11[%add3A_1117, %add3A_1302] : memref<208x128xf32, #tpu.memory_space<vmem>>[vector<16xi32>, vector<16xi32>], vector<16xf32>,
      %broadcast_in_dim3A_1304 = arith.constant 30 : i32
      %broadcast_in_dim3A_1305 = vector.broadcast %broadcast_in_dim3A_1304 : i32 to vector<16xi32>
      tpu.vector_store_idx %arg13[%add3A_1117, %broadcast_in_dim3A_1305], %gather3A_1303 : memref<208x32xf32, #tpu.memory_space<vmem>>[vector<16xi32>, vector<16xi32>], vector<16xf32>,
      %add3A_1306 = arith.constant 31 : i32
      %add3A_1307 = vector.broadcast %add3A_1306 : i32 to vector<16xi32>
      %add3A_1308 = arith.addi %get3A_1121, %add3A_1307 : vector<16xi32>
      %gather3A_1309 = tpu.vector_load_idx %arg11[%add3A_1117, %add3A_1308] : memref<208x128xf32, #tpu.memory_space<vmem>>[vector<16xi32>, vector<16xi32>], vector<16xf32>,
      %broadcast_in_dim3A_1310 = arith.constant 31 : i32
      %broadcast_in_dim3A_1311 = vector.broadcast %broadcast_in_dim3A_1310 : i32 to vector<16xi32>
      tpu.vector_store_idx %arg13[%add3A_1117, %broadcast_in_dim3A_1311], %gather3A_1309 : memref<208x32xf32, #tpu.memory_space<vmem>>[vector<16xi32>, vector<16xi32>], vector<16xf32>,
    }
    %scan3A_1014 = arith.constant 13 : i32
    %add3A_1015 = arith.constant 126 : i32
    %add3A_1016 = arith.addi %mul3A_2, %add3A_1015 : i32
    %dma_start3A_1017 = arith.constant 0 : i32
    %dma_start3A_1018 = arith.constant 0 : i32
    %dma_start3A_1019 = tpu.memref_slice %arg13[%dma_start3A_1017, %dma_start3A_1018] : memref<208x32xf32, #tpu.memory_space<vmem>> -> memref<200x32xf32, #tpu.memory_space<vmem>>
    %dma_start3A_1020 = arith.constant 0 : i32
    %dma_start3A_1021 = arith.constant 0 : i32
    %dma_start3A_1022 = tpu.memref_slice %arg4[%add3A_1016, %dma_start3A_1020, %dma_start3A_1021] : memref<4096x200x32xf32, #tpu.memory_space<hbm>> -> memref<1x200x32xf32, #tpu.memory_space<hbm>>
    %dma_start3A_1023 = tpu.memref_squeeze %dma_start3A_1022 : memref<1x200x32xf32, #tpu.memory_space<hbm>> -> memref<200x32xf32, #tpu.memory_space<hbm>>
    %dma_start3A_1024 = arith.constant 0 : i32
    %dma_start3A_1025 = arith.constant 0 : i32
    %dma_start3A_1026 = tpu.memref_slice %arg4[%add3A_1016, %dma_start3A_1024, %dma_start3A_1025] : memref<4096x200x32xf32, #tpu.memory_space<hbm>> -> memref<1x200x32xf32, #tpu.memory_space<hbm>>
    %dma_start3A_1027 = tpu.memref_squeeze %dma_start3A_1026 : memref<1x200x32xf32, #tpu.memory_space<hbm>> -> memref<200x32xf32, #tpu.memory_space<hbm>>
    %dma_start3A_1028 = arith.constant 0 : i32
    %dma_start3A_1029 = arith.constant 0 : i32
    %dma_start3A_1030 = tpu.memref_slice %arg13[%dma_start3A_1028, %dma_start3A_1029] : memref<208x32xf32, #tpu.memory_space<vmem>> -> memref<200x32xf32, #tpu.memory_space<vmem>>
    tpu.enqueue_dma source(%dma_start3A_1030 : memref<200x32xf32, #tpu.memory_space<vmem>>) target(%dma_start3A_1027 : memref<200x32xf32, #tpu.memory_space<hbm>>) target_semaphore(%arg19 : memref<!tpu.dma_semaphore, #tpu.memory_space<semaphore_mem>>)
    %dma_wait3A_1031 = arith.constant 0 : i32
    %dma_wait3A_1032 = arith.constant 0 : i32
    %dma_wait3A_1033 = tpu.memref_slice %arg12[%dma_wait3A_1031, %dma_wait3A_1032] : memref<208x128xf32, #tpu.memory_space<vmem>> -> memref<200x128xf32, #tpu.memory_space<vmem>>
    %dma_wait3A_1034 = arith.constant 0 : i32
    %dma_wait3A_1035 = arith.constant 0 : i32
    %dma_wait3A_1036 = tpu.memref_slice %arg2[%dma_wait3A_1034, %dma_wait3A_1035] : memref<250000x128xf32, #tpu.memory_space<hbm>> -> memref<200x128xf32, #tpu.memory_space<hbm>>
    %dma_wait3A_1037 = arith.constant 0 : i32
    %dma_wait3A_1038 = arith.constant 0 : i32
    %dma_wait3A_1039 = tpu.memref_slice %arg12[%dma_wait3A_1037, %dma_wait3A_1038] : memref<208x128xf32, #tpu.memory_space<vmem>> -> memref<200x128xf32, #tpu.memory_space<vmem>>
    %dma_wait3A_1040 = arith.constant 0 : i32
    %dma_wait3A_1041 = arith.constant 0 : i32
    %dma_wait3A_1042 = tpu.memref_slice %arg2[%dma_wait3A_1040, %dma_wait3A_1041] : memref<250000x128xf32, #tpu.memory_space<hbm>> -> memref<200x128xf32, #tpu.memory_space<hbm>>
    tpu.wait_dma2 semaphore(%arg18 : memref<!tpu.dma_semaphore, #tpu.memory_space<semaphore_mem>>) src(%dma_wait3A_1042 : memref<200x128xf32, #tpu.memory_space<hbm>>) dst(%dma_wait3A_1039 : memref<200x128xf32, #tpu.memory_space<vmem>>)
    %dma_wait3A_1043 = arith.constant 0 : i32
    %dma_wait3A_1044 = arith.constant 0 : i32
    %dma_wait3A_1045 = arith.constant 0 : i32
    %dma_wait3A_1046 = tpu.memref_slice %arg14[%dma_wait3A_1044, %dma_wait3A_1045] : memref<208x32xf32, #tpu.memory_space<vmem>> -> memref<200x32xf32, #tpu.memory_space<vmem>>
    %dma_wait3A_1047 = arith.constant 0 : i32
    %dma_wait3A_1048 = arith.constant 0 : i32
    %dma_wait3A_1049 = tpu.memref_slice %arg4[%dma_wait3A_1043, %dma_wait3A_1047, %dma_wait3A_1048] : memref<4096x200x32xf32, #tpu.memory_space<hbm>> -> memref<1x200x32xf32, #tpu.memory_space<hbm>>
    %dma_wait3A_1050 = tpu.memref_squeeze %dma_wait3A_1049 : memref<1x200x32xf32, #tpu.memory_space<hbm>> -> memref<200x32xf32, #tpu.memory_space<hbm>>
    %dma_wait3A_1051 = arith.constant 0 : i32
    %dma_wait3A_1052 = arith.constant 0 : i32
    %dma_wait3A_1053 = tpu.memref_slice %arg4[%dma_wait3A_1043, %dma_wait3A_1051, %dma_wait3A_1052] : memref<4096x200x32xf32, #tpu.memory_space<hbm>> -> memref<1x200x32xf32, #tpu.memory_space<hbm>>
    %dma_wait3A_1054 = tpu.memref_squeeze %dma_wait3A_1053 : memref<1x200x32xf32, #tpu.memory_space<hbm>> -> memref<200x32xf32, #tpu.memory_space<hbm>>
    %dma_wait3A_1055 = arith.constant 0 : i32
    %dma_wait3A_1056 = arith.constant 0 : i32
    %dma_wait3A_1057 = tpu.memref_slice %arg14[%dma_wait3A_1055, %dma_wait3A_1056] : memref<208x32xf32, #tpu.memory_space<vmem>> -> memref<200x32xf32, #tpu.memory_space<vmem>>
    tpu.wait_dma2 semaphore(%arg20 : memref<!tpu.dma_semaphore, #tpu.memory_space<semaphore_mem>>) src(%dma_wait3A_1057 : memref<200x32xf32, #tpu.memory_space<vmem>>) dst(%dma_wait3A_1054 : memref<200x32xf32, #tpu.memory_space<hbm>>)
    %scan3A_1058 = arith.constant 0 : i32
    %scan3A_1059 = arith.constant 13 : i32
    %scan3A_1060 = arith.addi %scan3A_1058, %scan3A_1059 : i32
    %scan3A_1061 = arith.constant 1 : i32
    scf.for %scan3A_1109 = %scan3A_1058 to %scan3A_1060 step %scan3A_1061  : i32 {
      %mul3A_1110 = arith.constant 1 : i32
      %mul3A_1111 = arith.muli %scan3A_1109, %mul3A_1110 : i32
      %add3A_1112 = arith.constant 0 : i32
      %add3A_1113 = arith.addi %add3A_1112, %mul3A_1111 : i32
      %mul3A_1114 = arith.constant 16 : i32
      %mul3A_1115 = arith.muli %add3A_1113, %mul3A_1114 : i32
      %add3A_1116 = vector.broadcast %mul3A_1115 : i32 to vector<16xi32>
      %add3A_1117 = arith.addi %iota3A, %add3A_1116 : vector<16xi32>
      %mul3A_1118 = arith.constant 16 : i32
      %mul3A_1119 = arith.muli %add3A_1113, %mul3A_1118 : i32
      %get3A_1120 = arith.index_cast %mul3A_1119 : i32 to index
      %get3A_1121 = tpu.vector_load %arg10[%get3A_1120] {strides = array<i32>} : memref<208xi32, #tpu.memory_space<vmem>>, vector<16xi32>,
      %add3A_1122 = arith.constant 0 : i32
      %add3A_1123 = vector.broadcast %add3A_1122 : i32 to vector<16xi32>
      %add3A_1124 = arith.addi %get3A_1121, %add3A_1123 : vector<16xi32>
      %gather3A = tpu.vector_load_idx %arg12[%add3A_1117, %add3A_1124] : memref<208x128xf32, #tpu.memory_space<vmem>>[vector<16xi32>, vector<16xi32>], vector<16xf32>,
      %broadcast_in_dim3A = arith.constant 0 : i32
      %broadcast_in_dim3A_1125 = vector.broadcast %broadcast_in_dim3A : i32 to vector<16xi32>
      tpu.vector_store_idx %arg14[%add3A_1117, %broadcast_in_dim3A_1125], %gather3A : memref<208x32xf32, #tpu.memory_space<vmem>>[vector<16xi32>, vector<16xi32>], vector<16xf32>,
      %add3A_1126 = arith.constant 1 : i32
      %add3A_1127 = vector.broadcast %add3A_1126 : i32 to vector<16xi32>
      %add3A_1128 = arith.addi %get3A_1121, %add3A_1127 : vector<16xi32>
      %gather3A_1129 = tpu.vector_load_idx %arg12[%add3A_1117, %add3A_1128] : memref<208x128xf32, #tpu.memory_space<vmem>>[vector<16xi32>, vector<16xi32>], vector<16xf32>,
      %broadcast_in_dim3A_1130 = arith.constant 1 : i32
      %broadcast_in_dim3A_1131 = vector.broadcast %broadcast_in_dim3A_1130 : i32 to vector<16xi32>
      tpu.vector_store_idx %arg14[%add3A_1117, %broadcast_in_dim3A_1131], %gather3A_1129 : memref<208x32xf32, #tpu.memory_space<vmem>>[vector<16xi32>, vector<16xi32>], vector<16xf32>,
      %add3A_1132 = arith.constant 2 : i32
      %add3A_1133 = vector.broadcast %add3A_1132 : i32 to vector<16xi32>
      %add3A_1134 = arith.addi %get3A_1121, %add3A_1133 : vector<16xi32>
      %gather3A_1135 = tpu.vector_load_idx %arg12[%add3A_1117, %add3A_1134] : memref<208x128xf32, #tpu.memory_space<vmem>>[vector<16xi32>, vector<16xi32>], vector<16xf32>,
      %broadcast_in_dim3A_1136 = arith.constant 2 : i32
      %broadcast_in_dim3A_1137 = vector.broadcast %broadcast_in_dim3A_1136 : i32 to vector<16xi32>
      tpu.vector_store_idx %arg14[%add3A_1117, %broadcast_in_dim3A_1137], %gather3A_1135 : memref<208x32xf32, #tpu.memory_space<vmem>>[vector<16xi32>, vector<16xi32>], vector<16xf32>,
      %add3A_1138 = arith.constant 3 : i32
      %add3A_1139 = vector.broadcast %add3A_1138 : i32 to vector<16xi32>
      %add3A_1140 = arith.addi %get3A_1121, %add3A_1139 : vector<16xi32>
      %gather3A_1141 = tpu.vector_load_idx %arg12[%add3A_1117, %add3A_1140] : memref<208x128xf32, #tpu.memory_space<vmem>>[vector<16xi32>, vector<16xi32>], vector<16xf32>,
      %broadcast_in_dim3A_1142 = arith.constant 3 : i32
      %broadcast_in_dim3A_1143 = vector.broadcast %broadcast_in_dim3A_1142 : i32 to vector<16xi32>
      tpu.vector_store_idx %arg14[%add3A_1117, %broadcast_in_dim3A_1143], %gather3A_1141 : memref<208x32xf32, #tpu.memory_space<vmem>>[vector<16xi32>, vector<16xi32>], vector<16xf32>,
      %add3A_1144 = arith.constant 4 : i32
      %add3A_1145 = vector.broadcast %add3A_1144 : i32 to vector<16xi32>
      %add3A_1146 = arith.addi %get3A_1121, %add3A_1145 : vector<16xi32>
      %gather3A_1147 = tpu.vector_load_idx %arg12[%add3A_1117, %add3A_1146] : memref<208x128xf32, #tpu.memory_space<vmem>>[vector<16xi32>, vector<16xi32>], vector<16xf32>,
      %broadcast_in_dim3A_1148 = arith.constant 4 : i32
      %broadcast_in_dim3A_1149 = vector.broadcast %broadcast_in_dim3A_1148 : i32 to vector<16xi32>
      tpu.vector_store_idx %arg14[%add3A_1117, %broadcast_in_dim3A_1149], %gather3A_1147 : memref<208x32xf32, #tpu.memory_space<vmem>>[vector<16xi32>, vector<16xi32>], vector<16xf32>,
      %add3A_1150 = arith.constant 5 : i32
      %add3A_1151 = vector.broadcast %add3A_1150 : i32 to vector<16xi32>
      %add3A_1152 = arith.addi %get3A_1121, %add3A_1151 : vector<16xi32>
      %gather3A_1153 = tpu.vector_load_idx %arg12[%add3A_1117, %add3A_1152] : memref<208x128xf32, #tpu.memory_space<vmem>>[vector<16xi32>, vector<16xi32>], vector<16xf32>,
      %broadcast_in_dim3A_1154 = arith.constant 5 : i32
      %broadcast_in_dim3A_1155 = vector.broadcast %broadcast_in_dim3A_1154 : i32 to vector<16xi32>
      tpu.vector_store_idx %arg14[%add3A_1117, %broadcast_in_dim3A_1155], %gather3A_1153 : memref<208x32xf32, #tpu.memory_space<vmem>>[vector<16xi32>, vector<16xi32>], vector<16xf32>,
      %add3A_1156 = arith.constant 6 : i32
      %add3A_1157 = vector.broadcast %add3A_1156 : i32 to vector<16xi32>
      %add3A_1158 = arith.addi %get3A_1121, %add3A_1157 : vector<16xi32>
      %gather3A_1159 = tpu.vector_load_idx %arg12[%add3A_1117, %add3A_1158] : memref<208x128xf32, #tpu.memory_space<vmem>>[vector<16xi32>, vector<16xi32>], vector<16xf32>,
      %broadcast_in_dim3A_1160 = arith.constant 6 : i32
      %broadcast_in_dim3A_1161 = vector.broadcast %broadcast_in_dim3A_1160 : i32 to vector<16xi32>
      tpu.vector_store_idx %arg14[%add3A_1117, %broadcast_in_dim3A_1161], %gather3A_1159 : memref<208x32xf32, #tpu.memory_space<vmem>>[vector<16xi32>, vector<16xi32>], vector<16xf32>,
      %add3A_1162 = arith.constant 7 : i32
      %add3A_1163 = vector.broadcast %add3A_1162 : i32 to vector<16xi32>
      %add3A_1164 = arith.addi %get3A_1121, %add3A_1163 : vector<16xi32>
      %gather3A_1165 = tpu.vector_load_idx %arg12[%add3A_1117, %add3A_1164] : memref<208x128xf32, #tpu.memory_space<vmem>>[vector<16xi32>, vector<16xi32>], vector<16xf32>,
      %broadcast_in_dim3A_1166 = arith.constant 7 : i32
      %broadcast_in_dim3A_1167 = vector.broadcast %broadcast_in_dim3A_1166 : i32 to vector<16xi32>
      tpu.vector_store_idx %arg14[%add3A_1117, %broadcast_in_dim3A_1167], %gather3A_1165 : memref<208x32xf32, #tpu.memory_space<vmem>>[vector<16xi32>, vector<16xi32>], vector<16xf32>,
      %add3A_1168 = arith.constant 8 : i32
      %add3A_1169 = vector.broadcast %add3A_1168 : i32 to vector<16xi32>
      %add3A_1170 = arith.addi %get3A_1121, %add3A_1169 : vector<16xi32>
      %gather3A_1171 = tpu.vector_load_idx %arg12[%add3A_1117, %add3A_1170] : memref<208x128xf32, #tpu.memory_space<vmem>>[vector<16xi32>, vector<16xi32>], vector<16xf32>,
      %broadcast_in_dim3A_1172 = arith.constant 8 : i32
      %broadcast_in_dim3A_1173 = vector.broadcast %broadcast_in_dim3A_1172 : i32 to vector<16xi32>
      tpu.vector_store_idx %arg14[%add3A_1117, %broadcast_in_dim3A_1173], %gather3A_1171 : memref<208x32xf32, #tpu.memory_space<vmem>>[vector<16xi32>, vector<16xi32>], vector<16xf32>,
      %add3A_1174 = arith.constant 9 : i32
      %add3A_1175 = vector.broadcast %add3A_1174 : i32 to vector<16xi32>
      %add3A_1176 = arith.addi %get3A_1121, %add3A_1175 : vector<16xi32>
      %gather3A_1177 = tpu.vector_load_idx %arg12[%add3A_1117, %add3A_1176] : memref<208x128xf32, #tpu.memory_space<vmem>>[vector<16xi32>, vector<16xi32>], vector<16xf32>,
      %broadcast_in_dim3A_1178 = arith.constant 9 : i32
      %broadcast_in_dim3A_1179 = vector.broadcast %broadcast_in_dim3A_1178 : i32 to vector<16xi32>
      tpu.vector_store_idx %arg14[%add3A_1117, %broadcast_in_dim3A_1179], %gather3A_1177 : memref<208x32xf32, #tpu.memory_space<vmem>>[vector<16xi32>, vector<16xi32>], vector<16xf32>,
      %add3A_1180 = arith.constant 10 : i32
      %add3A_1181 = vector.broadcast %add3A_1180 : i32 to vector<16xi32>
      %add3A_1182 = arith.addi %get3A_1121, %add3A_1181 : vector<16xi32>
      %gather3A_1183 = tpu.vector_load_idx %arg12[%add3A_1117, %add3A_1182] : memref<208x128xf32, #tpu.memory_space<vmem>>[vector<16xi32>, vector<16xi32>], vector<16xf32>,
      %broadcast_in_dim3A_1184 = arith.constant 10 : i32
      %broadcast_in_dim3A_1185 = vector.broadcast %broadcast_in_dim3A_1184 : i32 to vector<16xi32>
      tpu.vector_store_idx %arg14[%add3A_1117, %broadcast_in_dim3A_1185], %gather3A_1183 : memref<208x32xf32, #tpu.memory_space<vmem>>[vector<16xi32>, vector<16xi32>], vector<16xf32>,
      %add3A_1186 = arith.constant 11 : i32
      %add3A_1187 = vector.broadcast %add3A_1186 : i32 to vector<16xi32>
      %add3A_1188 = arith.addi %get3A_1121, %add3A_1187 : vector<16xi32>
      %gather3A_1189 = tpu.vector_load_idx %arg12[%add3A_1117, %add3A_1188] : memref<208x128xf32, #tpu.memory_space<vmem>>[vector<16xi32>, vector<16xi32>], vector<16xf32>,
      %broadcast_in_dim3A_1190 = arith.constant 11 : i32
      %broadcast_in_dim3A_1191 = vector.broadcast %broadcast_in_dim3A_1190 : i32 to vector<16xi32>
      tpu.vector_store_idx %arg14[%add3A_1117, %broadcast_in_dim3A_1191], %gather3A_1189 : memref<208x32xf32, #tpu.memory_space<vmem>>[vector<16xi32>, vector<16xi32>], vector<16xf32>,
      %add3A_1192 = arith.constant 12 : i32
      %add3A_1193 = vector.broadcast %add3A_1192 : i32 to vector<16xi32>
      %add3A_1194 = arith.addi %get3A_1121, %add3A_1193 : vector<16xi32>
      %gather3A_1195 = tpu.vector_load_idx %arg12[%add3A_1117, %add3A_1194] : memref<208x128xf32, #tpu.memory_space<vmem>>[vector<16xi32>, vector<16xi32>], vector<16xf32>,
      %broadcast_in_dim3A_1196 = arith.constant 12 : i32
      %broadcast_in_dim3A_1197 = vector.broadcast %broadcast_in_dim3A_1196 : i32 to vector<16xi32>
      tpu.vector_store_idx %arg14[%add3A_1117, %broadcast_in_dim3A_1197], %gather3A_1195 : memref<208x32xf32, #tpu.memory_space<vmem>>[vector<16xi32>, vector<16xi32>], vector<16xf32>,
      %add3A_1198 = arith.constant 13 : i32
      %add3A_1199 = vector.broadcast %add3A_1198 : i32 to vector<16xi32>
      %add3A_1200 = arith.addi %get3A_1121, %add3A_1199 : vector<16xi32>
      %gather3A_1201 = tpu.vector_load_idx %arg12[%add3A_1117, %add3A_1200] : memref<208x128xf32, #tpu.memory_space<vmem>>[vector<16xi32>, vector<16xi32>], vector<16xf32>,
      %broadcast_in_dim3A_1202 = arith.constant 13 : i32
      %broadcast_in_dim3A_1203 = vector.broadcast %broadcast_in_dim3A_1202 : i32 to vector<16xi32>
      tpu.vector_store_idx %arg14[%add3A_1117, %broadcast_in_dim3A_1203], %gather3A_1201 : memref<208x32xf32, #tpu.memory_space<vmem>>[vector<16xi32>, vector<16xi32>], vector<16xf32>,
      %add3A_1204 = arith.constant 14 : i32
      %add3A_1205 = vector.broadcast %add3A_1204 : i32 to vector<16xi32>
      %add3A_1206 = arith.addi %get3A_1121, %add3A_1205 : vector<16xi32>
      %gather3A_1207 = tpu.vector_load_idx %arg12[%add3A_1117, %add3A_1206] : memref<208x128xf32, #tpu.memory_space<vmem>>[vector<16xi32>, vector<16xi32>], vector<16xf32>,
      %broadcast_in_dim3A_1208 = arith.constant 14 : i32
      %broadcast_in_dim3A_1209 = vector.broadcast %broadcast_in_dim3A_1208 : i32 to vector<16xi32>
      tpu.vector_store_idx %arg14[%add3A_1117, %broadcast_in_dim3A_1209], %gather3A_1207 : memref<208x32xf32, #tpu.memory_space<vmem>>[vector<16xi32>, vector<16xi32>], vector<16xf32>,
      %add3A_1210 = arith.constant 15 : i32
      %add3A_1211 = vector.broadcast %add3A_1210 : i32 to vector<16xi32>
      %add3A_1212 = arith.addi %get3A_1121, %add3A_1211 : vector<16xi32>
      %gather3A_1213 = tpu.vector_load_idx %arg12[%add3A_1117, %add3A_1212] : memref<208x128xf32, #tpu.memory_space<vmem>>[vector<16xi32>, vector<16xi32>], vector<16xf32>,
      %broadcast_in_dim3A_1214 = arith.constant 15 : i32
      %broadcast_in_dim3A_1215 = vector.broadcast %broadcast_in_dim3A_1214 : i32 to vector<16xi32>
      tpu.vector_store_idx %arg14[%add3A_1117, %broadcast_in_dim3A_1215], %gather3A_1213 : memref<208x32xf32, #tpu.memory_space<vmem>>[vector<16xi32>, vector<16xi32>], vector<16xf32>,
      %add3A_1216 = arith.constant 16 : i32
      %add3A_1217 = vector.broadcast %add3A_1216 : i32 to vector<16xi32>
      %add3A_1218 = arith.addi %get3A_1121, %add3A_1217 : vector<16xi32>
      %gather3A_1219 = tpu.vector_load_idx %arg12[%add3A_1117, %add3A_1218] : memref<208x128xf32, #tpu.memory_space<vmem>>[vector<16xi32>, vector<16xi32>], vector<16xf32>,
      %broadcast_in_dim3A_1220 = arith.constant 16 : i32
      %broadcast_in_dim3A_1221 = vector.broadcast %broadcast_in_dim3A_1220 : i32 to vector<16xi32>
      tpu.vector_store_idx %arg14[%add3A_1117, %broadcast_in_dim3A_1221], %gather3A_1219 : memref<208x32xf32, #tpu.memory_space<vmem>>[vector<16xi32>, vector<16xi32>], vector<16xf32>,
      %add3A_1222 = arith.constant 17 : i32
      %add3A_1223 = vector.broadcast %add3A_1222 : i32 to vector<16xi32>
      %add3A_1224 = arith.addi %get3A_1121, %add3A_1223 : vector<16xi32>
      %gather3A_1225 = tpu.vector_load_idx %arg12[%add3A_1117, %add3A_1224] : memref<208x128xf32, #tpu.memory_space<vmem>>[vector<16xi32>, vector<16xi32>], vector<16xf32>,
      %broadcast_in_dim3A_1226 = arith.constant 17 : i32
      %broadcast_in_dim3A_1227 = vector.broadcast %broadcast_in_dim3A_1226 : i32 to vector<16xi32>
      tpu.vector_store_idx %arg14[%add3A_1117, %broadcast_in_dim3A_1227], %gather3A_1225 : memref<208x32xf32, #tpu.memory_space<vmem>>[vector<16xi32>, vector<16xi32>], vector<16xf32>,
      %add3A_1228 = arith.constant 18 : i32
      %add3A_1229 = vector.broadcast %add3A_1228 : i32 to vector<16xi32>
      %add3A_1230 = arith.addi %get3A_1121, %add3A_1229 : vector<16xi32>
      %gather3A_1231 = tpu.vector_load_idx %arg12[%add3A_1117, %add3A_1230] : memref<208x128xf32, #tpu.memory_space<vmem>>[vector<16xi32>, vector<16xi32>], vector<16xf32>,
      %broadcast_in_dim3A_1232 = arith.constant 18 : i32
      %broadcast_in_dim3A_1233 = vector.broadcast %broadcast_in_dim3A_1232 : i32 to vector<16xi32>
      tpu.vector_store_idx %arg14[%add3A_1117, %broadcast_in_dim3A_1233], %gather3A_1231 : memref<208x32xf32, #tpu.memory_space<vmem>>[vector<16xi32>, vector<16xi32>], vector<16xf32>,
      %add3A_1234 = arith.constant 19 : i32
      %add3A_1235 = vector.broadcast %add3A_1234 : i32 to vector<16xi32>
      %add3A_1236 = arith.addi %get3A_1121, %add3A_1235 : vector<16xi32>
      %gather3A_1237 = tpu.vector_load_idx %arg12[%add3A_1117, %add3A_1236] : memref<208x128xf32, #tpu.memory_space<vmem>>[vector<16xi32>, vector<16xi32>], vector<16xf32>,
      %broadcast_in_dim3A_1238 = arith.constant 19 : i32
      %broadcast_in_dim3A_1239 = vector.broadcast %broadcast_in_dim3A_1238 : i32 to vector<16xi32>
      tpu.vector_store_idx %arg14[%add3A_1117, %broadcast_in_dim3A_1239], %gather3A_1237 : memref<208x32xf32, #tpu.memory_space<vmem>>[vector<16xi32>, vector<16xi32>], vector<16xf32>,
      %add3A_1240 = arith.constant 20 : i32
      %add3A_1241 = vector.broadcast %add3A_1240 : i32 to vector<16xi32>
      %add3A_1242 = arith.addi %get3A_1121, %add3A_1241 : vector<16xi32>
      %gather3A_1243 = tpu.vector_load_idx %arg12[%add3A_1117, %add3A_1242] : memref<208x128xf32, #tpu.memory_space<vmem>>[vector<16xi32>, vector<16xi32>], vector<16xf32>,
      %broadcast_in_dim3A_1244 = arith.constant 20 : i32
      %broadcast_in_dim3A_1245 = vector.broadcast %broadcast_in_dim3A_1244 : i32 to vector<16xi32>
      tpu.vector_store_idx %arg14[%add3A_1117, %broadcast_in_dim3A_1245], %gather3A_1243 : memref<208x32xf32, #tpu.memory_space<vmem>>[vector<16xi32>, vector<16xi32>], vector<16xf32>,
      %add3A_1246 = arith.constant 21 : i32
      %add3A_1247 = vector.broadcast %add3A_1246 : i32 to vector<16xi32>
      %add3A_1248 = arith.addi %get3A_1121, %add3A_1247 : vector<16xi32>
      %gather3A_1249 = tpu.vector_load_idx %arg12[%add3A_1117, %add3A_1248] : memref<208x128xf32, #tpu.memory_space<vmem>>[vector<16xi32>, vector<16xi32>], vector<16xf32>,
      %broadcast_in_dim3A_1250 = arith.constant 21 : i32
      %broadcast_in_dim3A_1251 = vector.broadcast %broadcast_in_dim3A_1250 : i32 to vector<16xi32>
      tpu.vector_store_idx %arg14[%add3A_1117, %broadcast_in_dim3A_1251], %gather3A_1249 : memref<208x32xf32, #tpu.memory_space<vmem>>[vector<16xi32>, vector<16xi32>], vector<16xf32>,
      %add3A_1252 = arith.constant 22 : i32
      %add3A_1253 = vector.broadcast %add3A_1252 : i32 to vector<16xi32>
      %add3A_1254 = arith.addi %get3A_1121, %add3A_1253 : vector<16xi32>
      %gather3A_1255 = tpu.vector_load_idx %arg12[%add3A_1117, %add3A_1254] : memref<208x128xf32, #tpu.memory_space<vmem>>[vector<16xi32>, vector<16xi32>], vector<16xf32>,
      %broadcast_in_dim3A_1256 = arith.constant 22 : i32
      %broadcast_in_dim3A_1257 = vector.broadcast %broadcast_in_dim3A_1256 : i32 to vector<16xi32>
      tpu.vector_store_idx %arg14[%add3A_1117, %broadcast_in_dim3A_1257], %gather3A_1255 : memref<208x32xf32, #tpu.memory_space<vmem>>[vector<16xi32>, vector<16xi32>], vector<16xf32>,
      %add3A_1258 = arith.constant 23 : i32
      %add3A_1259 = vector.broadcast %add3A_1258 : i32 to vector<16xi32>
      %add3A_1260 = arith.addi %get3A_1121, %add3A_1259 : vector<16xi32>
      %gather3A_1261 = tpu.vector_load_idx %arg12[%add3A_1117, %add3A_1260] : memref<208x128xf32, #tpu.memory_space<vmem>>[vector<16xi32>, vector<16xi32>], vector<16xf32>,
      %broadcast_in_dim3A_1262 = arith.constant 23 : i32
      %broadcast_in_dim3A_1263 = vector.broadcast %broadcast_in_dim3A_1262 : i32 to vector<16xi32>
      tpu.vector_store_idx %arg14[%add3A_1117, %broadcast_in_dim3A_1263], %gather3A_1261 : memref<208x32xf32, #tpu.memory_space<vmem>>[vector<16xi32>, vector<16xi32>], vector<16xf32>,
      %add3A_1264 = arith.constant 24 : i32
      %add3A_1265 = vector.broadcast %add3A_1264 : i32 to vector<16xi32>
      %add3A_1266 = arith.addi %get3A_1121, %add3A_1265 : vector<16xi32>
      %gather3A_1267 = tpu.vector_load_idx %arg12[%add3A_1117, %add3A_1266] : memref<208x128xf32, #tpu.memory_space<vmem>>[vector<16xi32>, vector<16xi32>], vector<16xf32>,
      %broadcast_in_dim3A_1268 = arith.constant 24 : i32
      %broadcast_in_dim3A_1269 = vector.broadcast %broadcast_in_dim3A_1268 : i32 to vector<16xi32>
      tpu.vector_store_idx %arg14[%add3A_1117, %broadcast_in_dim3A_1269], %gather3A_1267 : memref<208x32xf32, #tpu.memory_space<vmem>>[vector<16xi32>, vector<16xi32>], vector<16xf32>,
      %add3A_1270 = arith.constant 25 : i32
      %add3A_1271 = vector.broadcast %add3A_1270 : i32 to vector<16xi32>
      %add3A_1272 = arith.addi %get3A_1121, %add3A_1271 : vector<16xi32>
      %gather3A_1273 = tpu.vector_load_idx %arg12[%add3A_1117, %add3A_1272] : memref<208x128xf32, #tpu.memory_space<vmem>>[vector<16xi32>, vector<16xi32>], vector<16xf32>,
      %broadcast_in_dim3A_1274 = arith.constant 25 : i32
      %broadcast_in_dim3A_1275 = vector.broadcast %broadcast_in_dim3A_1274 : i32 to vector<16xi32>
      tpu.vector_store_idx %arg14[%add3A_1117, %broadcast_in_dim3A_1275], %gather3A_1273 : memref<208x32xf32, #tpu.memory_space<vmem>>[vector<16xi32>, vector<16xi32>], vector<16xf32>,
      %add3A_1276 = arith.constant 26 : i32
      %add3A_1277 = vector.broadcast %add3A_1276 : i32 to vector<16xi32>
      %add3A_1278 = arith.addi %get3A_1121, %add3A_1277 : vector<16xi32>
      %gather3A_1279 = tpu.vector_load_idx %arg12[%add3A_1117, %add3A_1278] : memref<208x128xf32, #tpu.memory_space<vmem>>[vector<16xi32>, vector<16xi32>], vector<16xf32>,
      %broadcast_in_dim3A_1280 = arith.constant 26 : i32
      %broadcast_in_dim3A_1281 = vector.broadcast %broadcast_in_dim3A_1280 : i32 to vector<16xi32>
      tpu.vector_store_idx %arg14[%add3A_1117, %broadcast_in_dim3A_1281], %gather3A_1279 : memref<208x32xf32, #tpu.memory_space<vmem>>[vector<16xi32>, vector<16xi32>], vector<16xf32>,
      %add3A_1282 = arith.constant 27 : i32
      %add3A_1283 = vector.broadcast %add3A_1282 : i32 to vector<16xi32>
      %add3A_1284 = arith.addi %get3A_1121, %add3A_1283 : vector<16xi32>
      %gather3A_1285 = tpu.vector_load_idx %arg12[%add3A_1117, %add3A_1284] : memref<208x128xf32, #tpu.memory_space<vmem>>[vector<16xi32>, vector<16xi32>], vector<16xf32>,
      %broadcast_in_dim3A_1286 = arith.constant 27 : i32
      %broadcast_in_dim3A_1287 = vector.broadcast %broadcast_in_dim3A_1286 : i32 to vector<16xi32>
      tpu.vector_store_idx %arg14[%add3A_1117, %broadcast_in_dim3A_1287], %gather3A_1285 : memref<208x32xf32, #tpu.memory_space<vmem>>[vector<16xi32>, vector<16xi32>], vector<16xf32>,
      %add3A_1288 = arith.constant 28 : i32
      %add3A_1289 = vector.broadcast %add3A_1288 : i32 to vector<16xi32>
      %add3A_1290 = arith.addi %get3A_1121, %add3A_1289 : vector<16xi32>
      %gather3A_1291 = tpu.vector_load_idx %arg12[%add3A_1117, %add3A_1290] : memref<208x128xf32, #tpu.memory_space<vmem>>[vector<16xi32>, vector<16xi32>], vector<16xf32>,
      %broadcast_in_dim3A_1292 = arith.constant 28 : i32
      %broadcast_in_dim3A_1293 = vector.broadcast %broadcast_in_dim3A_1292 : i32 to vector<16xi32>
      tpu.vector_store_idx %arg14[%add3A_1117, %broadcast_in_dim3A_1293], %gather3A_1291 : memref<208x32xf32, #tpu.memory_space<vmem>>[vector<16xi32>, vector<16xi32>], vector<16xf32>,
      %add3A_1294 = arith.constant 29 : i32
      %add3A_1295 = vector.broadcast %add3A_1294 : i32 to vector<16xi32>
      %add3A_1296 = arith.addi %get3A_1121, %add3A_1295 : vector<16xi32>
      %gather3A_1297 = tpu.vector_load_idx %arg12[%add3A_1117, %add3A_1296] : memref<208x128xf32, #tpu.memory_space<vmem>>[vector<16xi32>, vector<16xi32>], vector<16xf32>,
      %broadcast_in_dim3A_1298 = arith.constant 29 : i32
      %broadcast_in_dim3A_1299 = vector.broadcast %broadcast_in_dim3A_1298 : i32 to vector<16xi32>
      tpu.vector_store_idx %arg14[%add3A_1117, %broadcast_in_dim3A_1299], %gather3A_1297 : memref<208x32xf32, #tpu.memory_space<vmem>>[vector<16xi32>, vector<16xi32>], vector<16xf32>,
      %add3A_1300 = arith.constant 30 : i32
      %add3A_1301 = vector.broadcast %add3A_1300 : i32 to vector<16xi32>
      %add3A_1302 = arith.addi %get3A_1121, %add3A_1301 : vector<16xi32>
      %gather3A_1303 = tpu.vector_load_idx %arg12[%add3A_1117, %add3A_1302] : memref<208x128xf32, #tpu.memory_space<vmem>>[vector<16xi32>, vector<16xi32>], vector<16xf32>,
      %broadcast_in_dim3A_1304 = arith.constant 30 : i32
      %broadcast_in_dim3A_1305 = vector.broadcast %broadcast_in_dim3A_1304 : i32 to vector<16xi32>
      tpu.vector_store_idx %arg14[%add3A_1117, %broadcast_in_dim3A_1305], %gather3A_1303 : memref<208x32xf32, #tpu.memory_space<vmem>>[vector<16xi32>, vector<16xi32>], vector<16xf32>,
      %add3A_1306 = arith.constant 31 : i32
      %add3A_1307 = vector.broadcast %add3A_1306 : i32 to vector<16xi32>
      %add3A_1308 = arith.addi %get3A_1121, %add3A_1307 : vector<16xi32>
      %gather3A_1309 = tpu.vector_load_idx %arg12[%add3A_1117, %add3A_1308] : memref<208x128xf32, #tpu.memory_space<vmem>>[vector<16xi32>, vector<16xi32>], vector<16xf32>,
      %broadcast_in_dim3A_1310 = arith.constant 31 : i32
      %broadcast_in_dim3A_1311 = vector.broadcast %broadcast_in_dim3A_1310 : i32 to vector<16xi32>
      tpu.vector_store_idx %arg14[%add3A_1117, %broadcast_in_dim3A_1311], %gather3A_1309 : memref<208x32xf32, #tpu.memory_space<vmem>>[vector<16xi32>, vector<16xi32>], vector<16xf32>,
    }
    %scan3A_1062 = arith.constant 13 : i32
    %add3A_1063 = arith.constant 127 : i32
    %add3A_1064 = arith.addi %mul3A_2, %add3A_1063 : i32
    %dma_start3A_1065 = arith.constant 0 : i32
    %dma_start3A_1066 = arith.constant 0 : i32
    %dma_start3A_1067 = tpu.memref_slice %arg14[%dma_start3A_1065, %dma_start3A_1066] : memref<208x32xf32, #tpu.memory_space<vmem>> -> memref<200x32xf32, #tpu.memory_space<vmem>>
    %dma_start3A_1068 = arith.constant 0 : i32
    %dma_start3A_1069 = arith.constant 0 : i32
    %dma_start3A_1070 = tpu.memref_slice %arg4[%add3A_1064, %dma_start3A_1068, %dma_start3A_1069] : memref<4096x200x32xf32, #tpu.memory_space<hbm>> -> memref<1x200x32xf32, #tpu.memory_space<hbm>>
    %dma_start3A_1071 = tpu.memref_squeeze %dma_start3A_1070 : memref<1x200x32xf32, #tpu.memory_space<hbm>> -> memref<200x32xf32, #tpu.memory_space<hbm>>
    %dma_start3A_1072 = arith.constant 0 : i32
    %dma_start3A_1073 = arith.constant 0 : i32
    %dma_start3A_1074 = tpu.memref_slice %arg4[%add3A_1064, %dma_start3A_1072, %dma_start3A_1073] : memref<4096x200x32xf32, #tpu.memory_space<hbm>> -> memref<1x200x32xf32, #tpu.memory_space<hbm>>
    %dma_start3A_1075 = tpu.memref_squeeze %dma_start3A_1074 : memref<1x200x32xf32, #tpu.memory_space<hbm>> -> memref<200x32xf32, #tpu.memory_space<hbm>>
    %dma_start3A_1076 = arith.constant 0 : i32
    %dma_start3A_1077 = arith.constant 0 : i32
    %dma_start3A_1078 = tpu.memref_slice %arg14[%dma_start3A_1076, %dma_start3A_1077] : memref<208x32xf32, #tpu.memory_space<vmem>> -> memref<200x32xf32, #tpu.memory_space<vmem>>
    tpu.enqueue_dma source(%dma_start3A_1078 : memref<200x32xf32, #tpu.memory_space<vmem>>) target(%dma_start3A_1075 : memref<200x32xf32, #tpu.memory_space<hbm>>) target_semaphore(%arg20 : memref<!tpu.dma_semaphore, #tpu.memory_space<semaphore_mem>>)
    %dma_wait3A_1079 = arith.constant 0 : i32
    %dma_wait3A_1080 = arith.constant 0 : i32
    %dma_wait3A_1081 = arith.constant 0 : i32
    %dma_wait3A_1082 = tpu.memref_slice %arg13[%dma_wait3A_1080, %dma_wait3A_1081] : memref<208x32xf32, #tpu.memory_space<vmem>> -> memref<200x32xf32, #tpu.memory_space<vmem>>
    %dma_wait3A_1083 = arith.constant 0 : i32
    %dma_wait3A_1084 = arith.constant 0 : i32
    %dma_wait3A_1085 = tpu.memref_slice %arg4[%dma_wait3A_1079, %dma_wait3A_1083, %dma_wait3A_1084] : memref<4096x200x32xf32, #tpu.memory_space<hbm>> -> memref<1x200x32xf32, #tpu.memory_space<hbm>>
    %dma_wait3A_1086 = tpu.memref_squeeze %dma_wait3A_1085 : memref<1x200x32xf32, #tpu.memory_space<hbm>> -> memref<200x32xf32, #tpu.memory_space<hbm>>
    %dma_wait3A_1087 = arith.constant 0 : i32
    %dma_wait3A_1088 = arith.constant 0 : i32
    %dma_wait3A_1089 = tpu.memref_slice %arg4[%dma_wait3A_1079, %dma_wait3A_1087, %dma_wait3A_1088] : memref<4096x200x32xf32, #tpu.memory_space<hbm>> -> memref<1x200x32xf32, #tpu.memory_space<hbm>>
    %dma_wait3A_1090 = tpu.memref_squeeze %dma_wait3A_1089 : memref<1x200x32xf32, #tpu.memory_space<hbm>> -> memref<200x32xf32, #tpu.memory_space<hbm>>
    %dma_wait3A_1091 = arith.constant 0 : i32
    %dma_wait3A_1092 = arith.constant 0 : i32
    %dma_wait3A_1093 = tpu.memref_slice %arg13[%dma_wait3A_1091, %dma_wait3A_1092] : memref<208x32xf32, #tpu.memory_space<vmem>> -> memref<200x32xf32, #tpu.memory_space<vmem>>
    tpu.wait_dma2 semaphore(%arg19 : memref<!tpu.dma_semaphore, #tpu.memory_space<semaphore_mem>>) src(%dma_wait3A_1093 : memref<200x32xf32, #tpu.memory_space<vmem>>) dst(%dma_wait3A_1090 : memref<200x32xf32, #tpu.memory_space<hbm>>)
    %dma_wait3A_1094 = arith.constant 0 : i32
    %dma_wait3A_1095 = arith.constant 0 : i32
    %dma_wait3A_1096 = arith.constant 0 : i32
    %dma_wait3A_1097 = tpu.memref_slice %arg14[%dma_wait3A_1095, %dma_wait3A_1096] : memref<208x32xf32, #tpu.memory_space<vmem>> -> memref<200x32xf32, #tpu.memory_space<vmem>>
    %dma_wait3A_1098 = arith.constant 0 : i32
    %dma_wait3A_1099 = arith.constant 0 : i32
    %dma_wait3A_1100 = tpu.memref_slice %arg4[%dma_wait3A_1094, %dma_wait3A_1098, %dma_wait3A_1099] : memref<4096x200x32xf32, #tpu.memory_space<hbm>> -> memref<1x200x32xf32, #tpu.memory_space<hbm>>
    %dma_wait3A_1101 = tpu.memref_squeeze %dma_wait3A_1100 : memref<1x200x32xf32, #tpu.memory_space<hbm>> -> memref<200x32xf32, #tpu.memory_space<hbm>>
    %dma_wait3A_1102 = arith.constant 0 : i32
    %dma_wait3A_1103 = arith.constant 0 : i32
    %dma_wait3A_1104 = tpu.memref_slice %arg4[%dma_wait3A_1094, %dma_wait3A_1102, %dma_wait3A_1103] : memref<4096x200x32xf32, #tpu.memory_space<hbm>> -> memref<1x200x32xf32, #tpu.memory_space<hbm>>
    %dma_wait3A_1105 = tpu.memref_squeeze %dma_wait3A_1104 : memref<1x200x32xf32, #tpu.memory_space<hbm>> -> memref<200x32xf32, #tpu.memory_space<hbm>>
    %dma_wait3A_1106 = arith.constant 0 : i32
    %dma_wait3A_1107 = arith.constant 0 : i32
    %dma_wait3A_1108 = tpu.memref_slice %arg14[%dma_wait3A_1106, %dma_wait3A_1107] : memref<208x32xf32, #tpu.memory_space<vmem>> -> memref<200x32xf32, #tpu.memory_space<vmem>>
    tpu.wait_dma2 semaphore(%arg20 : memref<!tpu.dma_semaphore, #tpu.memory_space<semaphore_mem>>) src(%dma_wait3A_1108 : memref<200x32xf32, #tpu.memory_space<vmem>>) dst(%dma_wait3A_1105 : memref<200x32xf32, #tpu.memory_space<hbm>>)
    return
  }
}

</mosaic_0001>

<sc_bundles>
// kernel: kernel.3.cloned.1.call-start
scs
__scs_entry_jumppad:
0x0: {  	(pc) =	sbr.rel $0x88, $3  }
0x1: {  	(tag) =	ssettag $0x0;
	lr =	simm.s32 $0x1  }
0x2: {  	[smem:$0x3F9F] =	sst lr;
	_ =	strace $0xD0000000  }
0x3: {  	_ = 	snop  }
0x4: {  	_ = 	snop  }
0x5: {  	_ = 	snop  }
0x6: {  	_ = 	snop  }
0x7: {  	_ = 	snop  }
__scs_overlays_trampoline_lowered:
0x8: {  	[smem:$0x3FAE] =	sst s0  }
0x9: {  	[smem:$0x3FAF] =	sst s1  }
0xa: {  	[smem:$0x3FB0] =	sst s2  }
0xb: {  	[smem:$0x3FB1] =	sst s3  }
0xc: {  	[smem:$0x3FB2] =	sst s4  }
0xd: {  	[smem:$0x3FB3] =	sst s5  }
0xe: {  	[smem:$0x3FB4] =	sst s6  }
0xf: {  	[smem:$0x3FB5] =	sst s7  }
0x10: {  	[smem:$0x3FB6] =	sst s8  }
0x11: {  	[smem:$0x3FB7] =	sst s9;
	s0 =	simm.s32 @!p0 $0x0  }
0x12: {  	s1 =	sld [smem:$0x3F9D];
	s0 =	simm.s32 @p0 $0x1  }
0x13: {  	[smem:$0x3FB8] =	sst s0;
	s0 =	simm.s32 @!p1 $0x0  }
0x14: {  	s2 =	sld [smem:$0x3F9C];
	s0 =	simm.s32 @p1 $0x1  }
0x15: {  	[smem:$0x3FB9] =	sst s0;
	s0 =	simm.s32 @!p2 $0x0  }
0x16: {  	s3 =	sld [smem:$0x3FDB];
	s0 =	simm.s32 @p2 $0x1  }
0x17: {  	s4 =	simm.s32 $0x1BF5;
	[smem:$0x3FBB] =	sst s0  }
0x18: {  	s0 =	sld [smem:$0x3F9E];
	_ =	swait.ge [sflag:s4], $0x0  }
0x19: {  	s7 =	sld [smem:$0x3F9F]  }
0x1a: {  	s8 =	sadd.s32 $0xFFFFE003, lr  }
0x1b: {  	s9 =	sadd.s32 $0xFFFFFEF7, lr;
	s5 =	simm.s32 $0xFFFFFFFF;
	p2 =	slt.u32 s8, $0xFFFFF086  }
0x1c: {  	p1 =	slt.u32 s9, $0xF7A;
	s5 =	simm.s32 @!p2 $0x0  }
0x1d: {  	s5 =	simm.s32 @p1 $0x1;
	p0 =	seq.s32 s7, s2  }
0x1e: {  	s7 =	smul.u32 @!p0 $0xF7A, s2;
	p2 =	seq.s32 @!p0 s5, $0x0  }
0x1f: {  	s9 =	smul.u32 $0xF7A, s1;
	s8 =	simm.s32 @!p0 $0x1BF5;
	p2 =	por !p2, p0  }
0x20: {  	[sflag:s8] =	ssyncset.s32 @!p0 $0xFFFFF086;
	s6 =	sadd.s32 @!p0 s3, s7;
	s7 =	simm.s32 @!p0 $0x108  }
0x21: {  	s3 =	sadd.s32 s3, s9;
	s6 =	sadd.s32 @!p0 $0x88, s6;
	s7 =	simm.s32 @p2 $0x1082  }
0x22: {  	[simem:s7], [sflag:s8] =	dma.local @!p0 [hbm:s6], $0xF7A  }
0x23: {  	s9 =	sor.u32 $0xD0000000, s2;
	s6 =	simm.s32 $0x108;
	_ =	swait.ge @!p0 [sflag:s8], $0x0  }
0x24: {  	s3 =	sadd.s32 $0x88, s3;
	s6 =	simm.s32 @!p1 $0x1082;
	[sflag:s4] =	ssyncset.s32 $0xFFFFF086  }
0x25: {  	[simem:s6], [sflag:s4] =	dma.local [hbm:s3], $0xF7A  }
0x26: {  	[smem:$0x3F9F] =	sst s1;
	(tag) =	ssettag s2;
	_ =	strace s9  }
0x27: {  	s1 =	sld [smem:$0x3FAF]  }
0x28: {  	s2 =	sld [smem:$0x3FB0]  }
0x29: {  	s4 =	sld [smem:$0x3FB2]  }
0x2a: {  	p0 =	seq.s32 s5, $0x0;
	s5 =	sld [smem:$0x3FB3]  }
0x2b: {  	s6 =	sld [smem:$0x3FB4]  }
0x2c: {  	s7 =	sld [smem:$0x3FB5]  }
0x2d: {  	s3 =	simm.s32 $0x108;
	s8 =	sld [smem:$0x3FB6]  }
0x2e: {  	s3 =	simm.s32 @!p0 $0x1082;
	s9 =	sld [smem:$0x3FB7]  }
0x2f: {  	lr =	sadd.s32 s0, s3;
	s0 =	sld [smem:$0x3FAE]  }
0x30: {  	s3 =	sld [smem:$0x3FB1]  }
0x31: {  	[smem:$0x3FBA] =	sst s10  }
0x32: {  	s10 =	sld [smem:$0x3FB8];
	_ =	sdelay $0x3  }
0x33: {  	p0 =	seq.s32 s10, $0x1;
	s10 =	sld [smem:$0x3FBA];
	_ =	sdelay $0x3  }
0x34: {  	[smem:$0x3FBA] =	sst s10  }
0x35: {  	s10 =	sld [smem:$0x3FB9];
	_ =	sdelay $0x3  }
0x36: {  	p1 =	seq.s32 s10, $0x1;
	s10 =	sld [smem:$0x3FBA];
	_ =	sdelay $0x3  }
0x37: {  	[smem:$0x3FBA] =	sst s10  }
0x38: {  	s10 =	sld [smem:$0x3FBB]  }
0x39: {  	_ = 	snop;
	(pc) =	sbr.ind lr, $3  }
0x3a: {  	_ = 	snop  }
0x3b: {  	_ = 	snop  }
0x3c: {  	p2 =	seq.s32 s10, $0x1;
	s10 =	sld [smem:$0x3FBA]  }
0x3d: {  	_ =	shalt  }
0x3e: {  	_ =	shalt  }
0x3f: {  	_ =	shalt  }
0x40: {  	_ =	shalt  }
0x41: {  	_ =	shalt  }
0x42: {  	_ =	shalt  }
0x43: {  	_ =	shalt  }
0x44: {  	_ =	shalt  }
0x45: {  	_ =	shalt  }
0x46: {  	_ =	shalt  }
0x47: {  	_ =	shalt  }
0x48: {  	_ =	shalt  }
0x49: {  	_ =	shalt  }
0x4a: {  	_ =	shalt  }
0x4b: {  	_ =	shalt  }
0x4c: {  	_ =	shalt  }
0x4d: {  	_ =	shalt  }
0x4e: {  	_ =	shalt  }
0x4f: {  	_ =	shalt  }
0x50: {  	_ =	shalt  }
0x51: {  	_ =	shalt  }
0x52: {  	_ =	shalt  }
0x53: {  	_ =	shalt  }
0x54: {  	_ =	shalt  }
0x55: {  	_ =	shalt  }
0x56: {  	_ =	shalt  }
0x57: {  	_ =	shalt  }
0x58: {  	_ =	shalt  }
0x59: {  	_ =	shalt  }
0x5a: {  	_ =	shalt  }
0x5b: {  	_ =	shalt  }
0x5c: {  	_ =	shalt  }
0x5d: {  	_ =	shalt  }
0x5e: {  	_ =	shalt  }
0x5f: {  	_ =	shalt  }
0x60: {  	_ =	shalt  }
0x61: {  	_ =	shalt  }
0x62: {  	_ =	shalt  }
0x63: {  	_ =	shalt  }
0x64: {  	_ =	shalt  }
0x65: {  	_ =	shalt  }
0x66: {  	_ =	shalt  }
0x67: {  	_ =	shalt  }
0x68: {  	_ =	shalt  }
0x69: {  	_ =	shalt  }
0x6a: {  	_ =	shalt  }
0x6b: {  	_ =	shalt  }
0x6c: {  	_ =	shalt  }
0x6d: {  	_ =	shalt  }
0x6e: {  	_ =	shalt  }
0x6f: {  	_ =	shalt  }
0x70: {  	_ =	shalt  }
0x71: {  	_ =	shalt  }
0x72: {  	_ =	shalt  }
0x73: {  	_ =	shalt  }
0x74: {  	_ =	shalt  }
0x75: {  	_ =	shalt  }
0x76: {  	_ =	shalt  }
0x77: {  	_ =	shalt  }
0x78: {  	_ =	shalt  }
0x79: {  	_ =	shalt  }
0x7a: {  	_ =	shalt  }
0x7b: {  	_ =	shalt  }
0x7c: {  	_ =	shalt  }
0x7d: {  	_ =	shalt  }
0x7e: {  	_ =	shalt  }
0x7f: {  	_ =	shalt  }
0x80: {  	_ =	shalt  }
0x81: {  	_ =	shalt  }
0x82: {  	_ =	shalt  }
0x83: {  	_ =	shalt  }
0x84: {  	_ =	shalt  }
0x85: {  	_ =	shalt  }
0x86: {  	_ =	shalt  }
0x87: {  	_ =	shalt  }
.Lfunc_end0:
.L_simem_size_0:
called_computation_lowered:
.L_overlay_start_0:
0x88: {  	s2 =	sld [smem:$0x3FD9]  }
0x89: {  	s3 =	sld [smem:$0x3FFE];
	_ =	sdelay $0x1  }
0x8a: {  	s1 =	srdreg.scid  }
0x8b: {  	s0 =	sand.u32 $0x1, s1  }
0x8c: {  	s17 =	sshll.u32 s0, $0xA;
	s2 =	sadd.s32 s3, s2  }
0x8d: {  	s2 =	sadd.s32 s2, s17  }
0x8e: {  	[smem:$0x3FC6] =	sst s2  }
0x8f: {  	_ = 	snop  }
0x90: {  	s2 =	sld [smem:$0x3FD0];
	(tm) =	ssettm $0x1  }
0x91: {  	s18 =	sld [smem:$0x3FFB];
	_ =	sdelay $0x3  }
0x92: {  	_ =	strace s18  }
0x93: {  	s3 =	sld [smem:$0x3FFC];
	_ =	sdelay $0x3  }
0x94: {  	_ =	strace s3  }
0x95: {  	s3 =	sld [smem:$0x3FFD];
	_ =	sdelay $0x3  }
0x96: {  	_ =	strace s3  }
0x97: {  	_ =	strace $0x8FFFFFFF  }
0x98: {  	s19 =	sld [smem:$0x3FDB];
	_ =	sdelay $0x1  }
0x99: {  	s4 =	simm.s32 $_scs_section_size  }
0x9a: {  	s5 =	simm.s32 $_size__tile_overlayer_lowered;
	s6 =	simm.s32 $_tile_overlayer_lowered  }
0x9b: {  	s22 =	simm.s32 $0x1BFF;
	s21 =	sshll.u32 s6, $0x1;
	s3 =	sadd.s32 s4, s19  }
0x9c: {  	s7 =	simm.s32 $0x0;
	s20 =	sshll.u32 s5, $0x1;
	s5 =	sadd.s32 s21, s3  }
0x9d: {  	[timem:s7], [sflag:s22] =	dma.local [hbm:s5], s20  }
0x9e: {  	_ =	swait.ge [sflag:s22], s20  }
0x9f: {  	s4 =	ssub.s32 $0x0, s20;
	[sflag:s22] =	ssyncset.done $0x0  }
0xa0: {  	[sflag:s22] =	ssyncadd.s32 s4;
	_ =	sdelay $0x1  }
0xa1: {  	s23 =	simm.s32 $0x1B8B  }
0xa2: {  	_ =	swait.ge [sflag:s23], $0x1  }
0xa3: {  	[sflag:s23] =	ssyncset.done $0x0  }
0xa4: {  	s25 =	simm.s32 $0x1B8E;
	s24 =	sld [smem:$0x3FFE];
	[sflag:s23] =	ssyncadd.s32 $0xFFFFFFFF  }
0xa5: {  	s26 =	simm.s32 $execute0_lowered;
	[smem:$0x3FD2] =	sst s25  }
0xa6: {  	s5 =	sshll.u32 s26, $0x1;
	_ =	strace $0x80000046;
	[dreg:$0x1] =	wrdreg $0xFFFFFFFF  }
0xa7: {  	s28 =	simm.s32 $_size_execute0_lowered;
	s3 =	sadd.s32 s3, s5;
	[dreg:$0x0] =	wrdreg $0x0  }
0xa8: {  	s5 =	sshll.u32 s28, $0x1;
	[dreg:$0x2] =	wrdreg s3  }
0xa9: {  	[dreg:$0x3] =	wrdreg s5  }
0xaa: {  	[dreg:$0x4] =	wrdreg $0xC0  }
0xab: {  	_ =	task [dreg:s7], $0x5FFFF  }
0xac: {  	[dreg:$0x1] =	wrdreg $0xFFFFFFFF  }
0xad: {  	[dreg:$0x0] =	wrdreg $0x60  }
0xae: {  	[dreg:$0x2] =	wrdreg s24  }
0xaf: {  	[dreg:$0x3] =	wrdreg s2  }
0xb0: {  	[dreg:$0x4] =	wrdreg $0x9  }
0xb1: {  	_ =	task.clear_ibuf [dreg:s7], $0x5FFFF;
	_ =	strace $0x90000046  }
0xb2: {  	s29 =	simm.s32 $0x9;
	_ =	strace $0x80000048  }
0xb3: {  	_ =	swait.ge [sflag:s29], $0x1  }
0xb4: {  	[sflag:s29] =	ssyncadd.s32 $0xFFFFFFFF  }
0xb5: {  	_ =	strace $0x90000048  }
0xb6: {  	_ =	sfence  }
0xb7: {  	s30 =	sld [smem:$0x0];
	_ =	sdelay $0x2  }
0xb8: {  	s31 =	sshll.u32 s1, $0xD;
	s1 =	sshrl.u32 s1, $0x2  }
0xb9: {  	s3 =	sand.u32 $0x4000, s31;
	s1 =	sadd.s32 s1, s30  }
0xba: {  	s0 =	sor.u32 s3, s0;
	s1 =	sshll.u32 s1, $0x11  }
0xbb: {  	s0 =	sor.u32 s1, s0  }
0xbc: {  	s0 =	sadd.s32 $0x8F2B, s0  }
0xbd: {  	[sflag:s0] =	ssyncadd.remote.s32 $0x1  }
0xbe: {  	_ =	sfence.sel $0xFFFF  }
0xbf: {  	[dreg:$0x0] =	wrdreg $0xFFFFFFFF;
	(pc) =	sbr.abs _section_cstart, $3  }
0xc0: {  	[dreg:$0x1] =	wrdreg $0xFFFFFFFF  }
0xc1: {  	_ =	task.clear_ibuf [dreg:s7], $0x2FFFF;
	_ =	strace $0x9FFFFFFF  }
0xc2: {  	(tm) =	ssettm $0x7FFFFFFF  }
0xc3: {  	_ =	shalt  }
tec
execute0_lowered:
.L_overlay_start_1:
0x0: {  	(tag) =	ssettag $0x1  }
0x1: {  	s0 =	rddreg [dreg:$0x0];
	s1 =	srdreg.scid  }
0x2: {  	s3 =	stileid.u32;
	s2 =	rddreg [dreg:$0x1];
	s28 =	simm.s32 $0x2  }
0x3: {  	s29 =	simm.s32 $0x300;
	s30 =	simm.s32 $0x6E00;
	s31 =	simm.s32 $0x380  }
0x4: {  	s12 =	simm.s32 $0x5;
	s13 =	simm.s32 $0x6;
	s16 =	simm.s32 $0x0  }
0x5: {  	s1 =	sand.u32 $0x1, s1;
	s4 =	sshll.u32 s3, $0x1;
	s3 =	simm.s32 $0x0  }
0x6: {  	s6 =	sadd.s32 $0xF42A00, s0;
	s7 =	sadd.s32 $0x600, s0;
	s8 =	sor.u32 s1, s4  }
0x7: {  	[smem:$0x7FF] =	sst s3;
	s1 =	ssub.s32 $0x2, s1;
	s9 =	smul.u32 $0xC80, s8  }
0x8: {  	s4 =	sshll.u32 s8, $0x7;
	_ =	strace $0x80000047;
	s11 =	smul.u32 $0x64000, s8  }
0x9: {  	s20 =	sshrl.u32 s1, $0x1;
	s21 =	smul.u32 $0x320000, s8;
	s5 =	sor.u32 $0x1, s4  }
0xa: {  	s0 =	ssub.s32 s1, s20;
	s14 =	sor.u32 $0x2, s4;
	s15 =	sor.u32 $0x3, s4  }
0xb: {  	s20 =	simm.s32 $0x1;
	s10 =	smul.u32 $0x19, s5;
	s9 =	sadd.s32 s2, s9  }
0xc: {  	s24 =	smul.u32 $0xC80, s5;
	s25 =	sadd.s32 s7, s11;
	s1 =	sshrl.u32 s21, $0x3  }
0xd: {  	s0 =	smax.u32 s0, $0x1;
	s21 =	simm.s32 $0x80;
	[dreg:$0x6] =	wrdreg s25  }
0xe: {  	s11 =	simm.s32 $0x13E00;
	s23 =	sadd.s32 $0x32, s9;
	[dreg:$0x3] =	wrdreg s9  }
0xf: {  	s9 =	sadd.s32 $0x4B, s9;
	s1 =	sadd.s32 s7, s1;
	[dreg:$0xb] =	wrdreg s0  }
0x10: {  	s25 =	simm.s32 $0x280;
	s0 =	simm.s32 $0x3;
	[dreg:$0x5] =	wrdreg s23  }
0x11: {  	s22 =	sadd.s32 s2, s10;
	[dreg:$0x7] =	wrdreg s9;
	s8 =	sadd.s32 s7, s24  }
0x12: {  	s26 =	sadd.s32 $0x62700, s1;
	s1 =	sadd.s32 $0x63380, s1;
	[dreg:$0x4] =	wrdreg s22  }
0x13: {  	s23 =	simm.s32 $0x600;
	s24 =	simm.s32 $0x48;
	[dreg:$0x8] =	wrdreg s8  }
0x14: {  	v0 =	vlaneseq.u32;
	s9 =	simm.s32 $0xD600;
	s10 =	simm.s32 $0x4;
	[dreg:$0x9] =	wrdreg s26  }
0x15: {  	v0 =	vmul.u32 $0x80, v0;
	[dreg:$0xa] =	wrdreg s1;
	s26 =	simm.s32 $0x4600;
	s1 =	simm.s32 $0xAE00  }
.LBB2_1:
0x16: {  	[dreg:$0xc] =	wrdreg s16  }
0x17: {  	s8 =	rddreg [dreg:$0x3]  }
0x18: {  	[tilespmem:s3], [sflag:$0x1] =	stream.linear.gather [hbm4b:s8+s3], $0xC8, $0x38;
	[tilespmem:$0x1A600] =	vst v63  }
0x19: {  	s17 =	rddreg [dreg:$0x4];
	s18 =	simm.s32 $0x100  }
0x1a: {  	[tilespmem:s18], [sflag:$0x2] =	stream.linear.gather [hbm4b:s17+s3], $0xC8, $0x38;
	[tilespmem:$0x1A600] =	vst v63  }
0x1b: {  	_ =	swait.ge [sflag:s20], $0xC8  }
0x1c: {  	[sflag:s20] =	ssyncset.done $0x0  }
0x1d: {  	[sflag:s20] =	ssyncadd.s32 $0xFFFFFF38  }
0x1e: {  	v1 =	vld [tilespmem:$0x0];
	_ =	sdelay $0x1  }
0x1f: {  	v2 =	vld [tilespmem:$0x10];
	_ =	sdelay $0x1  }
0x20: {  	v3 =	vld [tilespmem:$0x20]  }
0x21: {  	v4 =	vshrl.u32 v1, $0x2;
	v1 =	vshll.u32 v1, $0x5  }
0x22: {  	v62 =	vld [tilespmem:$0x30];
	[tilespmem:$0x200] =	vst v4;
	v1 =	vand.u32 $0x60, v1  }
0x23: {  	[tilespmem:$0x400] =	vst v1;
	v1 =	vshrl.u32 v2, $0x2;
	v2 =	vshll.u32 v2, $0x5  }
0x24: {  	[tilespmem:$0x210] =	vst v1;
	v1 =	vand.u32 $0x60, v2;
	v2 =	vld [tilespmem:$0x40]  }
0x25: {  	[tilespmem:$0x410] =	vst v1;
	v1 =	vshrl.u32 v3, $0x2;
	v3 =	vshll.u32 v3, $0x5  }
0x26: {  	[tilespmem:$0x220] =	vst v1;
	v1 =	vand.u32 $0x60, v3;
	v3 =	vld [tilespmem:$0x50]  }
0x27: {  	v4 =	vshll.u32 v62, $0x5;
	[tilespmem:$0x420] =	vst v1;
	v1 =	vshrl.u32 v62, $0x2  }
0x28: {  	v63 =	vld [tilespmem:$0x60];
	[tilespmem:$0x230] =	vst v1;
	v1 =	vand.u32 $0x60, v4  }
0x29: {  	[tilespmem:$0x430] =	vst v1;
	v1 =	vshrl.u32 v2, $0x2;
	v2 =	vshll.u32 v2, $0x5  }
0x2a: {  	[tilespmem:$0x240] =	vst v1;
	v1 =	vand.u32 $0x60, v2;
	v2 =	vld [tilespmem:$0x70]  }
0x2b: {  	[tilespmem:$0x440] =	vst v1;
	v1 =	vshrl.u32 v3, $0x2;
	v3 =	vshll.u32 v3, $0x5  }
0x2c: {  	[tilespmem:$0x250] =	vst v1;
	v1 =	vand.u32 $0x60, v3;
	v3 =	vld [tilespmem:$0x80]  }
0x2d: {  	v4 =	vshll.u32 v63, $0x5;
	[tilespmem:$0x450] =	vst v1;
	v1 =	vshrl.u32 v63, $0x2  }
0x2e: {  	v8 =	vld [tilespmem:$0x90];
	[tilespmem:$0x260] =	vst v1;
	v1 =	vand.u32 $0x60, v4  }
0x2f: {  	[tilespmem:$0x460] =	vst v1;
	v1 =	vshrl.u32 v2, $0x2;
	v2 =	vshll.u32 v2, $0x5  }
0x30: {  	[tilespmem:$0x270] =	vst v1;
	v1 =	vand.u32 $0x60, v2;
	v2 =	vld [tilespmem:$0xA0]  }
0x31: {  	[tilespmem:$0x470] =	vst v1;
	v1 =	vshrl.u32 v3, $0x2;
	v3 =	vshll.u32 v3, $0x5  }
0x32: {  	[tilespmem:$0x280] =	vst v1;
	v1 =	vand.u32 $0x60, v3;
	v3 =	vld [tilespmem:$0xB0]  }
0x33: {  	v4 =	vshll.u32 v8, $0x5;
	[tilespmem:$0x480] =	vst v1;
	v1 =	vshrl.u32 v8, $0x2  }
0x34: {  	v9 =	vld [tilespmem:$0xC0];
	[tilespmem:$0x290] =	vst v1;
	v1 =	vand.u32 $0x60, v4  }
0x35: {  	[tilespmem:$0x490] =	vst v1;
	v1 =	vshrl.u32 v2, $0x2;
	v2 =	vshll.u32 v2, $0x5  }
0x36: {  	[tilespmem:$0x2A0] =	vst v1;
	v1 =	vand.u32 $0x60, v2  }
0x37: {  	[tilespmem:$0x4A0] =	vst v1;
	v1 =	vshrl.u32 v3, $0x2;
	v2 =	vshll.u32 v3, $0x5  }
0x38: {  	[tilespmem:$0x2B0] =	vst v1;
	v1 =	vand.u32 $0x60, v2  }
0x39: {  	v2 =	vshll.u32 v9, $0x5;
	[tilespmem:$0x4B0] =	vst v1;
	v1 =	vshrl.u32 v9, $0x2  }
0x3a: {  	[tilespmem:$0x2C0] =	vst v1;
	v1 =	vand.u32 $0x60, v2  }
0x3b: {  	s19 =	simm.s32 $0x200;
	[tilespmem:$0x4C0] =	vst v1  }
0x3c: {  	[tilespmem:s23], [sflag:$0x3] =	stream.indirect.gather [hbm4b:s6+s21], $0x80, s19, s21, $0xb8;
	[tilespmem:$0x1A600] =	vst v63  }
0x3d: {  	_ = 	snop  }
0x3e: {  	[tilespmem:s26], [sflag:$0x3] =	stream.indirect.gather [hbm4b:s6+s24], $0x80, s25, s24, $0xb8;
	[tilespmem:$0x1A600] =	vst v63  }
0x3f: {  	_ =	swait.ge [sflag:s28], $0xC8  }
0x40: {  	[sflag:s28] =	ssyncset.done $0x0  }
0x41: {  	[sflag:s28] =	ssyncadd.s32 $0xFFFFFF38  }
0x42: {  	v1 =	vld [tilespmem:$0x100];
	_ =	sdelay $0x1  }
0x43: {  	v2 =	vld [tilespmem:$0x110];
	_ =	sdelay $0x1  }
0x44: {  	v3 =	vld [tilespmem:$0x120]  }
0x45: {  	v10 =	vshrl.u32 v1, $0x2;
	v1 =	vshll.u32 v1, $0x5  }
0x46: {  	v11 =	vld [tilespmem:$0x130];
	[tilespmem:$0x300] =	vst v10;
	v1 =	vand.u32 $0x60, v1  }
0x47: {  	[tilespmem:$0x500] =	vst v1;
	v1 =	vshrl.u32 v2, $0x2;
	v2 =	vshll.u32 v2, $0x5  }
0x48: {  	[tilespmem:$0x310] =	vst v1;
	v1 =	vand.u32 $0x60, v2;
	v2 =	vld [tilespmem:$0x140]  }
0x49: {  	[tilespmem:$0x510] =	vst v1;
	v1 =	vshrl.u32 v3, $0x2;
	v3 =	vshll.u32 v3, $0x5  }
0x4a: {  	[tilespmem:$0x320] =	vst v1;
	v1 =	vand.u32 $0x60, v3;
	v3 =	vld [tilespmem:$0x150]  }
0x4b: {  	v4 =	vshll.u32 v11, $0x5;
	[tilespmem:$0x520] =	vst v1;
	v1 =	vshrl.u32 v11, $0x2  }
0x4c: {  	v12 =	vld [tilespmem:$0x160];
	[tilespmem:$0x330] =	vst v1;
	v1 =	vand.u32 $0x60, v4  }
0x4d: {  	[tilespmem:$0x530] =	vst v1;
	v1 =	vshrl.u32 v2, $0x2;
	v2 =	vshll.u32 v2, $0x5  }
0x4e: {  	[tilespmem:$0x340] =	vst v1;
	v1 =	vand.u32 $0x60, v2;
	v2 =	vld [tilespmem:$0x170]  }
0x4f: {  	[tilespmem:$0x540] =	vst v1;
	v1 =	vshrl.u32 v3, $0x2;
	v3 =	vshll.u32 v3, $0x5  }
0x50: {  	[tilespmem:$0x350] =	vst v1;
	v1 =	vand.u32 $0x60, v3;
	v3 =	vld [tilespmem:$0x180]  }
0x51: {  	v4 =	vshll.u32 v12, $0x5;
	[tilespmem:$0x550] =	vst v1;
	v1 =	vshrl.u32 v12, $0x2  }
0x52: {  	v13 =	vld [tilespmem:$0x190];
	[tilespmem:$0x360] =	vst v1;
	v1 =	vand.u32 $0x60, v4  }
0x53: {  	[tilespmem:$0x560] =	vst v1;
	v1 =	vshrl.u32 v2, $0x2;
	v2 =	vshll.u32 v2, $0x5  }
0x54: {  	[tilespmem:$0x370] =	vst v1;
	v1 =	vand.u32 $0x60, v2;
	v2 =	vld [tilespmem:$0x1A0]  }
0x55: {  	[tilespmem:$0x570] =	vst v1;
	v1 =	vshrl.u32 v3, $0x2;
	v3 =	vshll.u32 v3, $0x5  }
0x56: {  	[tilespmem:$0x380] =	vst v1;
	v1 =	vand.u32 $0x60, v3;
	v3 =	vld [tilespmem:$0x1B0]  }
0x57: {  	v4 =	vshll.u32 v13, $0x5;
	[tilespmem:$0x580] =	vst v1;
	v1 =	vshrl.u32 v13, $0x2  }
0x58: {  	v14 =	vld [tilespmem:$0x1C0];
	[tilespmem:$0x390] =	vst v1;
	v1 =	vand.u32 $0x60, v4  }
0x59: {  	[tilespmem:$0x590] =	vst v1;
	v1 =	vshrl.u32 v2, $0x2;
	v2 =	vshll.u32 v2, $0x5  }
0x5a: {  	[tilespmem:$0x3A0] =	vst v1;
	v1 =	vand.u32 $0x60, v2  }
0x5b: {  	[tilespmem:$0x5A0] =	vst v1;
	v1 =	vshrl.u32 v3, $0x2;
	v2 =	vshll.u32 v3, $0x5  }
0x5c: {  	[tilespmem:$0x3B0] =	vst v1;
	v1 =	vand.u32 $0x60, v2  }
0x5d: {  	v2 =	vshll.u32 v14, $0x5;
	[tilespmem:$0x5B0] =	vst v1;
	v1 =	vshrl.u32 v14, $0x2  }
0x5e: {  	[tilespmem:$0x3C0] =	vst v1;
	v1 =	vand.u32 $0x60, v2  }
0x5f: {  	[tilespmem:$0x5C0] =	vst v1  }
0x60: {  	[tilespmem:s30], [sflag:$0x4] =	stream.indirect.gather [hbm4b:s6+s21], $0x80, s29, s21, $0xb8;
	[tilespmem:$0x1A600] =	vst v63  }
0x61: {  	_ = 	snop  }
0x62: {  	[tilespmem:s1], [sflag:$0x4] =	stream.indirect.gather [hbm4b:s6+s24], $0x80, s31, s24, $0xb8;
	[tilespmem:$0x1A600] =	vst v63  }
0x63: {  	s22 =	rddreg [dreg:$0x5]  }
0x64: {  	[tilespmem:s3], [sflag:$0x1] =	stream.linear.gather [hbm4b:s22+s3], $0xC8, $0x38;
	[tilespmem:$0x1A600] =	vst v63  }
0x65: {  	_ =	swait.ge [sflag:s0], $0x6400  }
0x66: {  	[sflag:s0] =	ssyncset.done $0x0  }
0x67: {  	s8 =	simm.s32 $0x400;
	[sflag:s0] =	ssyncadd.s32 $0xFFFF9C00  }
0x68: {  	v2 =	vld [tilespmem:s8+$0x0];
	_ =	sdelay $0x2  }
0x69: {  	v1 =	vmov s3  }
0x6a: {  	v1 =	vshll.u32 v1, $0x7  }
0x6b: {  	v1 =	vor.u32 v0, v1;
	v3 =	vand.u32 $0xFFFFFF80, v2  }
0x6c: {  	v15 =	vand.u32 $0x7F, v2;
	v3 =	vadd.s32 v1, v3  }
0x6d: {  	v3 =	vor.u32 v15, v3;
	_ =	sdelay $0x2  }
0x6e: {  	v16 =	vadd.s32 $0x1, v2  }
0x6f: {  	v5 =	vand.u32 $0xFFFFFF80, v16  }
0x70: {  	v4 =	vand.u32 $0x7F, v16;
	v5 =	vadd.s32 v1, v5;
	v3 =	vld.idx.msk [tilespmem:v3+s23+$0x0], $0xffff  }
0x71: {  	v4 =	vor.u32 v4, v5;
	_ =	sdelay $0x2  }
0x72: {  	v17 =	vadd.s32 $0x2, v2  }
0x73: {  	v6 =	vand.u32 $0xFFFFFF80, v17;
	[tilespmem:v1+s9+$0x0] =	vst.idx.msk $0xffff, v3  }
0x74: {  	v18 =	vor.u32 $0x1, v1;
	v5 =	vand.u32 $0x7F, v17;
	v3 =	vadd.s32 v1, v6;
	v4 =	vld.idx.msk [tilespmem:v4+s23+$0x0], $0xffff  }
0x75: {  	v3 =	vor.u32 v5, v3;
	_ =	sdelay $0x2  }
0x76: {  	v19 =	vadd.s32 $0x3, v2  }
0x77: {  	v7 =	vand.u32 $0xFFFFFF80, v19;
	[tilespmem:v18+s9+$0x0] =	vst.idx.msk $0xffff, v4  }
0x78: {  	v21 =	vor.u32 $0x2, v1;
	v20 =	vadd.s32 v1, v7;
	v5 =	vand.u32 $0x7F, v19;
	v3 =	vld.idx.msk [tilespmem:v3+s23+$0x0], $0xffff  }
0x79: {  	v4 =	vor.u32 v5, v20;
	_ =	sdelay $0x2  }
0x7a: {  	v22 =	vadd.s32 $0x4, v2  }
0x7b: {  	v23 =	vand.u32 $0xFFFFFF80, v22;
	[tilespmem:v21+s9+$0x0] =	vst.idx.msk $0xffff, v3  }
0x7c: {  	v24 =	vor.u32 $0x3, v1;
	v5 =	vand.u32 $0x7F, v22;
	v3 =	vadd.s32 v1, v23;
	v4 =	vld.idx.msk [tilespmem:v4+s23+$0x0], $0xffff  }
0x7d: {  	v3 =	vor.u32 v5, v3;
	_ =	sdelay $0x2  }
0x7e: {  	v25 =	vadd.s32 $0x5, v2  }
0x7f: {  	v26 =	vand.u32 $0xFFFFFF80, v25;
	[tilespmem:v24+s9+$0x0] =	vst.idx.msk $0xffff, v4  }
0x80: {  	v28 =	vor.u32 $0x4, v1;
	v27 =	vadd.s32 v1, v26;
	v5 =	vand.u32 $0x7F, v25;
	v3 =	vld.idx.msk [tilespmem:v3+s23+$0x0], $0xffff  }
0x81: {  	v4 =	vor.u32 v5, v27;
	_ =	sdelay $0x2  }
0x82: {  	v29 =	vadd.s32 $0x6, v2  }
0x83: {  	v30 =	vand.u32 $0xFFFFFF80, v29;
	[tilespmem:v28+s9+$0x0] =	vst.idx.msk $0xffff, v3  }
0x84: {  	v31 =	vor.u32 $0x5, v1;
	v5 =	vand.u32 $0x7F, v29;
	v3 =	vadd.s32 v1, v30;
	v4 =	vld.idx.msk [tilespmem:v4+s23+$0x0], $0xffff  }
0x85: {  	v3 =	vor.u32 v5, v3;
	_ =	sdelay $0x2  }
0x86: {  	v32 =	vadd.s32 $0x7, v2  }
0x87: {  	v33 =	vand.u32 $0xFFFFFF80, v32;
	[tilespmem:v31+s9+$0x0] =	vst.idx.msk $0xffff, v4  }
0x88: {  	v35 =	vor.u32 $0x6, v1;
	v34 =	vadd.s32 v1, v33;
	v5 =	vand.u32 $0x7F, v32;
	v3 =	vld.idx.msk [tilespmem:v3+s23+$0x0], $0xffff  }
0x89: {  	v4 =	vor.u32 v5, v34;
	_ =	sdelay $0x2  }
0x8a: {  	v36 =	vadd.s32 $0x8, v2  }
0x8b: {  	v37 =	vand.u32 $0xFFFFFF80, v36;
	[tilespmem:v35+s9+$0x0] =	vst.idx.msk $0xffff, v3  }
0x8c: {  	v38 =	vor.u32 $0x7, v1;
	v5 =	vand.u32 $0x7F, v36;
	v3 =	vadd.s32 v1, v37;
	v4 =	vld.idx.msk [tilespmem:v4+s23+$0x0], $0xffff  }
0x8d: {  	v3 =	vor.u32 v5, v3;
	_ =	sdelay $0x2  }
0x8e: {  	v39 =	vadd.s32 $0x9, v2  }
0x8f: {  	v40 =	vand.u32 $0xFFFFFF80, v39;
	[tilespmem:v38+s9+$0x0] =	vst.idx.msk $0xffff, v4  }
0x90: {  	v42 =	vor.u32 $0x8, v1;
	v41 =	vadd.s32 v1, v40;
	v5 =	vand.u32 $0x7F, v39;
	v3 =	vld.idx.msk [tilespmem:v3+s23+$0x0], $0xffff  }
0x91: {  	v4 =	vor.u32 v5, v41;
	_ =	sdelay $0x2  }
0x92: {  	v43 =	vadd.s32 $0xA, v2  }
0x93: {  	v44 =	vand.u32 $0xFFFFFF80, v43;
	[tilespmem:v42+s9+$0x0] =	vst.idx.msk $0xffff, v3  }
0x94: {  	v45 =	vor.u32 $0x9, v1;
	v5 =	vand.u32 $0x7F, v43;
	v3 =	vadd.s32 v1, v44;
	v4 =	vld.idx.msk [tilespmem:v4+s23+$0x0], $0xffff  }
0x95: {  	v3 =	vor.u32 v5, v3;
	_ =	sdelay $0x2  }
0x96: {  	v46 =	vadd.s32 $0xB, v2  }
0x97: {  	v47 =	vand.u32 $0xFFFFFF80, v46;
	[tilespmem:v45+s9+$0x0] =	vst.idx.msk $0xffff, v4  }
0x98: {  	v49 =	vor.u32 $0xA, v1;
	v48 =	vadd.s32 v1, v47;
	v5 =	vand.u32 $0x7F, v46;
	v3 =	vld.idx.msk [tilespmem:v3+s23+$0x0], $0xffff  }
0x99: {  	v4 =	vor.u32 v5, v48;
	_ =	sdelay $0x2  }
0x9a: {  	v50 =	vadd.s32 $0xC, v2  }
0x9b: {  	v51 =	vand.u32 $0xFFFFFF80, v50;
	[tilespmem:v49+s9+$0x0] =	vst.idx.msk $0xffff, v3  }
0x9c: {  	v52 =	vor.u32 $0xB, v1;
	v5 =	vand.u32 $0x7F, v50;
	v3 =	vadd.s32 v1, v51;
	v4 =	vld.idx.msk [tilespmem:v4+s23+$0x0], $0xffff  }
0x9d: {  	v3 =	vor.u32 v5, v3;
	_ =	sdelay $0x2  }
0x9e: {  	v53 =	vadd.s32 $0xD, v2  }
0x9f: {  	v54 =	vand.u32 $0xFFFFFF80, v53;
	[tilespmem:v52+s9+$0x0] =	vst.idx.msk $0xffff, v4  }
0xa0: {  	v56 =	vor.u32 $0xC, v1;
	v55 =	vadd.s32 v1, v54;
	v5 =	vand.u32 $0x7F, v53;
	v3 =	vld.idx.msk [tilespmem:v3+s23+$0x0], $0xffff  }
0xa1: {  	v4 =	vor.u32 v5, v55;
	_ =	sdelay $0x2  }
0xa2: {  	v57 =	vadd.s32 $0xE, v2  }
0xa3: {  	v58 =	vand.u32 $0xFFFFFF80, v57;
	[tilespmem:v56+s9+$0x0] =	vst.idx.msk $0xffff, v3  }
0xa4: {  	v59 =	vor.u32 $0xD, v1;
	v5 =	vand.u32 $0x7F, v57;
	v3 =	vadd.s32 v1, v58;
	v4 =	vld.idx.msk [tilespmem:v4+s23+$0x0], $0xffff  }
0xa5: {  	v3 =	vor.u32 v5, v3;
	_ =	sdelay $0x2  }
0xa6: {  	v60 =	vadd.s32 $0xF, v2  }
0xa7: {  	v61 =	vand.u32 $0xFFFFFF80, v60;
	[tilespmem:v59+s9+$0x0] =	vst.idx.msk $0xffff, v4  }
0xa8: {  	v63 =	vor.u32 $0xE, v1;
	v62 =	vadd.s32 v1, v61;
	v5 =	vand.u32 $0x7F, v60;
	v3 =	vld.idx.msk [tilespmem:v3+s23+$0x0], $0xffff  }
0xa9: {  	v4 =	vor.u32 v5, v62;
	_ =	sdelay $0x2  }
0xaa: {  	v9 =	vadd.s32 $0x10, v2  }
0xab: {  	v10 =	vand.u32 $0xFFFFFF80, v9;
	[tilespmem:v63+s9+$0x0] =	vst.idx.msk $0xffff, v3  }
0xac: {  	v11 =	vor.u32 $0xF, v1;
	v5 =	vand.u32 $0x7F, v9;
	v3 =	vadd.s32 v1, v10;
	v4 =	vld.idx.msk [tilespmem:v4+s23+$0x0], $0xffff  }
0xad: {  	v3 =	vor.u32 v5, v3;
	_ =	sdelay $0x2  }
0xae: {  	v12 =	vadd.s32 $0x11, v2  }
0xaf: {  	v13 =	vand.u32 $0xFFFFFF80, v12;
	[tilespmem:v11+s9+$0x0] =	vst.idx.msk $0xffff, v4  }
0xb0: {  	v14 =	vadd.s32 v1, v13;
	v15 =	vor.u32 $0x10, v1;
	v5 =	vand.u32 $0x7F, v12;
	v3 =	vld.idx.msk [tilespmem:v3+s23+$0x0], $0xffff  }
0xb1: {  	v4 =	vor.u32 v5, v14;
	_ =	sdelay $0x2  }
0xb2: {  	v16 =	vadd.s32 $0x12, v2  }
0xb3: {  	v17 =	vand.u32 $0xFFFFFF80, v16;
	[tilespmem:v15+s9+$0x0] =	vst.idx.msk $0xffff, v3  }
0xb4: {  	v18 =	vor.u32 $0x11, v1;
	v5 =	vand.u32 $0x7F, v16;
	v3 =	vadd.s32 v1, v17;
	v4 =	vld.idx.msk [tilespmem:v4+s23+$0x0], $0xffff  }
0xb5: {  	v3 =	vor.u32 v5, v3;
	_ =	sdelay $0x2  }
0xb6: {  	v19 =	vadd.s32 $0x13, v2  }
0xb7: {  	v20 =	vand.u32 $0xFFFFFF80, v19;
	[tilespmem:v18+s9+$0x0] =	vst.idx.msk $0xffff, v4  }
0xb8: {  	v22 =	vor.u32 $0x12, v1;
	v21 =	vadd.s32 v1, v20;
	v5 =	vand.u32 $0x7F, v19;
	v3 =	vld.idx.msk [tilespmem:v3+s23+$0x0], $0xffff  }
0xb9: {  	v4 =	vor.u32 v5, v21;
	_ =	sdelay $0x2  }
0xba: {  	v23 =	vadd.s32 $0x14, v2  }
0xbb: {  	v24 =	vand.u32 $0xFFFFFF80, v23;
	[tilespmem:v22+s9+$0x0] =	vst.idx.msk $0xffff, v3  }
0xbc: {  	v25 =	vor.u32 $0x13, v1;
	v5 =	vand.u32 $0x7F, v23;
	v3 =	vadd.s32 v1, v24;
	v4 =	vld.idx.msk [tilespmem:v4+s23+$0x0], $0xffff  }
0xbd: {  	v3 =	vor.u32 v5, v3;
	_ =	sdelay $0x2  }
0xbe: {  	v26 =	vadd.s32 $0x15, v2  }
0xbf: {  	v27 =	vand.u32 $0xFFFFFF80, v26;
	[tilespmem:v25+s9+$0x0] =	vst.idx.msk $0xffff, v4  }
0xc0: {  	v29 =	vor.u32 $0x14, v1;
	v28 =	vadd.s32 v1, v27;
	v5 =	vand.u32 $0x7F, v26;
	v3 =	vld.idx.msk [tilespmem:v3+s23+$0x0], $0xffff  }
0xc1: {  	v4 =	vor.u32 v5, v28;
	_ =	sdelay $0x2  }
0xc2: {  	v30 =	vadd.s32 $0x16, v2  }
0xc3: {  	v31 =	vand.u32 $0xFFFFFF80, v30;
	[tilespmem:v29+s9+$0x0] =	vst.idx.msk $0xffff, v3  }
0xc4: {  	v32 =	vor.u32 $0x15, v1;
	v5 =	vand.u32 $0x7F, v30;
	v3 =	vadd.s32 v1, v31;
	v4 =	vld.idx.msk [tilespmem:v4+s23+$0x0], $0xffff  }
0xc5: {  	v3 =	vor.u32 v5, v3;
	_ =	sdelay $0x2  }
0xc6: {  	v33 =	vadd.s32 $0x17, v2  }
0xc7: {  	v34 =	vand.u32 $0xFFFFFF80, v33;
	[tilespmem:v32+s9+$0x0] =	vst.idx.msk $0xffff, v4  }
0xc8: {  	v36 =	vor.u32 $0x16, v1;
	v35 =	vadd.s32 v1, v34;
	v5 =	vand.u32 $0x7F, v33;
	v3 =	vld.idx.msk [tilespmem:v3+s23+$0x0], $0xffff  }
0xc9: {  	v4 =	vor.u32 v5, v35;
	_ =	sdelay $0x2  }
0xca: {  	v37 =	vadd.s32 $0x18, v2  }
0xcb: {  	v38 =	vand.u32 $0xFFFFFF80, v37;
	[tilespmem:v36+s9+$0x0] =	vst.idx.msk $0xffff, v3  }
0xcc: {  	v39 =	vor.u32 $0x17, v1;
	v5 =	vand.u32 $0x7F, v37;
	v3 =	vadd.s32 v1, v38;
	v4 =	vld.idx.msk [tilespmem:v4+s23+$0x0], $0xffff  }
0xcd: {  	v3 =	vor.u32 v5, v3;
	_ =	sdelay $0x2  }
0xce: {  	v40 =	vadd.s32 $0x19, v2  }
0xcf: {  	v41 =	vand.u32 $0xFFFFFF80, v40;
	[tilespmem:v39+s9+$0x0] =	vst.idx.msk $0xffff, v4  }
0xd0: {  	v43 =	vor.u32 $0x18, v1;
	v42 =	vadd.s32 v1, v41;
	v5 =	vand.u32 $0x7F, v40;
	v3 =	vld.idx.msk [tilespmem:v3+s23+$0x0], $0xffff  }
0xd1: {  	v4 =	vor.u32 v5, v42;
	_ =	sdelay $0x2  }
0xd2: {  	v44 =	vadd.s32 $0x1A, v2  }
0xd3: {  	v45 =	vand.u32 $0xFFFFFF80, v44;
	[tilespmem:v43+s9+$0x0] =	vst.idx.msk $0xffff, v3  }
0xd4: {  	v46 =	vor.u32 $0x19, v1;
	v5 =	vand.u32 $0x7F, v44;
	v3 =	vadd.s32 v1, v45;
	v4 =	vld.idx.msk [tilespmem:v4+s23+$0x0], $0xffff  }
0xd5: {  	v3 =	vor.u32 v5, v3;
	_ =	sdelay $0x2  }
0xd6: {  	v47 =	vadd.s32 $0x1B, v2  }
0xd7: {  	v48 =	vand.u32 $0xFFFFFF80, v47;
	[tilespmem:v46+s9+$0x0] =	vst.idx.msk $0xffff, v4  }
0xd8: {  	v50 =	vor.u32 $0x1A, v1;
	v49 =	vadd.s32 v1, v48;
	v5 =	vand.u32 $0x7F, v47;
	v3 =	vld.idx.msk [tilespmem:v3+s23+$0x0], $0xffff  }
0xd9: {  	v4 =	vor.u32 v5, v49;
	_ =	sdelay $0x2  }
0xda: {  	v51 =	vadd.s32 $0x1C, v2  }
0xdb: {  	v52 =	vand.u32 $0xFFFFFF80, v51;
	[tilespmem:v50+s9+$0x0] =	vst.idx.msk $0xffff, v3  }
0xdc: {  	v53 =	vor.u32 $0x1B, v1;
	v5 =	vand.u32 $0x7F, v51;
	v3 =	vadd.s32 v1, v52;
	v4 =	vld.idx.msk [tilespmem:v4+s23+$0x0], $0xffff  }
0xdd: {  	v3 =	vor.u32 v5, v3;
	_ =	sdelay $0x2  }
0xde: {  	v54 =	vadd.s32 $0x1D, v2  }
0xdf: {  	v55 =	vand.u32 $0xFFFFFF80, v54;
	[tilespmem:v53+s9+$0x0] =	vst.idx.msk $0xffff, v4  }
0xe0: {  	v57 =	vor.u32 $0x1C, v1;
	v56 =	vadd.s32 v1, v55;
	v5 =	vand.u32 $0x7F, v54;
	v3 =	vld.idx.msk [tilespmem:v3+s23+$0x0], $0xffff  }
0xe1: {  	v4 =	vor.u32 v5, v56;
	_ =	sdelay $0x2  }
0xe2: {  	v58 =	vadd.s32 $0x1E, v2  }
0xe3: {  	v59 =	vand.u32 $0xFFFFFF80, v58;
	[tilespmem:v57+s9+$0x0] =	vst.idx.msk $0xffff, v3  }
0xe4: {  	v60 =	vor.u32 $0x1D, v1;
	v5 =	vand.u32 $0x7F, v58;
	v3 =	vadd.s32 v1, v59;
	v4 =	vld.idx.msk [tilespmem:v4+s23+$0x0], $0xffff  }
0xe5: {  	v3 =	vor.u32 v5, v3;
	_ =	sdelay $0x2  }
0xe6: {  	v2 =	vadd.s32 $0x1F, v2  }
0xe7: {  	v61 =	vand.u32 $0xFFFFFF80, v2;
	[tilespmem:v60+s9+$0x0] =	vst.idx.msk $0xffff, v4  }
0xe8: {  	v2 =	vand.u32 $0x7F, v2;
	v62 =	vadd.s32 v1, v61;
	v63 =	vor.u32 $0x1E, v1;
	v3 =	vld.idx.msk [tilespmem:v3+s23+$0x0], $0xffff  }
0xe9: {  	v2 =	vor.u32 v2, v62;
	_ =	sdelay $0x3  }
0xea: {  	[tilespmem:v63+s9+$0x0] =	vst.idx.msk $0xffff, v3  }
0xeb: {  	s16 =	simm.s32 $0x10;
	v1 =	vor.u32 $0x1F, v1;
	v2 =	vld.idx.msk [tilespmem:v2+s23+$0x0], $0xffff  }
.LBB2_2:
0xec: {  	_ =	sdelay $0x2  }
0xed: {  	p0 =	sne.s32 s16, $0xC0  }
0xee: {  	s8 =	sadd.s32 $0x10, s8;
	s17 =	smov.u32 s16;
	s16 =	sadd.s32 $0x10, s16;
	[tilespmem:v1+s9+$0x0] =	vst.idx.msk $0xffff, v2  }
0xef: {  	v2 =	vld [tilespmem:s8+$0x0];
	_ =	sdelay $0x2  }
0xf0: {  	v1 =	vmov s17  }
0xf1: {  	v1 =	vshll.u32 v1, $0x7  }
0xf2: {  	v1 =	vor.u32 v0, v1;
	v3 =	vand.u32 $0xFFFFFF80, v2;
	v5 =	vadd.s32 $0x1, v2  }
0xf3: {  	v4 =	vand.u32 $0x7F, v2;
	v3 =	vadd.s32 v1, v3;
	v6 =	vand.u32 $0xFFFFFF80, v5  }
0xf4: {  	v7 =	vadd.s32 $0x2, v2;
	v3 =	vor.u32 v4, v3;
	v6 =	vadd.s32 v1, v6  }
0xf5: {  	v8 =	vadd.s32 $0x3, v2;
	v9 =	vadd.s32 $0x4, v2;
	v4 =	vand.u32 $0xFFFFFF80, v7  }
0xf6: {  	v11 =	vand.u32 $0xFFFFFF80, v9;
	v10 =	vadd.s32 v1, v4;
	v4 =	vand.u32 $0xFFFFFF80, v8  }
0xf7: {  	v11 =	vadd.s32 v1, v11;
	v12 =	vadd.s32 v1, v4;
	v4 =	vadd.s32 $0x5, v2  }
0xf8: {  	v52 =	vadd.s32 $0x6, v2;
	v48 =	vadd.s32 $0x7, v2;
	v13 =	vand.u32 $0xFFFFFF80, v4  }
0xf9: {  	v14 =	vand.u32 $0xFFFFFF80, v48;
	v54 =	vadd.s32 v1, v13;
	v13 =	vand.u32 $0xFFFFFF80, v52;
	v3 =	vld.idx.msk [tilespmem:v3+s23+$0x0], $0xffff  }
0xfa: {  	v5 =	vand.u32 $0x7F, v5;
	v51 =	vadd.s32 v1, v14;
	v53 =	vadd.s32 v1, v13  }
0xfb: {  	v49 =	vadd.s32 $0x8, v2;
	v46 =	vadd.s32 $0x9, v2;
	v5 =	vor.u32 v5, v6  }
0xfc: {  	v43 =	vadd.s32 $0xA, v2;
	v6 =	vand.u32 $0xFFFFFF80, v49;
	v13 =	vand.u32 $0xFFFFFF80, v46  }
0xfd: {  	v50 =	vadd.s32 v1, v6;
	v6 =	vand.u32 $0xFFFFFF80, v43;
	v47 =	vadd.s32 v1, v13  }
0xfe: {  	v42 =	vadd.s32 $0xB, v2;
	v39 =	vadd.s32 $0xC, v2;
	v45 =	vadd.s32 v1, v6  }
0xff: {  	v36 =	vadd.s32 $0xD, v2;
	v6 =	vand.u32 $0xFFFFFF80, v39;
	[tilespmem:v1+s9+$0x0] =	vst.idx.msk $0xffff, v3;
	v3 =	vand.u32 $0xFFFFFF80, v42  }
0x100: {  	v41 =	vadd.s32 v1, v6;
	v5 =	vld.idx.msk [tilespmem:v5+s23+$0x0], $0xffff;
	v44 =	vadd.s32 v1, v3;
	v3 =	vand.u32 $0xFFFFFF80, v36  }
0x101: {  	v7 =	vand.u32 $0x7F, v7;
	v6 =	vor.u32 $0x1, v1;
	v40 =	vadd.s32 v1, v3  }
0x102: {  	v37 =	vadd.s32 $0xE, v2;
	v34 =	vadd.s32 $0xF, v2;
	v3 =	vor.u32 v7, v10  }
0x103: {  	v31 =	vadd.s32 $0x10, v2;
	v7 =	vand.u32 $0xFFFFFF80, v37;
	v10 =	vand.u32 $0xFFFFFF80, v34  }
0x104: {  	v38 =	vadd.s32 v1, v7;
	v35 =	vadd.s32 v1, v10;
	v7 =	vand.u32 $0xFFFFFF80, v31  }
0x105: {  	v30 =	vadd.s32 $0x11, v2;
	v27 =	vadd.s32 $0x12, v2;
	v33 =	vadd.s32 v1, v7  }
0x106: {  	v24 =	vadd.s32 $0x13, v2;
	[tilespmem:v6+s9+$0x0] =	vst.idx.msk $0xffff, v5;
	v5 =	vand.u32 $0xFFFFFF80, v30;
	v6 =	vand.u32 $0xFFFFFF80, v27  }
0x107: {  	v3 =	vld.idx.msk [tilespmem:v3+s23+$0x0], $0xffff;
	v32 =	vadd.s32 v1, v5;
	v29 =	vadd.s32 v1, v6;
	v5 =	vand.u32 $0xFFFFFF80, v24  }
0x108: {  	v7 =	vand.u32 $0x7F, v8;
	v6 =	vor.u32 $0x2, v1;
	v28 =	vadd.s32 v1, v5  }
0x109: {  	v25 =	vadd.s32 $0x14, v2;
	v22 =	vadd.s32 $0x15, v2;
	v5 =	vor.u32 v7, v12  }
0x10a: {  	v19 =	vadd.s32 $0x16, v2;
	v8 =	vand.u32 $0xFFFFFF80, v22;
	v7 =	vand.u32 $0xFFFFFF80, v25  }
0x10b: {  	v23 =	vadd.s32 v1, v8;
	v26 =	vadd.s32 v1, v7;
	v7 =	vand.u32 $0xFFFFFF80, v19  }
0x10c: {  	v18 =	vadd.s32 $0x17, v2;
	v15 =	vadd.s32 $0x18, v2;
	v21 =	vadd.s32 v1, v7  }
0x10d: {  	v12 =	vadd.s32 $0x19, v2;
	[tilespmem:v6+s9+$0x0] =	vst.idx.msk $0xffff, v3;
	v3 =	vand.u32 $0xFFFFFF80, v18;
	v6 =	vand.u32 $0xFFFFFF80, v15  }
0x10e: {  	v5 =	vld.idx.msk [tilespmem:v5+s23+$0x0], $0xffff;
	v20 =	vadd.s32 v1, v3;
	v17 =	vadd.s32 v1, v6;
	v3 =	vand.u32 $0xFFFFFF80, v12  }
0x10f: {  	v8 =	vor.u32 $0x3, v1;
	v6 =	vand.u32 $0x7F, v9;
	v16 =	vadd.s32 v1, v3  }
0x110: {  	v13 =	vadd.s32 $0x1A, v2;
	v10 =	vadd.s32 $0x1B, v2;
	v55 =	vor.u32 v6, v11  }
0x111: {  	v7 =	vadd.s32 $0x1C, v2;
	v3 =	vand.u32 $0xFFFFFF80, v13;
	v6 =	vand.u32 $0xFFFFFF80, v10  }
0x112: {  	v14 =	vadd.s32 v1, v3;
	v11 =	vadd.s32 v1, v6;
	v3 =	vand.u32 $0xFFFFFF80, v7  }
0x113: {  	v6 =	vadd.s32 $0x1D, v2;
	v9 =	vadd.s32 v1, v3;
	v3 =	vadd.s32 $0x1E, v2  }
0x114: {  	v2 =	vadd.s32 $0x1F, v2;
	v56 =	vand.u32 $0xFFFFFF80, v3;
	[tilespmem:v8+s9+$0x0] =	vst.idx.msk $0xffff, v5;
	v5 =	vand.u32 $0xFFFFFF80, v6  }
0x115: {  	v55 =	vld.idx.msk [tilespmem:v55+s23+$0x0], $0xffff;
	v8 =	vadd.s32 v1, v5;
	v5 =	vadd.s32 v1, v56;
	v56 =	vand.u32 $0xFFFFFF80, v2  }
0x116: {  	v57 =	vor.u32 $0x4, v1;
	v58 =	vand.u32 $0x7F, v4;
	v4 =	vadd.s32 v1, v56  }
0x117: {  	v54 =	vor.u32 v58, v54;
	_ =	sdelay $0x3  }
0x118: {  	[tilespmem:v57+s9+$0x0] =	vst.idx.msk $0xffff, v55  }
0x119: {  	v54 =	vld.idx.msk [tilespmem:v54+s23+$0x0], $0xffff  }
0x11a: {  	v52 =	vand.u32 $0x7F, v52;
	v55 =	vor.u32 $0x5, v1  }
0x11b: {  	v52 =	vor.u32 v52, v53;
	_ =	sdelay $0x3  }
0x11c: {  	[tilespmem:v55+s9+$0x0] =	vst.idx.msk $0xffff, v54  }
0x11d: {  	v52 =	vld.idx.msk [tilespmem:v52+s23+$0x0], $0xffff  }
0x11e: {  	v48 =	vand.u32 $0x7F, v48;
	v53 =	vor.u32 $0x6, v1  }
0x11f: {  	v48 =	vor.u32 v48, v51;
	_ =	sdelay $0x3  }
0x120: {  	[tilespmem:v53+s9+$0x0] =	vst.idx.msk $0xffff, v52  }
0x121: {  	v48 =	vld.idx.msk [tilespmem:v48+s23+$0x0], $0xffff  }
0x122: {  	v51 =	vor.u32 $0x7, v1;
	v49 =	vand.u32 $0x7F, v49  }
0x123: {  	v49 =	vor.u32 v49, v50;
	_ =	sdelay $0x3  }
0x124: {  	[tilespmem:v51+s9+$0x0] =	vst.idx.msk $0xffff, v48  }
0x125: {  	v48 =	vld.idx.msk [tilespmem:v49+s23+$0x0], $0xffff  }
0x126: {  	v46 =	vand.u32 $0x7F, v46;
	v49 =	vor.u32 $0x8, v1  }
0x127: {  	v46 =	vor.u32 v46, v47;
	_ =	sdelay $0x3  }
0x128: {  	[tilespmem:v49+s9+$0x0] =	vst.idx.msk $0xffff, v48  }
0x129: {  	v46 =	vld.idx.msk [tilespmem:v46+s23+$0x0], $0xffff  }
0x12a: {  	v43 =	vand.u32 $0x7F, v43;
	v47 =	vor.u32 $0x9, v1  }
0x12b: {  	v43 =	vor.u32 v43, v45;
	_ =	sdelay $0x3  }
0x12c: {  	[tilespmem:v47+s9+$0x0] =	vst.idx.msk $0xffff, v46  }
0x12d: {  	v43 =	vld.idx.msk [tilespmem:v43+s23+$0x0], $0xffff  }
0x12e: {  	v45 =	vor.u32 $0xA, v1;
	v42 =	vand.u32 $0x7F, v42  }
0x12f: {  	v42 =	vor.u32 v42, v44;
	_ =	sdelay $0x3  }
0x130: {  	[tilespmem:v45+s9+$0x0] =	vst.idx.msk $0xffff, v43  }
0x131: {  	v42 =	vld.idx.msk [tilespmem:v42+s23+$0x0], $0xffff  }
0x132: {  	v39 =	vand.u32 $0x7F, v39;
	v43 =	vor.u32 $0xB, v1  }
0x133: {  	v39 =	vor.u32 v39, v41;
	_ =	sdelay $0x3  }
0x134: {  	[tilespmem:v43+s9+$0x0] =	vst.idx.msk $0xffff, v42  }
0x135: {  	v39 =	vld.idx.msk [tilespmem:v39+s23+$0x0], $0xffff  }
0x136: {  	v41 =	vor.u32 $0xC, v1;
	v36 =	vand.u32 $0x7F, v36  }
0x137: {  	v36 =	vor.u32 v36, v40;
	_ =	sdelay $0x3  }
0x138: {  	[tilespmem:v41+s9+$0x0] =	vst.idx.msk $0xffff, v39  }
0x139: {  	v36 =	vld.idx.msk [tilespmem:v36+s23+$0x0], $0xffff  }
0x13a: {  	v37 =	vand.u32 $0x7F, v37;
	v39 =	vor.u32 $0xD, v1  }
0x13b: {  	v37 =	vor.u32 v37, v38;
	_ =	sdelay $0x3  }
0x13c: {  	[tilespmem:v39+s9+$0x0] =	vst.idx.msk $0xffff, v36  }
0x13d: {  	v36 =	vld.idx.msk [tilespmem:v37+s23+$0x0], $0xffff  }
0x13e: {  	v34 =	vand.u32 $0x7F, v34;
	v37 =	vor.u32 $0xE, v1  }
0x13f: {  	v34 =	vor.u32 v34, v35;
	_ =	sdelay $0x3  }
0x140: {  	[tilespmem:v37+s9+$0x0] =	vst.idx.msk $0xffff, v36  }
0x141: {  	v34 =	vld.idx.msk [tilespmem:v34+s23+$0x0], $0xffff  }
0x142: {  	v31 =	vand.u32 $0x7F, v31;
	v35 =	vor.u32 $0xF, v1  }
0x143: {  	v31 =	vor.u32 v31, v33;
	_ =	sdelay $0x3  }
0x144: {  	[tilespmem:v35+s9+$0x0] =	vst.idx.msk $0xffff, v34  }
0x145: {  	v31 =	vld.idx.msk [tilespmem:v31+s23+$0x0], $0xffff  }
0x146: {  	v33 =	vor.u32 $0x10, v1;
	v30 =	vand.u32 $0x7F, v30  }
0x147: {  	v30 =	vor.u32 v30, v32;
	_ =	sdelay $0x3  }
0x148: {  	[tilespmem:v33+s9+$0x0] =	vst.idx.msk $0xffff, v31  }
0x149: {  	v30 =	vld.idx.msk [tilespmem:v30+s23+$0x0], $0xffff  }
0x14a: {  	v27 =	vand.u32 $0x7F, v27;
	v31 =	vor.u32 $0x11, v1  }
0x14b: {  	v27 =	vor.u32 v27, v29;
	_ =	sdelay $0x3  }
0x14c: {  	[tilespmem:v31+s9+$0x0] =	vst.idx.msk $0xffff, v30  }
0x14d: {  	v27 =	vld.idx.msk [tilespmem:v27+s23+$0x0], $0xffff  }
0x14e: {  	v24 =	vand.u32 $0x7F, v24;
	v29 =	vor.u32 $0x12, v1  }
0x14f: {  	v24 =	vor.u32 v24, v28;
	_ =	sdelay $0x3  }
0x150: {  	[tilespmem:v29+s9+$0x0] =	vst.idx.msk $0xffff, v27  }
0x151: {  	v24 =	vld.idx.msk [tilespmem:v24+s23+$0x0], $0xffff  }
0x152: {  	v25 =	vand.u32 $0x7F, v25;
	v27 =	vor.u32 $0x13, v1  }
0x153: {  	v25 =	vor.u32 v25, v26;
	_ =	sdelay $0x3  }
0x154: {  	[tilespmem:v27+s9+$0x0] =	vst.idx.msk $0xffff, v24  }
0x155: {  	v24 =	vld.idx.msk [tilespmem:v25+s23+$0x0], $0xffff  }
0x156: {  	v22 =	vand.u32 $0x7F, v22;
	v25 =	vor.u32 $0x14, v1  }
0x157: {  	v22 =	vor.u32 v22, v23;
	_ =	sdelay $0x3  }
0x158: {  	[tilespmem:v25+s9+$0x0] =	vst.idx.msk $0xffff, v24  }
0x159: {  	v22 =	vld.idx.msk [tilespmem:v22+s23+$0x0], $0xffff  }
0x15a: {  	v23 =	vor.u32 $0x15, v1;
	v19 =	vand.u32 $0x7F, v19  }
0x15b: {  	v19 =	vor.u32 v19, v21;
	_ =	sdelay $0x3  }
0x15c: {  	[tilespmem:v23+s9+$0x0] =	vst.idx.msk $0xffff, v22  }
0x15d: {  	v19 =	vld.idx.msk [tilespmem:v19+s23+$0x0], $0xffff  }
0x15e: {  	v21 =	vor.u32 $0x16, v1;
	v18 =	vand.u32 $0x7F, v18  }
0x15f: {  	v18 =	vor.u32 v18, v20;
	_ =	sdelay $0x3  }
0x160: {  	[tilespmem:v21+s9+$0x0] =	vst.idx.msk $0xffff, v19  }
0x161: {  	v18 =	vld.idx.msk [tilespmem:v18+s23+$0x0], $0xffff  }
0x162: {  	v15 =	vand.u32 $0x7F, v15;
	v19 =	vor.u32 $0x17, v1  }
0x163: {  	v15 =	vor.u32 v15, v17;
	_ =	sdelay $0x3  }
0x164: {  	[tilespmem:v19+s9+$0x0] =	vst.idx.msk $0xffff, v18  }
0x165: {  	v15 =	vld.idx.msk [tilespmem:v15+s23+$0x0], $0xffff  }
0x166: {  	v12 =	vand.u32 $0x7F, v12;
	v17 =	vor.u32 $0x18, v1  }
0x167: {  	v12 =	vor.u32 v12, v16;
	_ =	sdelay $0x3  }
0x168: {  	[tilespmem:v17+s9+$0x0] =	vst.idx.msk $0xffff, v15  }
0x169: {  	v12 =	vld.idx.msk [tilespmem:v12+s23+$0x0], $0xffff  }
0x16a: {  	v13 =	vand.u32 $0x7F, v13;
	v15 =	vor.u32 $0x19, v1  }
0x16b: {  	v13 =	vor.u32 v13, v14;
	_ =	sdelay $0x3  }
0x16c: {  	[tilespmem:v15+s9+$0x0] =	vst.idx.msk $0xffff, v12  }
0x16d: {  	v12 =	vld.idx.msk [tilespmem:v13+s23+$0x0], $0xffff  }
0x16e: {  	v10 =	vand.u32 $0x7F, v10;
	v13 =	vor.u32 $0x1A, v1  }
0x16f: {  	v10 =	vor.u32 v10, v11;
	_ =	sdelay $0x3  }
0x170: {  	[tilespmem:v13+s9+$0x0] =	vst.idx.msk $0xffff, v12  }
0x171: {  	v10 =	vld.idx.msk [tilespmem:v10+s23+$0x0], $0xffff  }
0x172: {  	v7 =	vand.u32 $0x7F, v7;
	v11 =	vor.u32 $0x1B, v1  }
0x173: {  	v7 =	vor.u32 v7, v9;
	_ =	sdelay $0x3  }
0x174: {  	[tilespmem:v11+s9+$0x0] =	vst.idx.msk $0xffff, v10  }
0x175: {  	v7 =	vld.idx.msk [tilespmem:v7+s23+$0x0], $0xffff  }
0x176: {  	v9 =	vor.u32 $0x1C, v1;
	v6 =	vand.u32 $0x7F, v6  }
0x177: {  	v6 =	vor.u32 v6, v8;
	_ =	sdelay $0x3  }
0x178: {  	[tilespmem:v9+s9+$0x0] =	vst.idx.msk $0xffff, v7  }
0x179: {  	v6 =	vld.idx.msk [tilespmem:v6+s23+$0x0], $0xffff  }
0x17a: {  	v3 =	vand.u32 $0x7F, v3;
	v7 =	vor.u32 $0x1D, v1  }
0x17b: {  	v3 =	vor.u32 v3, v5;
	_ =	sdelay $0x3  }
0x17c: {  	[tilespmem:v7+s9+$0x0] =	vst.idx.msk $0xffff, v6  }
0x17d: {  	v3 =	vld.idx.msk [tilespmem:v3+s23+$0x0], $0xffff  }
0x17e: {  	v2 =	vand.u32 $0x7F, v2;
	v5 =	vor.u32 $0x1E, v1  }
0x17f: {  	v2 =	vor.u32 v2, v4;
	_ =	sdelay $0x1  }
.Ltmp0:
0x180: {  	(pc) =	sbr.rel @p0 .LBB2_2-.Ltmp0, $4  }
0x181: {  	_ = 	snop  }
0x182: {  	[tilespmem:v5+s9+$0x0] =	vst.idx.msk $0xffff, v3  }
0x183: {  	v2 =	vld.idx.msk [tilespmem:v2+s23+$0x0], $0xffff  }
0x184: {  	v1 =	vor.u32 $0x1F, v1  }
0x185: {  	_ =	sdelay $0x3  }
0x186: {  	s16 =	simm.s32 $0x0;
	s8 =	rddreg [dreg:$0x6];
	[tilespmem:v1+s9+$0x0] =	vst.idx.msk $0xffff, v2  }
0x187: {  	[hbm4b:s8+s16] =	stream.linear.scatter [tilespmem:s9], [sflag:$0x5], $0x6400, $0x38;
	[tilespmem:$0x1A600] =	vst v63  }
0x188: {  	_ =	swait.ge [sflag:s20], $0xC8  }
0x189: {  	[sflag:s20] =	ssyncset.done $0x0  }
0x18a: {  	[sflag:s20] =	ssyncadd.s32 $0xFFFFFF38  }
0x18b: {  	v1 =	vld [tilespmem:$0x0];
	_ =	sdelay $0x1  }
0x18c: {  	v2 =	vld [tilespmem:$0x10];
	_ =	sdelay $0x1  }
0x18d: {  	v3 =	vld [tilespmem:$0x20]  }
0x18e: {  	v4 =	vshrl.u32 v1, $0x2;
	v1 =	vshll.u32 v1, $0x5  }
0x18f: {  	v11 =	vld [tilespmem:$0x30];
	[tilespmem:$0x200] =	vst v4;
	v1 =	vand.u32 $0x60, v1  }
0x190: {  	[tilespmem:$0x400] =	vst v1;
	v1 =	vshrl.u32 v2, $0x2;
	v2 =	vshll.u32 v2, $0x5  }
0x191: {  	[tilespmem:$0x210] =	vst v1;
	v1 =	vand.u32 $0x60, v2;
	v2 =	vld [tilespmem:$0x40]  }
0x192: {  	[tilespmem:$0x410] =	vst v1;
	v1 =	vshrl.u32 v3, $0x2;
	v3 =	vshll.u32 v3, $0x5  }
0x193: {  	[tilespmem:$0x220] =	vst v1;
	v1 =	vand.u32 $0x60, v3;
	v3 =	vld [tilespmem:$0x50]  }
0x194: {  	v4 =	vshll.u32 v11, $0x5;
	[tilespmem:$0x420] =	vst v1;
	v1 =	vshrl.u32 v11, $0x2  }
0x195: {  	v12 =	vld [tilespmem:$0x60];
	[tilespmem:$0x230] =	vst v1;
	v1 =	vand.u32 $0x60, v4  }
0x196: {  	[tilespmem:$0x430] =	vst v1;
	v1 =	vshrl.u32 v2, $0x2;
	v2 =	vshll.u32 v2, $0x5  }
0x197: {  	[tilespmem:$0x240] =	vst v1;
	v1 =	vand.u32 $0x60, v2;
	v2 =	vld [tilespmem:$0x70]  }
0x198: {  	[tilespmem:$0x440] =	vst v1;
	v1 =	vshrl.u32 v3, $0x2;
	v3 =	vshll.u32 v3, $0x5  }
0x199: {  	[tilespmem:$0x250] =	vst v1;
	v1 =	vand.u32 $0x60, v3;
	v3 =	vld [tilespmem:$0x80]  }
0x19a: {  	v4 =	vshll.u32 v12, $0x5;
	[tilespmem:$0x450] =	vst v1;
	v1 =	vshrl.u32 v12, $0x2  }
0x19b: {  	v13 =	vld [tilespmem:$0x90];
	[tilespmem:$0x260] =	vst v1;
	v1 =	vand.u32 $0x60, v4  }
0x19c: {  	[tilespmem:$0x460] =	vst v1;
	v1 =	vshrl.u32 v2, $0x2;
	v2 =	vshll.u32 v2, $0x5  }
0x19d: {  	[tilespmem:$0x270] =	vst v1;
	v1 =	vand.u32 $0x60, v2;
	v2 =	vld [tilespmem:$0xA0]  }
0x19e: {  	[tilespmem:$0x470] =	vst v1;
	v1 =	vshrl.u32 v3, $0x2;
	v3 =	vshll.u32 v3, $0x5  }
0x19f: {  	[tilespmem:$0x280] =	vst v1;
	v1 =	vand.u32 $0x60, v3;
	v3 =	vld [tilespmem:$0xB0]  }
0x1a0: {  	v4 =	vshll.u32 v13, $0x5;
	[tilespmem:$0x480] =	vst v1;
	v1 =	vshrl.u32 v13, $0x2  }
0x1a1: {  	v14 =	vld [tilespmem:$0xC0];
	[tilespmem:$0x290] =	vst v1;
	v1 =	vand.u32 $0x60, v4  }
0x1a2: {  	[tilespmem:$0x490] =	vst v1;
	v1 =	vshrl.u32 v2, $0x2;
	v2 =	vshll.u32 v2, $0x5  }
0x1a3: {  	[tilespmem:$0x2A0] =	vst v1;
	v1 =	vand.u32 $0x60, v2  }
0x1a4: {  	[tilespmem:$0x4A0] =	vst v1;
	v1 =	vshrl.u32 v3, $0x2;
	v2 =	vshll.u32 v3, $0x5  }
0x1a5: {  	[tilespmem:$0x2B0] =	vst v1;
	v1 =	vand.u32 $0x60, v2  }
0x1a6: {  	v2 =	vshll.u32 v14, $0x5;
	[tilespmem:$0x4B0] =	vst v1;
	v1 =	vshrl.u32 v14, $0x2  }
0x1a7: {  	[tilespmem:$0x2C0] =	vst v1;
	v1 =	vand.u32 $0x60, v2  }
0x1a8: {  	s19 =	simm.s32 $0x200;
	[tilespmem:$0x4C0] =	vst v1  }
0x1a9: {  	[tilespmem:s23], [sflag:$0x3] =	stream.indirect.gather [hbm4b:s6+s21], $0x80, s19, s21, $0xb8;
	[tilespmem:$0x1A600] =	vst v63  }
0x1aa: {  	_ = 	snop  }
0x1ab: {  	[tilespmem:s26], [sflag:$0x3] =	stream.indirect.gather [hbm4b:s6+s24], $0x80, s25, s24, $0xb8;
	[tilespmem:$0x1A600] =	vst v63  }
0x1ac: {  	s17 =	simm.s32 $0x100;
	s22 =	rddreg [dreg:$0x7]  }
0x1ad: {  	[tilespmem:s17], [sflag:$0x2] =	stream.linear.gather [hbm4b:s22+s16], $0xC8, $0x38;
	[tilespmem:$0x1A600] =	vst v63  }
0x1ae: {  	_ =	swait.ge [sflag:s10], $0x6400  }
0x1af: {  	[sflag:s10] =	ssyncset.done $0x0  }
0x1b0: {  	s8 =	simm.s32 $0x500;
	[sflag:s10] =	ssyncadd.s32 $0xFFFF9C00  }
0x1b1: {  	v2 =	vld [tilespmem:s8+$0x0];
	_ =	sdelay $0x2  }
0x1b2: {  	v1 =	vmov s16  }
0x1b3: {  	v1 =	vshll.u32 v1, $0x7  }
0x1b4: {  	v1 =	vor.u32 v0, v1;
	v3 =	vand.u32 $0xFFFFFF80, v2  }
0x1b5: {  	v15 =	vand.u32 $0x7F, v2;
	v3 =	vadd.s32 v1, v3  }
0x1b6: {  	v3 =	vor.u32 v15, v3;
	_ =	sdelay $0x2  }
0x1b7: {  	v16 =	vadd.s32 $0x1, v2  }
0x1b8: {  	v5 =	vand.u32 $0xFFFFFF80, v16  }
0x1b9: {  	v4 =	vand.u32 $0x7F, v16;
	v5 =	vadd.s32 v1, v5;
	v3 =	vld.idx.msk [tilespmem:v3+s30+$0x0], $0xffff  }
0x1ba: {  	v4 =	vor.u32 v4, v5;
	_ =	sdelay $0x2  }
0x1bb: {  	v17 =	vadd.s32 $0x2, v2  }
0x1bc: {  	v6 =	vand.u32 $0xFFFFFF80, v17;
	[tilespmem:v1+s11+$0x0] =	vst.idx.msk $0xffff, v3  }
0x1bd: {  	v18 =	vor.u32 $0x1, v1;
	v5 =	vand.u32 $0x7F, v17;
	v3 =	vadd.s32 v1, v6;
	v4 =	vld.idx.msk [tilespmem:v4+s30+$0x0], $0xffff  }
0x1be: {  	v3 =	vor.u32 v5, v3;
	_ =	sdelay $0x2  }
0x1bf: {  	v19 =	vadd.s32 $0x3, v2  }
0x1c0: {  	v7 =	vand.u32 $0xFFFFFF80, v19;
	[tilespmem:v18+s11+$0x0] =	vst.idx.msk $0xffff, v4  }
0x1c1: {  	v21 =	vor.u32 $0x2, v1;
	v20 =	vadd.s32 v1, v7;
	v5 =	vand.u32 $0x7F, v19;
	v3 =	vld.idx.msk [tilespmem:v3+s30+$0x0], $0xffff  }
0x1c2: {  	v4 =	vor.u32 v5, v20;
	_ =	sdelay $0x2  }
0x1c3: {  	v22 =	vadd.s32 $0x4, v2  }
0x1c4: {  	v23 =	vand.u32 $0xFFFFFF80, v22;
	[tilespmem:v21+s11+$0x0] =	vst.idx.msk $0xffff, v3  }
0x1c5: {  	v24 =	vor.u32 $0x3, v1;
	v5 =	vand.u32 $0x7F, v22;
	v3 =	vadd.s32 v1, v23;
	v4 =	vld.idx.msk [tilespmem:v4+s30+$0x0], $0xffff  }
0x1c6: {  	v3 =	vor.u32 v5, v3;
	_ =	sdelay $0x2  }
0x1c7: {  	v25 =	vadd.s32 $0x5, v2  }
0x1c8: {  	v26 =	vand.u32 $0xFFFFFF80, v25;
	[tilespmem:v24+s11+$0x0] =	vst.idx.msk $0xffff, v4  }
0x1c9: {  	v28 =	vor.u32 $0x4, v1;
	v27 =	vadd.s32 v1, v26;
	v5 =	vand.u32 $0x7F, v25;
	v3 =	vld.idx.msk [tilespmem:v3+s30+$0x0], $0xffff  }
0x1ca: {  	v4 =	vor.u32 v5, v27;
	_ =	sdelay $0x2  }
0x1cb: {  	v29 =	vadd.s32 $0x6, v2  }
0x1cc: {  	v30 =	vand.u32 $0xFFFFFF80, v29;
	[tilespmem:v28+s11+$0x0] =	vst.idx.msk $0xffff, v3  }
0x1cd: {  	v31 =	vor.u32 $0x5, v1;
	v5 =	vand.u32 $0x7F, v29;
	v3 =	vadd.s32 v1, v30;
	v4 =	vld.idx.msk [tilespmem:v4+s30+$0x0], $0xffff  }
0x1ce: {  	v3 =	vor.u32 v5, v3;
	_ =	sdelay $0x2  }
0x1cf: {  	v32 =	vadd.s32 $0x7, v2  }
0x1d0: {  	v33 =	vand.u32 $0xFFFFFF80, v32;
	[tilespmem:v31+s11+$0x0] =	vst.idx.msk $0xffff, v4  }
0x1d1: {  	v35 =	vor.u32 $0x6, v1;
	v34 =	vadd.s32 v1, v33;
	v5 =	vand.u32 $0x7F, v32;
	v3 =	vld.idx.msk [tilespmem:v3+s30+$0x0], $0xffff  }
0x1d2: {  	v4 =	vor.u32 v5, v34;
	_ =	sdelay $0x2  }
0x1d3: {  	v36 =	vadd.s32 $0x8, v2  }
0x1d4: {  	v37 =	vand.u32 $0xFFFFFF80, v36;
	[tilespmem:v35+s11+$0x0] =	vst.idx.msk $0xffff, v3  }
0x1d5: {  	v38 =	vor.u32 $0x7, v1;
	v5 =	vand.u32 $0x7F, v36;
	v3 =	vadd.s32 v1, v37;
	v4 =	vld.idx.msk [tilespmem:v4+s30+$0x0], $0xffff  }
0x1d6: {  	v3 =	vor.u32 v5, v3;
	_ =	sdelay $0x2  }
0x1d7: {  	v39 =	vadd.s32 $0x9, v2  }
0x1d8: {  	v40 =	vand.u32 $0xFFFFFF80, v39;
	[tilespmem:v38+s11+$0x0] =	vst.idx.msk $0xffff, v4  }
0x1d9: {  	v42 =	vor.u32 $0x8, v1;
	v41 =	vadd.s32 v1, v40;
	v5 =	vand.u32 $0x7F, v39;
	v3 =	vld.idx.msk [tilespmem:v3+s30+$0x0], $0xffff  }
0x1da: {  	v4 =	vor.u32 v5, v41;
	_ =	sdelay $0x2  }
0x1db: {  	v43 =	vadd.s32 $0xA, v2  }
0x1dc: {  	v44 =	vand.u32 $0xFFFFFF80, v43;
	[tilespmem:v42+s11+$0x0] =	vst.idx.msk $0xffff, v3  }
0x1dd: {  	v45 =	vor.u32 $0x9, v1;
	v5 =	vand.u32 $0x7F, v43;
	v3 =	vadd.s32 v1, v44;
	v4 =	vld.idx.msk [tilespmem:v4+s30+$0x0], $0xffff  }
0x1de: {  	v3 =	vor.u32 v5, v3;
	_ =	sdelay $0x2  }
0x1df: {  	v46 =	vadd.s32 $0xB, v2  }
0x1e0: {  	v47 =	vand.u32 $0xFFFFFF80, v46;
	[tilespmem:v45+s11+$0x0] =	vst.idx.msk $0xffff, v4  }
0x1e1: {  	v49 =	vor.u32 $0xA, v1;
	v48 =	vadd.s32 v1, v47;
	v5 =	vand.u32 $0x7F, v46;
	v3 =	vld.idx.msk [tilespmem:v3+s30+$0x0], $0xffff  }
0x1e2: {  	v4 =	vor.u32 v5, v48;
	_ =	sdelay $0x2  }
0x1e3: {  	v50 =	vadd.s32 $0xC, v2  }
0x1e4: {  	v51 =	vand.u32 $0xFFFFFF80, v50;
	[tilespmem:v49+s11+$0x0] =	vst.idx.msk $0xffff, v3  }
0x1e5: {  	v52 =	vor.u32 $0xB, v1;
	v5 =	vand.u32 $0x7F, v50;
	v3 =	vadd.s32 v1, v51;
	v4 =	vld.idx.msk [tilespmem:v4+s30+$0x0], $0xffff  }
0x1e6: {  	v3 =	vor.u32 v5, v3;
	_ =	sdelay $0x2  }
0x1e7: {  	v53 =	vadd.s32 $0xD, v2  }
0x1e8: {  	v54 =	vand.u32 $0xFFFFFF80, v53;
	[tilespmem:v52+s11+$0x0] =	vst.idx.msk $0xffff, v4  }
0x1e9: {  	v56 =	vor.u32 $0xC, v1;
	v55 =	vadd.s32 v1, v54;
	v5 =	vand.u32 $0x7F, v53;
	v3 =	vld.idx.msk [tilespmem:v3+s30+$0x0], $0xffff  }
0x1ea: {  	v4 =	vor.u32 v5, v55;
	_ =	sdelay $0x2  }
0x1eb: {  	v57 =	vadd.s32 $0xE, v2  }
0x1ec: {  	v58 =	vand.u32 $0xFFFFFF80, v57;
	[tilespmem:v56+s11+$0x0] =	vst.idx.msk $0xffff, v3  }
0x1ed: {  	v59 =	vor.u32 $0xD, v1;
	v5 =	vand.u32 $0x7F, v57;
	v3 =	vadd.s32 v1, v58;
	v4 =	vld.idx.msk [tilespmem:v4+s30+$0x0], $0xffff  }
0x1ee: {  	v3 =	vor.u32 v5, v3;
	_ =	sdelay $0x2  }
0x1ef: {  	v60 =	vadd.s32 $0xF, v2  }
0x1f0: {  	v61 =	vand.u32 $0xFFFFFF80, v60;
	[tilespmem:v59+s11+$0x0] =	vst.idx.msk $0xffff, v4  }
0x1f1: {  	v63 =	vor.u32 $0xE, v1;
	v62 =	vadd.s32 v1, v61;
	v5 =	vand.u32 $0x7F, v60;
	v3 =	vld.idx.msk [tilespmem:v3+s30+$0x0], $0xffff  }
0x1f2: {  	v4 =	vor.u32 v5, v62;
	_ =	sdelay $0x2  }
0x1f3: {  	v9 =	vadd.s32 $0x10, v2  }
0x1f4: {  	v10 =	vand.u32 $0xFFFFFF80, v9;
	[tilespmem:v63+s11+$0x0] =	vst.idx.msk $0xffff, v3  }
0x1f5: {  	v11 =	vor.u32 $0xF, v1;
	v5 =	vand.u32 $0x7F, v9;
	v3 =	vadd.s32 v1, v10;
	v4 =	vld.idx.msk [tilespmem:v4+s30+$0x0], $0xffff  }
0x1f6: {  	v3 =	vor.u32 v5, v3;
	_ =	sdelay $0x2  }
0x1f7: {  	v12 =	vadd.s32 $0x11, v2  }
0x1f8: {  	v13 =	vand.u32 $0xFFFFFF80, v12;
	[tilespmem:v11+s11+$0x0] =	vst.idx.msk $0xffff, v4  }
0x1f9: {  	v14 =	vadd.s32 v1, v13;
	v15 =	vor.u32 $0x10, v1;
	v5 =	vand.u32 $0x7F, v12;
	v3 =	vld.idx.msk [tilespmem:v3+s30+$0x0], $0xffff  }
0x1fa: {  	v4 =	vor.u32 v5, v14;
	_ =	sdelay $0x2  }
0x1fb: {  	v16 =	vadd.s32 $0x12, v2  }
0x1fc: {  	v17 =	vand.u32 $0xFFFFFF80, v16;
	[tilespmem:v15+s11+$0x0] =	vst.idx.msk $0xffff, v3  }
0x1fd: {  	v18 =	vor.u32 $0x11, v1;
	v5 =	vand.u32 $0x7F, v16;
	v3 =	vadd.s32 v1, v17;
	v4 =	vld.idx.msk [tilespmem:v4+s30+$0x0], $0xffff  }
0x1fe: {  	v3 =	vor.u32 v5, v3;
	_ =	sdelay $0x2  }
0x1ff: {  	v19 =	vadd.s32 $0x13, v2  }
0x200: {  	v20 =	vand.u32 $0xFFFFFF80, v19;
	[tilespmem:v18+s11+$0x0] =	vst.idx.msk $0xffff, v4  }
0x201: {  	v22 =	vor.u32 $0x12, v1;
	v21 =	vadd.s32 v1, v20;
	v5 =	vand.u32 $0x7F, v19;
	v3 =	vld.idx.msk [tilespmem:v3+s30+$0x0], $0xffff  }
0x202: {  	v4 =	vor.u32 v5, v21;
	_ =	sdelay $0x2  }
0x203: {  	v23 =	vadd.s32 $0x14, v2  }
0x204: {  	v24 =	vand.u32 $0xFFFFFF80, v23;
	[tilespmem:v22+s11+$0x0] =	vst.idx.msk $0xffff, v3  }
0x205: {  	v25 =	vor.u32 $0x13, v1;
	v5 =	vand.u32 $0x7F, v23;
	v3 =	vadd.s32 v1, v24;
	v4 =	vld.idx.msk [tilespmem:v4+s30+$0x0], $0xffff  }
0x206: {  	v3 =	vor.u32 v5, v3;
	_ =	sdelay $0x2  }
0x207: {  	v26 =	vadd.s32 $0x15, v2  }
0x208: {  	v27 =	vand.u32 $0xFFFFFF80, v26;
	[tilespmem:v25+s11+$0x0] =	vst.idx.msk $0xffff, v4  }
0x209: {  	v29 =	vor.u32 $0x14, v1;
	v28 =	vadd.s32 v1, v27;
	v5 =	vand.u32 $0x7F, v26;
	v3 =	vld.idx.msk [tilespmem:v3+s30+$0x0], $0xffff  }
0x20a: {  	v4 =	vor.u32 v5, v28;
	_ =	sdelay $0x2  }
0x20b: {  	v30 =	vadd.s32 $0x16, v2  }
0x20c: {  	v31 =	vand.u32 $0xFFFFFF80, v30;
	[tilespmem:v29+s11+$0x0] =	vst.idx.msk $0xffff, v3  }
0x20d: {  	v32 =	vor.u32 $0x15, v1;
	v5 =	vand.u32 $0x7F, v30;
	v3 =	vadd.s32 v1, v31;
	v4 =	vld.idx.msk [tilespmem:v4+s30+$0x0], $0xffff  }
0x20e: {  	v3 =	vor.u32 v5, v3;
	_ =	sdelay $0x2  }
0x20f: {  	v33 =	vadd.s32 $0x17, v2  }
0x210: {  	v34 =	vand.u32 $0xFFFFFF80, v33;
	[tilespmem:v32+s11+$0x0] =	vst.idx.msk $0xffff, v4  }
0x211: {  	v36 =	vor.u32 $0x16, v1;
	v35 =	vadd.s32 v1, v34;
	v5 =	vand.u32 $0x7F, v33;
	v3 =	vld.idx.msk [tilespmem:v3+s30+$0x0], $0xffff  }
0x212: {  	v4 =	vor.u32 v5, v35;
	_ =	sdelay $0x2  }
0x213: {  	v37 =	vadd.s32 $0x18, v2  }
0x214: {  	v38 =	vand.u32 $0xFFFFFF80, v37;
	[tilespmem:v36+s11+$0x0] =	vst.idx.msk $0xffff, v3  }
0x215: {  	v39 =	vor.u32 $0x17, v1;
	v5 =	vand.u32 $0x7F, v37;
	v3 =	vadd.s32 v1, v38;
	v4 =	vld.idx.msk [tilespmem:v4+s30+$0x0], $0xffff  }
0x216: {  	v3 =	vor.u32 v5, v3;
	_ =	sdelay $0x2  }
0x217: {  	v40 =	vadd.s32 $0x19, v2  }
0x218: {  	v41 =	vand.u32 $0xFFFFFF80, v40;
	[tilespmem:v39+s11+$0x0] =	vst.idx.msk $0xffff, v4  }
0x219: {  	v43 =	vor.u32 $0x18, v1;
	v42 =	vadd.s32 v1, v41;
	v5 =	vand.u32 $0x7F, v40;
	v3 =	vld.idx.msk [tilespmem:v3+s30+$0x0], $0xffff  }
0x21a: {  	v4 =	vor.u32 v5, v42;
	_ =	sdelay $0x2  }
0x21b: {  	v44 =	vadd.s32 $0x1A, v2  }
0x21c: {  	v45 =	vand.u32 $0xFFFFFF80, v44;
	[tilespmem:v43+s11+$0x0] =	vst.idx.msk $0xffff, v3  }
0x21d: {  	v46 =	vor.u32 $0x19, v1;
	v5 =	vand.u32 $0x7F, v44;
	v3 =	vadd.s32 v1, v45;
	v4 =	vld.idx.msk [tilespmem:v4+s30+$0x0], $0xffff  }
0x21e: {  	v3 =	vor.u32 v5, v3;
	_ =	sdelay $0x2  }
0x21f: {  	v47 =	vadd.s32 $0x1B, v2  }
0x220: {  	v48 =	vand.u32 $0xFFFFFF80, v47;
	[tilespmem:v46+s11+$0x0] =	vst.idx.msk $0xffff, v4  }
0x221: {  	v50 =	vor.u32 $0x1A, v1;
	v49 =	vadd.s32 v1, v48;
	v5 =	vand.u32 $0x7F, v47;
	v3 =	vld.idx.msk [tilespmem:v3+s30+$0x0], $0xffff  }
0x222: {  	v4 =	vor.u32 v5, v49;
	_ =	sdelay $0x2  }
0x223: {  	v51 =	vadd.s32 $0x1C, v2  }
0x224: {  	v52 =	vand.u32 $0xFFFFFF80, v51;
	[tilespmem:v50+s11+$0x0] =	vst.idx.msk $0xffff, v3  }
0x225: {  	v53 =	vor.u32 $0x1B, v1;
	v5 =	vand.u32 $0x7F, v51;
	v3 =	vadd.s32 v1, v52;
	v4 =	vld.idx.msk [tilespmem:v4+s30+$0x0], $0xffff  }
0x226: {  	v3 =	vor.u32 v5, v3;
	_ =	sdelay $0x2  }
0x227: {  	v54 =	vadd.s32 $0x1D, v2  }
0x228: {  	v55 =	vand.u32 $0xFFFFFF80, v54;
	[tilespmem:v53+s11+$0x0] =	vst.idx.msk $0xffff, v4  }
0x229: {  	v57 =	vor.u32 $0x1C, v1;
	v56 =	vadd.s32 v1, v55;
	v5 =	vand.u32 $0x7F, v54;
	v3 =	vld.idx.msk [tilespmem:v3+s30+$0x0], $0xffff  }
0x22a: {  	v4 =	vor.u32 v5, v56;
	_ =	sdelay $0x2  }
0x22b: {  	v58 =	vadd.s32 $0x1E, v2  }
0x22c: {  	v59 =	vand.u32 $0xFFFFFF80, v58;
	[tilespmem:v57+s11+$0x0] =	vst.idx.msk $0xffff, v3  }
0x22d: {  	v60 =	vor.u32 $0x1D, v1;
	v5 =	vand.u32 $0x7F, v58;
	v3 =	vadd.s32 v1, v59;
	v4 =	vld.idx.msk [tilespmem:v4+s30+$0x0], $0xffff  }
0x22e: {  	v3 =	vor.u32 v5, v3;
	_ =	sdelay $0x2  }
0x22f: {  	v2 =	vadd.s32 $0x1F, v2  }
0x230: {  	v61 =	vand.u32 $0xFFFFFF80, v2;
	[tilespmem:v60+s11+$0x0] =	vst.idx.msk $0xffff, v4  }
0x231: {  	v2 =	vand.u32 $0x7F, v2;
	v62 =	vadd.s32 v1, v61;
	v63 =	vor.u32 $0x1E, v1;
	v3 =	vld.idx.msk [tilespmem:v3+s30+$0x0], $0xffff  }
0x232: {  	v2 =	vor.u32 v2, v62;
	_ =	sdelay $0x3  }
0x233: {  	[tilespmem:v63+s11+$0x0] =	vst.idx.msk $0xffff, v3  }
0x234: {  	s16 =	simm.s32 $0x10;
	v1 =	vor.u32 $0x1F, v1;
	v2 =	vld.idx.msk [tilespmem:v2+s30+$0x0], $0xffff  }
.LBB2_4:
0x235: {  	_ =	sdelay $0x2  }
0x236: {  	p0 =	sne.s32 s16, $0xC0  }
0x237: {  	s8 =	sadd.s32 $0x10, s8;
	s17 =	smov.u32 s16;
	s16 =	sadd.s32 $0x10, s16;
	[tilespmem:v1+s11+$0x0] =	vst.idx.msk $0xffff, v2  }
0x238: {  	v2 =	vld [tilespmem:s8+$0x0];
	_ =	sdelay $0x2  }
0x239: {  	v1 =	vmov s17  }
0x23a: {  	v1 =	vshll.u32 v1, $0x7  }
0x23b: {  	v1 =	vor.u32 v0, v1;
	v3 =	vand.u32 $0xFFFFFF80, v2;
	v5 =	vadd.s32 $0x1, v2  }
0x23c: {  	v4 =	vand.u32 $0x7F, v2;
	v3 =	vadd.s32 v1, v3;
	v6 =	vand.u32 $0xFFFFFF80, v5  }
0x23d: {  	v7 =	vadd.s32 $0x2, v2;
	v3 =	vor.u32 v4, v3;
	v6 =	vadd.s32 v1, v6  }
0x23e: {  	v8 =	vadd.s32 $0x3, v2;
	v9 =	vadd.s32 $0x4, v2;
	v4 =	vand.u32 $0xFFFFFF80, v7  }
0x23f: {  	v11 =	vand.u32 $0xFFFFFF80, v9;
	v10 =	vadd.s32 v1, v4;
	v4 =	vand.u32 $0xFFFFFF80, v8  }
0x240: {  	v11 =	vadd.s32 v1, v11;
	v12 =	vadd.s32 v1, v4;
	v4 =	vadd.s32 $0x5, v2  }
0x241: {  	v52 =	vadd.s32 $0x6, v2;
	v48 =	vadd.s32 $0x7, v2;
	v13 =	vand.u32 $0xFFFFFF80, v4  }
0x242: {  	v14 =	vand.u32 $0xFFFFFF80, v48;
	v54 =	vadd.s32 v1, v13;
	v13 =	vand.u32 $0xFFFFFF80, v52;
	v3 =	vld.idx.msk [tilespmem:v3+s30+$0x0], $0xffff  }
0x243: {  	v5 =	vand.u32 $0x7F, v5;
	v51 =	vadd.s32 v1, v14;
	v53 =	vadd.s32 v1, v13  }
0x244: {  	v49 =	vadd.s32 $0x8, v2;
	v46 =	vadd.s32 $0x9, v2;
	v5 =	vor.u32 v5, v6  }
0x245: {  	v43 =	vadd.s32 $0xA, v2;
	v6 =	vand.u32 $0xFFFFFF80, v49;
	v13 =	vand.u32 $0xFFFFFF80, v46  }
0x246: {  	v50 =	vadd.s32 v1, v6;
	v6 =	vand.u32 $0xFFFFFF80, v43;
	v47 =	vadd.s32 v1, v13  }
0x247: {  	v42 =	vadd.s32 $0xB, v2;
	v39 =	vadd.s32 $0xC, v2;
	v45 =	vadd.s32 v1, v6  }
0x248: {  	v36 =	vadd.s32 $0xD, v2;
	v6 =	vand.u32 $0xFFFFFF80, v39;
	[tilespmem:v1+s11+$0x0] =	vst.idx.msk $0xffff, v3;
	v3 =	vand.u32 $0xFFFFFF80, v42  }
0x249: {  	v41 =	vadd.s32 v1, v6;
	v5 =	vld.idx.msk [tilespmem:v5+s30+$0x0], $0xffff;
	v44 =	vadd.s32 v1, v3;
	v3 =	vand.u32 $0xFFFFFF80, v36  }
0x24a: {  	v7 =	vand.u32 $0x7F, v7;
	v6 =	vor.u32 $0x1, v1;
	v40 =	vadd.s32 v1, v3  }
0x24b: {  	v37 =	vadd.s32 $0xE, v2;
	v34 =	vadd.s32 $0xF, v2;
	v3 =	vor.u32 v7, v10  }
0x24c: {  	v31 =	vadd.s32 $0x10, v2;
	v7 =	vand.u32 $0xFFFFFF80, v37;
	v10 =	vand.u32 $0xFFFFFF80, v34  }
0x24d: {  	v38 =	vadd.s32 v1, v7;
	v35 =	vadd.s32 v1, v10;
	v7 =	vand.u32 $0xFFFFFF80, v31  }
0x24e: {  	v30 =	vadd.s32 $0x11, v2;
	v27 =	vadd.s32 $0x12, v2;
	v33 =	vadd.s32 v1, v7  }
0x24f: {  	v24 =	vadd.s32 $0x13, v2;
	[tilespmem:v6+s11+$0x0] =	vst.idx.msk $0xffff, v5;
	v5 =	vand.u32 $0xFFFFFF80, v30;
	v6 =	vand.u32 $0xFFFFFF80, v27  }
0x250: {  	v3 =	vld.idx.msk [tilespmem:v3+s30+$0x0], $0xffff;
	v32 =	vadd.s32 v1, v5;
	v29 =	vadd.s32 v1, v6;
	v5 =	vand.u32 $0xFFFFFF80, v24  }
0x251: {  	v7 =	vand.u32 $0x7F, v8;
	v6 =	vor.u32 $0x2, v1;
	v28 =	vadd.s32 v1, v5  }
0x252: {  	v25 =	vadd.s32 $0x14, v2;
	v22 =	vadd.s32 $0x15, v2;
	v5 =	vor.u32 v7, v12  }
0x253: {  	v19 =	vadd.s32 $0x16, v2;
	v8 =	vand.u32 $0xFFFFFF80, v22;
	v7 =	vand.u32 $0xFFFFFF80, v25  }
0x254: {  	v23 =	vadd.s32 v1, v8;
	v26 =	vadd.s32 v1, v7;
	v7 =	vand.u32 $0xFFFFFF80, v19  }
0x255: {  	v18 =	vadd.s32 $0x17, v2;
	v15 =	vadd.s32 $0x18, v2;
	v21 =	vadd.s32 v1, v7  }
0x256: {  	v12 =	vadd.s32 $0x19, v2;
	[tilespmem:v6+s11+$0x0] =	vst.idx.msk $0xffff, v3;
	v3 =	vand.u32 $0xFFFFFF80, v18;
	v6 =	vand.u32 $0xFFFFFF80, v15  }
0x257: {  	v5 =	vld.idx.msk [tilespmem:v5+s30+$0x0], $0xffff;
	v20 =	vadd.s32 v1, v3;
	v17 =	vadd.s32 v1, v6;
	v3 =	vand.u32 $0xFFFFFF80, v12  }
0x258: {  	v8 =	vor.u32 $0x3, v1;
	v6 =	vand.u32 $0x7F, v9;
	v16 =	vadd.s32 v1, v3  }
0x259: {  	v13 =	vadd.s32 $0x1A, v2;
	v10 =	vadd.s32 $0x1B, v2;
	v55 =	vor.u32 v6, v11  }
0x25a: {  	v7 =	vadd.s32 $0x1C, v2;
	v3 =	vand.u32 $0xFFFFFF80, v13;
	v6 =	vand.u32 $0xFFFFFF80, v10  }
0x25b: {  	v14 =	vadd.s32 v1, v3;
	v11 =	vadd.s32 v1, v6;
	v3 =	vand.u32 $0xFFFFFF80, v7  }
0x25c: {  	v6 =	vadd.s32 $0x1D, v2;
	v9 =	vadd.s32 v1, v3;
	v3 =	vadd.s32 $0x1E, v2  }
0x25d: {  	v2 =	vadd.s32 $0x1F, v2;
	v56 =	vand.u32 $0xFFFFFF80, v3;
	[tilespmem:v8+s11+$0x0] =	vst.idx.msk $0xffff, v5;
	v5 =	vand.u32 $0xFFFFFF80, v6  }
0x25e: {  	v55 =	vld.idx.msk [tilespmem:v55+s30+$0x0], $0xffff;
	v8 =	vadd.s32 v1, v5;
	v5 =	vadd.s32 v1, v56;
	v56 =	vand.u32 $0xFFFFFF80, v2  }
0x25f: {  	v57 =	vor.u32 $0x4, v1;
	v58 =	vand.u32 $0x7F, v4;
	v4 =	vadd.s32 v1, v56  }
0x260: {  	v54 =	vor.u32 v58, v54;
	_ =	sdelay $0x3  }
0x261: {  	[tilespmem:v57+s11+$0x0] =	vst.idx.msk $0xffff, v55  }
0x262: {  	v54 =	vld.idx.msk [tilespmem:v54+s30+$0x0], $0xffff  }
0x263: {  	v52 =	vand.u32 $0x7F, v52;
	v55 =	vor.u32 $0x5, v1  }
0x264: {  	v52 =	vor.u32 v52, v53;
	_ =	sdelay $0x3  }
0x265: {  	[tilespmem:v55+s11+$0x0] =	vst.idx.msk $0xffff, v54  }
0x266: {  	v52 =	vld.idx.msk [tilespmem:v52+s30+$0x0], $0xffff  }
0x267: {  	v48 =	vand.u32 $0x7F, v48;
	v53 =	vor.u32 $0x6, v1  }
0x268: {  	v48 =	vor.u32 v48, v51;
	_ =	sdelay $0x3  }
0x269: {  	[tilespmem:v53+s11+$0x0] =	vst.idx.msk $0xffff, v52  }
0x26a: {  	v48 =	vld.idx.msk [tilespmem:v48+s30+$0x0], $0xffff  }
0x26b: {  	v51 =	vor.u32 $0x7, v1;
	v49 =	vand.u32 $0x7F, v49  }
0x26c: {  	v49 =	vor.u32 v49, v50;
	_ =	sdelay $0x3  }
0x26d: {  	[tilespmem:v51+s11+$0x0] =	vst.idx.msk $0xffff, v48  }
0x26e: {  	v48 =	vld.idx.msk [tilespmem:v49+s30+$0x0], $0xffff  }
0x26f: {  	v46 =	vand.u32 $0x7F, v46;
	v49 =	vor.u32 $0x8, v1  }
0x270: {  	v46 =	vor.u32 v46, v47;
	_ =	sdelay $0x3  }
0x271: {  	[tilespmem:v49+s11+$0x0] =	vst.idx.msk $0xffff, v48  }
0x272: {  	v46 =	vld.idx.msk [tilespmem:v46+s30+$0x0], $0xffff  }
0x273: {  	v43 =	vand.u32 $0x7F, v43;
	v47 =	vor.u32 $0x9, v1  }
0x274: {  	v43 =	vor.u32 v43, v45;
	_ =	sdelay $0x3  }
0x275: {  	[tilespmem:v47+s11+$0x0] =	vst.idx.msk $0xffff, v46  }
0x276: {  	v43 =	vld.idx.msk [tilespmem:v43+s30+$0x0], $0xffff  }
0x277: {  	v45 =	vor.u32 $0xA, v1;
	v42 =	vand.u32 $0x7F, v42  }
0x278: {  	v42 =	vor.u32 v42, v44;
	_ =	sdelay $0x3  }
0x279: {  	[tilespmem:v45+s11+$0x0] =	vst.idx.msk $0xffff, v43  }
0x27a: {  	v42 =	vld.idx.msk [tilespmem:v42+s30+$0x0], $0xffff  }
0x27b: {  	v39 =	vand.u32 $0x7F, v39;
	v43 =	vor.u32 $0xB, v1  }
0x27c: {  	v39 =	vor.u32 v39, v41;
	_ =	sdelay $0x3  }
0x27d: {  	[tilespmem:v43+s11+$0x0] =	vst.idx.msk $0xffff, v42  }
0x27e: {  	v39 =	vld.idx.msk [tilespmem:v39+s30+$0x0], $0xffff  }
0x27f: {  	v41 =	vor.u32 $0xC, v1;
	v36 =	vand.u32 $0x7F, v36  }
0x280: {  	v36 =	vor.u32 v36, v40;
	_ =	sdelay $0x3  }
0x281: {  	[tilespmem:v41+s11+$0x0] =	vst.idx.msk $0xffff, v39  }
0x282: {  	v36 =	vld.idx.msk [tilespmem:v36+s30+$0x0], $0xffff  }
0x283: {  	v37 =	vand.u32 $0x7F, v37;
	v39 =	vor.u32 $0xD, v1  }
0x284: {  	v37 =	vor.u32 v37, v38;
	_ =	sdelay $0x3  }
0x285: {  	[tilespmem:v39+s11+$0x0] =	vst.idx.msk $0xffff, v36  }
0x286: {  	v36 =	vld.idx.msk [tilespmem:v37+s30+$0x0], $0xffff  }
0x287: {  	v34 =	vand.u32 $0x7F, v34;
	v37 =	vor.u32 $0xE, v1  }
0x288: {  	v34 =	vor.u32 v34, v35;
	_ =	sdelay $0x3  }
0x289: {  	[tilespmem:v37+s11+$0x0] =	vst.idx.msk $0xffff, v36  }
0x28a: {  	v34 =	vld.idx.msk [tilespmem:v34+s30+$0x0], $0xffff  }
0x28b: {  	v31 =	vand.u32 $0x7F, v31;
	v35 =	vor.u32 $0xF, v1  }
0x28c: {  	v31 =	vor.u32 v31, v33;
	_ =	sdelay $0x3  }
0x28d: {  	[tilespmem:v35+s11+$0x0] =	vst.idx.msk $0xffff, v34  }
0x28e: {  	v31 =	vld.idx.msk [tilespmem:v31+s30+$0x0], $0xffff  }
0x28f: {  	v33 =	vor.u32 $0x10, v1;
	v30 =	vand.u32 $0x7F, v30  }
0x290: {  	v30 =	vor.u32 v30, v32;
	_ =	sdelay $0x3  }
0x291: {  	[tilespmem:v33+s11+$0x0] =	vst.idx.msk $0xffff, v31  }
0x292: {  	v30 =	vld.idx.msk [tilespmem:v30+s30+$0x0], $0xffff  }
0x293: {  	v27 =	vand.u32 $0x7F, v27;
	v31 =	vor.u32 $0x11, v1  }
0x294: {  	v27 =	vor.u32 v27, v29;
	_ =	sdelay $0x3  }
0x295: {  	[tilespmem:v31+s11+$0x0] =	vst.idx.msk $0xffff, v30  }
0x296: {  	v27 =	vld.idx.msk [tilespmem:v27+s30+$0x0], $0xffff  }
0x297: {  	v24 =	vand.u32 $0x7F, v24;
	v29 =	vor.u32 $0x12, v1  }
0x298: {  	v24 =	vor.u32 v24, v28;
	_ =	sdelay $0x3  }
0x299: {  	[tilespmem:v29+s11+$0x0] =	vst.idx.msk $0xffff, v27  }
0x29a: {  	v24 =	vld.idx.msk [tilespmem:v24+s30+$0x0], $0xffff  }
0x29b: {  	v25 =	vand.u32 $0x7F, v25;
	v27 =	vor.u32 $0x13, v1  }
0x29c: {  	v25 =	vor.u32 v25, v26;
	_ =	sdelay $0x3  }
0x29d: {  	[tilespmem:v27+s11+$0x0] =	vst.idx.msk $0xffff, v24  }
0x29e: {  	v24 =	vld.idx.msk [tilespmem:v25+s30+$0x0], $0xffff  }
0x29f: {  	v22 =	vand.u32 $0x7F, v22;
	v25 =	vor.u32 $0x14, v1  }
0x2a0: {  	v22 =	vor.u32 v22, v23;
	_ =	sdelay $0x3  }
0x2a1: {  	[tilespmem:v25+s11+$0x0] =	vst.idx.msk $0xffff, v24  }
0x2a2: {  	v22 =	vld.idx.msk [tilespmem:v22+s30+$0x0], $0xffff  }
0x2a3: {  	v23 =	vor.u32 $0x15, v1;
	v19 =	vand.u32 $0x7F, v19  }
0x2a4: {  	v19 =	vor.u32 v19, v21;
	_ =	sdelay $0x3  }
0x2a5: {  	[tilespmem:v23+s11+$0x0] =	vst.idx.msk $0xffff, v22  }
0x2a6: {  	v19 =	vld.idx.msk [tilespmem:v19+s30+$0x0], $0xffff  }
0x2a7: {  	v21 =	vor.u32 $0x16, v1;
	v18 =	vand.u32 $0x7F, v18  }
0x2a8: {  	v18 =	vor.u32 v18, v20;
	_ =	sdelay $0x3  }
0x2a9: {  	[tilespmem:v21+s11+$0x0] =	vst.idx.msk $0xffff, v19  }
0x2aa: {  	v18 =	vld.idx.msk [tilespmem:v18+s30+$0x0], $0xffff  }
0x2ab: {  	v15 =	vand.u32 $0x7F, v15;
	v19 =	vor.u32 $0x17, v1  }
0x2ac: {  	v15 =	vor.u32 v15, v17;
	_ =	sdelay $0x3  }
0x2ad: {  	[tilespmem:v19+s11+$0x0] =	vst.idx.msk $0xffff, v18  }
0x2ae: {  	v15 =	vld.idx.msk [tilespmem:v15+s30+$0x0], $0xffff  }
0x2af: {  	v12 =	vand.u32 $0x7F, v12;
	v17 =	vor.u32 $0x18, v1  }
0x2b0: {  	v12 =	vor.u32 v12, v16;
	_ =	sdelay $0x3  }
0x2b1: {  	[tilespmem:v17+s11+$0x0] =	vst.idx.msk $0xffff, v15  }
0x2b2: {  	v12 =	vld.idx.msk [tilespmem:v12+s30+$0x0], $0xffff  }
0x2b3: {  	v13 =	vand.u32 $0x7F, v13;
	v15 =	vor.u32 $0x19, v1  }
0x2b4: {  	v13 =	vor.u32 v13, v14;
	_ =	sdelay $0x3  }
0x2b5: {  	[tilespmem:v15+s11+$0x0] =	vst.idx.msk $0xffff, v12  }
0x2b6: {  	v12 =	vld.idx.msk [tilespmem:v13+s30+$0x0], $0xffff  }
0x2b7: {  	v10 =	vand.u32 $0x7F, v10;
	v13 =	vor.u32 $0x1A, v1  }
0x2b8: {  	v10 =	vor.u32 v10, v11;
	_ =	sdelay $0x3  }
0x2b9: {  	[tilespmem:v13+s11+$0x0] =	vst.idx.msk $0xffff, v12  }
0x2ba: {  	v10 =	vld.idx.msk [tilespmem:v10+s30+$0x0], $0xffff  }
0x2bb: {  	v7 =	vand.u32 $0x7F, v7;
	v11 =	vor.u32 $0x1B, v1  }
0x2bc: {  	v7 =	vor.u32 v7, v9;
	_ =	sdelay $0x3  }
0x2bd: {  	[tilespmem:v11+s11+$0x0] =	vst.idx.msk $0xffff, v10  }
0x2be: {  	v7 =	vld.idx.msk [tilespmem:v7+s30+$0x0], $0xffff  }
0x2bf: {  	v9 =	vor.u32 $0x1C, v1;
	v6 =	vand.u32 $0x7F, v6  }
0x2c0: {  	v6 =	vor.u32 v6, v8;
	_ =	sdelay $0x3  }
0x2c1: {  	[tilespmem:v9+s11+$0x0] =	vst.idx.msk $0xffff, v7  }
0x2c2: {  	v6 =	vld.idx.msk [tilespmem:v6+s30+$0x0], $0xffff  }
0x2c3: {  	v3 =	vand.u32 $0x7F, v3;
	v7 =	vor.u32 $0x1D, v1  }
0x2c4: {  	v3 =	vor.u32 v3, v5;
	_ =	sdelay $0x3  }
0x2c5: {  	[tilespmem:v7+s11+$0x0] =	vst.idx.msk $0xffff, v6  }
0x2c6: {  	v3 =	vld.idx.msk [tilespmem:v3+s30+$0x0], $0xffff  }
0x2c7: {  	v2 =	vand.u32 $0x7F, v2;
	v5 =	vor.u32 $0x1E, v1  }
0x2c8: {  	v2 =	vor.u32 v2, v4;
	_ =	sdelay $0x1  }
.Ltmp1:
0x2c9: {  	(pc) =	sbr.rel @p0 .LBB2_4-.Ltmp1, $4  }
0x2ca: {  	_ = 	snop  }
0x2cb: {  	[tilespmem:v5+s11+$0x0] =	vst.idx.msk $0xffff, v3  }
0x2cc: {  	v2 =	vld.idx.msk [tilespmem:v2+s30+$0x0], $0xffff  }
0x2cd: {  	v1 =	vor.u32 $0x1F, v1  }
0x2ce: {  	_ =	sdelay $0x3  }
0x2cf: {  	s17 =	simm.s32 $0x0;
	s8 =	rddreg [dreg:$0x8];
	s18 =	simm.s32 $0x0;
	[tilespmem:v1+s11+$0x0] =	vst.idx.msk $0xffff, v2  }
0x2d0: {  	[hbm4b:s8+s17] =	stream.linear.scatter [tilespmem:s11], [sflag:$0x6], $0x6400, $0x38;
	[tilespmem:$0x1A600] =	vst v63  }
.LBB2_6:
0x2d1: {  	_ =	swait.ge [sflag:s28], $0xC8  }
0x2d2: {  	[sflag:s28] =	ssyncset.done $0x0  }
0x2d3: {  	[sflag:s28] =	ssyncadd.s32 $0xFFFFFF38  }
0x2d4: {  	v1 =	vld [tilespmem:$0x100];
	_ =	sdelay $0x1  }
0x2d5: {  	v2 =	vld [tilespmem:$0x110];
	_ =	sdelay $0x1  }
0x2d6: {  	v3 =	vld [tilespmem:$0x120]  }
0x2d7: {  	v4 =	vshrl.u32 v1, $0x2;
	v1 =	vshll.u32 v1, $0x5  }
0x2d8: {  	v11 =	vld [tilespmem:$0x130];
	[tilespmem:$0x300] =	vst v4;
	v1 =	vand.u32 $0x60, v1  }
0x2d9: {  	[tilespmem:$0x500] =	vst v1;
	v1 =	vshrl.u32 v2, $0x2;
	v2 =	vshll.u32 v2, $0x5  }
0x2da: {  	[tilespmem:$0x310] =	vst v1;
	v1 =	vand.u32 $0x60, v2;
	v2 =	vld [tilespmem:$0x140]  }
0x2db: {  	[tilespmem:$0x510] =	vst v1;
	v1 =	vshrl.u32 v3, $0x2;
	v3 =	vshll.u32 v3, $0x5  }
0x2dc: {  	[tilespmem:$0x320] =	vst v1;
	v1 =	vand.u32 $0x60, v3;
	v3 =	vld [tilespmem:$0x150]  }
0x2dd: {  	v4 =	vshll.u32 v11, $0x5;
	[tilespmem:$0x520] =	vst v1;
	v1 =	vshrl.u32 v11, $0x2  }
0x2de: {  	v12 =	vld [tilespmem:$0x160];
	[tilespmem:$0x330] =	vst v1;
	v1 =	vand.u32 $0x60, v4  }
0x2df: {  	[tilespmem:$0x530] =	vst v1;
	v1 =	vshrl.u32 v2, $0x2;
	v2 =	vshll.u32 v2, $0x5  }
0x2e0: {  	[tilespmem:$0x340] =	vst v1;
	v1 =	vand.u32 $0x60, v2;
	v2 =	vld [tilespmem:$0x170]  }
0x2e1: {  	[tilespmem:$0x540] =	vst v1;
	v1 =	vshrl.u32 v3, $0x2;
	v3 =	vshll.u32 v3, $0x5  }
0x2e2: {  	[tilespmem:$0x350] =	vst v1;
	v1 =	vand.u32 $0x60, v3;
	v3 =	vld [tilespmem:$0x180]  }
0x2e3: {  	v4 =	vshll.u32 v12, $0x5;
	[tilespmem:$0x550] =	vst v1;
	v1 =	vshrl.u32 v12, $0x2  }
0x2e4: {  	v13 =	vld [tilespmem:$0x190];
	[tilespmem:$0x360] =	vst v1;
	v1 =	vand.u32 $0x60, v4  }
0x2e5: {  	[tilespmem:$0x560] =	vst v1;
	v1 =	vshrl.u32 v2, $0x2;
	v2 =	vshll.u32 v2, $0x5  }
0x2e6: {  	[tilespmem:$0x370] =	vst v1;
	v1 =	vand.u32 $0x60, v2;
	v2 =	vld [tilespmem:$0x1A0]  }
0x2e7: {  	[tilespmem:$0x570] =	vst v1;
	v1 =	vshrl.u32 v3, $0x2;
	v3 =	vshll.u32 v3, $0x5  }
0x2e8: {  	[tilespmem:$0x380] =	vst v1;
	v1 =	vand.u32 $0x60, v3;
	v3 =	vld [tilespmem:$0x1B0]  }
0x2e9: {  	v4 =	vshll.u32 v13, $0x5;
	[tilespmem:$0x580] =	vst v1;
	v1 =	vshrl.u32 v13, $0x2  }
0x2ea: {  	v14 =	vld [tilespmem:$0x1C0];
	[tilespmem:$0x390] =	vst v1;
	v1 =	vand.u32 $0x60, v4  }
0x2eb: {  	[tilespmem:$0x590] =	vst v1;
	v1 =	vshrl.u32 v2, $0x2;
	v2 =	vshll.u32 v2, $0x5  }
0x2ec: {  	[tilespmem:$0x3A0] =	vst v1;
	v1 =	vand.u32 $0x60, v2  }
0x2ed: {  	[tilespmem:$0x5A0] =	vst v1;
	v1 =	vshrl.u32 v3, $0x2;
	v2 =	vshll.u32 v3, $0x5  }
0x2ee: {  	[tilespmem:$0x3B0] =	vst v1;
	v1 =	vand.u32 $0x60, v2  }
0x2ef: {  	s18 =	sadd.s32 $0x1, s18;
	v2 =	vshll.u32 v14, $0x5;
	[tilespmem:$0x5B0] =	vst v1;
	v1 =	vshrl.u32 v14, $0x2  }
0x2f0: {  	s8 =	sshll.u32 s18, $0x1;
	[tilespmem:$0x3C0] =	vst v1;
	v1 =	vand.u32 $0x60, v2  }
0x2f1: {  	s16 =	sadd.s32 s8, s14;
	[tilespmem:$0x5C0] =	vst v1  }
0x2f2: {  	[tilespmem:s30], [sflag:$0x4] =	stream.indirect.gather [hbm4b:s6+s21], $0x80, s29, s21, $0xb8;
	[tilespmem:$0x1A600] =	vst v63  }
0x2f3: {  	s16 =	smul.u32 $0x19, s16  }
0x2f4: {  	[tilespmem:s1], [sflag:$0x4] =	stream.indirect.gather [hbm4b:s6+s24], $0x80, s31, s24, $0xb8;
	[tilespmem:$0x1A600] =	vst v63  }
0x2f5: {  	s16 =	sadd.s32 s2, s16  }
0x2f6: {  	[tilespmem:s17], [sflag:$0x1] =	stream.linear.gather [hbm4b:s16+s17], $0xC8, $0x38;
	[tilespmem:$0x1A600] =	vst v63  }
0x2f7: {  	_ =	swait.ge [sflag:s0], $0x6400  }
0x2f8: {  	[sflag:s0] =	ssyncset.done $0x0  }
0x2f9: {  	[sflag:s0] =	ssyncadd.s32 $0xFFFF9C00  }
0x2fa: {  	_ =	swait.ge [sflag:s12], $0x6400  }
0x2fb: {  	[sflag:s12] =	ssyncset.done $0x0  }
0x2fc: {  	s16 =	simm.s32 $0x400;
	[sflag:s12] =	ssyncadd.s32 $0xFFFF9C00  }
0x2fd: {  	v2 =	vld [tilespmem:s16+$0x0];
	_ =	sdelay $0x2  }
0x2fe: {  	v1 =	vmov s17  }
0x2ff: {  	v1 =	vshll.u32 v1, $0x7  }
0x300: {  	v1 =	vor.u32 v0, v1;
	v3 =	vand.u32 $0xFFFFFF80, v2  }
0x301: {  	v15 =	vand.u32 $0x7F, v2;
	v3 =	vadd.s32 v1, v3  }
0x302: {  	v3 =	vor.u32 v15, v3;
	_ =	sdelay $0x2  }
0x303: {  	v16 =	vadd.s32 $0x1, v2  }
0x304: {  	v5 =	vand.u32 $0xFFFFFF80, v16  }
0x305: {  	v4 =	vand.u32 $0x7F, v16;
	v5 =	vadd.s32 v1, v5;
	v3 =	vld.idx.msk [tilespmem:v3+s23+$0x0], $0xffff  }
0x306: {  	v4 =	vor.u32 v4, v5;
	_ =	sdelay $0x2  }
0x307: {  	v17 =	vadd.s32 $0x2, v2  }
0x308: {  	v6 =	vand.u32 $0xFFFFFF80, v17;
	[tilespmem:v1+s9+$0x0] =	vst.idx.msk $0xffff, v3  }
0x309: {  	v18 =	vor.u32 $0x1, v1;
	v5 =	vand.u32 $0x7F, v17;
	v3 =	vadd.s32 v1, v6;
	v4 =	vld.idx.msk [tilespmem:v4+s23+$0x0], $0xffff  }
0x30a: {  	v3 =	vor.u32 v5, v3;
	_ =	sdelay $0x2  }
0x30b: {  	v19 =	vadd.s32 $0x3, v2  }
0x30c: {  	v7 =	vand.u32 $0xFFFFFF80, v19;
	[tilespmem:v18+s9+$0x0] =	vst.idx.msk $0xffff, v4  }
0x30d: {  	v21 =	vor.u32 $0x2, v1;
	v20 =	vadd.s32 v1, v7;
	v5 =	vand.u32 $0x7F, v19;
	v3 =	vld.idx.msk [tilespmem:v3+s23+$0x0], $0xffff  }
0x30e: {  	v4 =	vor.u32 v5, v20;
	_ =	sdelay $0x2  }
0x30f: {  	v22 =	vadd.s32 $0x4, v2  }
0x310: {  	v23 =	vand.u32 $0xFFFFFF80, v22;
	[tilespmem:v21+s9+$0x0] =	vst.idx.msk $0xffff, v3  }
0x311: {  	v24 =	vor.u32 $0x3, v1;
	v5 =	vand.u32 $0x7F, v22;
	v3 =	vadd.s32 v1, v23;
	v4 =	vld.idx.msk [tilespmem:v4+s23+$0x0], $0xffff  }
0x312: {  	v3 =	vor.u32 v5, v3;
	_ =	sdelay $0x2  }
0x313: {  	v25 =	vadd.s32 $0x5, v2  }
0x314: {  	v26 =	vand.u32 $0xFFFFFF80, v25;
	[tilespmem:v24+s9+$0x0] =	vst.idx.msk $0xffff, v4  }
0x315: {  	v28 =	vor.u32 $0x4, v1;
	v27 =	vadd.s32 v1, v26;
	v5 =	vand.u32 $0x7F, v25;
	v3 =	vld.idx.msk [tilespmem:v3+s23+$0x0], $0xffff  }
0x316: {  	v4 =	vor.u32 v5, v27;
	_ =	sdelay $0x2  }
0x317: {  	v29 =	vadd.s32 $0x6, v2  }
0x318: {  	v30 =	vand.u32 $0xFFFFFF80, v29;
	[tilespmem:v28+s9+$0x0] =	vst.idx.msk $0xffff, v3  }
0x319: {  	v31 =	vor.u32 $0x5, v1;
	v5 =	vand.u32 $0x7F, v29;
	v3 =	vadd.s32 v1, v30;
	v4 =	vld.idx.msk [tilespmem:v4+s23+$0x0], $0xffff  }
0x31a: {  	v3 =	vor.u32 v5, v3;
	_ =	sdelay $0x2  }
0x31b: {  	v32 =	vadd.s32 $0x7, v2  }
0x31c: {  	v33 =	vand.u32 $0xFFFFFF80, v32;
	[tilespmem:v31+s9+$0x0] =	vst.idx.msk $0xffff, v4  }
0x31d: {  	v35 =	vor.u32 $0x6, v1;
	v34 =	vadd.s32 v1, v33;
	v5 =	vand.u32 $0x7F, v32;
	v3 =	vld.idx.msk [tilespmem:v3+s23+$0x0], $0xffff  }
0x31e: {  	v4 =	vor.u32 v5, v34;
	_ =	sdelay $0x2  }
0x31f: {  	v36 =	vadd.s32 $0x8, v2  }
0x320: {  	v37 =	vand.u32 $0xFFFFFF80, v36;
	[tilespmem:v35+s9+$0x0] =	vst.idx.msk $0xffff, v3  }
0x321: {  	v38 =	vor.u32 $0x7, v1;
	v5 =	vand.u32 $0x7F, v36;
	v3 =	vadd.s32 v1, v37;
	v4 =	vld.idx.msk [tilespmem:v4+s23+$0x0], $0xffff  }
0x322: {  	v3 =	vor.u32 v5, v3;
	_ =	sdelay $0x2  }
0x323: {  	v39 =	vadd.s32 $0x9, v2  }
0x324: {  	v40 =	vand.u32 $0xFFFFFF80, v39;
	[tilespmem:v38+s9+$0x0] =	vst.idx.msk $0xffff, v4  }
0x325: {  	v42 =	vor.u32 $0x8, v1;
	v41 =	vadd.s32 v1, v40;
	v5 =	vand.u32 $0x7F, v39;
	v3 =	vld.idx.msk [tilespmem:v3+s23+$0x0], $0xffff  }
0x326: {  	v4 =	vor.u32 v5, v41;
	_ =	sdelay $0x2  }
0x327: {  	v43 =	vadd.s32 $0xA, v2  }
0x328: {  	v44 =	vand.u32 $0xFFFFFF80, v43;
	[tilespmem:v42+s9+$0x0] =	vst.idx.msk $0xffff, v3  }
0x329: {  	v45 =	vor.u32 $0x9, v1;
	v5 =	vand.u32 $0x7F, v43;
	v3 =	vadd.s32 v1, v44;
	v4 =	vld.idx.msk [tilespmem:v4+s23+$0x0], $0xffff  }
0x32a: {  	v3 =	vor.u32 v5, v3;
	_ =	sdelay $0x2  }
0x32b: {  	v46 =	vadd.s32 $0xB, v2  }
0x32c: {  	v47 =	vand.u32 $0xFFFFFF80, v46;
	[tilespmem:v45+s9+$0x0] =	vst.idx.msk $0xffff, v4  }
0x32d: {  	v49 =	vor.u32 $0xA, v1;
	v48 =	vadd.s32 v1, v47;
	v5 =	vand.u32 $0x7F, v46;
	v3 =	vld.idx.msk [tilespmem:v3+s23+$0x0], $0xffff  }
0x32e: {  	v4 =	vor.u32 v5, v48;
	_ =	sdelay $0x2  }
0x32f: {  	v50 =	vadd.s32 $0xC, v2  }
0x330: {  	v51 =	vand.u32 $0xFFFFFF80, v50;
	[tilespmem:v49+s9+$0x0] =	vst.idx.msk $0xffff, v3  }
0x331: {  	v52 =	vor.u32 $0xB, v1;
	v5 =	vand.u32 $0x7F, v50;
	v3 =	vadd.s32 v1, v51;
	v4 =	vld.idx.msk [tilespmem:v4+s23+$0x0], $0xffff  }
0x332: {  	v3 =	vor.u32 v5, v3;
	_ =	sdelay $0x2  }
0x333: {  	v53 =	vadd.s32 $0xD, v2  }
0x334: {  	v54 =	vand.u32 $0xFFFFFF80, v53;
	[tilespmem:v52+s9+$0x0] =	vst.idx.msk $0xffff, v4  }
0x335: {  	v56 =	vor.u32 $0xC, v1;
	v55 =	vadd.s32 v1, v54;
	v5 =	vand.u32 $0x7F, v53;
	v3 =	vld.idx.msk [tilespmem:v3+s23+$0x0], $0xffff  }
0x336: {  	v4 =	vor.u32 v5, v55;
	_ =	sdelay $0x2  }
0x337: {  	v57 =	vadd.s32 $0xE, v2  }
0x338: {  	v58 =	vand.u32 $0xFFFFFF80, v57;
	[tilespmem:v56+s9+$0x0] =	vst.idx.msk $0xffff, v3  }
0x339: {  	v59 =	vor.u32 $0xD, v1;
	v5 =	vand.u32 $0x7F, v57;
	v3 =	vadd.s32 v1, v58;
	v4 =	vld.idx.msk [tilespmem:v4+s23+$0x0], $0xffff  }
0x33a: {  	v3 =	vor.u32 v5, v3;
	_ =	sdelay $0x2  }
0x33b: {  	v60 =	vadd.s32 $0xF, v2  }
0x33c: {  	v61 =	vand.u32 $0xFFFFFF80, v60;
	[tilespmem:v59+s9+$0x0] =	vst.idx.msk $0xffff, v4  }
0x33d: {  	v63 =	vor.u32 $0xE, v1;
	v62 =	vadd.s32 v1, v61;
	v5 =	vand.u32 $0x7F, v60;
	v3 =	vld.idx.msk [tilespmem:v3+s23+$0x0], $0xffff  }
0x33e: {  	v4 =	vor.u32 v5, v62;
	_ =	sdelay $0x2  }
0x33f: {  	v9 =	vadd.s32 $0x10, v2  }
0x340: {  	v10 =	vand.u32 $0xFFFFFF80, v9;
	[tilespmem:v63+s9+$0x0] =	vst.idx.msk $0xffff, v3  }
0x341: {  	v11 =	vor.u32 $0xF, v1;
	v5 =	vand.u32 $0x7F, v9;
	v3 =	vadd.s32 v1, v10;
	v4 =	vld.idx.msk [tilespmem:v4+s23+$0x0], $0xffff  }
0x342: {  	v3 =	vor.u32 v5, v3;
	_ =	sdelay $0x2  }
0x343: {  	v12 =	vadd.s32 $0x11, v2  }
0x344: {  	v13 =	vand.u32 $0xFFFFFF80, v12;
	[tilespmem:v11+s9+$0x0] =	vst.idx.msk $0xffff, v4  }
0x345: {  	v14 =	vadd.s32 v1, v13;
	v15 =	vor.u32 $0x10, v1;
	v5 =	vand.u32 $0x7F, v12;
	v3 =	vld.idx.msk [tilespmem:v3+s23+$0x0], $0xffff  }
0x346: {  	v4 =	vor.u32 v5, v14;
	_ =	sdelay $0x2  }
0x347: {  	v16 =	vadd.s32 $0x12, v2  }
0x348: {  	v17 =	vand.u32 $0xFFFFFF80, v16;
	[tilespmem:v15+s9+$0x0] =	vst.idx.msk $0xffff, v3  }
0x349: {  	v18 =	vor.u32 $0x11, v1;
	v5 =	vand.u32 $0x7F, v16;
	v3 =	vadd.s32 v1, v17;
	v4 =	vld.idx.msk [tilespmem:v4+s23+$0x0], $0xffff  }
0x34a: {  	v3 =	vor.u32 v5, v3;
	_ =	sdelay $0x2  }
0x34b: {  	v19 =	vadd.s32 $0x13, v2  }
0x34c: {  	v20 =	vand.u32 $0xFFFFFF80, v19;
	[tilespmem:v18+s9+$0x0] =	vst.idx.msk $0xffff, v4  }
0x34d: {  	v22 =	vor.u32 $0x12, v1;
	v21 =	vadd.s32 v1, v20;
	v5 =	vand.u32 $0x7F, v19;
	v3 =	vld.idx.msk [tilespmem:v3+s23+$0x0], $0xffff  }
0x34e: {  	v4 =	vor.u32 v5, v21;
	_ =	sdelay $0x2  }
0x34f: {  	v23 =	vadd.s32 $0x14, v2  }
0x350: {  	v24 =	vand.u32 $0xFFFFFF80, v23;
	[tilespmem:v22+s9+$0x0] =	vst.idx.msk $0xffff, v3  }
0x351: {  	v25 =	vor.u32 $0x13, v1;
	v5 =	vand.u32 $0x7F, v23;
	v3 =	vadd.s32 v1, v24;
	v4 =	vld.idx.msk [tilespmem:v4+s23+$0x0], $0xffff  }
0x352: {  	v3 =	vor.u32 v5, v3;
	_ =	sdelay $0x2  }
0x353: {  	v26 =	vadd.s32 $0x15, v2  }
0x354: {  	v27 =	vand.u32 $0xFFFFFF80, v26;
	[tilespmem:v25+s9+$0x0] =	vst.idx.msk $0xffff, v4  }
0x355: {  	v29 =	vor.u32 $0x14, v1;
	v28 =	vadd.s32 v1, v27;
	v5 =	vand.u32 $0x7F, v26;
	v3 =	vld.idx.msk [tilespmem:v3+s23+$0x0], $0xffff  }
0x356: {  	v4 =	vor.u32 v5, v28;
	_ =	sdelay $0x2  }
0x357: {  	v30 =	vadd.s32 $0x16, v2  }
0x358: {  	v31 =	vand.u32 $0xFFFFFF80, v30;
	[tilespmem:v29+s9+$0x0] =	vst.idx.msk $0xffff, v3  }
0x359: {  	v32 =	vor.u32 $0x15, v1;
	v5 =	vand.u32 $0x7F, v30;
	v3 =	vadd.s32 v1, v31;
	v4 =	vld.idx.msk [tilespmem:v4+s23+$0x0], $0xffff  }
0x35a: {  	v3 =	vor.u32 v5, v3;
	_ =	sdelay $0x2  }
0x35b: {  	v33 =	vadd.s32 $0x17, v2  }
0x35c: {  	v34 =	vand.u32 $0xFFFFFF80, v33;
	[tilespmem:v32+s9+$0x0] =	vst.idx.msk $0xffff, v4  }
0x35d: {  	v36 =	vor.u32 $0x16, v1;
	v35 =	vadd.s32 v1, v34;
	v5 =	vand.u32 $0x7F, v33;
	v3 =	vld.idx.msk [tilespmem:v3+s23+$0x0], $0xffff  }
0x35e: {  	v4 =	vor.u32 v5, v35;
	_ =	sdelay $0x2  }
0x35f: {  	v37 =	vadd.s32 $0x18, v2  }
0x360: {  	v38 =	vand.u32 $0xFFFFFF80, v37;
	[tilespmem:v36+s9+$0x0] =	vst.idx.msk $0xffff, v3  }
0x361: {  	v39 =	vor.u32 $0x17, v1;
	v5 =	vand.u32 $0x7F, v37;
	v3 =	vadd.s32 v1, v38;
	v4 =	vld.idx.msk [tilespmem:v4+s23+$0x0], $0xffff  }
0x362: {  	v3 =	vor.u32 v5, v3;
	_ =	sdelay $0x2  }
0x363: {  	v40 =	vadd.s32 $0x19, v2  }
0x364: {  	v41 =	vand.u32 $0xFFFFFF80, v40;
	[tilespmem:v39+s9+$0x0] =	vst.idx.msk $0xffff, v4  }
0x365: {  	v43 =	vor.u32 $0x18, v1;
	v42 =	vadd.s32 v1, v41;
	v5 =	vand.u32 $0x7F, v40;
	v3 =	vld.idx.msk [tilespmem:v3+s23+$0x0], $0xffff  }
0x366: {  	v4 =	vor.u32 v5, v42;
	_ =	sdelay $0x2  }
0x367: {  	v44 =	vadd.s32 $0x1A, v2  }
0x368: {  	v45 =	vand.u32 $0xFFFFFF80, v44;
	[tilespmem:v43+s9+$0x0] =	vst.idx.msk $0xffff, v3  }
0x369: {  	v46 =	vor.u32 $0x19, v1;
	v5 =	vand.u32 $0x7F, v44;
	v3 =	vadd.s32 v1, v45;
	v4 =	vld.idx.msk [tilespmem:v4+s23+$0x0], $0xffff  }
0x36a: {  	v3 =	vor.u32 v5, v3;
	_ =	sdelay $0x2  }
0x36b: {  	v47 =	vadd.s32 $0x1B, v2  }
0x36c: {  	v48 =	vand.u32 $0xFFFFFF80, v47;
	[tilespmem:v46+s9+$0x0] =	vst.idx.msk $0xffff, v4  }
0x36d: {  	v50 =	vor.u32 $0x1A, v1;
	v49 =	vadd.s32 v1, v48;
	v5 =	vand.u32 $0x7F, v47;
	v3 =	vld.idx.msk [tilespmem:v3+s23+$0x0], $0xffff  }
0x36e: {  	v4 =	vor.u32 v5, v49;
	_ =	sdelay $0x2  }
0x36f: {  	v51 =	vadd.s32 $0x1C, v2  }
0x370: {  	v52 =	vand.u32 $0xFFFFFF80, v51;
	[tilespmem:v50+s9+$0x0] =	vst.idx.msk $0xffff, v3  }
0x371: {  	v53 =	vor.u32 $0x1B, v1;
	v5 =	vand.u32 $0x7F, v51;
	v3 =	vadd.s32 v1, v52;
	v4 =	vld.idx.msk [tilespmem:v4+s23+$0x0], $0xffff  }
0x372: {  	v3 =	vor.u32 v5, v3;
	_ =	sdelay $0x2  }
0x373: {  	v54 =	vadd.s32 $0x1D, v2  }
0x374: {  	v55 =	vand.u32 $0xFFFFFF80, v54;
	[tilespmem:v53+s9+$0x0] =	vst.idx.msk $0xffff, v4  }
0x375: {  	v57 =	vor.u32 $0x1C, v1;
	v56 =	vadd.s32 v1, v55;
	v5 =	vand.u32 $0x7F, v54;
	v3 =	vld.idx.msk [tilespmem:v3+s23+$0x0], $0xffff  }
0x376: {  	v4 =	vor.u32 v5, v56;
	_ =	sdelay $0x2  }
0x377: {  	v58 =	vadd.s32 $0x1E, v2  }
0x378: {  	v59 =	vand.u32 $0xFFFFFF80, v58;
	[tilespmem:v57+s9+$0x0] =	vst.idx.msk $0xffff, v3  }
0x379: {  	v60 =	vor.u32 $0x1D, v1;
	v5 =	vand.u32 $0x7F, v58;
	v3 =	vadd.s32 v1, v59;
	v4 =	vld.idx.msk [tilespmem:v4+s23+$0x0], $0xffff  }
0x37a: {  	v3 =	vor.u32 v5, v3;
	_ =	sdelay $0x2  }
0x37b: {  	v2 =	vadd.s32 $0x1F, v2  }
0x37c: {  	v61 =	vand.u32 $0xFFFFFF80, v2;
	[tilespmem:v60+s9+$0x0] =	vst.idx.msk $0xffff, v4  }
0x37d: {  	v2 =	vand.u32 $0x7F, v2;
	v62 =	vadd.s32 v1, v61;
	v63 =	vor.u32 $0x1E, v1;
	v3 =	vld.idx.msk [tilespmem:v3+s23+$0x0], $0xffff  }
0x37e: {  	v2 =	vor.u32 v2, v62;
	_ =	sdelay $0x3  }
0x37f: {  	[tilespmem:v63+s9+$0x0] =	vst.idx.msk $0xffff, v3  }
0x380: {  	s19 =	simm.s32 $0x10;
	v1 =	vor.u32 $0x1F, v1;
	v2 =	vld.idx.msk [tilespmem:v2+s23+$0x0], $0xffff  }
.LBB2_7:
0x381: {  	_ =	sdelay $0x2  }
0x382: {  	p0 =	sne.s32 s19, $0xC0  }
0x383: {  	s16 =	sadd.s32 $0x10, s16;
	s22 =	smov.u32 s19;
	s19 =	sadd.s32 $0x10, s19;
	[tilespmem:v1+s9+$0x0] =	vst.idx.msk $0xffff, v2  }
0x384: {  	v2 =	vld [tilespmem:s16+$0x0];
	_ =	sdelay $0x2  }
0x385: {  	v1 =	vmov s22  }
0x386: {  	v1 =	vshll.u32 v1, $0x7  }
0x387: {  	v1 =	vor.u32 v0, v1;
	v3 =	vand.u32 $0xFFFFFF80, v2;
	v5 =	vadd.s32 $0x1, v2  }
0x388: {  	v4 =	vand.u32 $0x7F, v2;
	v3 =	vadd.s32 v1, v3;
	v6 =	vand.u32 $0xFFFFFF80, v5  }
0x389: {  	v7 =	vadd.s32 $0x2, v2;
	v3 =	vor.u32 v4, v3;
	v6 =	vadd.s32 v1, v6  }
0x38a: {  	v8 =	vadd.s32 $0x3, v2;
	v9 =	vadd.s32 $0x4, v2;
	v4 =	vand.u32 $0xFFFFFF80, v7  }
0x38b: {  	v11 =	vand.u32 $0xFFFFFF80, v9;
	v10 =	vadd.s32 v1, v4;
	v4 =	vand.u32 $0xFFFFFF80, v8  }
0x38c: {  	v11 =	vadd.s32 v1, v11;
	v12 =	vadd.s32 v1, v4;
	v4 =	vadd.s32 $0x5, v2  }
0x38d: {  	v52 =	vadd.s32 $0x6, v2;
	v48 =	vadd.s32 $0x7, v2;
	v13 =	vand.u32 $0xFFFFFF80, v4  }
0x38e: {  	v14 =	vand.u32 $0xFFFFFF80, v48;
	v54 =	vadd.s32 v1, v13;
	v13 =	vand.u32 $0xFFFFFF80, v52;
	v3 =	vld.idx.msk [tilespmem:v3+s23+$0x0], $0xffff  }
0x38f: {  	v5 =	vand.u32 $0x7F, v5;
	v51 =	vadd.s32 v1, v14;
	v53 =	vadd.s32 v1, v13  }
0x390: {  	v49 =	vadd.s32 $0x8, v2;
	v46 =	vadd.s32 $0x9, v2;
	v5 =	vor.u32 v5, v6  }
0x391: {  	v43 =	vadd.s32 $0xA, v2;
	v6 =	vand.u32 $0xFFFFFF80, v49;
	v13 =	vand.u32 $0xFFFFFF80, v46  }
0x392: {  	v50 =	vadd.s32 v1, v6;
	v6 =	vand.u32 $0xFFFFFF80, v43;
	v47 =	vadd.s32 v1, v13  }
0x393: {  	v42 =	vadd.s32 $0xB, v2;
	v39 =	vadd.s32 $0xC, v2;
	v45 =	vadd.s32 v1, v6  }
0x394: {  	v36 =	vadd.s32 $0xD, v2;
	v6 =	vand.u32 $0xFFFFFF80, v39;
	[tilespmem:v1+s9+$0x0] =	vst.idx.msk $0xffff, v3;
	v3 =	vand.u32 $0xFFFFFF80, v42  }
0x395: {  	v41 =	vadd.s32 v1, v6;
	v5 =	vld.idx.msk [tilespmem:v5+s23+$0x0], $0xffff;
	v44 =	vadd.s32 v1, v3;
	v3 =	vand.u32 $0xFFFFFF80, v36  }
0x396: {  	v7 =	vand.u32 $0x7F, v7;
	v6 =	vor.u32 $0x1, v1;
	v40 =	vadd.s32 v1, v3  }
0x397: {  	v37 =	vadd.s32 $0xE, v2;
	v34 =	vadd.s32 $0xF, v2;
	v3 =	vor.u32 v7, v10  }
0x398: {  	v31 =	vadd.s32 $0x10, v2;
	v7 =	vand.u32 $0xFFFFFF80, v37;
	v10 =	vand.u32 $0xFFFFFF80, v34  }
0x399: {  	v38 =	vadd.s32 v1, v7;
	v35 =	vadd.s32 v1, v10;
	v7 =	vand.u32 $0xFFFFFF80, v31  }
0x39a: {  	v30 =	vadd.s32 $0x11, v2;
	v27 =	vadd.s32 $0x12, v2;
	v33 =	vadd.s32 v1, v7  }
0x39b: {  	v24 =	vadd.s32 $0x13, v2;
	[tilespmem:v6+s9+$0x0] =	vst.idx.msk $0xffff, v5;
	v5 =	vand.u32 $0xFFFFFF80, v30;
	v6 =	vand.u32 $0xFFFFFF80, v27  }
0x39c: {  	v3 =	vld.idx.msk [tilespmem:v3+s23+$0x0], $0xffff;
	v32 =	vadd.s32 v1, v5;
	v29 =	vadd.s32 v1, v6;
	v5 =	vand.u32 $0xFFFFFF80, v24  }
0x39d: {  	v7 =	vand.u32 $0x7F, v8;
	v6 =	vor.u32 $0x2, v1;
	v28 =	vadd.s32 v1, v5  }
0x39e: {  	v25 =	vadd.s32 $0x14, v2;
	v22 =	vadd.s32 $0x15, v2;
	v5 =	vor.u32 v7, v12  }
0x39f: {  	v19 =	vadd.s32 $0x16, v2;
	v8 =	vand.u32 $0xFFFFFF80, v22;
	v7 =	vand.u32 $0xFFFFFF80, v25  }
0x3a0: {  	v23 =	vadd.s32 v1, v8;
	v26 =	vadd.s32 v1, v7;
	v7 =	vand.u32 $0xFFFFFF80, v19  }
0x3a1: {  	v18 =	vadd.s32 $0x17, v2;
	v15 =	vadd.s32 $0x18, v2;
	v21 =	vadd.s32 v1, v7  }
0x3a2: {  	v12 =	vadd.s32 $0x19, v2;
	[tilespmem:v6+s9+$0x0] =	vst.idx.msk $0xffff, v3;
	v3 =	vand.u32 $0xFFFFFF80, v18;
	v6 =	vand.u32 $0xFFFFFF80, v15  }
0x3a3: {  	v5 =	vld.idx.msk [tilespmem:v5+s23+$0x0], $0xffff;
	v20 =	vadd.s32 v1, v3;
	v17 =	vadd.s32 v1, v6;
	v3 =	vand.u32 $0xFFFFFF80, v12  }
0x3a4: {  	v8 =	vor.u32 $0x3, v1;
	v6 =	vand.u32 $0x7F, v9;
	v16 =	vadd.s32 v1, v3  }
0x3a5: {  	v13 =	vadd.s32 $0x1A, v2;
	v10 =	vadd.s32 $0x1B, v2;
	v55 =	vor.u32 v6, v11  }
0x3a6: {  	v7 =	vadd.s32 $0x1C, v2;
	v3 =	vand.u32 $0xFFFFFF80, v13;
	v6 =	vand.u32 $0xFFFFFF80, v10  }
0x3a7: {  	v14 =	vadd.s32 v1, v3;
	v11 =	vadd.s32 v1, v6;
	v3 =	vand.u32 $0xFFFFFF80, v7  }
0x3a8: {  	v6 =	vadd.s32 $0x1D, v2;
	v9 =	vadd.s32 v1, v3;
	v3 =	vadd.s32 $0x1E, v2  }
0x3a9: {  	v2 =	vadd.s32 $0x1F, v2;
	v56 =	vand.u32 $0xFFFFFF80, v3;
	[tilespmem:v8+s9+$0x0] =	vst.idx.msk $0xffff, v5;
	v5 =	vand.u32 $0xFFFFFF80, v6  }
0x3aa: {  	v55 =	vld.idx.msk [tilespmem:v55+s23+$0x0], $0xffff;
	v8 =	vadd.s32 v1, v5;
	v5 =	vadd.s32 v1, v56;
	v56 =	vand.u32 $0xFFFFFF80, v2  }
0x3ab: {  	v57 =	vor.u32 $0x4, v1;
	v58 =	vand.u32 $0x7F, v4;
	v4 =	vadd.s32 v1, v56  }
0x3ac: {  	v54 =	vor.u32 v58, v54;
	_ =	sdelay $0x3  }
0x3ad: {  	[tilespmem:v57+s9+$0x0] =	vst.idx.msk $0xffff, v55  }
0x3ae: {  	v54 =	vld.idx.msk [tilespmem:v54+s23+$0x0], $0xffff  }
0x3af: {  	v52 =	vand.u32 $0x7F, v52;
	v55 =	vor.u32 $0x5, v1  }
0x3b0: {  	v52 =	vor.u32 v52, v53;
	_ =	sdelay $0x3  }
0x3b1: {  	[tilespmem:v55+s9+$0x0] =	vst.idx.msk $0xffff, v54  }
0x3b2: {  	v52 =	vld.idx.msk [tilespmem:v52+s23+$0x0], $0xffff  }
0x3b3: {  	v48 =	vand.u32 $0x7F, v48;
	v53 =	vor.u32 $0x6, v1  }
0x3b4: {  	v48 =	vor.u32 v48, v51;
	_ =	sdelay $0x3  }
0x3b5: {  	[tilespmem:v53+s9+$0x0] =	vst.idx.msk $0xffff, v52  }
0x3b6: {  	v48 =	vld.idx.msk [tilespmem:v48+s23+$0x0], $0xffff  }
0x3b7: {  	v51 =	vor.u32 $0x7, v1;
	v49 =	vand.u32 $0x7F, v49  }
0x3b8: {  	v49 =	vor.u32 v49, v50;
	_ =	sdelay $0x3  }
0x3b9: {  	[tilespmem:v51+s9+$0x0] =	vst.idx.msk $0xffff, v48  }
0x3ba: {  	v48 =	vld.idx.msk [tilespmem:v49+s23+$0x0], $0xffff  }
0x3bb: {  	v46 =	vand.u32 $0x7F, v46;
	v49 =	vor.u32 $0x8, v1  }
0x3bc: {  	v46 =	vor.u32 v46, v47;
	_ =	sdelay $0x3  }
0x3bd: {  	[tilespmem:v49+s9+$0x0] =	vst.idx.msk $0xffff, v48  }
0x3be: {  	v46 =	vld.idx.msk [tilespmem:v46+s23+$0x0], $0xffff  }
0x3bf: {  	v43 =	vand.u32 $0x7F, v43;
	v47 =	vor.u32 $0x9, v1  }
0x3c0: {  	v43 =	vor.u32 v43, v45;
	_ =	sdelay $0x3  }
0x3c1: {  	[tilespmem:v47+s9+$0x0] =	vst.idx.msk $0xffff, v46  }
0x3c2: {  	v43 =	vld.idx.msk [tilespmem:v43+s23+$0x0], $0xffff  }
0x3c3: {  	v45 =	vor.u32 $0xA, v1;
	v42 =	vand.u32 $0x7F, v42  }
0x3c4: {  	v42 =	vor.u32 v42, v44;
	_ =	sdelay $0x3  }
0x3c5: {  	[tilespmem:v45+s9+$0x0] =	vst.idx.msk $0xffff, v43  }
0x3c6: {  	v42 =	vld.idx.msk [tilespmem:v42+s23+$0x0], $0xffff  }
0x3c7: {  	v39 =	vand.u32 $0x7F, v39;
	v43 =	vor.u32 $0xB, v1  }
0x3c8: {  	v39 =	vor.u32 v39, v41;
	_ =	sdelay $0x3  }
0x3c9: {  	[tilespmem:v43+s9+$0x0] =	vst.idx.msk $0xffff, v42  }
0x3ca: {  	v39 =	vld.idx.msk [tilespmem:v39+s23+$0x0], $0xffff  }
0x3cb: {  	v41 =	vor.u32 $0xC, v1;
	v36 =	vand.u32 $0x7F, v36  }
0x3cc: {  	v36 =	vor.u32 v36, v40;
	_ =	sdelay $0x3  }
0x3cd: {  	[tilespmem:v41+s9+$0x0] =	vst.idx.msk $0xffff, v39  }
0x3ce: {  	v36 =	vld.idx.msk [tilespmem:v36+s23+$0x0], $0xffff  }
0x3cf: {  	v37 =	vand.u32 $0x7F, v37;
	v39 =	vor.u32 $0xD, v1  }
0x3d0: {  	v37 =	vor.u32 v37, v38;
	_ =	sdelay $0x3  }
0x3d1: {  	[tilespmem:v39+s9+$0x0] =	vst.idx.msk $0xffff, v36  }
0x3d2: {  	v36 =	vld.idx.msk [tilespmem:v37+s23+$0x0], $0xffff  }
0x3d3: {  	v34 =	vand.u32 $0x7F, v34;
	v37 =	vor.u32 $0xE, v1  }
0x3d4: {  	v34 =	vor.u32 v34, v35;
	_ =	sdelay $0x3  }
0x3d5: {  	[tilespmem:v37+s9+$0x0] =	vst.idx.msk $0xffff, v36  }
0x3d6: {  	v34 =	vld.idx.msk [tilespmem:v34+s23+$0x0], $0xffff  }
0x3d7: {  	v31 =	vand.u32 $0x7F, v31;
	v35 =	vor.u32 $0xF, v1  }
0x3d8: {  	v31 =	vor.u32 v31, v33;
	_ =	sdelay $0x3  }
0x3d9: {  	[tilespmem:v35+s9+$0x0] =	vst.idx.msk $0xffff, v34  }
0x3da: {  	v31 =	vld.idx.msk [tilespmem:v31+s23+$0x0], $0xffff  }
0x3db: {  	v33 =	vor.u32 $0x10, v1;
	v30 =	vand.u32 $0x7F, v30  }
0x3dc: {  	v30 =	vor.u32 v30, v32;
	_ =	sdelay $0x3  }
0x3dd: {  	[tilespmem:v33+s9+$0x0] =	vst.idx.msk $0xffff, v31  }
0x3de: {  	v30 =	vld.idx.msk [tilespmem:v30+s23+$0x0], $0xffff  }
0x3df: {  	v27 =	vand.u32 $0x7F, v27;
	v31 =	vor.u32 $0x11, v1  }
0x3e0: {  	v27 =	vor.u32 v27, v29;
	_ =	sdelay $0x3  }
0x3e1: {  	[tilespmem:v31+s9+$0x0] =	vst.idx.msk $0xffff, v30  }
0x3e2: {  	v27 =	vld.idx.msk [tilespmem:v27+s23+$0x0], $0xffff  }
0x3e3: {  	v24 =	vand.u32 $0x7F, v24;
	v29 =	vor.u32 $0x12, v1  }
0x3e4: {  	v24 =	vor.u32 v24, v28;
	_ =	sdelay $0x3  }
0x3e5: {  	[tilespmem:v29+s9+$0x0] =	vst.idx.msk $0xffff, v27  }
0x3e6: {  	v24 =	vld.idx.msk [tilespmem:v24+s23+$0x0], $0xffff  }
0x3e7: {  	v25 =	vand.u32 $0x7F, v25;
	v27 =	vor.u32 $0x13, v1  }
0x3e8: {  	v25 =	vor.u32 v25, v26;
	_ =	sdelay $0x3  }
0x3e9: {  	[tilespmem:v27+s9+$0x0] =	vst.idx.msk $0xffff, v24  }
0x3ea: {  	v24 =	vld.idx.msk [tilespmem:v25+s23+$0x0], $0xffff  }
0x3eb: {  	v22 =	vand.u32 $0x7F, v22;
	v25 =	vor.u32 $0x14, v1  }
0x3ec: {  	v22 =	vor.u32 v22, v23;
	_ =	sdelay $0x3  }
0x3ed: {  	[tilespmem:v25+s9+$0x0] =	vst.idx.msk $0xffff, v24  }
0x3ee: {  	v22 =	vld.idx.msk [tilespmem:v22+s23+$0x0], $0xffff  }
0x3ef: {  	v23 =	vor.u32 $0x15, v1;
	v19 =	vand.u32 $0x7F, v19  }
0x3f0: {  	v19 =	vor.u32 v19, v21;
	_ =	sdelay $0x3  }
0x3f1: {  	[tilespmem:v23+s9+$0x0] =	vst.idx.msk $0xffff, v22  }
0x3f2: {  	v19 =	vld.idx.msk [tilespmem:v19+s23+$0x0], $0xffff  }
0x3f3: {  	v21 =	vor.u32 $0x16, v1;
	v18 =	vand.u32 $0x7F, v18  }
0x3f4: {  	v18 =	vor.u32 v18, v20;
	_ =	sdelay $0x3  }
0x3f5: {  	[tilespmem:v21+s9+$0x0] =	vst.idx.msk $0xffff, v19  }
0x3f6: {  	v18 =	vld.idx.msk [tilespmem:v18+s23+$0x0], $0xffff  }
0x3f7: {  	v15 =	vand.u32 $0x7F, v15;
	v19 =	vor.u32 $0x17, v1  }
0x3f8: {  	v15 =	vor.u32 v15, v17;
	_ =	sdelay $0x3  }
0x3f9: {  	[tilespmem:v19+s9+$0x0] =	vst.idx.msk $0xffff, v18  }
0x3fa: {  	v15 =	vld.idx.msk [tilespmem:v15+s23+$0x0], $0xffff  }
0x3fb: {  	v12 =	vand.u32 $0x7F, v12;
	v17 =	vor.u32 $0x18, v1  }
0x3fc: {  	v12 =	vor.u32 v12, v16;
	_ =	sdelay $0x3  }
0x3fd: {  	[tilespmem:v17+s9+$0x0] =	vst.idx.msk $0xffff, v15  }
0x3fe: {  	v12 =	vld.idx.msk [tilespmem:v12+s23+$0x0], $0xffff  }
0x3ff: {  	v13 =	vand.u32 $0x7F, v13;
	v15 =	vor.u32 $0x19, v1  }
0x400: {  	v13 =	vor.u32 v13, v14;
	_ =	sdelay $0x3  }
0x401: {  	[tilespmem:v15+s9+$0x0] =	vst.idx.msk $0xffff, v12  }
0x402: {  	v12 =	vld.idx.msk [tilespmem:v13+s23+$0x0], $0xffff  }
0x403: {  	v10 =	vand.u32 $0x7F, v10;
	v13 =	vor.u32 $0x1A, v1  }
0x404: {  	v10 =	vor.u32 v10, v11;
	_ =	sdelay $0x3  }
0x405: {  	[tilespmem:v13+s9+$0x0] =	vst.idx.msk $0xffff, v12  }
0x406: {  	v10 =	vld.idx.msk [tilespmem:v10+s23+$0x0], $0xffff  }
0x407: {  	v7 =	vand.u32 $0x7F, v7;
	v11 =	vor.u32 $0x1B, v1  }
0x408: {  	v7 =	vor.u32 v7, v9;
	_ =	sdelay $0x3  }
0x409: {  	[tilespmem:v11+s9+$0x0] =	vst.idx.msk $0xffff, v10  }
0x40a: {  	v7 =	vld.idx.msk [tilespmem:v7+s23+$0x0], $0xffff  }
0x40b: {  	v9 =	vor.u32 $0x1C, v1;
	v6 =	vand.u32 $0x7F, v6  }
0x40c: {  	v6 =	vor.u32 v6, v8;
	_ =	sdelay $0x3  }
0x40d: {  	[tilespmem:v9+s9+$0x0] =	vst.idx.msk $0xffff, v7  }
0x40e: {  	v6 =	vld.idx.msk [tilespmem:v6+s23+$0x0], $0xffff  }
0x40f: {  	v3 =	vand.u32 $0x7F, v3;
	v7 =	vor.u32 $0x1D, v1  }
0x410: {  	v3 =	vor.u32 v3, v5;
	_ =	sdelay $0x3  }
0x411: {  	[tilespmem:v7+s9+$0x0] =	vst.idx.msk $0xffff, v6  }
0x412: {  	v3 =	vld.idx.msk [tilespmem:v3+s23+$0x0], $0xffff  }
0x413: {  	v2 =	vand.u32 $0x7F, v2;
	v5 =	vor.u32 $0x1E, v1  }
0x414: {  	v2 =	vor.u32 v2, v4;
	_ =	sdelay $0x1  }
.Ltmp2:
0x415: {  	(pc) =	sbr.rel @p0 .LBB2_7-.Ltmp2, $4  }
0x416: {  	_ = 	snop  }
0x417: {  	[tilespmem:v5+s9+$0x0] =	vst.idx.msk $0xffff, v3  }
0x418: {  	v2 =	vld.idx.msk [tilespmem:v2+s23+$0x0], $0xffff  }
0x419: {  	v1 =	vor.u32 $0x1F, v1  }
0x41a: {  	_ = 	snop  }
0x41b: {  	s16 =	sadd.s32 s4, s8  }
0x41c: {  	s16 =	smul.u32 $0xC80, s16;
	_ =	sdelay $0x1  }
0x41d: {  	s19 =	simm.s32 $0x0;
	[tilespmem:v1+s9+$0x0] =	vst.idx.msk $0xffff, v2;
	s16 =	sadd.s32 s7, s16  }
0x41e: {  	[hbm4b:s16+s19] =	stream.linear.scatter [tilespmem:s9], [sflag:$0x5], $0x6400, $0x38;
	[tilespmem:$0x1A600] =	vst v63  }
0x41f: {  	_ =	swait.ge [sflag:s20], $0xC8  }
0x420: {  	[sflag:s20] =	ssyncset.done $0x0  }
0x421: {  	[sflag:s20] =	ssyncadd.s32 $0xFFFFFF38  }
0x422: {  	v1 =	vld [tilespmem:$0x0];
	_ =	sdelay $0x1  }
0x423: {  	v2 =	vld [tilespmem:$0x10];
	_ =	sdelay $0x1  }
0x424: {  	v3 =	vld [tilespmem:$0x20]  }
0x425: {  	v4 =	vshrl.u32 v1, $0x2;
	v1 =	vshll.u32 v1, $0x5  }
0x426: {  	v11 =	vld [tilespmem:$0x30];
	[tilespmem:$0x200] =	vst v4;
	v1 =	vand.u32 $0x60, v1  }
0x427: {  	[tilespmem:$0x400] =	vst v1;
	v1 =	vshrl.u32 v2, $0x2;
	v2 =	vshll.u32 v2, $0x5  }
0x428: {  	[tilespmem:$0x210] =	vst v1;
	v1 =	vand.u32 $0x60, v2;
	v2 =	vld [tilespmem:$0x40]  }
0x429: {  	[tilespmem:$0x410] =	vst v1;
	v1 =	vshrl.u32 v3, $0x2;
	v3 =	vshll.u32 v3, $0x5  }
0x42a: {  	[tilespmem:$0x220] =	vst v1;
	v1 =	vand.u32 $0x60, v3;
	v3 =	vld [tilespmem:$0x50]  }
0x42b: {  	v4 =	vshll.u32 v11, $0x5;
	[tilespmem:$0x420] =	vst v1;
	v1 =	vshrl.u32 v11, $0x2  }
0x42c: {  	v12 =	vld [tilespmem:$0x60];
	[tilespmem:$0x230] =	vst v1;
	v1 =	vand.u32 $0x60, v4  }
0x42d: {  	[tilespmem:$0x430] =	vst v1;
	v1 =	vshrl.u32 v2, $0x2;
	v2 =	vshll.u32 v2, $0x5  }
0x42e: {  	[tilespmem:$0x240] =	vst v1;
	v1 =	vand.u32 $0x60, v2;
	v2 =	vld [tilespmem:$0x70]  }
0x42f: {  	[tilespmem:$0x440] =	vst v1;
	v1 =	vshrl.u32 v3, $0x2;
	v3 =	vshll.u32 v3, $0x5  }
0x430: {  	[tilespmem:$0x250] =	vst v1;
	v1 =	vand.u32 $0x60, v3;
	v3 =	vld [tilespmem:$0x80]  }
0x431: {  	v4 =	vshll.u32 v12, $0x5;
	[tilespmem:$0x450] =	vst v1;
	v1 =	vshrl.u32 v12, $0x2  }
0x432: {  	v13 =	vld [tilespmem:$0x90];
	[tilespmem:$0x260] =	vst v1;
	v1 =	vand.u32 $0x60, v4  }
0x433: {  	[tilespmem:$0x460] =	vst v1;
	v1 =	vshrl.u32 v2, $0x2;
	v2 =	vshll.u32 v2, $0x5  }
0x434: {  	[tilespmem:$0x270] =	vst v1;
	v1 =	vand.u32 $0x60, v2;
	v2 =	vld [tilespmem:$0xA0]  }
0x435: {  	[tilespmem:$0x470] =	vst v1;
	v1 =	vshrl.u32 v3, $0x2;
	v3 =	vshll.u32 v3, $0x5  }
0x436: {  	[tilespmem:$0x280] =	vst v1;
	v1 =	vand.u32 $0x60, v3;
	v3 =	vld [tilespmem:$0xB0]  }
0x437: {  	v4 =	vshll.u32 v13, $0x5;
	[tilespmem:$0x480] =	vst v1;
	v1 =	vshrl.u32 v13, $0x2  }
0x438: {  	v14 =	vld [tilespmem:$0xC0];
	[tilespmem:$0x290] =	vst v1;
	v1 =	vand.u32 $0x60, v4  }
0x439: {  	[tilespmem:$0x490] =	vst v1;
	v1 =	vshrl.u32 v2, $0x2;
	v2 =	vshll.u32 v2, $0x5  }
0x43a: {  	[tilespmem:$0x2A0] =	vst v1;
	v1 =	vand.u32 $0x60, v2  }
0x43b: {  	[tilespmem:$0x4A0] =	vst v1;
	v1 =	vshrl.u32 v3, $0x2;
	v2 =	vshll.u32 v3, $0x5  }
0x43c: {  	[tilespmem:$0x2B0] =	vst v1;
	v1 =	vand.u32 $0x60, v2  }
0x43d: {  	v2 =	vshll.u32 v14, $0x5;
	[tilespmem:$0x4B0] =	vst v1;
	v1 =	vshrl.u32 v14, $0x2  }
0x43e: {  	[tilespmem:$0x2C0] =	vst v1;
	v1 =	vand.u32 $0x60, v2  }
0x43f: {  	s22 =	simm.s32 $0x200;
	[tilespmem:$0x4C0] =	vst v1  }
0x440: {  	[tilespmem:s23], [sflag:$0x3] =	stream.indirect.gather [hbm4b:s6+s21], $0x80, s22, s21, $0xb8;
	[tilespmem:$0x1A600] =	vst v63  }
0x441: {  	s22 =	sadd.s32 s8, s15  }
0x442: {  	s16 =	smul.u32 $0x19, s22  }
0x443: {  	[tilespmem:s26], [sflag:$0x3] =	stream.indirect.gather [hbm4b:s6+s24], $0x80, s25, s24, $0xb8;
	[tilespmem:$0x1A600] =	vst v63  }
0x444: {  	s22 =	simm.s32 $0x100;
	s16 =	sadd.s32 s2, s16  }
0x445: {  	[tilespmem:s22], [sflag:$0x2] =	stream.linear.gather [hbm4b:s16+s19], $0xC8, $0x38;
	[tilespmem:$0x1A600] =	vst v63  }
0x446: {  	_ =	swait.ge [sflag:s10], $0x6400  }
0x447: {  	[sflag:s10] =	ssyncset.done $0x0  }
0x448: {  	[sflag:s10] =	ssyncadd.s32 $0xFFFF9C00  }
0x449: {  	_ =	swait.ge [sflag:s13], $0x6400  }
0x44a: {  	[sflag:s13] =	ssyncset.done $0x0  }
0x44b: {  	s16 =	simm.s32 $0x500;
	[sflag:s13] =	ssyncadd.s32 $0xFFFF9C00  }
0x44c: {  	v2 =	vld [tilespmem:s16+$0x0];
	_ =	sdelay $0x2  }
0x44d: {  	v1 =	vmov s19  }
0x44e: {  	v1 =	vshll.u32 v1, $0x7  }
0x44f: {  	v1 =	vor.u32 v0, v1;
	v3 =	vand.u32 $0xFFFFFF80, v2  }
0x450: {  	v15 =	vand.u32 $0x7F, v2;
	v3 =	vadd.s32 v1, v3  }
0x451: {  	v3 =	vor.u32 v15, v3;
	_ =	sdelay $0x2  }
0x452: {  	v16 =	vadd.s32 $0x1, v2  }
0x453: {  	v5 =	vand.u32 $0xFFFFFF80, v16  }
0x454: {  	v4 =	vand.u32 $0x7F, v16;
	v5 =	vadd.s32 v1, v5;
	v3 =	vld.idx.msk [tilespmem:v3+s30+$0x0], $0xffff  }
0x455: {  	v4 =	vor.u32 v4, v5;
	_ =	sdelay $0x2  }
0x456: {  	v17 =	vadd.s32 $0x2, v2  }
0x457: {  	v6 =	vand.u32 $0xFFFFFF80, v17;
	[tilespmem:v1+s11+$0x0] =	vst.idx.msk $0xffff, v3  }
0x458: {  	v18 =	vor.u32 $0x1, v1;
	v5 =	vand.u32 $0x7F, v17;
	v3 =	vadd.s32 v1, v6;
	v4 =	vld.idx.msk [tilespmem:v4+s30+$0x0], $0xffff  }
0x459: {  	v3 =	vor.u32 v5, v3;
	_ =	sdelay $0x2  }
0x45a: {  	v19 =	vadd.s32 $0x3, v2  }
0x45b: {  	v7 =	vand.u32 $0xFFFFFF80, v19;
	[tilespmem:v18+s11+$0x0] =	vst.idx.msk $0xffff, v4  }
0x45c: {  	v21 =	vor.u32 $0x2, v1;
	v20 =	vadd.s32 v1, v7;
	v5 =	vand.u32 $0x7F, v19;
	v3 =	vld.idx.msk [tilespmem:v3+s30+$0x0], $0xffff  }
0x45d: {  	v4 =	vor.u32 v5, v20;
	_ =	sdelay $0x2  }
0x45e: {  	v22 =	vadd.s32 $0x4, v2  }
0x45f: {  	v23 =	vand.u32 $0xFFFFFF80, v22;
	[tilespmem:v21+s11+$0x0] =	vst.idx.msk $0xffff, v3  }
0x460: {  	v24 =	vor.u32 $0x3, v1;
	v5 =	vand.u32 $0x7F, v22;
	v3 =	vadd.s32 v1, v23;
	v4 =	vld.idx.msk [tilespmem:v4+s30+$0x0], $0xffff  }
0x461: {  	v3 =	vor.u32 v5, v3;
	_ =	sdelay $0x2  }
0x462: {  	v25 =	vadd.s32 $0x5, v2  }
0x463: {  	v26 =	vand.u32 $0xFFFFFF80, v25;
	[tilespmem:v24+s11+$0x0] =	vst.idx.msk $0xffff, v4  }
0x464: {  	v28 =	vor.u32 $0x4, v1;
	v27 =	vadd.s32 v1, v26;
	v5 =	vand.u32 $0x7F, v25;
	v3 =	vld.idx.msk [tilespmem:v3+s30+$0x0], $0xffff  }
0x465: {  	v4 =	vor.u32 v5, v27;
	_ =	sdelay $0x2  }
0x466: {  	v29 =	vadd.s32 $0x6, v2  }
0x467: {  	v30 =	vand.u32 $0xFFFFFF80, v29;
	[tilespmem:v28+s11+$0x0] =	vst.idx.msk $0xffff, v3  }
0x468: {  	v31 =	vor.u32 $0x5, v1;
	v5 =	vand.u32 $0x7F, v29;
	v3 =	vadd.s32 v1, v30;
	v4 =	vld.idx.msk [tilespmem:v4+s30+$0x0], $0xffff  }
0x469: {  	v3 =	vor.u32 v5, v3;
	_ =	sdelay $0x2  }
0x46a: {  	v32 =	vadd.s32 $0x7, v2  }
0x46b: {  	v33 =	vand.u32 $0xFFFFFF80, v32;
	[tilespmem:v31+s11+$0x0] =	vst.idx.msk $0xffff, v4  }
0x46c: {  	v35 =	vor.u32 $0x6, v1;
	v34 =	vadd.s32 v1, v33;
	v5 =	vand.u32 $0x7F, v32;
	v3 =	vld.idx.msk [tilespmem:v3+s30+$0x0], $0xffff  }
0x46d: {  	v4 =	vor.u32 v5, v34;
	_ =	sdelay $0x2  }
0x46e: {  	v36 =	vadd.s32 $0x8, v2  }
0x46f: {  	v37 =	vand.u32 $0xFFFFFF80, v36;
	[tilespmem:v35+s11+$0x0] =	vst.idx.msk $0xffff, v3  }
0x470: {  	v38 =	vor.u32 $0x7, v1;
	v5 =	vand.u32 $0x7F, v36;
	v3 =	vadd.s32 v1, v37;
	v4 =	vld.idx.msk [tilespmem:v4+s30+$0x0], $0xffff  }
0x471: {  	v3 =	vor.u32 v5, v3;
	_ =	sdelay $0x2  }
0x472: {  	v39 =	vadd.s32 $0x9, v2  }
0x473: {  	v40 =	vand.u32 $0xFFFFFF80, v39;
	[tilespmem:v38+s11+$0x0] =	vst.idx.msk $0xffff, v4  }
0x474: {  	v42 =	vor.u32 $0x8, v1;
	v41 =	vadd.s32 v1, v40;
	v5 =	vand.u32 $0x7F, v39;
	v3 =	vld.idx.msk [tilespmem:v3+s30+$0x0], $0xffff  }
0x475: {  	v4 =	vor.u32 v5, v41;
	_ =	sdelay $0x2  }
0x476: {  	v43 =	vadd.s32 $0xA, v2  }
0x477: {  	v44 =	vand.u32 $0xFFFFFF80, v43;
	[tilespmem:v42+s11+$0x0] =	vst.idx.msk $0xffff, v3  }
0x478: {  	v45 =	vor.u32 $0x9, v1;
	v5 =	vand.u32 $0x7F, v43;
	v3 =	vadd.s32 v1, v44;
	v4 =	vld.idx.msk [tilespmem:v4+s30+$0x0], $0xffff  }
0x479: {  	v3 =	vor.u32 v5, v3;
	_ =	sdelay $0x2  }
0x47a: {  	v46 =	vadd.s32 $0xB, v2  }
0x47b: {  	v47 =	vand.u32 $0xFFFFFF80, v46;
	[tilespmem:v45+s11+$0x0] =	vst.idx.msk $0xffff, v4  }
0x47c: {  	v49 =	vor.u32 $0xA, v1;
	v48 =	vadd.s32 v1, v47;
	v5 =	vand.u32 $0x7F, v46;
	v3 =	vld.idx.msk [tilespmem:v3+s30+$0x0], $0xffff  }
0x47d: {  	v4 =	vor.u32 v5, v48;
	_ =	sdelay $0x2  }
0x47e: {  	v50 =	vadd.s32 $0xC, v2  }
0x47f: {  	v51 =	vand.u32 $0xFFFFFF80, v50;
	[tilespmem:v49+s11+$0x0] =	vst.idx.msk $0xffff, v3  }
0x480: {  	v52 =	vor.u32 $0xB, v1;
	v5 =	vand.u32 $0x7F, v50;
	v3 =	vadd.s32 v1, v51;
	v4 =	vld.idx.msk [tilespmem:v4+s30+$0x0], $0xffff  }
0x481: {  	v3 =	vor.u32 v5, v3;
	_ =	sdelay $0x2  }
0x482: {  	v53 =	vadd.s32 $0xD, v2  }
0x483: {  	v54 =	vand.u32 $0xFFFFFF80, v53;
	[tilespmem:v52+s11+$0x0] =	vst.idx.msk $0xffff, v4  }
0x484: {  	v56 =	vor.u32 $0xC, v1;
	v55 =	vadd.s32 v1, v54;
	v5 =	vand.u32 $0x7F, v53;
	v3 =	vld.idx.msk [tilespmem:v3+s30+$0x0], $0xffff  }
0x485: {  	v4 =	vor.u32 v5, v55;
	_ =	sdelay $0x2  }
0x486: {  	v57 =	vadd.s32 $0xE, v2  }
0x487: {  	v58 =	vand.u32 $0xFFFFFF80, v57;
	[tilespmem:v56+s11+$0x0] =	vst.idx.msk $0xffff, v3  }
0x488: {  	v59 =	vor.u32 $0xD, v1;
	v5 =	vand.u32 $0x7F, v57;
	v3 =	vadd.s32 v1, v58;
	v4 =	vld.idx.msk [tilespmem:v4+s30+$0x0], $0xffff  }
0x489: {  	v3 =	vor.u32 v5, v3;
	_ =	sdelay $0x2  }
0x48a: {  	v60 =	vadd.s32 $0xF, v2  }
0x48b: {  	v61 =	vand.u32 $0xFFFFFF80, v60;
	[tilespmem:v59+s11+$0x0] =	vst.idx.msk $0xffff, v4  }
0x48c: {  	v63 =	vor.u32 $0xE, v1;
	v62 =	vadd.s32 v1, v61;
	v5 =	vand.u32 $0x7F, v60;
	v3 =	vld.idx.msk [tilespmem:v3+s30+$0x0], $0xffff  }
0x48d: {  	v4 =	vor.u32 v5, v62;
	_ =	sdelay $0x2  }
0x48e: {  	v9 =	vadd.s32 $0x10, v2  }
0x48f: {  	v10 =	vand.u32 $0xFFFFFF80, v9;
	[tilespmem:v63+s11+$0x0] =	vst.idx.msk $0xffff, v3  }
0x490: {  	v11 =	vor.u32 $0xF, v1;
	v5 =	vand.u32 $0x7F, v9;
	v3 =	vadd.s32 v1, v10;
	v4 =	vld.idx.msk [tilespmem:v4+s30+$0x0], $0xffff  }
0x491: {  	v3 =	vor.u32 v5, v3;
	_ =	sdelay $0x2  }
0x492: {  	v12 =	vadd.s32 $0x11, v2  }
0x493: {  	v13 =	vand.u32 $0xFFFFFF80, v12;
	[tilespmem:v11+s11+$0x0] =	vst.idx.msk $0xffff, v4  }
0x494: {  	v14 =	vadd.s32 v1, v13;
	v15 =	vor.u32 $0x10, v1;
	v5 =	vand.u32 $0x7F, v12;
	v3 =	vld.idx.msk [tilespmem:v3+s30+$0x0], $0xffff  }
0x495: {  	v4 =	vor.u32 v5, v14;
	_ =	sdelay $0x2  }
0x496: {  	v16 =	vadd.s32 $0x12, v2  }
0x497: {  	v17 =	vand.u32 $0xFFFFFF80, v16;
	[tilespmem:v15+s11+$0x0] =	vst.idx.msk $0xffff, v3  }
0x498: {  	v18 =	vor.u32 $0x11, v1;
	v5 =	vand.u32 $0x7F, v16;
	v3 =	vadd.s32 v1, v17;
	v4 =	vld.idx.msk [tilespmem:v4+s30+$0x0], $0xffff  }
0x499: {  	v3 =	vor.u32 v5, v3;
	_ =	sdelay $0x2  }
0x49a: {  	v19 =	vadd.s32 $0x13, v2  }
0x49b: {  	v20 =	vand.u32 $0xFFFFFF80, v19;
	[tilespmem:v18+s11+$0x0] =	vst.idx.msk $0xffff, v4  }
0x49c: {  	v22 =	vor.u32 $0x12, v1;
	v21 =	vadd.s32 v1, v20;
	v5 =	vand.u32 $0x7F, v19;
	v3 =	vld.idx.msk [tilespmem:v3+s30+$0x0], $0xffff  }
0x49d: {  	v4 =	vor.u32 v5, v21;
	_ =	sdelay $0x2  }
0x49e: {  	v23 =	vadd.s32 $0x14, v2  }
0x49f: {  	v24 =	vand.u32 $0xFFFFFF80, v23;
	[tilespmem:v22+s11+$0x0] =	vst.idx.msk $0xffff, v3  }
0x4a0: {  	v25 =	vor.u32 $0x13, v1;
	v5 =	vand.u32 $0x7F, v23;
	v3 =	vadd.s32 v1, v24;
	v4 =	vld.idx.msk [tilespmem:v4+s30+$0x0], $0xffff  }
0x4a1: {  	v3 =	vor.u32 v5, v3;
	_ =	sdelay $0x2  }
0x4a2: {  	v26 =	vadd.s32 $0x15, v2  }
0x4a3: {  	v27 =	vand.u32 $0xFFFFFF80, v26;
	[tilespmem:v25+s11+$0x0] =	vst.idx.msk $0xffff, v4  }
0x4a4: {  	v29 =	vor.u32 $0x14, v1;
	v28 =	vadd.s32 v1, v27;
	v5 =	vand.u32 $0x7F, v26;
	v3 =	vld.idx.msk [tilespmem:v3+s30+$0x0], $0xffff  }
0x4a5: {  	v4 =	vor.u32 v5, v28;
	_ =	sdelay $0x2  }
0x4a6: {  	v30 =	vadd.s32 $0x16, v2  }
0x4a7: {  	v31 =	vand.u32 $0xFFFFFF80, v30;
	[tilespmem:v29+s11+$0x0] =	vst.idx.msk $0xffff, v3  }
0x4a8: {  	v32 =	vor.u32 $0x15, v1;
	v5 =	vand.u32 $0x7F, v30;
	v3 =	vadd.s32 v1, v31;
	v4 =	vld.idx.msk [tilespmem:v4+s30+$0x0], $0xffff  }
0x4a9: {  	v3 =	vor.u32 v5, v3;
	_ =	sdelay $0x2  }
0x4aa: {  	v33 =	vadd.s32 $0x17, v2  }
0x4ab: {  	v34 =	vand.u32 $0xFFFFFF80, v33;
	[tilespmem:v32+s11+$0x0] =	vst.idx.msk $0xffff, v4  }
0x4ac: {  	v36 =	vor.u32 $0x16, v1;
	v35 =	vadd.s32 v1, v34;
	v5 =	vand.u32 $0x7F, v33;
	v3 =	vld.idx.msk [tilespmem:v3+s30+$0x0], $0xffff  }
0x4ad: {  	v4 =	vor.u32 v5, v35;
	_ =	sdelay $0x2  }
0x4ae: {  	v37 =	vadd.s32 $0x18, v2  }
0x4af: {  	v38 =	vand.u32 $0xFFFFFF80, v37;
	[tilespmem:v36+s11+$0x0] =	vst.idx.msk $0xffff, v3  }
0x4b0: {  	v39 =	vor.u32 $0x17, v1;
	v5 =	vand.u32 $0x7F, v37;
	v3 =	vadd.s32 v1, v38;
	v4 =	vld.idx.msk [tilespmem:v4+s30+$0x0], $0xffff  }
0x4b1: {  	v3 =	vor.u32 v5, v3;
	_ =	sdelay $0x2  }
0x4b2: {  	v40 =	vadd.s32 $0x19, v2  }
0x4b3: {  	v41 =	vand.u32 $0xFFFFFF80, v40;
	[tilespmem:v39+s11+$0x0] =	vst.idx.msk $0xffff, v4  }
0x4b4: {  	v43 =	vor.u32 $0x18, v1;
	v42 =	vadd.s32 v1, v41;
	v5 =	vand.u32 $0x7F, v40;
	v3 =	vld.idx.msk [tilespmem:v3+s30+$0x0], $0xffff  }
0x4b5: {  	v4 =	vor.u32 v5, v42;
	_ =	sdelay $0x2  }
0x4b6: {  	v44 =	vadd.s32 $0x1A, v2  }
0x4b7: {  	v45 =	vand.u32 $0xFFFFFF80, v44;
	[tilespmem:v43+s11+$0x0] =	vst.idx.msk $0xffff, v3  }
0x4b8: {  	v46 =	vor.u32 $0x19, v1;
	v5 =	vand.u32 $0x7F, v44;
	v3 =	vadd.s32 v1, v45;
	v4 =	vld.idx.msk [tilespmem:v4+s30+$0x0], $0xffff  }
0x4b9: {  	v3 =	vor.u32 v5, v3;
	_ =	sdelay $0x2  }
0x4ba: {  	v47 =	vadd.s32 $0x1B, v2  }
0x4bb: {  	v48 =	vand.u32 $0xFFFFFF80, v47;
	[tilespmem:v46+s11+$0x0] =	vst.idx.msk $0xffff, v4  }
0x4bc: {  	v50 =	vor.u32 $0x1A, v1;
	v49 =	vadd.s32 v1, v48;
	v5 =	vand.u32 $0x7F, v47;
	v3 =	vld.idx.msk [tilespmem:v3+s30+$0x0], $0xffff  }
0x4bd: {  	v4 =	vor.u32 v5, v49;
	_ =	sdelay $0x2  }
0x4be: {  	v51 =	vadd.s32 $0x1C, v2  }
0x4bf: {  	v52 =	vand.u32 $0xFFFFFF80, v51;
	[tilespmem:v50+s11+$0x0] =	vst.idx.msk $0xffff, v3  }
0x4c0: {  	v53 =	vor.u32 $0x1B, v1;
	v5 =	vand.u32 $0x7F, v51;
	v3 =	vadd.s32 v1, v52;
	v4 =	vld.idx.msk [tilespmem:v4+s30+$0x0], $0xffff  }
0x4c1: {  	v3 =	vor.u32 v5, v3;
	_ =	sdelay $0x2  }
0x4c2: {  	v54 =	vadd.s32 $0x1D, v2  }
0x4c3: {  	v55 =	vand.u32 $0xFFFFFF80, v54;
	[tilespmem:v53+s11+$0x0] =	vst.idx.msk $0xffff, v4  }
0x4c4: {  	v57 =	vor.u32 $0x1C, v1;
	v56 =	vadd.s32 v1, v55;
	v5 =	vand.u32 $0x7F, v54;
	v3 =	vld.idx.msk [tilespmem:v3+s30+$0x0], $0xffff  }
0x4c5: {  	v4 =	vor.u32 v5, v56;
	_ =	sdelay $0x2  }
0x4c6: {  	v58 =	vadd.s32 $0x1E, v2  }
0x4c7: {  	v59 =	vand.u32 $0xFFFFFF80, v58;
	[tilespmem:v57+s11+$0x0] =	vst.idx.msk $0xffff, v3  }
0x4c8: {  	v60 =	vor.u32 $0x1D, v1;
	v5 =	vand.u32 $0x7F, v58;
	v3 =	vadd.s32 v1, v59;
	v4 =	vld.idx.msk [tilespmem:v4+s30+$0x0], $0xffff  }
0x4c9: {  	v3 =	vor.u32 v5, v3;
	_ =	sdelay $0x2  }
0x4ca: {  	v2 =	vadd.s32 $0x1F, v2  }
0x4cb: {  	v61 =	vand.u32 $0xFFFFFF80, v2;
	[tilespmem:v60+s11+$0x0] =	vst.idx.msk $0xffff, v4  }
0x4cc: {  	v2 =	vand.u32 $0x7F, v2;
	v62 =	vadd.s32 v1, v61;
	v63 =	vor.u32 $0x1E, v1;
	v3 =	vld.idx.msk [tilespmem:v3+s30+$0x0], $0xffff  }
0x4cd: {  	v2 =	vor.u32 v2, v62;
	_ =	sdelay $0x3  }
0x4ce: {  	[tilespmem:v63+s11+$0x0] =	vst.idx.msk $0xffff, v3  }
0x4cf: {  	s19 =	simm.s32 $0x10;
	v1 =	vor.u32 $0x1F, v1;
	v2 =	vld.idx.msk [tilespmem:v2+s30+$0x0], $0xffff  }
.LBB2_9:
0x4d0: {  	_ =	sdelay $0x2  }
0x4d1: {  	p0 =	sne.s32 s19, $0xC0  }
0x4d2: {  	s16 =	sadd.s32 $0x10, s16;
	s22 =	smov.u32 s19;
	s19 =	sadd.s32 $0x10, s19;
	[tilespmem:v1+s11+$0x0] =	vst.idx.msk $0xffff, v2  }
0x4d3: {  	v2 =	vld [tilespmem:s16+$0x0];
	_ =	sdelay $0x2  }
0x4d4: {  	v1 =	vmov s22  }
0x4d5: {  	v1 =	vshll.u32 v1, $0x7  }
0x4d6: {  	v1 =	vor.u32 v0, v1;
	v3 =	vand.u32 $0xFFFFFF80, v2;
	v5 =	vadd.s32 $0x1, v2  }
0x4d7: {  	v4 =	vand.u32 $0x7F, v2;
	v3 =	vadd.s32 v1, v3;
	v6 =	vand.u32 $0xFFFFFF80, v5  }
0x4d8: {  	v7 =	vadd.s32 $0x2, v2;
	v3 =	vor.u32 v4, v3;
	v6 =	vadd.s32 v1, v6  }
0x4d9: {  	v8 =	vadd.s32 $0x3, v2;
	v9 =	vadd.s32 $0x4, v2;
	v4 =	vand.u32 $0xFFFFFF80, v7  }
0x4da: {  	v11 =	vand.u32 $0xFFFFFF80, v9;
	v10 =	vadd.s32 v1, v4;
	v4 =	vand.u32 $0xFFFFFF80, v8  }
0x4db: {  	v11 =	vadd.s32 v1, v11;
	v12 =	vadd.s32 v1, v4;
	v4 =	vadd.s32 $0x5, v2  }
0x4dc: {  	v52 =	vadd.s32 $0x6, v2;
	v48 =	vadd.s32 $0x7, v2;
	v13 =	vand.u32 $0xFFFFFF80, v4  }
0x4dd: {  	v14 =	vand.u32 $0xFFFFFF80, v48;
	v54 =	vadd.s32 v1, v13;
	v13 =	vand.u32 $0xFFFFFF80, v52;
	v3 =	vld.idx.msk [tilespmem:v3+s30+$0x0], $0xffff  }
0x4de: {  	v5 =	vand.u32 $0x7F, v5;
	v51 =	vadd.s32 v1, v14;
	v53 =	vadd.s32 v1, v13  }
0x4df: {  	v49 =	vadd.s32 $0x8, v2;
	v46 =	vadd.s32 $0x9, v2;
	v5 =	vor.u32 v5, v6  }
0x4e0: {  	v43 =	vadd.s32 $0xA, v2;
	v6 =	vand.u32 $0xFFFFFF80, v49;
	v13 =	vand.u32 $0xFFFFFF80, v46  }
0x4e1: {  	v50 =	vadd.s32 v1, v6;
	v6 =	vand.u32 $0xFFFFFF80, v43;
	v47 =	vadd.s32 v1, v13  }
0x4e2: {  	v42 =	vadd.s32 $0xB, v2;
	v39 =	vadd.s32 $0xC, v2;
	v45 =	vadd.s32 v1, v6  }
0x4e3: {  	v36 =	vadd.s32 $0xD, v2;
	v6 =	vand.u32 $0xFFFFFF80, v39;
	[tilespmem:v1+s11+$0x0] =	vst.idx.msk $0xffff, v3;
	v3 =	vand.u32 $0xFFFFFF80, v42  }
0x4e4: {  	v41 =	vadd.s32 v1, v6;
	v5 =	vld.idx.msk [tilespmem:v5+s30+$0x0], $0xffff;
	v44 =	vadd.s32 v1, v3;
	v3 =	vand.u32 $0xFFFFFF80, v36  }
0x4e5: {  	v7 =	vand.u32 $0x7F, v7;
	v6 =	vor.u32 $0x1, v1;
	v40 =	vadd.s32 v1, v3  }
0x4e6: {  	v37 =	vadd.s32 $0xE, v2;
	v34 =	vadd.s32 $0xF, v2;
	v3 =	vor.u32 v7, v10  }
0x4e7: {  	v31 =	vadd.s32 $0x10, v2;
	v7 =	vand.u32 $0xFFFFFF80, v37;
	v10 =	vand.u32 $0xFFFFFF80, v34  }
0x4e8: {  	v38 =	vadd.s32 v1, v7;
	v35 =	vadd.s32 v1, v10;
	v7 =	vand.u32 $0xFFFFFF80, v31  }
0x4e9: {  	v30 =	vadd.s32 $0x11, v2;
	v27 =	vadd.s32 $0x12, v2;
	v33 =	vadd.s32 v1, v7  }
0x4ea: {  	v24 =	vadd.s32 $0x13, v2;
	[tilespmem:v6+s11+$0x0] =	vst.idx.msk $0xffff, v5;
	v5 =	vand.u32 $0xFFFFFF80, v30;
	v6 =	vand.u32 $0xFFFFFF80, v27  }
0x4eb: {  	v3 =	vld.idx.msk [tilespmem:v3+s30+$0x0], $0xffff;
	v32 =	vadd.s32 v1, v5;
	v29 =	vadd.s32 v1, v6;
	v5 =	vand.u32 $0xFFFFFF80, v24  }
0x4ec: {  	v7 =	vand.u32 $0x7F, v8;
	v6 =	vor.u32 $0x2, v1;
	v28 =	vadd.s32 v1, v5  }
0x4ed: {  	v25 =	vadd.s32 $0x14, v2;
	v22 =	vadd.s32 $0x15, v2;
	v5 =	vor.u32 v7, v12  }
0x4ee: {  	v19 =	vadd.s32 $0x16, v2;
	v8 =	vand.u32 $0xFFFFFF80, v22;
	v7 =	vand.u32 $0xFFFFFF80, v25  }
0x4ef: {  	v23 =	vadd.s32 v1, v8;
	v26 =	vadd.s32 v1, v7;
	v7 =	vand.u32 $0xFFFFFF80, v19  }
0x4f0: {  	v18 =	vadd.s32 $0x17, v2;
	v15 =	vadd.s32 $0x18, v2;
	v21 =	vadd.s32 v1, v7  }
0x4f1: {  	v12 =	vadd.s32 $0x19, v2;
	[tilespmem:v6+s11+$0x0] =	vst.idx.msk $0xffff, v3;
	v3 =	vand.u32 $0xFFFFFF80, v18;
	v6 =	vand.u32 $0xFFFFFF80, v15  }
0x4f2: {  	v5 =	vld.idx.msk [tilespmem:v5+s30+$0x0], $0xffff;
	v20 =	vadd.s32 v1, v3;
	v17 =	vadd.s32 v1, v6;
	v3 =	vand.u32 $0xFFFFFF80, v12  }
0x4f3: {  	v8 =	vor.u32 $0x3, v1;
	v6 =	vand.u32 $0x7F, v9;
	v16 =	vadd.s32 v1, v3  }
0x4f4: {  	v13 =	vadd.s32 $0x1A, v2;
	v10 =	vadd.s32 $0x1B, v2;
	v55 =	vor.u32 v6, v11  }
0x4f5: {  	v7 =	vadd.s32 $0x1C, v2;
	v3 =	vand.u32 $0xFFFFFF80, v13;
	v6 =	vand.u32 $0xFFFFFF80, v10  }
0x4f6: {  	v14 =	vadd.s32 v1, v3;
	v11 =	vadd.s32 v1, v6;
	v3 =	vand.u32 $0xFFFFFF80, v7  }
0x4f7: {  	v6 =	vadd.s32 $0x1D, v2;
	v9 =	vadd.s32 v1, v3;
	v3 =	vadd.s32 $0x1E, v2  }
0x4f8: {  	v2 =	vadd.s32 $0x1F, v2;
	v56 =	vand.u32 $0xFFFFFF80, v3;
	[tilespmem:v8+s11+$0x0] =	vst.idx.msk $0xffff, v5;
	v5 =	vand.u32 $0xFFFFFF80, v6  }
0x4f9: {  	v55 =	vld.idx.msk [tilespmem:v55+s30+$0x0], $0xffff;
	v8 =	vadd.s32 v1, v5;
	v5 =	vadd.s32 v1, v56;
	v56 =	vand.u32 $0xFFFFFF80, v2  }
0x4fa: {  	v57 =	vor.u32 $0x4, v1;
	v58 =	vand.u32 $0x7F, v4;
	v4 =	vadd.s32 v1, v56  }
0x4fb: {  	v54 =	vor.u32 v58, v54;
	_ =	sdelay $0x3  }
0x4fc: {  	[tilespmem:v57+s11+$0x0] =	vst.idx.msk $0xffff, v55  }
0x4fd: {  	v54 =	vld.idx.msk [tilespmem:v54+s30+$0x0], $0xffff  }
0x4fe: {  	v52 =	vand.u32 $0x7F, v52;
	v55 =	vor.u32 $0x5, v1  }
0x4ff: {  	v52 =	vor.u32 v52, v53;
	_ =	sdelay $0x3  }
0x500: {  	[tilespmem:v55+s11+$0x0] =	vst.idx.msk $0xffff, v54  }
0x501: {  	v52 =	vld.idx.msk [tilespmem:v52+s30+$0x0], $0xffff  }
0x502: {  	v48 =	vand.u32 $0x7F, v48;
	v53 =	vor.u32 $0x6, v1  }
0x503: {  	v48 =	vor.u32 v48, v51;
	_ =	sdelay $0x3  }
0x504: {  	[tilespmem:v53+s11+$0x0] =	vst.idx.msk $0xffff, v52  }
0x505: {  	v48 =	vld.idx.msk [tilespmem:v48+s30+$0x0], $0xffff  }
0x506: {  	v51 =	vor.u32 $0x7, v1;
	v49 =	vand.u32 $0x7F, v49  }
0x507: {  	v49 =	vor.u32 v49, v50;
	_ =	sdelay $0x3  }
0x508: {  	[tilespmem:v51+s11+$0x0] =	vst.idx.msk $0xffff, v48  }
0x509: {  	v48 =	vld.idx.msk [tilespmem:v49+s30+$0x0], $0xffff  }
0x50a: {  	v46 =	vand.u32 $0x7F, v46;
	v49 =	vor.u32 $0x8, v1  }
0x50b: {  	v46 =	vor.u32 v46, v47;
	_ =	sdelay $0x3  }
0x50c: {  	[tilespmem:v49+s11+$0x0] =	vst.idx.msk $0xffff, v48  }
0x50d: {  	v46 =	vld.idx.msk [tilespmem:v46+s30+$0x0], $0xffff  }
0x50e: {  	v43 =	vand.u32 $0x7F, v43;
	v47 =	vor.u32 $0x9, v1  }
0x50f: {  	v43 =	vor.u32 v43, v45;
	_ =	sdelay $0x3  }
0x510: {  	[tilespmem:v47+s11+$0x0] =	vst.idx.msk $0xffff, v46  }
0x511: {  	v43 =	vld.idx.msk [tilespmem:v43+s30+$0x0], $0xffff  }
0x512: {  	v45 =	vor.u32 $0xA, v1;
	v42 =	vand.u32 $0x7F, v42  }
0x513: {  	v42 =	vor.u32 v42, v44;
	_ =	sdelay $0x3  }
0x514: {  	[tilespmem:v45+s11+$0x0] =	vst.idx.msk $0xffff, v43  }
0x515: {  	v42 =	vld.idx.msk [tilespmem:v42+s30+$0x0], $0xffff  }
0x516: {  	v39 =	vand.u32 $0x7F, v39;
	v43 =	vor.u32 $0xB, v1  }
0x517: {  	v39 =	vor.u32 v39, v41;
	_ =	sdelay $0x3  }
0x518: {  	[tilespmem:v43+s11+$0x0] =	vst.idx.msk $0xffff, v42  }
0x519: {  	v39 =	vld.idx.msk [tilespmem:v39+s30+$0x0], $0xffff  }
0x51a: {  	v41 =	vor.u32 $0xC, v1;
	v36 =	vand.u32 $0x7F, v36  }
0x51b: {  	v36 =	vor.u32 v36, v40;
	_ =	sdelay $0x3  }
0x51c: {  	[tilespmem:v41+s11+$0x0] =	vst.idx.msk $0xffff, v39  }
0x51d: {  	v36 =	vld.idx.msk [tilespmem:v36+s30+$0x0], $0xffff  }
0x51e: {  	v37 =	vand.u32 $0x7F, v37;
	v39 =	vor.u32 $0xD, v1  }
0x51f: {  	v37 =	vor.u32 v37, v38;
	_ =	sdelay $0x3  }
0x520: {  	[tilespmem:v39+s11+$0x0] =	vst.idx.msk $0xffff, v36  }
0x521: {  	v36 =	vld.idx.msk [tilespmem:v37+s30+$0x0], $0xffff  }
0x522: {  	v34 =	vand.u32 $0x7F, v34;
	v37 =	vor.u32 $0xE, v1  }
0x523: {  	v34 =	vor.u32 v34, v35;
	_ =	sdelay $0x3  }
0x524: {  	[tilespmem:v37+s11+$0x0] =	vst.idx.msk $0xffff, v36  }
0x525: {  	v34 =	vld.idx.msk [tilespmem:v34+s30+$0x0], $0xffff  }
0x526: {  	v31 =	vand.u32 $0x7F, v31;
	v35 =	vor.u32 $0xF, v1  }
0x527: {  	v31 =	vor.u32 v31, v33;
	_ =	sdelay $0x3  }
0x528: {  	[tilespmem:v35+s11+$0x0] =	vst.idx.msk $0xffff, v34  }
0x529: {  	v31 =	vld.idx.msk [tilespmem:v31+s30+$0x0], $0xffff  }
0x52a: {  	v33 =	vor.u32 $0x10, v1;
	v30 =	vand.u32 $0x7F, v30  }
0x52b: {  	v30 =	vor.u32 v30, v32;
	_ =	sdelay $0x3  }
0x52c: {  	[tilespmem:v33+s11+$0x0] =	vst.idx.msk $0xffff, v31  }
0x52d: {  	v30 =	vld.idx.msk [tilespmem:v30+s30+$0x0], $0xffff  }
0x52e: {  	v27 =	vand.u32 $0x7F, v27;
	v31 =	vor.u32 $0x11, v1  }
0x52f: {  	v27 =	vor.u32 v27, v29;
	_ =	sdelay $0x3  }
0x530: {  	[tilespmem:v31+s11+$0x0] =	vst.idx.msk $0xffff, v30  }
0x531: {  	v27 =	vld.idx.msk [tilespmem:v27+s30+$0x0], $0xffff  }
0x532: {  	v24 =	vand.u32 $0x7F, v24;
	v29 =	vor.u32 $0x12, v1  }
0x533: {  	v24 =	vor.u32 v24, v28;
	_ =	sdelay $0x3  }
0x534: {  	[tilespmem:v29+s11+$0x0] =	vst.idx.msk $0xffff, v27  }
0x535: {  	v24 =	vld.idx.msk [tilespmem:v24+s30+$0x0], $0xffff  }
0x536: {  	v25 =	vand.u32 $0x7F, v25;
	v27 =	vor.u32 $0x13, v1  }
0x537: {  	v25 =	vor.u32 v25, v26;
	_ =	sdelay $0x3  }
0x538: {  	[tilespmem:v27+s11+$0x0] =	vst.idx.msk $0xffff, v24  }
0x539: {  	v24 =	vld.idx.msk [tilespmem:v25+s30+$0x0], $0xffff  }
0x53a: {  	v22 =	vand.u32 $0x7F, v22;
	v25 =	vor.u32 $0x14, v1  }
0x53b: {  	v22 =	vor.u32 v22, v23;
	_ =	sdelay $0x3  }
0x53c: {  	[tilespmem:v25+s11+$0x0] =	vst.idx.msk $0xffff, v24  }
0x53d: {  	v22 =	vld.idx.msk [tilespmem:v22+s30+$0x0], $0xffff  }
0x53e: {  	v23 =	vor.u32 $0x15, v1;
	v19 =	vand.u32 $0x7F, v19  }
0x53f: {  	v19 =	vor.u32 v19, v21;
	_ =	sdelay $0x3  }
0x540: {  	[tilespmem:v23+s11+$0x0] =	vst.idx.msk $0xffff, v22  }
0x541: {  	v19 =	vld.idx.msk [tilespmem:v19+s30+$0x0], $0xffff  }
0x542: {  	v21 =	vor.u32 $0x16, v1;
	v18 =	vand.u32 $0x7F, v18  }
0x543: {  	v18 =	vor.u32 v18, v20;
	_ =	sdelay $0x3  }
0x544: {  	[tilespmem:v21+s11+$0x0] =	vst.idx.msk $0xffff, v19  }
0x545: {  	v18 =	vld.idx.msk [tilespmem:v18+s30+$0x0], $0xffff  }
0x546: {  	v15 =	vand.u32 $0x7F, v15;
	v19 =	vor.u32 $0x17, v1  }
0x547: {  	v15 =	vor.u32 v15, v17;
	_ =	sdelay $0x3  }
0x548: {  	[tilespmem:v19+s11+$0x0] =	vst.idx.msk $0xffff, v18  }
0x549: {  	v15 =	vld.idx.msk [tilespmem:v15+s30+$0x0], $0xffff  }
0x54a: {  	v12 =	vand.u32 $0x7F, v12;
	v17 =	vor.u32 $0x18, v1  }
0x54b: {  	v12 =	vor.u32 v12, v16;
	_ =	sdelay $0x3  }
0x54c: {  	[tilespmem:v17+s11+$0x0] =	vst.idx.msk $0xffff, v15  }
0x54d: {  	v12 =	vld.idx.msk [tilespmem:v12+s30+$0x0], $0xffff  }
0x54e: {  	v13 =	vand.u32 $0x7F, v13;
	v15 =	vor.u32 $0x19, v1  }
0x54f: {  	v13 =	vor.u32 v13, v14;
	_ =	sdelay $0x3  }
0x550: {  	[tilespmem:v15+s11+$0x0] =	vst.idx.msk $0xffff, v12  }
0x551: {  	v12 =	vld.idx.msk [tilespmem:v13+s30+$0x0], $0xffff  }
0x552: {  	v10 =	vand.u32 $0x7F, v10;
	v13 =	vor.u32 $0x1A, v1  }
0x553: {  	v10 =	vor.u32 v10, v11;
	_ =	sdelay $0x3  }
0x554: {  	[tilespmem:v13+s11+$0x0] =	vst.idx.msk $0xffff, v12  }
0x555: {  	v10 =	vld.idx.msk [tilespmem:v10+s30+$0x0], $0xffff  }
0x556: {  	v7 =	vand.u32 $0x7F, v7;
	v11 =	vor.u32 $0x1B, v1  }
0x557: {  	v7 =	vor.u32 v7, v9;
	_ =	sdelay $0x3  }
0x558: {  	[tilespmem:v11+s11+$0x0] =	vst.idx.msk $0xffff, v10  }
0x559: {  	v7 =	vld.idx.msk [tilespmem:v7+s30+$0x0], $0xffff  }
0x55a: {  	v9 =	vor.u32 $0x1C, v1;
	v6 =	vand.u32 $0x7F, v6  }
0x55b: {  	v6 =	vor.u32 v6, v8;
	_ =	sdelay $0x3  }
0x55c: {  	[tilespmem:v9+s11+$0x0] =	vst.idx.msk $0xffff, v7  }
0x55d: {  	v6 =	vld.idx.msk [tilespmem:v6+s30+$0x0], $0xffff  }
0x55e: {  	v3 =	vand.u32 $0x7F, v3;
	v7 =	vor.u32 $0x1D, v1  }
0x55f: {  	v3 =	vor.u32 v3, v5;
	_ =	sdelay $0x3  }
0x560: {  	[tilespmem:v7+s11+$0x0] =	vst.idx.msk $0xffff, v6  }
0x561: {  	v3 =	vld.idx.msk [tilespmem:v3+s30+$0x0], $0xffff  }
0x562: {  	v2 =	vand.u32 $0x7F, v2;
	v5 =	vor.u32 $0x1E, v1  }
0x563: {  	v2 =	vor.u32 v2, v4;
	_ =	sdelay $0x1  }
.Ltmp3:
0x564: {  	(pc) =	sbr.rel @p0 .LBB2_9-.Ltmp3, $4  }
0x565: {  	_ = 	snop  }
0x566: {  	[tilespmem:v5+s11+$0x0] =	vst.idx.msk $0xffff, v3  }
0x567: {  	v2 =	vld.idx.msk [tilespmem:v2+s30+$0x0], $0xffff  }
0x568: {  	v1 =	vor.u32 $0x1F, v1  }
0x569: {  	p0 =	sne.s32 s18, $0x3E  }
.Ltmp4:
0x56a: {  	s8 =	sadd.s32 s8, s5;
	(pc) =	sbr.rel @p0 .LBB2_6-.Ltmp4, $3  }
0x56b: {  	s8 =	smul.u32 $0xC80, s8;
	_ =	sdelay $0x1  }
0x56c: {  	[tilespmem:v1+s11+$0x0] =	vst.idx.msk $0xffff, v2;
	s8 =	sadd.s32 s7, s8  }
0x56d: {  	[hbm4b:s8+s3] =	stream.linear.scatter [tilespmem:s11], [sflag:$0x6], $0x6400, $0x38;
	[tilespmem:$0x1A600] =	vst v63  }
0x56e: {  	_ =	swait.ge [sflag:s28], $0xC8  }
0x56f: {  	[sflag:s28] =	ssyncset.done $0x0  }
0x570: {  	[sflag:s28] =	ssyncadd.s32 $0xFFFFFF38  }
0x571: {  	v1 =	vld [tilespmem:$0x100];
	_ =	sdelay $0x1  }
0x572: {  	v2 =	vld [tilespmem:$0x110];
	_ =	sdelay $0x1  }
0x573: {  	v3 =	vld [tilespmem:$0x120]  }
0x574: {  	v4 =	vshrl.u32 v1, $0x2;
	v1 =	vshll.u32 v1, $0x5  }
0x575: {  	v11 =	vld [tilespmem:$0x130];
	[tilespmem:$0x300] =	vst v4;
	v1 =	vand.u32 $0x60, v1  }
0x576: {  	[tilespmem:$0x500] =	vst v1;
	v1 =	vshrl.u32 v2, $0x2;
	v2 =	vshll.u32 v2, $0x5  }
0x577: {  	[tilespmem:$0x310] =	vst v1;
	v1 =	vand.u32 $0x60, v2;
	v2 =	vld [tilespmem:$0x140]  }
0x578: {  	[tilespmem:$0x510] =	vst v1;
	v1 =	vshrl.u32 v3, $0x2;
	v3 =	vshll.u32 v3, $0x5  }
0x579: {  	[tilespmem:$0x320] =	vst v1;
	v1 =	vand.u32 $0x60, v3;
	v3 =	vld [tilespmem:$0x150]  }
0x57a: {  	v4 =	vshll.u32 v11, $0x5;
	[tilespmem:$0x520] =	vst v1;
	v1 =	vshrl.u32 v11, $0x2  }
0x57b: {  	v12 =	vld [tilespmem:$0x160];
	[tilespmem:$0x330] =	vst v1;
	v1 =	vand.u32 $0x60, v4  }
0x57c: {  	[tilespmem:$0x530] =	vst v1;
	v1 =	vshrl.u32 v2, $0x2;
	v2 =	vshll.u32 v2, $0x5  }
0x57d: {  	[tilespmem:$0x340] =	vst v1;
	v1 =	vand.u32 $0x60, v2;
	v2 =	vld [tilespmem:$0x170]  }
0x57e: {  	[tilespmem:$0x540] =	vst v1;
	v1 =	vshrl.u32 v3, $0x2;
	v3 =	vshll.u32 v3, $0x5  }
0x57f: {  	[tilespmem:$0x350] =	vst v1;
	v1 =	vand.u32 $0x60, v3;
	v3 =	vld [tilespmem:$0x180]  }
0x580: {  	v4 =	vshll.u32 v12, $0x5;
	[tilespmem:$0x550] =	vst v1;
	v1 =	vshrl.u32 v12, $0x2  }
0x581: {  	v13 =	vld [tilespmem:$0x190];
	[tilespmem:$0x360] =	vst v1;
	v1 =	vand.u32 $0x60, v4  }
0x582: {  	[tilespmem:$0x560] =	vst v1;
	v1 =	vshrl.u32 v2, $0x2;
	v2 =	vshll.u32 v2, $0x5  }
0x583: {  	[tilespmem:$0x370] =	vst v1;
	v1 =	vand.u32 $0x60, v2;
	v2 =	vld [tilespmem:$0x1A0]  }
0x584: {  	[tilespmem:$0x570] =	vst v1;
	v1 =	vshrl.u32 v3, $0x2;
	v3 =	vshll.u32 v3, $0x5  }
0x585: {  	[tilespmem:$0x380] =	vst v1;
	v1 =	vand.u32 $0x60, v3;
	v3 =	vld [tilespmem:$0x1B0]  }
0x586: {  	v4 =	vshll.u32 v13, $0x5;
	[tilespmem:$0x580] =	vst v1;
	v1 =	vshrl.u32 v13, $0x2  }
0x587: {  	v14 =	vld [tilespmem:$0x1C0];
	[tilespmem:$0x390] =	vst v1;
	v1 =	vand.u32 $0x60, v4  }
0x588: {  	[tilespmem:$0x590] =	vst v1;
	v1 =	vshrl.u32 v2, $0x2;
	v2 =	vshll.u32 v2, $0x5  }
0x589: {  	[tilespmem:$0x3A0] =	vst v1;
	v1 =	vand.u32 $0x60, v2  }
0x58a: {  	[tilespmem:$0x5A0] =	vst v1;
	v1 =	vshrl.u32 v3, $0x2;
	v2 =	vshll.u32 v3, $0x5  }
0x58b: {  	[tilespmem:$0x3B0] =	vst v1;
	v1 =	vand.u32 $0x60, v2  }
0x58c: {  	v2 =	vshll.u32 v14, $0x5;
	[tilespmem:$0x5B0] =	vst v1;
	v1 =	vshrl.u32 v14, $0x2  }
0x58d: {  	[tilespmem:$0x3C0] =	vst v1;
	v1 =	vand.u32 $0x60, v2  }
0x58e: {  	[tilespmem:$0x5C0] =	vst v1  }
0x58f: {  	[tilespmem:s30], [sflag:$0x4] =	stream.indirect.gather [hbm4b:s6+s21], $0x80, s29, s21, $0xb8;
	[tilespmem:$0x1A600] =	vst v63  }
0x590: {  	_ = 	snop  }
0x591: {  	[tilespmem:s1], [sflag:$0x4] =	stream.indirect.gather [hbm4b:s6+s24], $0x80, s31, s24, $0xb8;
	[tilespmem:$0x1A600] =	vst v63  }
0x592: {  	_ =	swait.ge [sflag:s0], $0x6400  }
0x593: {  	[sflag:s0] =	ssyncset.done $0x0  }
0x594: {  	[sflag:s0] =	ssyncadd.s32 $0xFFFF9C00  }
0x595: {  	_ =	swait.ge [sflag:s12], $0x6400  }
0x596: {  	[sflag:s12] =	ssyncset.done $0x0  }
0x597: {  	s8 =	simm.s32 $0x400;
	[sflag:s12] =	ssyncadd.s32 $0xFFFF9C00  }
0x598: {  	v2 =	vld [tilespmem:s8+$0x0];
	_ =	sdelay $0x1  }
0x599: {  	s16 =	simm.s32 $0x0  }
0x59a: {  	v1 =	vmov s16  }
0x59b: {  	v1 =	vshll.u32 v1, $0x7  }
0x59c: {  	v1 =	vor.u32 v0, v1;
	v3 =	vand.u32 $0xFFFFFF80, v2  }
0x59d: {  	v15 =	vand.u32 $0x7F, v2;
	v3 =	vadd.s32 v1, v3  }
0x59e: {  	v3 =	vor.u32 v15, v3;
	_ =	sdelay $0x2  }
0x59f: {  	v16 =	vadd.s32 $0x1, v2  }
0x5a0: {  	v5 =	vand.u32 $0xFFFFFF80, v16  }
0x5a1: {  	v4 =	vand.u32 $0x7F, v16;
	v5 =	vadd.s32 v1, v5;
	v3 =	vld.idx.msk [tilespmem:v3+s23+$0x0], $0xffff  }
0x5a2: {  	v4 =	vor.u32 v4, v5;
	_ =	sdelay $0x2  }
0x5a3: {  	v17 =	vadd.s32 $0x2, v2  }
0x5a4: {  	v6 =	vand.u32 $0xFFFFFF80, v17;
	[tilespmem:v1+s9+$0x0] =	vst.idx.msk $0xffff, v3  }
0x5a5: {  	v18 =	vor.u32 $0x1, v1;
	v5 =	vand.u32 $0x7F, v17;
	v3 =	vadd.s32 v1, v6;
	v4 =	vld.idx.msk [tilespmem:v4+s23+$0x0], $0xffff  }
0x5a6: {  	v3 =	vor.u32 v5, v3;
	_ =	sdelay $0x2  }
0x5a7: {  	v19 =	vadd.s32 $0x3, v2  }
0x5a8: {  	v7 =	vand.u32 $0xFFFFFF80, v19;
	[tilespmem:v18+s9+$0x0] =	vst.idx.msk $0xffff, v4  }
0x5a9: {  	v21 =	vor.u32 $0x2, v1;
	v20 =	vadd.s32 v1, v7;
	v5 =	vand.u32 $0x7F, v19;
	v3 =	vld.idx.msk [tilespmem:v3+s23+$0x0], $0xffff  }
0x5aa: {  	v4 =	vor.u32 v5, v20;
	_ =	sdelay $0x2  }
0x5ab: {  	v22 =	vadd.s32 $0x4, v2  }
0x5ac: {  	v23 =	vand.u32 $0xFFFFFF80, v22;
	[tilespmem:v21+s9+$0x0] =	vst.idx.msk $0xffff, v3  }
0x5ad: {  	v24 =	vor.u32 $0x3, v1;
	v5 =	vand.u32 $0x7F, v22;
	v3 =	vadd.s32 v1, v23;
	v4 =	vld.idx.msk [tilespmem:v4+s23+$0x0], $0xffff  }
0x5ae: {  	v3 =	vor.u32 v5, v3;
	_ =	sdelay $0x2  }
0x5af: {  	v25 =	vadd.s32 $0x5, v2  }
0x5b0: {  	v26 =	vand.u32 $0xFFFFFF80, v25;
	[tilespmem:v24+s9+$0x0] =	vst.idx.msk $0xffff, v4  }
0x5b1: {  	v28 =	vor.u32 $0x4, v1;
	v27 =	vadd.s32 v1, v26;
	v5 =	vand.u32 $0x7F, v25;
	v3 =	vld.idx.msk [tilespmem:v3+s23+$0x0], $0xffff  }
0x5b2: {  	v4 =	vor.u32 v5, v27;
	_ =	sdelay $0x2  }
0x5b3: {  	v29 =	vadd.s32 $0x6, v2  }
0x5b4: {  	v30 =	vand.u32 $0xFFFFFF80, v29;
	[tilespmem:v28+s9+$0x0] =	vst.idx.msk $0xffff, v3  }
0x5b5: {  	v31 =	vor.u32 $0x5, v1;
	v5 =	vand.u32 $0x7F, v29;
	v3 =	vadd.s32 v1, v30;
	v4 =	vld.idx.msk [tilespmem:v4+s23+$0x0], $0xffff  }
0x5b6: {  	v3 =	vor.u32 v5, v3;
	_ =	sdelay $0x2  }
0x5b7: {  	v32 =	vadd.s32 $0x7, v2  }
0x5b8: {  	v33 =	vand.u32 $0xFFFFFF80, v32;
	[tilespmem:v31+s9+$0x0] =	vst.idx.msk $0xffff, v4  }
0x5b9: {  	v35 =	vor.u32 $0x6, v1;
	v34 =	vadd.s32 v1, v33;
	v5 =	vand.u32 $0x7F, v32;
	v3 =	vld.idx.msk [tilespmem:v3+s23+$0x0], $0xffff  }
0x5ba: {  	v4 =	vor.u32 v5, v34;
	_ =	sdelay $0x2  }
0x5bb: {  	v36 =	vadd.s32 $0x8, v2  }
0x5bc: {  	v37 =	vand.u32 $0xFFFFFF80, v36;
	[tilespmem:v35+s9+$0x0] =	vst.idx.msk $0xffff, v3  }
0x5bd: {  	v38 =	vor.u32 $0x7, v1;
	v5 =	vand.u32 $0x7F, v36;
	v3 =	vadd.s32 v1, v37;
	v4 =	vld.idx.msk [tilespmem:v4+s23+$0x0], $0xffff  }
0x5be: {  	v3 =	vor.u32 v5, v3;
	_ =	sdelay $0x2  }
0x5bf: {  	v39 =	vadd.s32 $0x9, v2  }
0x5c0: {  	v40 =	vand.u32 $0xFFFFFF80, v39;
	[tilespmem:v38+s9+$0x0] =	vst.idx.msk $0xffff, v4  }
0x5c1: {  	v42 =	vor.u32 $0x8, v1;
	v41 =	vadd.s32 v1, v40;
	v5 =	vand.u32 $0x7F, v39;
	v3 =	vld.idx.msk [tilespmem:v3+s23+$0x0], $0xffff  }
0x5c2: {  	v4 =	vor.u32 v5, v41;
	_ =	sdelay $0x2  }
0x5c3: {  	v43 =	vadd.s32 $0xA, v2  }
0x5c4: {  	v44 =	vand.u32 $0xFFFFFF80, v43;
	[tilespmem:v42+s9+$0x0] =	vst.idx.msk $0xffff, v3  }
0x5c5: {  	v45 =	vor.u32 $0x9, v1;
	v5 =	vand.u32 $0x7F, v43;
	v3 =	vadd.s32 v1, v44;
	v4 =	vld.idx.msk [tilespmem:v4+s23+$0x0], $0xffff  }
0x5c6: {  	v3 =	vor.u32 v5, v3;
	_ =	sdelay $0x2  }
0x5c7: {  	v46 =	vadd.s32 $0xB, v2  }
0x5c8: {  	v47 =	vand.u32 $0xFFFFFF80, v46;
	[tilespmem:v45+s9+$0x0] =	vst.idx.msk $0xffff, v4  }
0x5c9: {  	v49 =	vor.u32 $0xA, v1;
	v48 =	vadd.s32 v1, v47;
	v5 =	vand.u32 $0x7F, v46;
	v3 =	vld.idx.msk [tilespmem:v3+s23+$0x0], $0xffff  }
0x5ca: {  	v4 =	vor.u32 v5, v48;
	_ =	sdelay $0x2  }
0x5cb: {  	v50 =	vadd.s32 $0xC, v2  }
0x5cc: {  	v51 =	vand.u32 $0xFFFFFF80, v50;
	[tilespmem:v49+s9+$0x0] =	vst.idx.msk $0xffff, v3  }
0x5cd: {  	v52 =	vor.u32 $0xB, v1;
	v5 =	vand.u32 $0x7F, v50;
	v3 =	vadd.s32 v1, v51;
	v4 =	vld.idx.msk [tilespmem:v4+s23+$0x0], $0xffff  }
0x5ce: {  	v3 =	vor.u32 v5, v3;
	_ =	sdelay $0x2  }
0x5cf: {  	v53 =	vadd.s32 $0xD, v2  }
0x5d0: {  	v54 =	vand.u32 $0xFFFFFF80, v53;
	[tilespmem:v52+s9+$0x0] =	vst.idx.msk $0xffff, v4  }
0x5d1: {  	v56 =	vor.u32 $0xC, v1;
	v55 =	vadd.s32 v1, v54;
	v5 =	vand.u32 $0x7F, v53;
	v3 =	vld.idx.msk [tilespmem:v3+s23+$0x0], $0xffff  }
0x5d2: {  	v4 =	vor.u32 v5, v55;
	_ =	sdelay $0x2  }
0x5d3: {  	v57 =	vadd.s32 $0xE, v2  }
0x5d4: {  	v58 =	vand.u32 $0xFFFFFF80, v57;
	[tilespmem:v56+s9+$0x0] =	vst.idx.msk $0xffff, v3  }
0x5d5: {  	v59 =	vor.u32 $0xD, v1;
	v5 =	vand.u32 $0x7F, v57;
	v3 =	vadd.s32 v1, v58;
	v4 =	vld.idx.msk [tilespmem:v4+s23+$0x0], $0xffff  }
0x5d6: {  	v3 =	vor.u32 v5, v3;
	_ =	sdelay $0x2  }
0x5d7: {  	v60 =	vadd.s32 $0xF, v2  }
0x5d8: {  	v61 =	vand.u32 $0xFFFFFF80, v60;
	[tilespmem:v59+s9+$0x0] =	vst.idx.msk $0xffff, v4  }
0x5d9: {  	v63 =	vor.u32 $0xE, v1;
	v62 =	vadd.s32 v1, v61;
	v5 =	vand.u32 $0x7F, v60;
	v3 =	vld.idx.msk [tilespmem:v3+s23+$0x0], $0xffff  }
0x5da: {  	v4 =	vor.u32 v5, v62;
	_ =	sdelay $0x2  }
0x5db: {  	v9 =	vadd.s32 $0x10, v2  }
0x5dc: {  	v10 =	vand.u32 $0xFFFFFF80, v9;
	[tilespmem:v63+s9+$0x0] =	vst.idx.msk $0xffff, v3  }
0x5dd: {  	v11 =	vor.u32 $0xF, v1;
	v5 =	vand.u32 $0x7F, v9;
	v3 =	vadd.s32 v1, v10;
	v4 =	vld.idx.msk [tilespmem:v4+s23+$0x0], $0xffff  }
0x5de: {  	v3 =	vor.u32 v5, v3;
	_ =	sdelay $0x2  }
0x5df: {  	v12 =	vadd.s32 $0x11, v2  }
0x5e0: {  	v13 =	vand.u32 $0xFFFFFF80, v12;
	[tilespmem:v11+s9+$0x0] =	vst.idx.msk $0xffff, v4  }
0x5e1: {  	v14 =	vadd.s32 v1, v13;
	v15 =	vor.u32 $0x10, v1;
	v5 =	vand.u32 $0x7F, v12;
	v3 =	vld.idx.msk [tilespmem:v3+s23+$0x0], $0xffff  }
0x5e2: {  	v4 =	vor.u32 v5, v14;
	_ =	sdelay $0x2  }
0x5e3: {  	v16 =	vadd.s32 $0x12, v2  }
0x5e4: {  	v17 =	vand.u32 $0xFFFFFF80, v16;
	[tilespmem:v15+s9+$0x0] =	vst.idx.msk $0xffff, v3  }
0x5e5: {  	v18 =	vor.u32 $0x11, v1;
	v5 =	vand.u32 $0x7F, v16;
	v3 =	vadd.s32 v1, v17;
	v4 =	vld.idx.msk [tilespmem:v4+s23+$0x0], $0xffff  }
0x5e6: {  	v3 =	vor.u32 v5, v3;
	_ =	sdelay $0x2  }
0x5e7: {  	v19 =	vadd.s32 $0x13, v2  }
0x5e8: {  	v20 =	vand.u32 $0xFFFFFF80, v19;
	[tilespmem:v18+s9+$0x0] =	vst.idx.msk $0xffff, v4  }
0x5e9: {  	v22 =	vor.u32 $0x12, v1;
	v21 =	vadd.s32 v1, v20;
	v5 =	vand.u32 $0x7F, v19;
	v3 =	vld.idx.msk [tilespmem:v3+s23+$0x0], $0xffff  }
0x5ea: {  	v4 =	vor.u32 v5, v21;
	_ =	sdelay $0x2  }
0x5eb: {  	v23 =	vadd.s32 $0x14, v2  }
0x5ec: {  	v24 =	vand.u32 $0xFFFFFF80, v23;
	[tilespmem:v22+s9+$0x0] =	vst.idx.msk $0xffff, v3  }
0x5ed: {  	v25 =	vor.u32 $0x13, v1;
	v5 =	vand.u32 $0x7F, v23;
	v3 =	vadd.s32 v1, v24;
	v4 =	vld.idx.msk [tilespmem:v4+s23+$0x0], $0xffff  }
0x5ee: {  	v3 =	vor.u32 v5, v3;
	_ =	sdelay $0x2  }
0x5ef: {  	v26 =	vadd.s32 $0x15, v2  }
0x5f0: {  	v27 =	vand.u32 $0xFFFFFF80, v26;
	[tilespmem:v25+s9+$0x0] =	vst.idx.msk $0xffff, v4  }
0x5f1: {  	v29 =	vor.u32 $0x14, v1;
	v28 =	vadd.s32 v1, v27;
	v5 =	vand.u32 $0x7F, v26;
	v3 =	vld.idx.msk [tilespmem:v3+s23+$0x0], $0xffff  }
0x5f2: {  	v4 =	vor.u32 v5, v28;
	_ =	sdelay $0x2  }
0x5f3: {  	v30 =	vadd.s32 $0x16, v2  }
0x5f4: {  	v31 =	vand.u32 $0xFFFFFF80, v30;
	[tilespmem:v29+s9+$0x0] =	vst.idx.msk $0xffff, v3  }
0x5f5: {  	v32 =	vor.u32 $0x15, v1;
	v5 =	vand.u32 $0x7F, v30;
	v3 =	vadd.s32 v1, v31;
	v4 =	vld.idx.msk [tilespmem:v4+s23+$0x0], $0xffff  }
0x5f6: {  	v3 =	vor.u32 v5, v3;
	_ =	sdelay $0x2  }
0x5f7: {  	v33 =	vadd.s32 $0x17, v2  }
0x5f8: {  	v34 =	vand.u32 $0xFFFFFF80, v33;
	[tilespmem:v32+s9+$0x0] =	vst.idx.msk $0xffff, v4  }
0x5f9: {  	v36 =	vor.u32 $0x16, v1;
	v35 =	vadd.s32 v1, v34;
	v5 =	vand.u32 $0x7F, v33;
	v3 =	vld.idx.msk [tilespmem:v3+s23+$0x0], $0xffff  }
0x5fa: {  	v4 =	vor.u32 v5, v35;
	_ =	sdelay $0x2  }
0x5fb: {  	v37 =	vadd.s32 $0x18, v2  }
0x5fc: {  	v38 =	vand.u32 $0xFFFFFF80, v37;
	[tilespmem:v36+s9+$0x0] =	vst.idx.msk $0xffff, v3  }
0x5fd: {  	v39 =	vor.u32 $0x17, v1;
	v5 =	vand.u32 $0x7F, v37;
	v3 =	vadd.s32 v1, v38;
	v4 =	vld.idx.msk [tilespmem:v4+s23+$0x0], $0xffff  }
0x5fe: {  	v3 =	vor.u32 v5, v3;
	_ =	sdelay $0x2  }
0x5ff: {  	v40 =	vadd.s32 $0x19, v2  }
0x600: {  	v41 =	vand.u32 $0xFFFFFF80, v40;
	[tilespmem:v39+s9+$0x0] =	vst.idx.msk $0xffff, v4  }
0x601: {  	v43 =	vor.u32 $0x18, v1;
	v42 =	vadd.s32 v1, v41;
	v5 =	vand.u32 $0x7F, v40;
	v3 =	vld.idx.msk [tilespmem:v3+s23+$0x0], $0xffff  }
0x602: {  	v4 =	vor.u32 v5, v42;
	_ =	sdelay $0x2  }
0x603: {  	v44 =	vadd.s32 $0x1A, v2  }
0x604: {  	v45 =	vand.u32 $0xFFFFFF80, v44;
	[tilespmem:v43+s9+$0x0] =	vst.idx.msk $0xffff, v3  }
0x605: {  	v46 =	vor.u32 $0x19, v1;
	v5 =	vand.u32 $0x7F, v44;
	v3 =	vadd.s32 v1, v45;
	v4 =	vld.idx.msk [tilespmem:v4+s23+$0x0], $0xffff  }
0x606: {  	v3 =	vor.u32 v5, v3;
	_ =	sdelay $0x2  }
0x607: {  	v47 =	vadd.s32 $0x1B, v2  }
0x608: {  	v48 =	vand.u32 $0xFFFFFF80, v47;
	[tilespmem:v46+s9+$0x0] =	vst.idx.msk $0xffff, v4  }
0x609: {  	v50 =	vor.u32 $0x1A, v1;
	v49 =	vadd.s32 v1, v48;
	v5 =	vand.u32 $0x7F, v47;
	v3 =	vld.idx.msk [tilespmem:v3+s23+$0x0], $0xffff  }
0x60a: {  	v4 =	vor.u32 v5, v49;
	_ =	sdelay $0x2  }
0x60b: {  	v51 =	vadd.s32 $0x1C, v2  }
0x60c: {  	v52 =	vand.u32 $0xFFFFFF80, v51;
	[tilespmem:v50+s9+$0x0] =	vst.idx.msk $0xffff, v3  }
0x60d: {  	v53 =	vor.u32 $0x1B, v1;
	v5 =	vand.u32 $0x7F, v51;
	v3 =	vadd.s32 v1, v52;
	v4 =	vld.idx.msk [tilespmem:v4+s23+$0x0], $0xffff  }
0x60e: {  	v3 =	vor.u32 v5, v3;
	_ =	sdelay $0x2  }
0x60f: {  	v54 =	vadd.s32 $0x1D, v2  }
0x610: {  	v55 =	vand.u32 $0xFFFFFF80, v54;
	[tilespmem:v53+s9+$0x0] =	vst.idx.msk $0xffff, v4  }
0x611: {  	v57 =	vor.u32 $0x1C, v1;
	v56 =	vadd.s32 v1, v55;
	v5 =	vand.u32 $0x7F, v54;
	v3 =	vld.idx.msk [tilespmem:v3+s23+$0x0], $0xffff  }
0x612: {  	v4 =	vor.u32 v5, v56;
	_ =	sdelay $0x2  }
0x613: {  	v58 =	vadd.s32 $0x1E, v2  }
0x614: {  	v59 =	vand.u32 $0xFFFFFF80, v58;
	[tilespmem:v57+s9+$0x0] =	vst.idx.msk $0xffff, v3  }
0x615: {  	v60 =	vor.u32 $0x1D, v1;
	v5 =	vand.u32 $0x7F, v58;
	v3 =	vadd.s32 v1, v59;
	v4 =	vld.idx.msk [tilespmem:v4+s23+$0x0], $0xffff  }
0x616: {  	v3 =	vor.u32 v5, v3;
	_ =	sdelay $0x2  }
0x617: {  	v2 =	vadd.s32 $0x1F, v2  }
0x618: {  	v61 =	vand.u32 $0xFFFFFF80, v2;
	[tilespmem:v60+s9+$0x0] =	vst.idx.msk $0xffff, v4  }
0x619: {  	v2 =	vand.u32 $0x7F, v2;
	v62 =	vadd.s32 v1, v61;
	v63 =	vor.u32 $0x1E, v1;
	v3 =	vld.idx.msk [tilespmem:v3+s23+$0x0], $0xffff  }
0x61a: {  	v2 =	vor.u32 v2, v62;
	_ =	sdelay $0x3  }
0x61b: {  	[tilespmem:v63+s9+$0x0] =	vst.idx.msk $0xffff, v3  }
0x61c: {  	s16 =	simm.s32 $0x10;
	v1 =	vor.u32 $0x1F, v1;
	v2 =	vld.idx.msk [tilespmem:v2+s23+$0x0], $0xffff  }
.LBB2_12:
0x61d: {  	_ =	sdelay $0x2  }
0x61e: {  	p0 =	sne.s32 s16, $0xC0  }
0x61f: {  	s8 =	sadd.s32 $0x10, s8;
	s17 =	smov.u32 s16;
	s16 =	sadd.s32 $0x10, s16;
	[tilespmem:v1+s9+$0x0] =	vst.idx.msk $0xffff, v2  }
0x620: {  	v2 =	vld [tilespmem:s8+$0x0];
	_ =	sdelay $0x2  }
0x621: {  	v1 =	vmov s17  }
0x622: {  	v1 =	vshll.u32 v1, $0x7  }
0x623: {  	v1 =	vor.u32 v0, v1;
	v3 =	vand.u32 $0xFFFFFF80, v2;
	v5 =	vadd.s32 $0x1, v2  }
0x624: {  	v4 =	vand.u32 $0x7F, v2;
	v3 =	vadd.s32 v1, v3;
	v6 =	vand.u32 $0xFFFFFF80, v5  }
0x625: {  	v7 =	vadd.s32 $0x2, v2;
	v3 =	vor.u32 v4, v3;
	v6 =	vadd.s32 v1, v6  }
0x626: {  	v8 =	vadd.s32 $0x3, v2;
	v9 =	vadd.s32 $0x4, v2;
	v4 =	vand.u32 $0xFFFFFF80, v7  }
0x627: {  	v11 =	vand.u32 $0xFFFFFF80, v9;
	v10 =	vadd.s32 v1, v4;
	v4 =	vand.u32 $0xFFFFFF80, v8  }
0x628: {  	v11 =	vadd.s32 v1, v11;
	v12 =	vadd.s32 v1, v4;
	v4 =	vadd.s32 $0x5, v2  }
0x629: {  	v52 =	vadd.s32 $0x6, v2;
	v48 =	vadd.s32 $0x7, v2;
	v13 =	vand.u32 $0xFFFFFF80, v4  }
0x62a: {  	v14 =	vand.u32 $0xFFFFFF80, v48;
	v54 =	vadd.s32 v1, v13;
	v13 =	vand.u32 $0xFFFFFF80, v52;
	v3 =	vld.idx.msk [tilespmem:v3+s23+$0x0], $0xffff  }
0x62b: {  	v5 =	vand.u32 $0x7F, v5;
	v51 =	vadd.s32 v1, v14;
	v53 =	vadd.s32 v1, v13  }
0x62c: {  	v49 =	vadd.s32 $0x8, v2;
	v46 =	vadd.s32 $0x9, v2;
	v5 =	vor.u32 v5, v6  }
0x62d: {  	v43 =	vadd.s32 $0xA, v2;
	v6 =	vand.u32 $0xFFFFFF80, v49;
	v13 =	vand.u32 $0xFFFFFF80, v46  }
0x62e: {  	v50 =	vadd.s32 v1, v6;
	v6 =	vand.u32 $0xFFFFFF80, v43;
	v47 =	vadd.s32 v1, v13  }
0x62f: {  	v42 =	vadd.s32 $0xB, v2;
	v39 =	vadd.s32 $0xC, v2;
	v45 =	vadd.s32 v1, v6  }
0x630: {  	v36 =	vadd.s32 $0xD, v2;
	v6 =	vand.u32 $0xFFFFFF80, v39;
	[tilespmem:v1+s9+$0x0] =	vst.idx.msk $0xffff, v3;
	v3 =	vand.u32 $0xFFFFFF80, v42  }
0x631: {  	v41 =	vadd.s32 v1, v6;
	v5 =	vld.idx.msk [tilespmem:v5+s23+$0x0], $0xffff;
	v44 =	vadd.s32 v1, v3;
	v3 =	vand.u32 $0xFFFFFF80, v36  }
0x632: {  	v7 =	vand.u32 $0x7F, v7;
	v6 =	vor.u32 $0x1, v1;
	v40 =	vadd.s32 v1, v3  }
0x633: {  	v37 =	vadd.s32 $0xE, v2;
	v34 =	vadd.s32 $0xF, v2;
	v3 =	vor.u32 v7, v10  }
0x634: {  	v31 =	vadd.s32 $0x10, v2;
	v7 =	vand.u32 $0xFFFFFF80, v37;
	v10 =	vand.u32 $0xFFFFFF80, v34  }
0x635: {  	v38 =	vadd.s32 v1, v7;
	v35 =	vadd.s32 v1, v10;
	v7 =	vand.u32 $0xFFFFFF80, v31  }
0x636: {  	v30 =	vadd.s32 $0x11, v2;
	v27 =	vadd.s32 $0x12, v2;
	v33 =	vadd.s32 v1, v7  }
0x637: {  	v24 =	vadd.s32 $0x13, v2;
	[tilespmem:v6+s9+$0x0] =	vst.idx.msk $0xffff, v5;
	v5 =	vand.u32 $0xFFFFFF80, v30;
	v6 =	vand.u32 $0xFFFFFF80, v27  }
0x638: {  	v3 =	vld.idx.msk [tilespmem:v3+s23+$0x0], $0xffff;
	v32 =	vadd.s32 v1, v5;
	v29 =	vadd.s32 v1, v6;
	v5 =	vand.u32 $0xFFFFFF80, v24  }
0x639: {  	v7 =	vand.u32 $0x7F, v8;
	v6 =	vor.u32 $0x2, v1;
	v28 =	vadd.s32 v1, v5  }
0x63a: {  	v25 =	vadd.s32 $0x14, v2;
	v22 =	vadd.s32 $0x15, v2;
	v5 =	vor.u32 v7, v12  }
0x63b: {  	v19 =	vadd.s32 $0x16, v2;
	v8 =	vand.u32 $0xFFFFFF80, v22;
	v7 =	vand.u32 $0xFFFFFF80, v25  }
0x63c: {  	v23 =	vadd.s32 v1, v8;
	v26 =	vadd.s32 v1, v7;
	v7 =	vand.u32 $0xFFFFFF80, v19  }
0x63d: {  	v18 =	vadd.s32 $0x17, v2;
	v15 =	vadd.s32 $0x18, v2;
	v21 =	vadd.s32 v1, v7  }
0x63e: {  	v12 =	vadd.s32 $0x19, v2;
	[tilespmem:v6+s9+$0x0] =	vst.idx.msk $0xffff, v3;
	v3 =	vand.u32 $0xFFFFFF80, v18;
	v6 =	vand.u32 $0xFFFFFF80, v15  }
0x63f: {  	v5 =	vld.idx.msk [tilespmem:v5+s23+$0x0], $0xffff;
	v20 =	vadd.s32 v1, v3;
	v17 =	vadd.s32 v1, v6;
	v3 =	vand.u32 $0xFFFFFF80, v12  }
0x640: {  	v8 =	vor.u32 $0x3, v1;
	v6 =	vand.u32 $0x7F, v9;
	v16 =	vadd.s32 v1, v3  }
0x641: {  	v13 =	vadd.s32 $0x1A, v2;
	v10 =	vadd.s32 $0x1B, v2;
	v55 =	vor.u32 v6, v11  }
0x642: {  	v7 =	vadd.s32 $0x1C, v2;
	v3 =	vand.u32 $0xFFFFFF80, v13;
	v6 =	vand.u32 $0xFFFFFF80, v10  }
0x643: {  	v14 =	vadd.s32 v1, v3;
	v11 =	vadd.s32 v1, v6;
	v3 =	vand.u32 $0xFFFFFF80, v7  }
0x644: {  	v6 =	vadd.s32 $0x1D, v2;
	v9 =	vadd.s32 v1, v3;
	v3 =	vadd.s32 $0x1E, v2  }
0x645: {  	v2 =	vadd.s32 $0x1F, v2;
	v56 =	vand.u32 $0xFFFFFF80, v3;
	[tilespmem:v8+s9+$0x0] =	vst.idx.msk $0xffff, v5;
	v5 =	vand.u32 $0xFFFFFF80, v6  }
0x646: {  	v55 =	vld.idx.msk [tilespmem:v55+s23+$0x0], $0xffff;
	v8 =	vadd.s32 v1, v5;
	v5 =	vadd.s32 v1, v56;
	v56 =	vand.u32 $0xFFFFFF80, v2  }
0x647: {  	v57 =	vor.u32 $0x4, v1;
	v58 =	vand.u32 $0x7F, v4;
	v4 =	vadd.s32 v1, v56  }
0x648: {  	v54 =	vor.u32 v58, v54;
	_ =	sdelay $0x3  }
0x649: {  	[tilespmem:v57+s9+$0x0] =	vst.idx.msk $0xffff, v55  }
0x64a: {  	v54 =	vld.idx.msk [tilespmem:v54+s23+$0x0], $0xffff  }
0x64b: {  	v52 =	vand.u32 $0x7F, v52;
	v55 =	vor.u32 $0x5, v1  }
0x64c: {  	v52 =	vor.u32 v52, v53;
	_ =	sdelay $0x3  }
0x64d: {  	[tilespmem:v55+s9+$0x0] =	vst.idx.msk $0xffff, v54  }
0x64e: {  	v52 =	vld.idx.msk [tilespmem:v52+s23+$0x0], $0xffff  }
0x64f: {  	v48 =	vand.u32 $0x7F, v48;
	v53 =	vor.u32 $0x6, v1  }
0x650: {  	v48 =	vor.u32 v48, v51;
	_ =	sdelay $0x3  }
0x651: {  	[tilespmem:v53+s9+$0x0] =	vst.idx.msk $0xffff, v52  }
0x652: {  	v48 =	vld.idx.msk [tilespmem:v48+s23+$0x0], $0xffff  }
0x653: {  	v51 =	vor.u32 $0x7, v1;
	v49 =	vand.u32 $0x7F, v49  }
0x654: {  	v49 =	vor.u32 v49, v50;
	_ =	sdelay $0x3  }
0x655: {  	[tilespmem:v51+s9+$0x0] =	vst.idx.msk $0xffff, v48  }
0x656: {  	v48 =	vld.idx.msk [tilespmem:v49+s23+$0x0], $0xffff  }
0x657: {  	v46 =	vand.u32 $0x7F, v46;
	v49 =	vor.u32 $0x8, v1  }
0x658: {  	v46 =	vor.u32 v46, v47;
	_ =	sdelay $0x3  }
0x659: {  	[tilespmem:v49+s9+$0x0] =	vst.idx.msk $0xffff, v48  }
0x65a: {  	v46 =	vld.idx.msk [tilespmem:v46+s23+$0x0], $0xffff  }
0x65b: {  	v43 =	vand.u32 $0x7F, v43;
	v47 =	vor.u32 $0x9, v1  }
0x65c: {  	v43 =	vor.u32 v43, v45;
	_ =	sdelay $0x3  }
0x65d: {  	[tilespmem:v47+s9+$0x0] =	vst.idx.msk $0xffff, v46  }
0x65e: {  	v43 =	vld.idx.msk [tilespmem:v43+s23+$0x0], $0xffff  }
0x65f: {  	v45 =	vor.u32 $0xA, v1;
	v42 =	vand.u32 $0x7F, v42  }
0x660: {  	v42 =	vor.u32 v42, v44;
	_ =	sdelay $0x3  }
0x661: {  	[tilespmem:v45+s9+$0x0] =	vst.idx.msk $0xffff, v43  }
0x662: {  	v42 =	vld.idx.msk [tilespmem:v42+s23+$0x0], $0xffff  }
0x663: {  	v39 =	vand.u32 $0x7F, v39;
	v43 =	vor.u32 $0xB, v1  }
0x664: {  	v39 =	vor.u32 v39, v41;
	_ =	sdelay $0x3  }
0x665: {  	[tilespmem:v43+s9+$0x0] =	vst.idx.msk $0xffff, v42  }
0x666: {  	v39 =	vld.idx.msk [tilespmem:v39+s23+$0x0], $0xffff  }
0x667: {  	v41 =	vor.u32 $0xC, v1;
	v36 =	vand.u32 $0x7F, v36  }
0x668: {  	v36 =	vor.u32 v36, v40;
	_ =	sdelay $0x3  }
0x669: {  	[tilespmem:v41+s9+$0x0] =	vst.idx.msk $0xffff, v39  }
0x66a: {  	v36 =	vld.idx.msk [tilespmem:v36+s23+$0x0], $0xffff  }
0x66b: {  	v37 =	vand.u32 $0x7F, v37;
	v39 =	vor.u32 $0xD, v1  }
0x66c: {  	v37 =	vor.u32 v37, v38;
	_ =	sdelay $0x3  }
0x66d: {  	[tilespmem:v39+s9+$0x0] =	vst.idx.msk $0xffff, v36  }
0x66e: {  	v36 =	vld.idx.msk [tilespmem:v37+s23+$0x0], $0xffff  }
0x66f: {  	v34 =	vand.u32 $0x7F, v34;
	v37 =	vor.u32 $0xE, v1  }
0x670: {  	v34 =	vor.u32 v34, v35;
	_ =	sdelay $0x3  }
0x671: {  	[tilespmem:v37+s9+$0x0] =	vst.idx.msk $0xffff, v36  }
0x672: {  	v34 =	vld.idx.msk [tilespmem:v34+s23+$0x0], $0xffff  }
0x673: {  	v31 =	vand.u32 $0x7F, v31;
	v35 =	vor.u32 $0xF, v1  }
0x674: {  	v31 =	vor.u32 v31, v33;
	_ =	sdelay $0x3  }
0x675: {  	[tilespmem:v35+s9+$0x0] =	vst.idx.msk $0xffff, v34  }
0x676: {  	v31 =	vld.idx.msk [tilespmem:v31+s23+$0x0], $0xffff  }
0x677: {  	v33 =	vor.u32 $0x10, v1;
	v30 =	vand.u32 $0x7F, v30  }
0x678: {  	v30 =	vor.u32 v30, v32;
	_ =	sdelay $0x3  }
0x679: {  	[tilespmem:v33+s9+$0x0] =	vst.idx.msk $0xffff, v31  }
0x67a: {  	v30 =	vld.idx.msk [tilespmem:v30+s23+$0x0], $0xffff  }
0x67b: {  	v27 =	vand.u32 $0x7F, v27;
	v31 =	vor.u32 $0x11, v1  }
0x67c: {  	v27 =	vor.u32 v27, v29;
	_ =	sdelay $0x3  }
0x67d: {  	[tilespmem:v31+s9+$0x0] =	vst.idx.msk $0xffff, v30  }
0x67e: {  	v27 =	vld.idx.msk [tilespmem:v27+s23+$0x0], $0xffff  }
0x67f: {  	v24 =	vand.u32 $0x7F, v24;
	v29 =	vor.u32 $0x12, v1  }
0x680: {  	v24 =	vor.u32 v24, v28;
	_ =	sdelay $0x3  }
0x681: {  	[tilespmem:v29+s9+$0x0] =	vst.idx.msk $0xffff, v27  }
0x682: {  	v24 =	vld.idx.msk [tilespmem:v24+s23+$0x0], $0xffff  }
0x683: {  	v25 =	vand.u32 $0x7F, v25;
	v27 =	vor.u32 $0x13, v1  }
0x684: {  	v25 =	vor.u32 v25, v26;
	_ =	sdelay $0x3  }
0x685: {  	[tilespmem:v27+s9+$0x0] =	vst.idx.msk $0xffff, v24  }
0x686: {  	v24 =	vld.idx.msk [tilespmem:v25+s23+$0x0], $0xffff  }
0x687: {  	v22 =	vand.u32 $0x7F, v22;
	v25 =	vor.u32 $0x14, v1  }
0x688: {  	v22 =	vor.u32 v22, v23;
	_ =	sdelay $0x3  }
0x689: {  	[tilespmem:v25+s9+$0x0] =	vst.idx.msk $0xffff, v24  }
0x68a: {  	v22 =	vld.idx.msk [tilespmem:v22+s23+$0x0], $0xffff  }
0x68b: {  	v23 =	vor.u32 $0x15, v1;
	v19 =	vand.u32 $0x7F, v19  }
0x68c: {  	v19 =	vor.u32 v19, v21;
	_ =	sdelay $0x3  }
0x68d: {  	[tilespmem:v23+s9+$0x0] =	vst.idx.msk $0xffff, v22  }
0x68e: {  	v19 =	vld.idx.msk [tilespmem:v19+s23+$0x0], $0xffff  }
0x68f: {  	v21 =	vor.u32 $0x16, v1;
	v18 =	vand.u32 $0x7F, v18  }
0x690: {  	v18 =	vor.u32 v18, v20;
	_ =	sdelay $0x3  }
0x691: {  	[tilespmem:v21+s9+$0x0] =	vst.idx.msk $0xffff, v19  }
0x692: {  	v18 =	vld.idx.msk [tilespmem:v18+s23+$0x0], $0xffff  }
0x693: {  	v15 =	vand.u32 $0x7F, v15;
	v19 =	vor.u32 $0x17, v1  }
0x694: {  	v15 =	vor.u32 v15, v17;
	_ =	sdelay $0x3  }
0x695: {  	[tilespmem:v19+s9+$0x0] =	vst.idx.msk $0xffff, v18  }
0x696: {  	v15 =	vld.idx.msk [tilespmem:v15+s23+$0x0], $0xffff  }
0x697: {  	v12 =	vand.u32 $0x7F, v12;
	v17 =	vor.u32 $0x18, v1  }
0x698: {  	v12 =	vor.u32 v12, v16;
	_ =	sdelay $0x3  }
0x699: {  	[tilespmem:v17+s9+$0x0] =	vst.idx.msk $0xffff, v15  }
0x69a: {  	v12 =	vld.idx.msk [tilespmem:v12+s23+$0x0], $0xffff  }
0x69b: {  	v13 =	vand.u32 $0x7F, v13;
	v15 =	vor.u32 $0x19, v1  }
0x69c: {  	v13 =	vor.u32 v13, v14;
	_ =	sdelay $0x3  }
0x69d: {  	[tilespmem:v15+s9+$0x0] =	vst.idx.msk $0xffff, v12  }
0x69e: {  	v12 =	vld.idx.msk [tilespmem:v13+s23+$0x0], $0xffff  }
0x69f: {  	v10 =	vand.u32 $0x7F, v10;
	v13 =	vor.u32 $0x1A, v1  }
0x6a0: {  	v10 =	vor.u32 v10, v11;
	_ =	sdelay $0x3  }
0x6a1: {  	[tilespmem:v13+s9+$0x0] =	vst.idx.msk $0xffff, v12  }
0x6a2: {  	v10 =	vld.idx.msk [tilespmem:v10+s23+$0x0], $0xffff  }
0x6a3: {  	v7 =	vand.u32 $0x7F, v7;
	v11 =	vor.u32 $0x1B, v1  }
0x6a4: {  	v7 =	vor.u32 v7, v9;
	_ =	sdelay $0x3  }
0x6a5: {  	[tilespmem:v11+s9+$0x0] =	vst.idx.msk $0xffff, v10  }
0x6a6: {  	v7 =	vld.idx.msk [tilespmem:v7+s23+$0x0], $0xffff  }
0x6a7: {  	v9 =	vor.u32 $0x1C, v1;
	v6 =	vand.u32 $0x7F, v6  }
0x6a8: {  	v6 =	vor.u32 v6, v8;
	_ =	sdelay $0x3  }
0x6a9: {  	[tilespmem:v9+s9+$0x0] =	vst.idx.msk $0xffff, v7  }
0x6aa: {  	v6 =	vld.idx.msk [tilespmem:v6+s23+$0x0], $0xffff  }
0x6ab: {  	v3 =	vand.u32 $0x7F, v3;
	v7 =	vor.u32 $0x1D, v1  }
0x6ac: {  	v3 =	vor.u32 v3, v5;
	_ =	sdelay $0x3  }
0x6ad: {  	[tilespmem:v7+s9+$0x0] =	vst.idx.msk $0xffff, v6  }
0x6ae: {  	v3 =	vld.idx.msk [tilespmem:v3+s23+$0x0], $0xffff  }
0x6af: {  	v2 =	vand.u32 $0x7F, v2;
	v5 =	vor.u32 $0x1E, v1  }
0x6b0: {  	v2 =	vor.u32 v2, v4;
	_ =	sdelay $0x1  }
.Ltmp5:
0x6b1: {  	(pc) =	sbr.rel @p0 .LBB2_12-.Ltmp5, $4  }
0x6b2: {  	_ = 	snop  }
0x6b3: {  	[tilespmem:v5+s9+$0x0] =	vst.idx.msk $0xffff, v3  }
0x6b4: {  	v2 =	vld.idx.msk [tilespmem:v2+s23+$0x0], $0xffff  }
0x6b5: {  	v1 =	vor.u32 $0x1F, v1  }
0x6b6: {  	_ =	sdelay $0x3  }
0x6b7: {  	s16 =	simm.s32 $0x0;
	s8 =	rddreg [dreg:$0x9];
	[tilespmem:v1+s9+$0x0] =	vst.idx.msk $0xffff, v2  }
0x6b8: {  	[hbm4b:s8+s16] =	stream.linear.scatter [tilespmem:s9], [sflag:$0x5], $0x6400, $0x38;
	[tilespmem:$0x1A600] =	vst v63  }
0x6b9: {  	_ =	swait.ge [sflag:s10], $0x6400  }
0x6ba: {  	[sflag:s10] =	ssyncset.done $0x0  }
0x6bb: {  	[sflag:s10] =	ssyncadd.s32 $0xFFFF9C00  }
0x6bc: {  	_ =	swait.ge [sflag:s13], $0x6400  }
0x6bd: {  	[sflag:s13] =	ssyncset.done $0x0  }
0x6be: {  	s8 =	simm.s32 $0x500;
	[sflag:s13] =	ssyncadd.s32 $0xFFFF9C00  }
0x6bf: {  	v2 =	vld [tilespmem:s8+$0x0];
	_ =	sdelay $0x2  }
0x6c0: {  	v1 =	vmov s16  }
0x6c1: {  	v1 =	vshll.u32 v1, $0x7  }
0x6c2: {  	v1 =	vor.u32 v0, v1;
	v3 =	vand.u32 $0xFFFFFF80, v2  }
0x6c3: {  	v4 =	vand.u32 $0x7F, v2;
	v3 =	vadd.s32 v1, v3  }
0x6c4: {  	v3 =	vor.u32 v4, v3;
	_ =	sdelay $0x2  }
0x6c5: {  	v16 =	vadd.s32 $0x1, v2  }
0x6c6: {  	v5 =	vand.u32 $0xFFFFFF80, v16  }
0x6c7: {  	v5 =	vadd.s32 v1, v5;
	v4 =	vand.u32 $0x7F, v16;
	v3 =	vld.idx.msk [tilespmem:v3+s30+$0x0], $0xffff  }
0x6c8: {  	v4 =	vor.u32 v4, v5;
	_ =	sdelay $0x2  }
0x6c9: {  	v17 =	vadd.s32 $0x2, v2  }
0x6ca: {  	v6 =	vand.u32 $0xFFFFFF80, v17;
	[tilespmem:v1+s11+$0x0] =	vst.idx.msk $0xffff, v3  }
0x6cb: {  	v18 =	vor.u32 $0x1, v1;
	v5 =	vand.u32 $0x7F, v17;
	v3 =	vadd.s32 v1, v6;
	v4 =	vld.idx.msk [tilespmem:v4+s30+$0x0], $0xffff  }
0x6cc: {  	v3 =	vor.u32 v5, v3;
	_ =	sdelay $0x2  }
0x6cd: {  	v19 =	vadd.s32 $0x3, v2  }
0x6ce: {  	v7 =	vand.u32 $0xFFFFFF80, v19;
	[tilespmem:v18+s11+$0x0] =	vst.idx.msk $0xffff, v4  }
0x6cf: {  	v21 =	vor.u32 $0x2, v1;
	v20 =	vadd.s32 v1, v7;
	v5 =	vand.u32 $0x7F, v19;
	v3 =	vld.idx.msk [tilespmem:v3+s30+$0x0], $0xffff  }
0x6d0: {  	v4 =	vor.u32 v5, v20;
	_ =	sdelay $0x2  }
0x6d1: {  	v22 =	vadd.s32 $0x4, v2  }
0x6d2: {  	v23 =	vand.u32 $0xFFFFFF80, v22;
	[tilespmem:v21+s11+$0x0] =	vst.idx.msk $0xffff, v3  }
0x6d3: {  	v24 =	vor.u32 $0x3, v1;
	v5 =	vand.u32 $0x7F, v22;
	v3 =	vadd.s32 v1, v23;
	v4 =	vld.idx.msk [tilespmem:v4+s30+$0x0], $0xffff  }
0x6d4: {  	v3 =	vor.u32 v5, v3;
	_ =	sdelay $0x2  }
0x6d5: {  	v25 =	vadd.s32 $0x5, v2  }
0x6d6: {  	v26 =	vand.u32 $0xFFFFFF80, v25;
	[tilespmem:v24+s11+$0x0] =	vst.idx.msk $0xffff, v4  }
0x6d7: {  	v28 =	vor.u32 $0x4, v1;
	v27 =	vadd.s32 v1, v26;
	v5 =	vand.u32 $0x7F, v25;
	v3 =	vld.idx.msk [tilespmem:v3+s30+$0x0], $0xffff  }
0x6d8: {  	v4 =	vor.u32 v5, v27;
	_ =	sdelay $0x2  }
0x6d9: {  	v29 =	vadd.s32 $0x6, v2  }
0x6da: {  	v30 =	vand.u32 $0xFFFFFF80, v29;
	[tilespmem:v28+s11+$0x0] =	vst.idx.msk $0xffff, v3  }
0x6db: {  	v31 =	vor.u32 $0x5, v1;
	v5 =	vand.u32 $0x7F, v29;
	v3 =	vadd.s32 v1, v30;
	v4 =	vld.idx.msk [tilespmem:v4+s30+$0x0], $0xffff  }
0x6dc: {  	v3 =	vor.u32 v5, v3;
	_ =	sdelay $0x2  }
0x6dd: {  	v32 =	vadd.s32 $0x7, v2  }
0x6de: {  	v33 =	vand.u32 $0xFFFFFF80, v32;
	[tilespmem:v31+s11+$0x0] =	vst.idx.msk $0xffff, v4  }
0x6df: {  	v35 =	vor.u32 $0x6, v1;
	v34 =	vadd.s32 v1, v33;
	v5 =	vand.u32 $0x7F, v32;
	v3 =	vld.idx.msk [tilespmem:v3+s30+$0x0], $0xffff  }
0x6e0: {  	v4 =	vor.u32 v5, v34;
	_ =	sdelay $0x2  }
0x6e1: {  	v36 =	vadd.s32 $0x8, v2  }
0x6e2: {  	v37 =	vand.u32 $0xFFFFFF80, v36;
	[tilespmem:v35+s11+$0x0] =	vst.idx.msk $0xffff, v3  }
0x6e3: {  	v38 =	vor.u32 $0x7, v1;
	v5 =	vand.u32 $0x7F, v36;
	v3 =	vadd.s32 v1, v37;
	v4 =	vld.idx.msk [tilespmem:v4+s30+$0x0], $0xffff  }
0x6e4: {  	v3 =	vor.u32 v5, v3;
	_ =	sdelay $0x2  }
0x6e5: {  	v39 =	vadd.s32 $0x9, v2  }
0x6e6: {  	v40 =	vand.u32 $0xFFFFFF80, v39;
	[tilespmem:v38+s11+$0x0] =	vst.idx.msk $0xffff, v4  }
0x6e7: {  	v42 =	vor.u32 $0x8, v1;
	v41 =	vadd.s32 v1, v40;
	v5 =	vand.u32 $0x7F, v39;
	v3 =	vld.idx.msk [tilespmem:v3+s30+$0x0], $0xffff  }
0x6e8: {  	v4 =	vor.u32 v5, v41;
	_ =	sdelay $0x2  }
0x6e9: {  	v43 =	vadd.s32 $0xA, v2  }
0x6ea: {  	v44 =	vand.u32 $0xFFFFFF80, v43;
	[tilespmem:v42+s11+$0x0] =	vst.idx.msk $0xffff, v3  }
0x6eb: {  	v45 =	vor.u32 $0x9, v1;
	v5 =	vand.u32 $0x7F, v43;
	v3 =	vadd.s32 v1, v44;
	v4 =	vld.idx.msk [tilespmem:v4+s30+$0x0], $0xffff  }
0x6ec: {  	v3 =	vor.u32 v5, v3;
	_ =	sdelay $0x2  }
0x6ed: {  	v46 =	vadd.s32 $0xB, v2  }
0x6ee: {  	v47 =	vand.u32 $0xFFFFFF80, v46;
	[tilespmem:v45+s11+$0x0] =	vst.idx.msk $0xffff, v4  }
0x6ef: {  	v49 =	vor.u32 $0xA, v1;
	v48 =	vadd.s32 v1, v47;
	v5 =	vand.u32 $0x7F, v46;
	v3 =	vld.idx.msk [tilespmem:v3+s30+$0x0], $0xffff  }
0x6f0: {  	v4 =	vor.u32 v5, v48;
	_ =	sdelay $0x2  }
0x6f1: {  	v50 =	vadd.s32 $0xC, v2  }
0x6f2: {  	v51 =	vand.u32 $0xFFFFFF80, v50;
	[tilespmem:v49+s11+$0x0] =	vst.idx.msk $0xffff, v3  }
0x6f3: {  	v52 =	vor.u32 $0xB, v1;
	v5 =	vand.u32 $0x7F, v50;
	v3 =	vadd.s32 v1, v51;
	v4 =	vld.idx.msk [tilespmem:v4+s30+$0x0], $0xffff  }
0x6f4: {  	v3 =	vor.u32 v5, v3;
	_ =	sdelay $0x2  }
0x6f5: {  	v53 =	vadd.s32 $0xD, v2  }
0x6f6: {  	v54 =	vand.u32 $0xFFFFFF80, v53;
	[tilespmem:v52+s11+$0x0] =	vst.idx.msk $0xffff, v4  }
0x6f7: {  	v56 =	vor.u32 $0xC, v1;
	v55 =	vadd.s32 v1, v54;
	v5 =	vand.u32 $0x7F, v53;
	v3 =	vld.idx.msk [tilespmem:v3+s30+$0x0], $0xffff  }
0x6f8: {  	v4 =	vor.u32 v5, v55;
	_ =	sdelay $0x2  }
0x6f9: {  	v57 =	vadd.s32 $0xE, v2  }
0x6fa: {  	v58 =	vand.u32 $0xFFFFFF80, v57;
	[tilespmem:v56+s11+$0x0] =	vst.idx.msk $0xffff, v3  }
0x6fb: {  	v59 =	vor.u32 $0xD, v1;
	v5 =	vand.u32 $0x7F, v57;
	v3 =	vadd.s32 v1, v58;
	v4 =	vld.idx.msk [tilespmem:v4+s30+$0x0], $0xffff  }
0x6fc: {  	v3 =	vor.u32 v5, v3;
	_ =	sdelay $0x2  }
0x6fd: {  	v60 =	vadd.s32 $0xF, v2  }
0x6fe: {  	v61 =	vand.u32 $0xFFFFFF80, v60;
	[tilespmem:v59+s11+$0x0] =	vst.idx.msk $0xffff, v4  }
0x6ff: {  	v63 =	vor.u32 $0xE, v1;
	v62 =	vadd.s32 v1, v61;
	v5 =	vand.u32 $0x7F, v60;
	v3 =	vld.idx.msk [tilespmem:v3+s30+$0x0], $0xffff  }
0x700: {  	v4 =	vor.u32 v5, v62;
	_ =	sdelay $0x2  }
0x701: {  	v9 =	vadd.s32 $0x10, v2  }
0x702: {  	v10 =	vand.u32 $0xFFFFFF80, v9;
	[tilespmem:v63+s11+$0x0] =	vst.idx.msk $0xffff, v3  }
0x703: {  	v11 =	vor.u32 $0xF, v1;
	v5 =	vand.u32 $0x7F, v9;
	v3 =	vadd.s32 v1, v10;
	v4 =	vld.idx.msk [tilespmem:v4+s30+$0x0], $0xffff  }
0x704: {  	v3 =	vor.u32 v5, v3;
	_ =	sdelay $0x2  }
0x705: {  	v12 =	vadd.s32 $0x11, v2  }
0x706: {  	v13 =	vand.u32 $0xFFFFFF80, v12;
	[tilespmem:v11+s11+$0x0] =	vst.idx.msk $0xffff, v4  }
0x707: {  	v15 =	vor.u32 $0x10, v1;
	v14 =	vadd.s32 v1, v13;
	v5 =	vand.u32 $0x7F, v12;
	v3 =	vld.idx.msk [tilespmem:v3+s30+$0x0], $0xffff  }
0x708: {  	v4 =	vor.u32 v5, v14;
	_ =	sdelay $0x2  }
0x709: {  	v16 =	vadd.s32 $0x12, v2  }
0x70a: {  	v17 =	vand.u32 $0xFFFFFF80, v16;
	[tilespmem:v15+s11+$0x0] =	vst.idx.msk $0xffff, v3  }
0x70b: {  	v18 =	vor.u32 $0x11, v1;
	v5 =	vand.u32 $0x7F, v16;
	v3 =	vadd.s32 v1, v17;
	v4 =	vld.idx.msk [tilespmem:v4+s30+$0x0], $0xffff  }
0x70c: {  	v3 =	vor.u32 v5, v3;
	_ =	sdelay $0x2  }
0x70d: {  	v19 =	vadd.s32 $0x13, v2  }
0x70e: {  	v20 =	vand.u32 $0xFFFFFF80, v19;
	[tilespmem:v18+s11+$0x0] =	vst.idx.msk $0xffff, v4  }
0x70f: {  	v22 =	vor.u32 $0x12, v1;
	v21 =	vadd.s32 v1, v20;
	v5 =	vand.u32 $0x7F, v19;
	v3 =	vld.idx.msk [tilespmem:v3+s30+$0x0], $0xffff  }
0x710: {  	v4 =	vor.u32 v5, v21;
	_ =	sdelay $0x2  }
0x711: {  	v23 =	vadd.s32 $0x14, v2  }
0x712: {  	v24 =	vand.u32 $0xFFFFFF80, v23;
	[tilespmem:v22+s11+$0x0] =	vst.idx.msk $0xffff, v3  }
0x713: {  	v25 =	vor.u32 $0x13, v1;
	v5 =	vand.u32 $0x7F, v23;
	v3 =	vadd.s32 v1, v24;
	v4 =	vld.idx.msk [tilespmem:v4+s30+$0x0], $0xffff  }
0x714: {  	v3 =	vor.u32 v5, v3;
	_ =	sdelay $0x2  }
0x715: {  	v26 =	vadd.s32 $0x15, v2  }
0x716: {  	v27 =	vand.u32 $0xFFFFFF80, v26;
	[tilespmem:v25+s11+$0x0] =	vst.idx.msk $0xffff, v4  }
0x717: {  	v29 =	vor.u32 $0x14, v1;
	v28 =	vadd.s32 v1, v27;
	v5 =	vand.u32 $0x7F, v26;
	v3 =	vld.idx.msk [tilespmem:v3+s30+$0x0], $0xffff  }
0x718: {  	v4 =	vor.u32 v5, v28;
	_ =	sdelay $0x2  }
0x719: {  	v30 =	vadd.s32 $0x16, v2  }
0x71a: {  	v31 =	vand.u32 $0xFFFFFF80, v30;
	[tilespmem:v29+s11+$0x0] =	vst.idx.msk $0xffff, v3  }
0x71b: {  	v32 =	vor.u32 $0x15, v1;
	v5 =	vand.u32 $0x7F, v30;
	v3 =	vadd.s32 v1, v31;
	v4 =	vld.idx.msk [tilespmem:v4+s30+$0x0], $0xffff  }
0x71c: {  	v3 =	vor.u32 v5, v3;
	_ =	sdelay $0x2  }
0x71d: {  	v33 =	vadd.s32 $0x17, v2  }
0x71e: {  	v34 =	vand.u32 $0xFFFFFF80, v33;
	[tilespmem:v32+s11+$0x0] =	vst.idx.msk $0xffff, v4  }
0x71f: {  	v36 =	vor.u32 $0x16, v1;
	v35 =	vadd.s32 v1, v34;
	v5 =	vand.u32 $0x7F, v33;
	v3 =	vld.idx.msk [tilespmem:v3+s30+$0x0], $0xffff  }
0x720: {  	v4 =	vor.u32 v5, v35;
	_ =	sdelay $0x2  }
0x721: {  	v37 =	vadd.s32 $0x18, v2  }
0x722: {  	v38 =	vand.u32 $0xFFFFFF80, v37;
	[tilespmem:v36+s11+$0x0] =	vst.idx.msk $0xffff, v3  }
0x723: {  	v39 =	vor.u32 $0x17, v1;
	v5 =	vand.u32 $0x7F, v37;
	v3 =	vadd.s32 v1, v38;
	v4 =	vld.idx.msk [tilespmem:v4+s30+$0x0], $0xffff  }
0x724: {  	v3 =	vor.u32 v5, v3;
	_ =	sdelay $0x2  }
0x725: {  	v40 =	vadd.s32 $0x19, v2  }
0x726: {  	v41 =	vand.u32 $0xFFFFFF80, v40;
	[tilespmem:v39+s11+$0x0] =	vst.idx.msk $0xffff, v4  }
0x727: {  	v43 =	vor.u32 $0x18, v1;
	v42 =	vadd.s32 v1, v41;
	v5 =	vand.u32 $0x7F, v40;
	v3 =	vld.idx.msk [tilespmem:v3+s30+$0x0], $0xffff  }
0x728: {  	v4 =	vor.u32 v5, v42;
	_ =	sdelay $0x2  }
0x729: {  	v44 =	vadd.s32 $0x1A, v2  }
0x72a: {  	v45 =	vand.u32 $0xFFFFFF80, v44;
	[tilespmem:v43+s11+$0x0] =	vst.idx.msk $0xffff, v3  }
0x72b: {  	v46 =	vor.u32 $0x19, v1;
	v5 =	vand.u32 $0x7F, v44;
	v3 =	vadd.s32 v1, v45;
	v4 =	vld.idx.msk [tilespmem:v4+s30+$0x0], $0xffff  }
0x72c: {  	v3 =	vor.u32 v5, v3;
	_ =	sdelay $0x2  }
0x72d: {  	v47 =	vadd.s32 $0x1B, v2  }
0x72e: {  	v48 =	vand.u32 $0xFFFFFF80, v47;
	[tilespmem:v46+s11+$0x0] =	vst.idx.msk $0xffff, v4  }
0x72f: {  	v50 =	vor.u32 $0x1A, v1;
	v49 =	vadd.s32 v1, v48;
	v5 =	vand.u32 $0x7F, v47;
	v3 =	vld.idx.msk [tilespmem:v3+s30+$0x0], $0xffff  }
0x730: {  	v4 =	vor.u32 v5, v49;
	_ =	sdelay $0x2  }
0x731: {  	v51 =	vadd.s32 $0x1C, v2  }
0x732: {  	v52 =	vand.u32 $0xFFFFFF80, v51;
	[tilespmem:v50+s11+$0x0] =	vst.idx.msk $0xffff, v3  }
0x733: {  	v53 =	vor.u32 $0x1B, v1;
	v5 =	vand.u32 $0x7F, v51;
	v3 =	vadd.s32 v1, v52;
	v4 =	vld.idx.msk [tilespmem:v4+s30+$0x0], $0xffff  }
0x734: {  	v3 =	vor.u32 v5, v3;
	_ =	sdelay $0x2  }
0x735: {  	v54 =	vadd.s32 $0x1D, v2  }
0x736: {  	v55 =	vand.u32 $0xFFFFFF80, v54;
	[tilespmem:v53+s11+$0x0] =	vst.idx.msk $0xffff, v4  }
0x737: {  	v57 =	vor.u32 $0x1C, v1;
	v56 =	vadd.s32 v1, v55;
	v5 =	vand.u32 $0x7F, v54;
	v3 =	vld.idx.msk [tilespmem:v3+s30+$0x0], $0xffff  }
0x738: {  	v4 =	vor.u32 v5, v56;
	_ =	sdelay $0x2  }
0x739: {  	v58 =	vadd.s32 $0x1E, v2  }
0x73a: {  	v59 =	vand.u32 $0xFFFFFF80, v58;
	[tilespmem:v57+s11+$0x0] =	vst.idx.msk $0xffff, v3  }
0x73b: {  	v60 =	vor.u32 $0x1D, v1;
	v5 =	vand.u32 $0x7F, v58;
	v3 =	vadd.s32 v1, v59;
	v4 =	vld.idx.msk [tilespmem:v4+s30+$0x0], $0xffff  }
0x73c: {  	v3 =	vor.u32 v5, v3;
	_ =	sdelay $0x2  }
0x73d: {  	v2 =	vadd.s32 $0x1F, v2  }
0x73e: {  	v61 =	vand.u32 $0xFFFFFF80, v2;
	[tilespmem:v60+s11+$0x0] =	vst.idx.msk $0xffff, v4  }
0x73f: {  	v2 =	vand.u32 $0x7F, v2;
	v62 =	vadd.s32 v1, v61;
	v63 =	vor.u32 $0x1E, v1;
	v3 =	vld.idx.msk [tilespmem:v3+s30+$0x0], $0xffff  }
0x740: {  	v2 =	vor.u32 v2, v62;
	_ =	sdelay $0x3  }
0x741: {  	[tilespmem:v63+s11+$0x0] =	vst.idx.msk $0xffff, v3  }
0x742: {  	s16 =	simm.s32 $0x10;
	v1 =	vor.u32 $0x1F, v1;
	v2 =	vld.idx.msk [tilespmem:v2+s30+$0x0], $0xffff  }
.LBB2_14:
0x743: {  	_ =	sdelay $0x2  }
0x744: {  	p0 =	sne.s32 s16, $0xC0  }
0x745: {  	s8 =	sadd.s32 $0x10, s8;
	s17 =	smov.u32 s16;
	s16 =	sadd.s32 $0x10, s16;
	[tilespmem:v1+s11+$0x0] =	vst.idx.msk $0xffff, v2  }
0x746: {  	v2 =	vld [tilespmem:s8+$0x0];
	_ =	sdelay $0x2  }
0x747: {  	v1 =	vmov s17  }
0x748: {  	v1 =	vshll.u32 v1, $0x7  }
0x749: {  	v1 =	vor.u32 v0, v1;
	v3 =	vand.u32 $0xFFFFFF80, v2;
	v5 =	vadd.s32 $0x1, v2  }
0x74a: {  	v4 =	vand.u32 $0x7F, v2;
	v3 =	vadd.s32 v1, v3;
	v6 =	vand.u32 $0xFFFFFF80, v5  }
0x74b: {  	v7 =	vadd.s32 $0x2, v2;
	v3 =	vor.u32 v4, v3;
	v6 =	vadd.s32 v1, v6  }
0x74c: {  	v8 =	vadd.s32 $0x3, v2;
	v9 =	vadd.s32 $0x4, v2;
	v4 =	vand.u32 $0xFFFFFF80, v7  }
0x74d: {  	v11 =	vand.u32 $0xFFFFFF80, v9;
	v10 =	vadd.s32 v1, v4;
	v4 =	vand.u32 $0xFFFFFF80, v8  }
0x74e: {  	v11 =	vadd.s32 v1, v11;
	v12 =	vadd.s32 v1, v4;
	v4 =	vadd.s32 $0x5, v2  }
0x74f: {  	v52 =	vadd.s32 $0x6, v2;
	v48 =	vadd.s32 $0x7, v2;
	v13 =	vand.u32 $0xFFFFFF80, v4  }
0x750: {  	v14 =	vand.u32 $0xFFFFFF80, v48;
	v54 =	vadd.s32 v1, v13;
	v13 =	vand.u32 $0xFFFFFF80, v52;
	v3 =	vld.idx.msk [tilespmem:v3+s30+$0x0], $0xffff  }
0x751: {  	v5 =	vand.u32 $0x7F, v5;
	v51 =	vadd.s32 v1, v14;
	v53 =	vadd.s32 v1, v13  }
0x752: {  	v49 =	vadd.s32 $0x8, v2;
	v46 =	vadd.s32 $0x9, v2;
	v5 =	vor.u32 v5, v6  }
0x753: {  	v43 =	vadd.s32 $0xA, v2;
	v6 =	vand.u32 $0xFFFFFF80, v49;
	v13 =	vand.u32 $0xFFFFFF80, v46  }
0x754: {  	v50 =	vadd.s32 v1, v6;
	v6 =	vand.u32 $0xFFFFFF80, v43;
	v47 =	vadd.s32 v1, v13  }
0x755: {  	v42 =	vadd.s32 $0xB, v2;
	v39 =	vadd.s32 $0xC, v2;
	v45 =	vadd.s32 v1, v6  }
0x756: {  	v36 =	vadd.s32 $0xD, v2;
	v6 =	vand.u32 $0xFFFFFF80, v39;
	[tilespmem:v1+s11+$0x0] =	vst.idx.msk $0xffff, v3;
	v3 =	vand.u32 $0xFFFFFF80, v42  }
0x757: {  	v41 =	vadd.s32 v1, v6;
	v5 =	vld.idx.msk [tilespmem:v5+s30+$0x0], $0xffff;
	v44 =	vadd.s32 v1, v3;
	v3 =	vand.u32 $0xFFFFFF80, v36  }
0x758: {  	v7 =	vand.u32 $0x7F, v7;
	v6 =	vor.u32 $0x1, v1;
	v40 =	vadd.s32 v1, v3  }
0x759: {  	v37 =	vadd.s32 $0xE, v2;
	v34 =	vadd.s32 $0xF, v2;
	v3 =	vor.u32 v7, v10  }
0x75a: {  	v31 =	vadd.s32 $0x10, v2;
	v7 =	vand.u32 $0xFFFFFF80, v37;
	v10 =	vand.u32 $0xFFFFFF80, v34  }
0x75b: {  	v38 =	vadd.s32 v1, v7;
	v35 =	vadd.s32 v1, v10;
	v7 =	vand.u32 $0xFFFFFF80, v31  }
0x75c: {  	v30 =	vadd.s32 $0x11, v2;
	v27 =	vadd.s32 $0x12, v2;
	v33 =	vadd.s32 v1, v7  }
0x75d: {  	v24 =	vadd.s32 $0x13, v2;
	[tilespmem:v6+s11+$0x0] =	vst.idx.msk $0xffff, v5;
	v5 =	vand.u32 $0xFFFFFF80, v30;
	v6 =	vand.u32 $0xFFFFFF80, v27  }
0x75e: {  	v3 =	vld.idx.msk [tilespmem:v3+s30+$0x0], $0xffff;
	v32 =	vadd.s32 v1, v5;
	v29 =	vadd.s32 v1, v6;
	v5 =	vand.u32 $0xFFFFFF80, v24  }
0x75f: {  	v7 =	vand.u32 $0x7F, v8;
	v6 =	vor.u32 $0x2, v1;
	v28 =	vadd.s32 v1, v5  }
0x760: {  	v25 =	vadd.s32 $0x14, v2;
	v22 =	vadd.s32 $0x15, v2;
	v5 =	vor.u32 v7, v12  }
0x761: {  	v19 =	vadd.s32 $0x16, v2;
	v8 =	vand.u32 $0xFFFFFF80, v22;
	v7 =	vand.u32 $0xFFFFFF80, v25  }
0x762: {  	v23 =	vadd.s32 v1, v8;
	v26 =	vadd.s32 v1, v7;
	v7 =	vand.u32 $0xFFFFFF80, v19  }
0x763: {  	v18 =	vadd.s32 $0x17, v2;
	v15 =	vadd.s32 $0x18, v2;
	v21 =	vadd.s32 v1, v7  }
0x764: {  	v12 =	vadd.s32 $0x19, v2;
	[tilespmem:v6+s11+$0x0] =	vst.idx.msk $0xffff, v3;
	v3 =	vand.u32 $0xFFFFFF80, v18;
	v6 =	vand.u32 $0xFFFFFF80, v15  }
0x765: {  	v5 =	vld.idx.msk [tilespmem:v5+s30+$0x0], $0xffff;
	v20 =	vadd.s32 v1, v3;
	v17 =	vadd.s32 v1, v6;
	v3 =	vand.u32 $0xFFFFFF80, v12  }
0x766: {  	v8 =	vor.u32 $0x3, v1;
	v6 =	vand.u32 $0x7F, v9;
	v16 =	vadd.s32 v1, v3  }
0x767: {  	v13 =	vadd.s32 $0x1A, v2;
	v10 =	vadd.s32 $0x1B, v2;
	v55 =	vor.u32 v6, v11  }
0x768: {  	v7 =	vadd.s32 $0x1C, v2;
	v3 =	vand.u32 $0xFFFFFF80, v13;
	v6 =	vand.u32 $0xFFFFFF80, v10  }
0x769: {  	v14 =	vadd.s32 v1, v3;
	v11 =	vadd.s32 v1, v6;
	v3 =	vand.u32 $0xFFFFFF80, v7  }
0x76a: {  	v6 =	vadd.s32 $0x1D, v2;
	v9 =	vadd.s32 v1, v3;
	v3 =	vadd.s32 $0x1E, v2  }
0x76b: {  	v2 =	vadd.s32 $0x1F, v2;
	v56 =	vand.u32 $0xFFFFFF80, v3;
	[tilespmem:v8+s11+$0x0] =	vst.idx.msk $0xffff, v5;
	v5 =	vand.u32 $0xFFFFFF80, v6  }
0x76c: {  	v55 =	vld.idx.msk [tilespmem:v55+s30+$0x0], $0xffff;
	v8 =	vadd.s32 v1, v5;
	v5 =	vadd.s32 v1, v56;
	v56 =	vand.u32 $0xFFFFFF80, v2  }
0x76d: {  	v57 =	vor.u32 $0x4, v1;
	v58 =	vand.u32 $0x7F, v4;
	v4 =	vadd.s32 v1, v56  }
0x76e: {  	v54 =	vor.u32 v58, v54;
	_ =	sdelay $0x3  }
0x76f: {  	[tilespmem:v57+s11+$0x0] =	vst.idx.msk $0xffff, v55  }
0x770: {  	v54 =	vld.idx.msk [tilespmem:v54+s30+$0x0], $0xffff  }
0x771: {  	v52 =	vand.u32 $0x7F, v52;
	v55 =	vor.u32 $0x5, v1  }
0x772: {  	v52 =	vor.u32 v52, v53;
	_ =	sdelay $0x3  }
0x773: {  	[tilespmem:v55+s11+$0x0] =	vst.idx.msk $0xffff, v54  }
0x774: {  	v52 =	vld.idx.msk [tilespmem:v52+s30+$0x0], $0xffff  }
0x775: {  	v48 =	vand.u32 $0x7F, v48;
	v53 =	vor.u32 $0x6, v1  }
0x776: {  	v48 =	vor.u32 v48, v51;
	_ =	sdelay $0x3  }
0x777: {  	[tilespmem:v53+s11+$0x0] =	vst.idx.msk $0xffff, v52  }
0x778: {  	v48 =	vld.idx.msk [tilespmem:v48+s30+$0x0], $0xffff  }
0x779: {  	v51 =	vor.u32 $0x7, v1;
	v49 =	vand.u32 $0x7F, v49  }
0x77a: {  	v49 =	vor.u32 v49, v50;
	_ =	sdelay $0x3  }
0x77b: {  	[tilespmem:v51+s11+$0x0] =	vst.idx.msk $0xffff, v48  }
0x77c: {  	v48 =	vld.idx.msk [tilespmem:v49+s30+$0x0], $0xffff  }
0x77d: {  	v46 =	vand.u32 $0x7F, v46;
	v49 =	vor.u32 $0x8, v1  }
0x77e: {  	v46 =	vor.u32 v46, v47;
	_ =	sdelay $0x3  }
0x77f: {  	[tilespmem:v49+s11+$0x0] =	vst.idx.msk $0xffff, v48  }
0x780: {  	v46 =	vld.idx.msk [tilespmem:v46+s30+$0x0], $0xffff  }
0x781: {  	v43 =	vand.u32 $0x7F, v43;
	v47 =	vor.u32 $0x9, v1  }
0x782: {  	v43 =	vor.u32 v43, v45;
	_ =	sdelay $0x3  }
0x783: {  	[tilespmem:v47+s11+$0x0] =	vst.idx.msk $0xffff, v46  }
0x784: {  	v43 =	vld.idx.msk [tilespmem:v43+s30+$0x0], $0xffff  }
0x785: {  	v45 =	vor.u32 $0xA, v1;
	v42 =	vand.u32 $0x7F, v42  }
0x786: {  	v42 =	vor.u32 v42, v44;
	_ =	sdelay $0x3  }
0x787: {  	[tilespmem:v45+s11+$0x0] =	vst.idx.msk $0xffff, v43  }
0x788: {  	v42 =	vld.idx.msk [tilespmem:v42+s30+$0x0], $0xffff  }
0x789: {  	v39 =	vand.u32 $0x7F, v39;
	v43 =	vor.u32 $0xB, v1  }
0x78a: {  	v39 =	vor.u32 v39, v41;
	_ =	sdelay $0x3  }
0x78b: {  	[tilespmem:v43+s11+$0x0] =	vst.idx.msk $0xffff, v42  }
0x78c: {  	v39 =	vld.idx.msk [tilespmem:v39+s30+$0x0], $0xffff  }
0x78d: {  	v41 =	vor.u32 $0xC, v1;
	v36 =	vand.u32 $0x7F, v36  }
0x78e: {  	v36 =	vor.u32 v36, v40;
	_ =	sdelay $0x3  }
0x78f: {  	[tilespmem:v41+s11+$0x0] =	vst.idx.msk $0xffff, v39  }
0x790: {  	v36 =	vld.idx.msk [tilespmem:v36+s30+$0x0], $0xffff  }
0x791: {  	v37 =	vand.u32 $0x7F, v37;
	v39 =	vor.u32 $0xD, v1  }
0x792: {  	v37 =	vor.u32 v37, v38;
	_ =	sdelay $0x3  }
0x793: {  	[tilespmem:v39+s11+$0x0] =	vst.idx.msk $0xffff, v36  }
0x794: {  	v36 =	vld.idx.msk [tilespmem:v37+s30+$0x0], $0xffff  }
0x795: {  	v34 =	vand.u32 $0x7F, v34;
	v37 =	vor.u32 $0xE, v1  }
0x796: {  	v34 =	vor.u32 v34, v35;
	_ =	sdelay $0x3  }
0x797: {  	[tilespmem:v37+s11+$0x0] =	vst.idx.msk $0xffff, v36  }
0x798: {  	v34 =	vld.idx.msk [tilespmem:v34+s30+$0x0], $0xffff  }
0x799: {  	v31 =	vand.u32 $0x7F, v31;
	v35 =	vor.u32 $0xF, v1  }
0x79a: {  	v31 =	vor.u32 v31, v33;
	_ =	sdelay $0x3  }
0x79b: {  	[tilespmem:v35+s11+$0x0] =	vst.idx.msk $0xffff, v34  }
0x79c: {  	v31 =	vld.idx.msk [tilespmem:v31+s30+$0x0], $0xffff  }
0x79d: {  	v33 =	vor.u32 $0x10, v1;
	v30 =	vand.u32 $0x7F, v30  }
0x79e: {  	v30 =	vor.u32 v30, v32;
	_ =	sdelay $0x3  }
0x79f: {  	[tilespmem:v33+s11+$0x0] =	vst.idx.msk $0xffff, v31  }
0x7a0: {  	v30 =	vld.idx.msk [tilespmem:v30+s30+$0x0], $0xffff  }
0x7a1: {  	v27 =	vand.u32 $0x7F, v27;
	v31 =	vor.u32 $0x11, v1  }
0x7a2: {  	v27 =	vor.u32 v27, v29;
	_ =	sdelay $0x3  }
0x7a3: {  	[tilespmem:v31+s11+$0x0] =	vst.idx.msk $0xffff, v30  }
0x7a4: {  	v27 =	vld.idx.msk [tilespmem:v27+s30+$0x0], $0xffff  }
0x7a5: {  	v24 =	vand.u32 $0x7F, v24;
	v29 =	vor.u32 $0x12, v1  }
0x7a6: {  	v24 =	vor.u32 v24, v28;
	_ =	sdelay $0x3  }
0x7a7: {  	[tilespmem:v29+s11+$0x0] =	vst.idx.msk $0xffff, v27  }
0x7a8: {  	v24 =	vld.idx.msk [tilespmem:v24+s30+$0x0], $0xffff  }
0x7a9: {  	v25 =	vand.u32 $0x7F, v25;
	v27 =	vor.u32 $0x13, v1  }
0x7aa: {  	v25 =	vor.u32 v25, v26;
	_ =	sdelay $0x3  }
0x7ab: {  	[tilespmem:v27+s11+$0x0] =	vst.idx.msk $0xffff, v24  }
0x7ac: {  	v24 =	vld.idx.msk [tilespmem:v25+s30+$0x0], $0xffff  }
0x7ad: {  	v22 =	vand.u32 $0x7F, v22;
	v25 =	vor.u32 $0x14, v1  }
0x7ae: {  	v22 =	vor.u32 v22, v23;
	_ =	sdelay $0x3  }
0x7af: {  	[tilespmem:v25+s11+$0x0] =	vst.idx.msk $0xffff, v24  }
0x7b0: {  	v22 =	vld.idx.msk [tilespmem:v22+s30+$0x0], $0xffff  }
0x7b1: {  	v23 =	vor.u32 $0x15, v1;
	v19 =	vand.u32 $0x7F, v19  }
0x7b2: {  	v19 =	vor.u32 v19, v21;
	_ =	sdelay $0x3  }
0x7b3: {  	[tilespmem:v23+s11+$0x0] =	vst.idx.msk $0xffff, v22  }
0x7b4: {  	v19 =	vld.idx.msk [tilespmem:v19+s30+$0x0], $0xffff  }
0x7b5: {  	v21 =	vor.u32 $0x16, v1;
	v18 =	vand.u32 $0x7F, v18  }
0x7b6: {  	v18 =	vor.u32 v18, v20;
	_ =	sdelay $0x3  }
0x7b7: {  	[tilespmem:v21+s11+$0x0] =	vst.idx.msk $0xffff, v19  }
0x7b8: {  	v18 =	vld.idx.msk [tilespmem:v18+s30+$0x0], $0xffff  }
0x7b9: {  	v15 =	vand.u32 $0x7F, v15;
	v19 =	vor.u32 $0x17, v1  }
0x7ba: {  	v15 =	vor.u32 v15, v17;
	_ =	sdelay $0x3  }
0x7bb: {  	[tilespmem:v19+s11+$0x0] =	vst.idx.msk $0xffff, v18  }
0x7bc: {  	v15 =	vld.idx.msk [tilespmem:v15+s30+$0x0], $0xffff  }
0x7bd: {  	v12 =	vand.u32 $0x7F, v12;
	v17 =	vor.u32 $0x18, v1  }
0x7be: {  	v12 =	vor.u32 v12, v16;
	_ =	sdelay $0x3  }
0x7bf: {  	[tilespmem:v17+s11+$0x0] =	vst.idx.msk $0xffff, v15  }
0x7c0: {  	v12 =	vld.idx.msk [tilespmem:v12+s30+$0x0], $0xffff  }
0x7c1: {  	v13 =	vand.u32 $0x7F, v13;
	v15 =	vor.u32 $0x19, v1  }
0x7c2: {  	v13 =	vor.u32 v13, v14;
	_ =	sdelay $0x3  }
0x7c3: {  	[tilespmem:v15+s11+$0x0] =	vst.idx.msk $0xffff, v12  }
0x7c4: {  	v12 =	vld.idx.msk [tilespmem:v13+s30+$0x0], $0xffff  }
0x7c5: {  	v10 =	vand.u32 $0x7F, v10;
	v13 =	vor.u32 $0x1A, v1  }
0x7c6: {  	v10 =	vor.u32 v10, v11;
	_ =	sdelay $0x3  }
0x7c7: {  	[tilespmem:v13+s11+$0x0] =	vst.idx.msk $0xffff, v12  }
0x7c8: {  	v10 =	vld.idx.msk [tilespmem:v10+s30+$0x0], $0xffff  }
0x7c9: {  	v7 =	vand.u32 $0x7F, v7;
	v11 =	vor.u32 $0x1B, v1  }
0x7ca: {  	v7 =	vor.u32 v7, v9;
	_ =	sdelay $0x3  }
0x7cb: {  	[tilespmem:v11+s11+$0x0] =	vst.idx.msk $0xffff, v10  }
0x7cc: {  	v7 =	vld.idx.msk [tilespmem:v7+s30+$0x0], $0xffff  }
0x7cd: {  	v9 =	vor.u32 $0x1C, v1;
	v6 =	vand.u32 $0x7F, v6  }
0x7ce: {  	v6 =	vor.u32 v6, v8;
	_ =	sdelay $0x3  }
0x7cf: {  	[tilespmem:v9+s11+$0x0] =	vst.idx.msk $0xffff, v7  }
0x7d0: {  	v6 =	vld.idx.msk [tilespmem:v6+s30+$0x0], $0xffff  }
0x7d1: {  	v3 =	vand.u32 $0x7F, v3;
	v7 =	vor.u32 $0x1D, v1  }
0x7d2: {  	v3 =	vor.u32 v3, v5;
	_ =	sdelay $0x3  }
0x7d3: {  	[tilespmem:v7+s11+$0x0] =	vst.idx.msk $0xffff, v6  }
0x7d4: {  	v3 =	vld.idx.msk [tilespmem:v3+s30+$0x0], $0xffff  }
0x7d5: {  	v2 =	vand.u32 $0x7F, v2;
	v5 =	vor.u32 $0x1E, v1  }
0x7d6: {  	v2 =	vor.u32 v2, v4;
	_ =	sdelay $0x1  }
.Ltmp6:
0x7d7: {  	(pc) =	sbr.rel @p0 .LBB2_14-.Ltmp6, $4  }
0x7d8: {  	_ = 	snop  }
0x7d9: {  	[tilespmem:v5+s11+$0x0] =	vst.idx.msk $0xffff, v3  }
0x7da: {  	v2 =	vld.idx.msk [tilespmem:v2+s30+$0x0], $0xffff  }
0x7db: {  	v1 =	vor.u32 $0x1F, v1  }
0x7dc: {  	_ =	sdelay $0x3  }
0x7dd: {  	s8 =	rddreg [dreg:$0xa];
	[tilespmem:v1+s11+$0x0] =	vst.idx.msk $0xffff, v2  }
0x7de: {  	[hbm4b:s8+s3] =	stream.linear.scatter [tilespmem:s11], [sflag:$0x6], $0x6400, $0x38;
	[tilespmem:$0x1A600] =	vst v63  }
0x7df: {  	_ =	swait.ge [sflag:s12], $0x6400  }
0x7e0: {  	[sflag:s12] =	ssyncset.done $0x0  }
0x7e1: {  	[sflag:s12] =	ssyncadd.s32 $0xFFFF9C00  }
0x7e2: {  	_ =	swait.ge [sflag:s13], $0x6400  }
0x7e3: {  	s16 =	rddreg [dreg:$0xc]  }
0x7e4: {  	s22 =	rddreg [dreg:$0xb];
	s16 =	sadd.s32 $0x1, s16  }
0x7e5: {  	p0 =	sne.s32 s16, s22  }
.Ltmp7:
0x7e6: {  	_ = 	snop;
	(pc) =	sbr.rel @p0 .LBB2_1-.Ltmp7, $3  }
0x7e7: {  	_ =	sdelay $0x1  }
0x7e8: {  	[sflag:s13] =	ssyncset.done $0x0  }
0x7e9: {  	[sflag:s13] =	ssyncadd.s32 $0xFFFF9C00  }
0x7ea: {  	_ =	sfence.sel $0x180000  }
0x7eb: {  	[bflag:$0x0] =	sbarrier.arrive $0xFFFF  }
0x7ec: {  	_ =	strace $0x90000047  }
0x7ed: {  	s0 =	stileid.u32;
	[bflag:$0x2] =	sbarrier.arrive $0xFFFF  }
0x7ee: {  	p0 =	sne.s32 s0, $0x0;
	s0 =	rddreg [dreg:$0x2]  }
0x7ef: {  	s0 =	sadd.s32 @!p0 $0x100000, s0  }
0x7f0: {  	[sflag:s0] =	ssyncadd.tile.s32 @!p0 $0x1;
	_ =	shalt  }
.Lfunc_end2:
_tile_overlayer_lowered:
.L_overlay_start_2:
0x7f1: {  	(tag) =	ssettag $0x2  }
0x7f2: {  	s0 =	rddreg [dreg:$0x0];
	s2 =	stileid.u32  }
0x7f3: {  	s1 =	rddreg [dreg:$0x1];
	p0 =	sne.s32 s2, $0x0  }
0x7f4: {  	s3 =	rddreg [dreg:$0x2];
	[bflag:$0x3] =	sbarrier.arrive $0xFFFF;
	s2 =	simm.s32 @!p0 $0x1C07  }
0x7f5: {  	[timem:s3], [sflag:s2] =	dma.local @!p0 [hbm:s0], s1  }
0x7f6: {  	s0 =	simm.s32 @!p0 $0x7  }
0x7f7: {  	_ =	swait.ge @!p0 [sflag:s0], s1  }
0x7f8: {  	s1 =	ssub.s32 @!p0 $0x0, s1;
	[sflag:s0] =	ssyncset.done @!p0 $0x0  }
0x7f9: {  	[sflag:s0] =	ssyncadd.s32 @!p0 s1  }
0x7fa: {  	[bflag:$0x3] =	sbarrier.arrive $0xFFFF  }
0x7fb: {  	_ =	shalt  }

</sc_bundles>
